<compile_context>
chip_gen: v7x
topology: tpu7x:2x2x1
jax: 0.10.2.dev20260603
libtpu: 0.0.44.dev20260713+nightly
codegen_flags: <defaults>
</compile_context>

<pallas_src>
import functools

import jax
import jax.numpy as jnp
from jax import lax
from jax.experimental import pallas as pl
from jax.experimental.pallas import tpu as pltpu
from jax.experimental.pallas import tpu_sc as plsc

NBUF = 4


@functools.lru_cache(maxsize=None)
def _build(batch, hist, vocab, dim):
    mesh = plsc.VectorSubcoreMesh(core_axis_name="c", subcore_axis_name="s")
    nw = mesh.num_cores * mesh.num_subcores
    assert hist % 8 == 0 and batch % 128 == 0 and dim % 8 == 0
    ha, btn, dtn = hist // 8, batch // 128, dim // 8
    units = hist * btn
    assert units % nw == 0
    upw = units // nw
    assert upw % NBUF == 0 and upw >= 2 * NBUF

    @functools.partial(
        pl.kernel,
        mesh=mesh,
        out_type=jax.ShapeDtypeStruct((hist, dtn, btn, 1024), jnp.float32),
        scratch_types=[
            pltpu.VMEM((NBUF, 128), jnp.int32),
            pltpu.VMEM((NBUF, 128, dim), jnp.float32),
            pltpu.VMEM((NBUF, dim * 128), jnp.float32),
            [pltpu.SemaphoreType.DMA] * NBUF,
            [pltpu.SemaphoreType.DMA] * NBUF,
            [pltpu.SemaphoreType.DMA] * NBUF,
        ],
        compiler_params=pltpu.CompilerParams(
            use_tc_tiling_on_sc=False, needs_layout_passes=False
        ),
    )
    def k(idx4_hbm, table_hbm, out5_hbm, idx_v, rows_v, trans_v,
          isem, gsem, osem):
        wid = lax.axis_index("s") * mesh.num_cores + lax.axis_index("c")
        u0 = wid * upw

        def unit_coords(u):
            ug = u0 + u
            h = lax.shift_right_logical(ug, 7)
            bt = lax.bitwise_and(ug, 127)
            return lax.shift_right_logical(h, 3), lax.bitwise_and(h, 7), h, bt

        def fire_idx(u, b):
            a, e, _, bt = unit_coords(u)
            pltpu.async_copy(idx4_hbm.at[a, bt, e], idx_v.at[b], isem[b])

        def drain_idx(b):
            pltpu.make_async_copy(
                idx4_hbm.at[0, 0, 0], idx_v.at[b], isem[b]
            ).wait()

        def fire_gather(u, b):
            pltpu.async_copy(
                table_hbm.at[idx_v.at[b]], rows_v.at[b], gsem[b]
            )

        def drain_gather(b):
            pltpu.make_async_copy(
                table_hbm.at[pl.ds(0, 128)], rows_v.at[b], gsem[b]
            ).wait()

        def transpose(b):
            base = lax.iota(jnp.int32, 16)
            rows = rows_v.at[b]

            @plsc.parallel_loop(0, dim * 8, 1, unroll=16)
            def _(i):
                d0 = lax.shift_right_logical(i, 3)
                l16 = lax.bitwise_and(i, 7) * 16
                dvec = lax.bitwise_and(d0 + base, dim - 1)
                v = plsc.load_gather(rows, [base + l16, dvec])
                plsc.store_scatter(
                    trans_v.at[b], [dvec * 128 + l16 + base], v
                )

        def fire_out(u, b):
            _, _, h, bt = unit_coords(u)
            for dt in range(dtn):
                pltpu.async_copy(
                    trans_v.at[b, pl.ds(dt * 1024, 1024)],
                    out5_hbm.at[h, dt, bt],
                    osem[b],
                )

        def drain_out(b):
            for dt in range(dtn):
                pltpu.make_async_copy(
                    trans_v.at[b, pl.ds(dt * 1024, 1024)],
                    out5_hbm.at[0, dt, 0],
                    osem[b],
                ).wait()

        def body(u, b, first, guard):
            b2 = (b + 2) % NBUF
            drain_gather(b)
            transpose(b)
            fire_out(u, b)
            if guard:
                @pl.when(u + 4 < upw)
                def _():
                    fire_idx(u + 4, b)
            else:
                fire_idx(u + 4, b)
            if not first:
                drain_out(b2)
            drain_idx(b2)
            fire_gather(u + 2, b2)

        for b in range(NBUF):
            fire_idx(b, b)
        drain_idx(0)
        fire_gather(0, 0)
        drain_idx(1)
        fire_gather(1, 1)
        body(0, 0, first=True, guard=False)
        body(1, 1, first=True, guard=False)

        def step(s, carry):
            t = NBUF * s + 2
            for o in range(NBUF):
                body(t + o, (2 + o) % NBUF, first=False, guard=True)
            return carry

        lax.fori_loop(0, (upw - 4) // NBUF, step, 0)

        for u in (upw - 2, upw - 1):
            b = u % NBUF
            drain_gather(b)
            transpose(b)
            fire_out(u, b)
        for b in range(NBUF):
            drain_out(b)

    return k


def kernel(inputs, table):
    batch, hist = inputs.shape
    vocab, dim = table.shape
    x4 = (
        inputs.astype(jnp.int32)
        .T.reshape(hist // 8, 8, batch // 128, 128)
        .transpose(0, 2, 1, 3)
    )
    out5 = _build(batch, hist, vocab, dim)(x4, table)
    out5 = out5.reshape(hist, dim // 8, batch // 128, 8, 128)
    return out5.transpose(2, 4, 0, 1, 3).reshape(batch, hist, dim)

# --- scband reference (transcript-rebuilt; emitter-appended) ---
"""Pipeline reference for scband-embedder-13125420056983 (READ-ONLY COPY).

The authoritative reference and input builder live on the scoring server;
editing this copy changes nothing except your own understanding.
"""

import jax, jax.numpy as jnp
import numpy as np

VOCAB = 1000000
EMBED_DIM = 32
BATCH = 16384
HIST = 200

def setup_inputs(seed: int = 0) -> dict:
    key = jax.random.key(seed)
    k_idx, k_tab = jax.random.split(key)
    inputs = jax.random.randint(k_idx, (BATCH, HIST), 0, VOCAB, dtype=jnp.int64) if jax.config.jax_enable_x64 else jax.random.randint(k_idx, (BATCH, HIST), 0, VOCAB, dtype=jnp.int32)
    table = jax.random.normal(k_tab, (VOCAB, EMBED_DIM), dtype=jnp.float32)
    return {"inputs": inputs, "table": table}

def reference(inputs, table):
    # nn.Embedding forward: row gather from the embedding table
    emb = jnp.take(table, inputs, axis=0)
    return emb

if __name__ == "__main__":
    import jax
    _d = setup_inputs()
    print(jax.jit(kernel)(*tuple(_d.values())))

</pallas_src>

<mosaic_0001>
#map = affine_map<(d0, d1) -> (0, 0, 0, 0)>
#map1 = affine_map<(d0, d1) -> (0, 0)>
module attributes {stable_mosaic.version = 14 : i64} {
  func.func @k(%arg0: i32, %arg1: i32, %arg2: memref<25x128x8x128xi32, #tpu.memory_space<hbm>>, %arg3: memref<1000000x32xf32, #tpu.memory_space<hbm>>, %arg4: memref<200x4x128x1024xf32, #tpu.memory_space<hbm>>, %arg5: memref<4x128xi32, #tpu.memory_space<vmem>>, %arg6: memref<4x128x32xf32, #tpu.memory_space<vmem>>, %arg7: memref<4x4096xf32, #tpu.memory_space<vmem>>, %arg8: memref<!tpu.dma_semaphore, #tpu.memory_space<semaphore_mem>>, %arg9: memref<!tpu.dma_semaphore, #tpu.memory_space<semaphore_mem>>, %arg10: memref<!tpu.dma_semaphore, #tpu.memory_space<semaphore_mem>>, %arg11: memref<!tpu.dma_semaphore, #tpu.memory_space<semaphore_mem>>, %arg12: memref<!tpu.dma_semaphore, #tpu.memory_space<semaphore_mem>>, %arg13: memref<!tpu.dma_semaphore, #tpu.memory_space<semaphore_mem>>, %arg14: memref<!tpu.dma_semaphore, #tpu.memory_space<semaphore_mem>>, %arg15: memref<!tpu.dma_semaphore, #tpu.memory_space<semaphore_mem>>, %arg16: memref<!tpu.dma_semaphore, #tpu.memory_space<semaphore_mem>>, %arg17: memref<!tpu.dma_semaphore, #tpu.memory_space<semaphore_mem>>, %arg18: memref<!tpu.dma_semaphore, #tpu.memory_space<semaphore_mem>>, %arg19: memref<!tpu.dma_semaphore, #tpu.memory_space<semaphore_mem>>) attributes {dimension_semantics = [#tpu.dimension_semantics<core_parallel>, #tpu.dimension_semantics<subcore_parallel>], iteration_bounds = array<i64: 2, 16>, scalar_prefetch = 0 : i64, scratch_operands = 15 : i64, tpu.core_type = #tpu.core_type<sc_vector_subcore>, window_params = [{transform_indices = #map}, {transform_indices = #map1}, {transform_indices = #map}]} {
    %mul3A = arith.constant 2 : i32
    %mul3A_0 = arith.muli %arg1, %mul3A : i32
    %add3A = arith.addi %mul3A_0, %arg0 : i32
    %mul3A_1 = arith.constant 800 : i32
    %mul3A_2 = arith.muli %add3A, %mul3A_1 : i32
    %add3A_3 = arith.constant 0 : i32
    %add3A_4 = arith.addi %mul3A_2, %add3A_3 : i32
    %shift_right_logical3A = arith.constant 7 : i32
    %shift_right_logical3A_5 = arith.shrui %add3A_4, %shift_right_logical3A : i32
    %and3A = arith.constant 127 : i32
    %and3A_6 = arith.andi %add3A_4, %and3A : i32
    %shift_right_logical3A_7 = arith.constant 3 : i32
    %shift_right_logical3A_8 = arith.shrui %shift_right_logical3A_5, %shift_right_logical3A_7 : i32
    %and3A_9 = arith.constant 7 : i32
    %and3A_10 = arith.andi %shift_right_logical3A_5, %and3A_9 : i32
    %dma_start3A = arith.constant 0 : i32
    %dma_start3A_11 = arith.constant 0 : i32
    %dma_start3A_12 = tpu.memref_slice %arg5[%dma_start3A, %dma_start3A_11] : memref<4x128xi32, #tpu.memory_space<vmem>> -> memref<1x128xi32, #tpu.memory_space<vmem>>
    %dma_start3A_13 = tpu.memref_squeeze %dma_start3A_12 : memref<1x128xi32, #tpu.memory_space<vmem>> -> memref<128xi32, #tpu.memory_space<vmem>>
    %dma_start3A_14 = arith.constant 0 : i32
    %dma_start3A_15 = tpu.memref_slice %arg2[%shift_right_logical3A_8, %and3A_6, %and3A_10, %dma_start3A_14] : memref<25x128x8x128xi32, #tpu.memory_space<hbm>> -> memref<1x1x1x128xi32, #tpu.memory_space<hbm>>
    %dma_start3A_16 = tpu.memref_squeeze %dma_start3A_15 : memref<1x1x1x128xi32, #tpu.memory_space<hbm>> -> memref<128xi32, #tpu.memory_space<hbm>>
    %dma_start3A_17 = arith.constant 0 : i32
    %dma_start3A_18 = tpu.memref_slice %arg5[%dma_start3A, %dma_start3A_17] : memref<4x128xi32, #tpu.memory_space<vmem>> -> memref<1x128xi32, #tpu.memory_space<vmem>>
    %dma_start3A_19 = tpu.memref_squeeze %dma_start3A_18 : memref<1x128xi32, #tpu.memory_space<vmem>> -> memref<128xi32, #tpu.memory_space<vmem>>
    %dma_start3A_20 = arith.constant 0 : i32
    %dma_start3A_21 = tpu.memref_slice %arg2[%shift_right_logical3A_8, %and3A_6, %and3A_10, %dma_start3A_20] : memref<25x128x8x128xi32, #tpu.memory_space<hbm>> -> memref<1x1x1x128xi32, #tpu.memory_space<hbm>>
    %dma_start3A_22 = tpu.memref_squeeze %dma_start3A_21 : memref<1x1x1x128xi32, #tpu.memory_space<hbm>> -> memref<128xi32, #tpu.memory_space<hbm>>
    tpu.enqueue_dma source(%dma_start3A_22 : memref<128xi32, #tpu.memory_space<hbm>>) target(%dma_start3A_19 : memref<128xi32, #tpu.memory_space<vmem>>) target_semaphore(%arg8 : memref<!tpu.dma_semaphore, #tpu.memory_space<semaphore_mem>>)
    %add3A_23 = arith.constant 1 : i32
    %add3A_24 = arith.addi %mul3A_2, %add3A_23 : i32
    %shift_right_logical3A_25 = arith.constant 7 : i32
    %shift_right_logical3A_26 = arith.shrui %add3A_24, %shift_right_logical3A_25 : i32
    %and3A_27 = arith.constant 127 : i32
    %and3A_28 = arith.andi %add3A_24, %and3A_27 : i32
    %shift_right_logical3A_29 = arith.constant 3 : i32
    %shift_right_logical3A_30 = arith.shrui %shift_right_logical3A_26, %shift_right_logical3A_29 : i32
    %and3A_31 = arith.constant 7 : i32
    %and3A_32 = arith.andi %shift_right_logical3A_26, %and3A_31 : i32
    %dma_start3A_33 = arith.constant 1 : i32
    %dma_start3A_34 = arith.constant 0 : i32
    %dma_start3A_35 = tpu.memref_slice %arg5[%dma_start3A_33, %dma_start3A_34] : memref<4x128xi32, #tpu.memory_space<vmem>> -> memref<1x128xi32, #tpu.memory_space<vmem>>
    %dma_start3A_36 = tpu.memref_squeeze %dma_start3A_35 : memref<1x128xi32, #tpu.memory_space<vmem>> -> memref<128xi32, #tpu.memory_space<vmem>>
    %dma_start3A_37 = arith.constant 0 : i32
    %dma_start3A_38 = tpu.memref_slice %arg2[%shift_right_logical3A_30, %and3A_28, %and3A_32, %dma_start3A_37] : memref<25x128x8x128xi32, #tpu.memory_space<hbm>> -> memref<1x1x1x128xi32, #tpu.memory_space<hbm>>
    %dma_start3A_39 = tpu.memref_squeeze %dma_start3A_38 : memref<1x1x1x128xi32, #tpu.memory_space<hbm>> -> memref<128xi32, #tpu.memory_space<hbm>>
    %dma_start3A_40 = arith.constant 0 : i32
    %dma_start3A_41 = tpu.memref_slice %arg5[%dma_start3A_33, %dma_start3A_40] : memref<4x128xi32, #tpu.memory_space<vmem>> -> memref<1x128xi32, #tpu.memory_space<vmem>>
    %dma_start3A_42 = tpu.memref_squeeze %dma_start3A_41 : memref<1x128xi32, #tpu.memory_space<vmem>> -> memref<128xi32, #tpu.memory_space<vmem>>
    %dma_start3A_43 = arith.constant 0 : i32
    %dma_start3A_44 = tpu.memref_slice %arg2[%shift_right_logical3A_30, %and3A_28, %and3A_32, %dma_start3A_43] : memref<25x128x8x128xi32, #tpu.memory_space<hbm>> -> memref<1x1x1x128xi32, #tpu.memory_space<hbm>>
    %dma_start3A_45 = tpu.memref_squeeze %dma_start3A_44 : memref<1x1x1x128xi32, #tpu.memory_space<hbm>> -> memref<128xi32, #tpu.memory_space<hbm>>
    tpu.enqueue_dma source(%dma_start3A_45 : memref<128xi32, #tpu.memory_space<hbm>>) target(%dma_start3A_42 : memref<128xi32, #tpu.memory_space<vmem>>) target_semaphore(%arg9 : memref<!tpu.dma_semaphore, #tpu.memory_space<semaphore_mem>>)
    %add3A_46 = arith.constant 2 : i32
    %add3A_47 = arith.addi %mul3A_2, %add3A_46 : i32
    %shift_right_logical3A_48 = arith.constant 7 : i32
    %shift_right_logical3A_49 = arith.shrui %add3A_47, %shift_right_logical3A_48 : i32
    %and3A_50 = arith.constant 127 : i32
    %and3A_51 = arith.andi %add3A_47, %and3A_50 : i32
    %shift_right_logical3A_52 = arith.constant 3 : i32
    %shift_right_logical3A_53 = arith.shrui %shift_right_logical3A_49, %shift_right_logical3A_52 : i32
    %and3A_54 = arith.constant 7 : i32
    %and3A_55 = arith.andi %shift_right_logical3A_49, %and3A_54 : i32
    %dma_start3A_56 = arith.constant 2 : i32
    %dma_start3A_57 = arith.constant 0 : i32
    %dma_start3A_58 = tpu.memref_slice %arg5[%dma_start3A_56, %dma_start3A_57] : memref<4x128xi32, #tpu.memory_space<vmem>> -> memref<1x128xi32, #tpu.memory_space<vmem>>
    %dma_start3A_59 = tpu.memref_squeeze %dma_start3A_58 : memref<1x128xi32, #tpu.memory_space<vmem>> -> memref<128xi32, #tpu.memory_space<vmem>>
    %dma_start3A_60 = arith.constant 0 : i32
    %dma_start3A_61 = tpu.memref_slice %arg2[%shift_right_logical3A_53, %and3A_51, %and3A_55, %dma_start3A_60] : memref<25x128x8x128xi32, #tpu.memory_space<hbm>> -> memref<1x1x1x128xi32, #tpu.memory_space<hbm>>
    %dma_start3A_62 = tpu.memref_squeeze %dma_start3A_61 : memref<1x1x1x128xi32, #tpu.memory_space<hbm>> -> memref<128xi32, #tpu.memory_space<hbm>>
    %dma_start3A_63 = arith.constant 0 : i32
    %dma_start3A_64 = tpu.memref_slice %arg5[%dma_start3A_56, %dma_start3A_63] : memref<4x128xi32, #tpu.memory_space<vmem>> -> memref<1x128xi32, #tpu.memory_space<vmem>>
    %dma_start3A_65 = tpu.memref_squeeze %dma_start3A_64 : memref<1x128xi32, #tpu.memory_space<vmem>> -> memref<128xi32, #tpu.memory_space<vmem>>
    %dma_start3A_66 = arith.constant 0 : i32
    %dma_start3A_67 = tpu.memref_slice %arg2[%shift_right_logical3A_53, %and3A_51, %and3A_55, %dma_start3A_66] : memref<25x128x8x128xi32, #tpu.memory_space<hbm>> -> memref<1x1x1x128xi32, #tpu.memory_space<hbm>>
    %dma_start3A_68 = tpu.memref_squeeze %dma_start3A_67 : memref<1x1x1x128xi32, #tpu.memory_space<hbm>> -> memref<128xi32, #tpu.memory_space<hbm>>
    tpu.enqueue_dma source(%dma_start3A_68 : memref<128xi32, #tpu.memory_space<hbm>>) target(%dma_start3A_65 : memref<128xi32, #tpu.memory_space<vmem>>) target_semaphore(%arg10 : memref<!tpu.dma_semaphore, #tpu.memory_space<semaphore_mem>>)
    %add3A_69 = arith.constant 3 : i32
    %add3A_70 = arith.addi %mul3A_2, %add3A_69 : i32
    %shift_right_logical3A_71 = arith.constant 7 : i32
    %shift_right_logical3A_72 = arith.shrui %add3A_70, %shift_right_logical3A_71 : i32
    %and3A_73 = arith.constant 127 : i32
    %and3A_74 = arith.andi %add3A_70, %and3A_73 : i32
    %shift_right_logical3A_75 = arith.constant 3 : i32
    %shift_right_logical3A_76 = arith.shrui %shift_right_logical3A_72, %shift_right_logical3A_75 : i32
    %and3A_77 = arith.constant 7 : i32
    %and3A_78 = arith.andi %shift_right_logical3A_72, %and3A_77 : i32
    %dma_start3A_79 = arith.constant 3 : i32
    %dma_start3A_80 = arith.constant 0 : i32
    %dma_start3A_81 = tpu.memref_slice %arg5[%dma_start3A_79, %dma_start3A_80] : memref<4x128xi32, #tpu.memory_space<vmem>> -> memref<1x128xi32, #tpu.memory_space<vmem>>
    %dma_start3A_82 = tpu.memref_squeeze %dma_start3A_81 : memref<1x128xi32, #tpu.memory_space<vmem>> -> memref<128xi32, #tpu.memory_space<vmem>>
    %dma_start3A_83 = arith.constant 0 : i32
    %dma_start3A_84 = tpu.memref_slice %arg2[%shift_right_logical3A_76, %and3A_74, %and3A_78, %dma_start3A_83] : memref<25x128x8x128xi32, #tpu.memory_space<hbm>> -> memref<1x1x1x128xi32, #tpu.memory_space<hbm>>
    %dma_start3A_85 = tpu.memref_squeeze %dma_start3A_84 : memref<1x1x1x128xi32, #tpu.memory_space<hbm>> -> memref<128xi32, #tpu.memory_space<hbm>>
    %dma_start3A_86 = arith.constant 0 : i32
    %dma_start3A_87 = tpu.memref_slice %arg5[%dma_start3A_79, %dma_start3A_86] : memref<4x128xi32, #tpu.memory_space<vmem>> -> memref<1x128xi32, #tpu.memory_space<vmem>>
    %dma_start3A_88 = tpu.memref_squeeze %dma_start3A_87 : memref<1x128xi32, #tpu.memory_space<vmem>> -> memref<128xi32, #tpu.memory_space<vmem>>
    %dma_start3A_89 = arith.constant 0 : i32
    %dma_start3A_90 = tpu.memref_slice %arg2[%shift_right_logical3A_76, %and3A_74, %and3A_78, %dma_start3A_89] : memref<25x128x8x128xi32, #tpu.memory_space<hbm>> -> memref<1x1x1x128xi32, #tpu.memory_space<hbm>>
    %dma_start3A_91 = tpu.memref_squeeze %dma_start3A_90 : memref<1x1x1x128xi32, #tpu.memory_space<hbm>> -> memref<128xi32, #tpu.memory_space<hbm>>
    tpu.enqueue_dma source(%dma_start3A_91 : memref<128xi32, #tpu.memory_space<hbm>>) target(%dma_start3A_88 : memref<128xi32, #tpu.memory_space<vmem>>) target_semaphore(%arg11 : memref<!tpu.dma_semaphore, #tpu.memory_space<semaphore_mem>>)
    %dma_wait3A = arith.constant 0 : i32
    %dma_wait3A_92 = arith.constant 0 : i32
    %dma_wait3A_93 = arith.constant 0 : i32
    %dma_wait3A_94 = arith.constant 0 : i32
    %dma_wait3A_95 = arith.constant 0 : i32
    %dma_wait3A_96 = tpu.memref_slice %arg5[%dma_wait3A_94, %dma_wait3A_95] : memref<4x128xi32, #tpu.memory_space<vmem>> -> memref<1x128xi32, #tpu.memory_space<vmem>>
    %dma_wait3A_97 = tpu.memref_squeeze %dma_wait3A_96 : memref<1x128xi32, #tpu.memory_space<vmem>> -> memref<128xi32, #tpu.memory_space<vmem>>
    %dma_wait3A_98 = arith.constant 0 : i32
    %dma_wait3A_99 = tpu.memref_slice %arg2[%dma_wait3A, %dma_wait3A_92, %dma_wait3A_93, %dma_wait3A_98] : memref<25x128x8x128xi32, #tpu.memory_space<hbm>> -> memref<1x1x1x128xi32, #tpu.memory_space<hbm>>
    %dma_wait3A_100 = tpu.memref_squeeze %dma_wait3A_99 : memref<1x1x1x128xi32, #tpu.memory_space<hbm>> -> memref<128xi32, #tpu.memory_space<hbm>>
    %dma_wait3A_101 = arith.constant 0 : i32
    %dma_wait3A_102 = tpu.memref_slice %arg5[%dma_wait3A_94, %dma_wait3A_101] : memref<4x128xi32, #tpu.memory_space<vmem>> -> memref<1x128xi32, #tpu.memory_space<vmem>>
    %dma_wait3A_103 = tpu.memref_squeeze %dma_wait3A_102 : memref<1x128xi32, #tpu.memory_space<vmem>> -> memref<128xi32, #tpu.memory_space<vmem>>
    %dma_wait3A_104 = arith.constant 0 : i32
    %dma_wait3A_105 = tpu.memref_slice %arg2[%dma_wait3A, %dma_wait3A_92, %dma_wait3A_93, %dma_wait3A_104] : memref<25x128x8x128xi32, #tpu.memory_space<hbm>> -> memref<1x1x1x128xi32, #tpu.memory_space<hbm>>
    %dma_wait3A_106 = tpu.memref_squeeze %dma_wait3A_105 : memref<1x1x1x128xi32, #tpu.memory_space<hbm>> -> memref<128xi32, #tpu.memory_space<hbm>>
    tpu.wait_dma2 semaphore(%arg8 : memref<!tpu.dma_semaphore, #tpu.memory_space<semaphore_mem>>) src(%dma_wait3A_106 : memref<128xi32, #tpu.memory_space<hbm>>) dst(%dma_wait3A_103 : memref<128xi32, #tpu.memory_space<vmem>>)
    %dma_start3A_107 = arith.constant 0 : i32
    %dma_start3A_108 = arith.constant 0 : i32
    %dma_start3A_109 = arith.constant 0 : i32
    %dma_start3A_110 = arith.constant 0 : i32
    %dma_start3A_111 = tpu.memref_slice %arg6[%dma_start3A_108, %dma_start3A_109, %dma_start3A_110] : memref<4x128x32xf32, #tpu.memory_space<vmem>> -> memref<1x128x32xf32, #tpu.memory_space<vmem>>
    %dma_start3A_112 = tpu.memref_squeeze %dma_start3A_111 : memref<1x128x32xf32, #tpu.memory_space<vmem>> -> memref<128x32xf32, #tpu.memory_space<vmem>>
    %dma_start3A_113 = arith.constant 0 : i32
    %dma_start3A_114 = tpu.memref_slice %arg5[%dma_start3A_107, %dma_start3A_113] : memref<4x128xi32, #tpu.memory_space<vmem>> -> memref<1x128xi32, #tpu.memory_space<vmem>>
    %dma_start3A_115 = tpu.memref_squeeze %dma_start3A_114 : memref<1x128xi32, #tpu.memory_space<vmem>> -> memref<128xi32, #tpu.memory_space<vmem>>
    %dma_start3A_116 = arith.constant 0 : i32
    %dma_start3A_117 = arith.constant 0 : i32
    %dma_start3A_118 = tpu.memref_slice %arg3[%dma_start3A_116, %dma_start3A_117] : memref<1000000x32xf32, #tpu.memory_space<hbm>> -> memref<1000000x32xf32, #tpu.memory_space<hbm>>
    tpu.enqueue_indirect_dma source(%dma_start3A_118 : memref<1000000x32xf32, #tpu.memory_space<hbm>>) target(%dma_start3A_112 : memref<128x32xf32, #tpu.memory_space<vmem>>) offsets(%dma_start3A_115 : memref<128xi32, #tpu.memory_space<vmem>>) semaphore(%arg12 : memref<!tpu.dma_semaphore, #tpu.memory_space<semaphore_mem>>)
    %dma_wait3A_119 = arith.constant 0 : i32
    %dma_wait3A_120 = arith.constant 0 : i32
    %dma_wait3A_121 = arith.constant 0 : i32
    %dma_wait3A_122 = arith.constant 1 : i32
    %dma_wait3A_123 = arith.constant 0 : i32
    %dma_wait3A_124 = tpu.memref_slice %arg5[%dma_wait3A_122, %dma_wait3A_123] : memref<4x128xi32, #tpu.memory_space<vmem>> -> memref<1x128xi32, #tpu.memory_space<vmem>>
    %dma_wait3A_125 = tpu.memref_squeeze %dma_wait3A_124 : memref<1x128xi32, #tpu.memory_space<vmem>> -> memref<128xi32, #tpu.memory_space<vmem>>
    %dma_wait3A_126 = arith.constant 0 : i32
    %dma_wait3A_127 = tpu.memref_slice %arg2[%dma_wait3A_119, %dma_wait3A_120, %dma_wait3A_121, %dma_wait3A_126] : memref<25x128x8x128xi32, #tpu.memory_space<hbm>> -> memref<1x1x1x128xi32, #tpu.memory_space<hbm>>
    %dma_wait3A_128 = tpu.memref_squeeze %dma_wait3A_127 : memref<1x1x1x128xi32, #tpu.memory_space<hbm>> -> memref<128xi32, #tpu.memory_space<hbm>>
    %dma_wait3A_129 = arith.constant 0 : i32
    %dma_wait3A_130 = tpu.memref_slice %arg5[%dma_wait3A_122, %dma_wait3A_129] : memref<4x128xi32, #tpu.memory_space<vmem>> -> memref<1x128xi32, #tpu.memory_space<vmem>>
    %dma_wait3A_131 = tpu.memref_squeeze %dma_wait3A_130 : memref<1x128xi32, #tpu.memory_space<vmem>> -> memref<128xi32, #tpu.memory_space<vmem>>
    %dma_wait3A_132 = arith.constant 0 : i32
    %dma_wait3A_133 = tpu.memref_slice %arg2[%dma_wait3A_119, %dma_wait3A_120, %dma_wait3A_121, %dma_wait3A_132] : memref<25x128x8x128xi32, #tpu.memory_space<hbm>> -> memref<1x1x1x128xi32, #tpu.memory_space<hbm>>
    %dma_wait3A_134 = tpu.memref_squeeze %dma_wait3A_133 : memref<1x1x1x128xi32, #tpu.memory_space<hbm>> -> memref<128xi32, #tpu.memory_space<hbm>>
    tpu.wait_dma2 semaphore(%arg9 : memref<!tpu.dma_semaphore, #tpu.memory_space<semaphore_mem>>) src(%dma_wait3A_134 : memref<128xi32, #tpu.memory_space<hbm>>) dst(%dma_wait3A_131 : memref<128xi32, #tpu.memory_space<vmem>>)
    %dma_start3A_135 = arith.constant 1 : i32
    %dma_start3A_136 = arith.constant 1 : i32
    %dma_start3A_137 = arith.constant 0 : i32
    %dma_start3A_138 = arith.constant 0 : i32
    %dma_start3A_139 = tpu.memref_slice %arg6[%dma_start3A_136, %dma_start3A_137, %dma_start3A_138] : memref<4x128x32xf32, #tpu.memory_space<vmem>> -> memref<1x128x32xf32, #tpu.memory_space<vmem>>
    %dma_start3A_140 = tpu.memref_squeeze %dma_start3A_139 : memref<1x128x32xf32, #tpu.memory_space<vmem>> -> memref<128x32xf32, #tpu.memory_space<vmem>>
    %dma_start3A_141 = arith.constant 0 : i32
    %dma_start3A_142 = tpu.memref_slice %arg5[%dma_start3A_135, %dma_start3A_141] : memref<4x128xi32, #tpu.memory_space<vmem>> -> memref<1x128xi32, #tpu.memory_space<vmem>>
    %dma_start3A_143 = tpu.memref_squeeze %dma_start3A_142 : memref<1x128xi32, #tpu.memory_space<vmem>> -> memref<128xi32, #tpu.memory_space<vmem>>
    %dma_start3A_144 = arith.constant 0 : i32
    %dma_start3A_145 = arith.constant 0 : i32
    %dma_start3A_146 = tpu.memref_slice %arg3[%dma_start3A_144, %dma_start3A_145] : memref<1000000x32xf32, #tpu.memory_space<hbm>> -> memref<1000000x32xf32, #tpu.memory_space<hbm>>
    tpu.enqueue_indirect_dma source(%dma_start3A_146 : memref<1000000x32xf32, #tpu.memory_space<hbm>>) target(%dma_start3A_140 : memref<128x32xf32, #tpu.memory_space<vmem>>) offsets(%dma_start3A_143 : memref<128xi32, #tpu.memory_space<vmem>>) semaphore(%arg13 : memref<!tpu.dma_semaphore, #tpu.memory_space<semaphore_mem>>)
    %dma_wait3A_147 = arith.constant 0 : i32
    %dma_wait3A_148 = arith.constant 0 : i32
    %dma_wait3A_149 = arith.constant 0 : i32
    %dma_wait3A_150 = tpu.memref_slice %arg6[%dma_wait3A_147, %dma_wait3A_148, %dma_wait3A_149] : memref<4x128x32xf32, #tpu.memory_space<vmem>> -> memref<1x128x32xf32, #tpu.memory_space<vmem>>
    %dma_wait3A_151 = tpu.memref_squeeze %dma_wait3A_150 : memref<1x128x32xf32, #tpu.memory_space<vmem>> -> memref<128x32xf32, #tpu.memory_space<vmem>>
    %dma_wait3A_152 = arith.constant 0 : i32
    %dma_wait3A_153 = arith.constant 0 : i32
    %dma_wait3A_154 = tpu.memref_slice %arg3[%dma_wait3A_152, %dma_wait3A_153] : memref<1000000x32xf32, #tpu.memory_space<hbm>> -> memref<128x32xf32, #tpu.memory_space<hbm>>
    %dma_wait3A_155 = arith.constant 0 : i32
    %dma_wait3A_156 = arith.constant 0 : i32
    %dma_wait3A_157 = tpu.memref_slice %arg6[%dma_wait3A_147, %dma_wait3A_155, %dma_wait3A_156] : memref<4x128x32xf32, #tpu.memory_space<vmem>> -> memref<1x128x32xf32, #tpu.memory_space<vmem>>
    %dma_wait3A_158 = tpu.memref_squeeze %dma_wait3A_157 : memref<1x128x32xf32, #tpu.memory_space<vmem>> -> memref<128x32xf32, #tpu.memory_space<vmem>>
    %dma_wait3A_159 = arith.constant 0 : i32
    %dma_wait3A_160 = arith.constant 0 : i32
    %dma_wait3A_161 = tpu.memref_slice %arg3[%dma_wait3A_159, %dma_wait3A_160] : memref<1000000x32xf32, #tpu.memory_space<hbm>> -> memref<128x32xf32, #tpu.memory_space<hbm>>
    tpu.wait_dma2 semaphore(%arg12 : memref<!tpu.dma_semaphore, #tpu.memory_space<semaphore_mem>>) src(%dma_wait3A_161 : memref<128x32xf32, #tpu.memory_space<hbm>>) dst(%dma_wait3A_158 : memref<128x32xf32, #tpu.memory_space<vmem>>)
    %iota3A = tpu.iota {dimensions = array<i32: 0>} : vector<16xi32>
    %parallel_loop3A = arith.constant 0 : i32
    %parallel_loop3A_162 = arith.constant 256 : i32
    %parallel_loop3A_163 = arith.constant 1 : i32
    %parallel_loop3A_164 = arith.constant 0 : i32
    scf.for %parallel_loop3A_852 = %parallel_loop3A to %parallel_loop3A_162 step %parallel_loop3A_163  : i32 {
      %parallel_loop3A_853 = arith.constant 3 : i32
      %parallel_loop3A_854 = arith.shrui %parallel_loop3A_852, %parallel_loop3A_853 : i32
      %parallel_loop3A_855 = arith.constant 7 : i32
      %parallel_loop3A_856 = arith.andi %parallel_loop3A_852, %parallel_loop3A_855 : i32
      %parallel_loop3A_857 = arith.constant 16 : i32
      %parallel_loop3A_858 = arith.muli %parallel_loop3A_856, %parallel_loop3A_857 : i32
      %parallel_loop3A_859 = vector.broadcast %parallel_loop3A_854 : i32 to vector<16xi32>
      %parallel_loop3A_860 = arith.addi %parallel_loop3A_859, %iota3A : vector<16xi32>
      %parallel_loop3A_861 = arith.constant 31 : i32
      %parallel_loop3A_862 = vector.broadcast %parallel_loop3A_861 : i32 to vector<16xi32>
      %parallel_loop3A_863 = arith.andi %parallel_loop3A_860, %parallel_loop3A_862 : vector<16xi32>
      %parallel_loop3A_864 = vector.broadcast %parallel_loop3A_858 : i32 to vector<16xi32>
      %parallel_loop3A_865 = arith.addi %iota3A, %parallel_loop3A_864 : vector<16xi32>
      %parallel_loop3A_866 = arith.constant 0 : i32
      %parallel_loop3A_867 = arith.constant 0 : i32
      %parallel_loop3A_868 = tpu.memref_slice %arg6[%parallel_loop3A_164, %parallel_loop3A_866, %parallel_loop3A_867] : memref<4x128x32xf32, #tpu.memory_space<vmem>> -> memref<1x128x32xf32, #tpu.memory_space<vmem>>
      %parallel_loop3A_869 = tpu.memref_squeeze %parallel_loop3A_868 : memref<1x128x32xf32, #tpu.memory_space<vmem>> -> memref<128x32xf32, #tpu.memory_space<vmem>>
      %parallel_loop3A_870 = tpu.vector_load_idx %parallel_loop3A_869[%parallel_loop3A_865, %parallel_loop3A_863] : memref<128x32xf32, #tpu.memory_space<vmem>>[vector<16xi32>, vector<16xi32>], vector<16xf32>,
      %parallel_loop3A_871 = arith.constant 128 : i32
      %parallel_loop3A_872 = vector.broadcast %parallel_loop3A_871 : i32 to vector<16xi32>
      %parallel_loop3A_873 = arith.muli %parallel_loop3A_863, %parallel_loop3A_872 : vector<16xi32>
      %parallel_loop3A_874 = vector.broadcast %parallel_loop3A_858 : i32 to vector<16xi32>
      %parallel_loop3A_875 = arith.addi %parallel_loop3A_873, %parallel_loop3A_874 : vector<16xi32>
      %parallel_loop3A_876 = arith.addi %parallel_loop3A_875, %iota3A : vector<16xi32>
      %parallel_loop3A_877 = arith.constant 0 : i32
      %parallel_loop3A_878 = arith.constant 0 : i32
      %parallel_loop3A_879 = tpu.memref_slice %arg7[%parallel_loop3A_877, %parallel_loop3A_878] : memref<4x4096xf32, #tpu.memory_space<vmem>> -> memref<1x4096xf32, #tpu.memory_space<vmem>>
      %parallel_loop3A_880 = tpu.memref_squeeze %parallel_loop3A_879 : memref<1x4096xf32, #tpu.memory_space<vmem>> -> memref<4096xf32, #tpu.memory_space<vmem>>
      tpu.vector_store_idx %parallel_loop3A_880[%parallel_loop3A_876], %parallel_loop3A_870 : memref<4096xf32, #tpu.memory_space<vmem>>[vector<16xi32>], vector<16xf32>,
    } {sc.loop_unroll_factor = 16 : i64, sc.parallel_access}
    %add3A_165 = arith.constant 0 : i32
    %add3A_166 = arith.addi %mul3A_2, %add3A_165 : i32
    %shift_right_logical3A_167 = arith.constant 7 : i32
    %shift_right_logical3A_168 = arith.shrui %add3A_166, %shift_right_logical3A_167 : i32
    %and3A_169 = arith.constant 127 : i32
    %and3A_170 = arith.andi %add3A_166, %and3A_169 : i32
    %shift_right_logical3A_171 = arith.constant 3 : i32
    %shift_right_logical3A_172 = arith.shrui %shift_right_logical3A_168, %shift_right_logical3A_171 : i32
    %and3A_173 = arith.constant 7 : i32
    %and3A_174 = arith.andi %shift_right_logical3A_168, %and3A_173 : i32
    %dma_start3A_175 = arith.constant 0 : i32
    %dma_start3A_176 = arith.constant 0 : i32
    %dma_start3A_177 = arith.constant 0 : i32
    %dma_start3A_178 = tpu.memref_slice %arg7[%dma_start3A_175, %dma_start3A_177] : memref<4x4096xf32, #tpu.memory_space<vmem>> -> memref<1x1024xf32, #tpu.memory_space<vmem>>
    %dma_start3A_179 = tpu.memref_squeeze %dma_start3A_178 : memref<1x1024xf32, #tpu.memory_space<vmem>> -> memref<1024xf32, #tpu.memory_space<vmem>>
    %dma_start3A_180 = arith.constant 0 : i32
    %dma_start3A_181 = tpu.memref_slice %arg4[%shift_right_logical3A_168, %dma_start3A_176, %and3A_170, %dma_start3A_180] : memref<200x4x128x1024xf32, #tpu.memory_space<hbm>> -> memref<1x1x1x1024xf32, #tpu.memory_space<hbm>>
    %dma_start3A_182 = tpu.memref_squeeze %dma_start3A_181 : memref<1x1x1x1024xf32, #tpu.memory_space<hbm>> -> memref<1024xf32, #tpu.memory_space<hbm>>
    %dma_start3A_183 = arith.constant 0 : i32
    %dma_start3A_184 = tpu.memref_slice %arg4[%shift_right_logical3A_168, %dma_start3A_176, %and3A_170, %dma_start3A_183] : memref<200x4x128x1024xf32, #tpu.memory_space<hbm>> -> memref<1x1x1x1024xf32, #tpu.memory_space<hbm>>
    %dma_start3A_185 = tpu.memref_squeeze %dma_start3A_184 : memref<1x1x1x1024xf32, #tpu.memory_space<hbm>> -> memref<1024xf32, #tpu.memory_space<hbm>>
    %dma_start3A_186 = arith.constant 0 : i32
    %dma_start3A_187 = tpu.memref_slice %arg7[%dma_start3A_175, %dma_start3A_186] : memref<4x4096xf32, #tpu.memory_space<vmem>> -> memref<1x1024xf32, #tpu.memory_space<vmem>>
    %dma_start3A_188 = tpu.memref_squeeze %dma_start3A_187 : memref<1x1024xf32, #tpu.memory_space<vmem>> -> memref<1024xf32, #tpu.memory_space<vmem>>
    tpu.enqueue_dma source(%dma_start3A_188 : memref<1024xf32, #tpu.memory_space<vmem>>) target(%dma_start3A_185 : memref<1024xf32, #tpu.memory_space<hbm>>) target_semaphore(%arg16 : memref<!tpu.dma_semaphore, #tpu.memory_space<semaphore_mem>>)
    %dma_start3A_189 = arith.constant 0 : i32
    %dma_start3A_190 = arith.constant 1 : i32
    %dma_start3A_191 = arith.constant 1024 : i32
    %dma_start3A_192 = tpu.memref_slice %arg7[%dma_start3A_189, %dma_start3A_191] : memref<4x4096xf32, #tpu.memory_space<vmem>> -> memref<1x1024xf32, #tpu.memory_space<vmem>>
    %dma_start3A_193 = tpu.memref_squeeze %dma_start3A_192 : memref<1x1024xf32, #tpu.memory_space<vmem>> -> memref<1024xf32, #tpu.memory_space<vmem>>
    %dma_start3A_194 = arith.constant 0 : i32
    %dma_start3A_195 = tpu.memref_slice %arg4[%shift_right_logical3A_168, %dma_start3A_190, %and3A_170, %dma_start3A_194] : memref<200x4x128x1024xf32, #tpu.memory_space<hbm>> -> memref<1x1x1x1024xf32, #tpu.memory_space<hbm>>
    %dma_start3A_196 = tpu.memref_squeeze %dma_start3A_195 : memref<1x1x1x1024xf32, #tpu.memory_space<hbm>> -> memref<1024xf32, #tpu.memory_space<hbm>>
    %dma_start3A_197 = arith.constant 0 : i32
    %dma_start3A_198 = tpu.memref_slice %arg4[%shift_right_logical3A_168, %dma_start3A_190, %and3A_170, %dma_start3A_197] : memref<200x4x128x1024xf32, #tpu.memory_space<hbm>> -> memref<1x1x1x1024xf32, #tpu.memory_space<hbm>>
    %dma_start3A_199 = tpu.memref_squeeze %dma_start3A_198 : memref<1x1x1x1024xf32, #tpu.memory_space<hbm>> -> memref<1024xf32, #tpu.memory_space<hbm>>
    %dma_start3A_200 = arith.constant 1024 : i32
    %dma_start3A_201 = tpu.memref_slice %arg7[%dma_start3A_189, %dma_start3A_200] : memref<4x4096xf32, #tpu.memory_space<vmem>> -> memref<1x1024xf32, #tpu.memory_space<vmem>>
    %dma_start3A_202 = tpu.memref_squeeze %dma_start3A_201 : memref<1x1024xf32, #tpu.memory_space<vmem>> -> memref<1024xf32, #tpu.memory_space<vmem>>
    tpu.enqueue_dma source(%dma_start3A_202 : memref<1024xf32, #tpu.memory_space<vmem>>) target(%dma_start3A_199 : memref<1024xf32, #tpu.memory_space<hbm>>) target_semaphore(%arg16 : memref<!tpu.dma_semaphore, #tpu.memory_space<semaphore_mem>>)
    %dma_start3A_203 = arith.constant 0 : i32
    %dma_start3A_204 = arith.constant 2 : i32
    %dma_start3A_205 = arith.constant 2048 : i32
    %dma_start3A_206 = tpu.memref_slice %arg7[%dma_start3A_203, %dma_start3A_205] : memref<4x4096xf32, #tpu.memory_space<vmem>> -> memref<1x1024xf32, #tpu.memory_space<vmem>>
    %dma_start3A_207 = tpu.memref_squeeze %dma_start3A_206 : memref<1x1024xf32, #tpu.memory_space<vmem>> -> memref<1024xf32, #tpu.memory_space<vmem>>
    %dma_start3A_208 = arith.constant 0 : i32
    %dma_start3A_209 = tpu.memref_slice %arg4[%shift_right_logical3A_168, %dma_start3A_204, %and3A_170, %dma_start3A_208] : memref<200x4x128x1024xf32, #tpu.memory_space<hbm>> -> memref<1x1x1x1024xf32, #tpu.memory_space<hbm>>
    %dma_start3A_210 = tpu.memref_squeeze %dma_start3A_209 : memref<1x1x1x1024xf32, #tpu.memory_space<hbm>> -> memref<1024xf32, #tpu.memory_space<hbm>>
    %dma_start3A_211 = arith.constant 0 : i32
    %dma_start3A_212 = tpu.memref_slice %arg4[%shift_right_logical3A_168, %dma_start3A_204, %and3A_170, %dma_start3A_211] : memref<200x4x128x1024xf32, #tpu.memory_space<hbm>> -> memref<1x1x1x1024xf32, #tpu.memory_space<hbm>>
    %dma_start3A_213 = tpu.memref_squeeze %dma_start3A_212 : memref<1x1x1x1024xf32, #tpu.memory_space<hbm>> -> memref<1024xf32, #tpu.memory_space<hbm>>
    %dma_start3A_214 = arith.constant 2048 : i32
    %dma_start3A_215 = tpu.memref_slice %arg7[%dma_start3A_203, %dma_start3A_214] : memref<4x4096xf32, #tpu.memory_space<vmem>> -> memref<1x1024xf32, #tpu.memory_space<vmem>>
    %dma_start3A_216 = tpu.memref_squeeze %dma_start3A_215 : memref<1x1024xf32, #tpu.memory_space<vmem>> -> memref<1024xf32, #tpu.memory_space<vmem>>
    tpu.enqueue_dma source(%dma_start3A_216 : memref<1024xf32, #tpu.memory_space<vmem>>) target(%dma_start3A_213 : memref<1024xf32, #tpu.memory_space<hbm>>) target_semaphore(%arg16 : memref<!tpu.dma_semaphore, #tpu.memory_space<semaphore_mem>>)
    %dma_start3A_217 = arith.constant 0 : i32
    %dma_start3A_218 = arith.constant 3 : i32
    %dma_start3A_219 = arith.constant 3072 : i32
    %dma_start3A_220 = tpu.memref_slice %arg7[%dma_start3A_217, %dma_start3A_219] : memref<4x4096xf32, #tpu.memory_space<vmem>> -> memref<1x1024xf32, #tpu.memory_space<vmem>>
    %dma_start3A_221 = tpu.memref_squeeze %dma_start3A_220 : memref<1x1024xf32, #tpu.memory_space<vmem>> -> memref<1024xf32, #tpu.memory_space<vmem>>
    %dma_start3A_222 = arith.constant 0 : i32
    %dma_start3A_223 = tpu.memref_slice %arg4[%shift_right_logical3A_168, %dma_start3A_218, %and3A_170, %dma_start3A_222] : memref<200x4x128x1024xf32, #tpu.memory_space<hbm>> -> memref<1x1x1x1024xf32, #tpu.memory_space<hbm>>
    %dma_start3A_224 = tpu.memref_squeeze %dma_start3A_223 : memref<1x1x1x1024xf32, #tpu.memory_space<hbm>> -> memref<1024xf32, #tpu.memory_space<hbm>>
    %dma_start3A_225 = arith.constant 0 : i32
    %dma_start3A_226 = tpu.memref_slice %arg4[%shift_right_logical3A_168, %dma_start3A_218, %and3A_170, %dma_start3A_225] : memref<200x4x128x1024xf32, #tpu.memory_space<hbm>> -> memref<1x1x1x1024xf32, #tpu.memory_space<hbm>>
    %dma_start3A_227 = tpu.memref_squeeze %dma_start3A_226 : memref<1x1x1x1024xf32, #tpu.memory_space<hbm>> -> memref<1024xf32, #tpu.memory_space<hbm>>
    %dma_start3A_228 = arith.constant 3072 : i32
    %dma_start3A_229 = tpu.memref_slice %arg7[%dma_start3A_217, %dma_start3A_228] : memref<4x4096xf32, #tpu.memory_space<vmem>> -> memref<1x1024xf32, #tpu.memory_space<vmem>>
    %dma_start3A_230 = tpu.memref_squeeze %dma_start3A_229 : memref<1x1024xf32, #tpu.memory_space<vmem>> -> memref<1024xf32, #tpu.memory_space<vmem>>
    tpu.enqueue_dma source(%dma_start3A_230 : memref<1024xf32, #tpu.memory_space<vmem>>) target(%dma_start3A_227 : memref<1024xf32, #tpu.memory_space<hbm>>) target_semaphore(%arg16 : memref<!tpu.dma_semaphore, #tpu.memory_space<semaphore_mem>>)
    %add3A_231 = arith.constant 4 : i32
    %add3A_232 = arith.addi %mul3A_2, %add3A_231 : i32
    %shift_right_logical3A_233 = arith.constant 7 : i32
    %shift_right_logical3A_234 = arith.shrui %add3A_232, %shift_right_logical3A_233 : i32
    %and3A_235 = arith.constant 127 : i32
    %and3A_236 = arith.andi %add3A_232, %and3A_235 : i32
    %shift_right_logical3A_237 = arith.constant 3 : i32
    %shift_right_logical3A_238 = arith.shrui %shift_right_logical3A_234, %shift_right_logical3A_237 : i32
    %and3A_239 = arith.constant 7 : i32
    %and3A_240 = arith.andi %shift_right_logical3A_234, %and3A_239 : i32
    %dma_start3A_241 = arith.constant 0 : i32
    %dma_start3A_242 = arith.constant 0 : i32
    %dma_start3A_243 = tpu.memref_slice %arg5[%dma_start3A_241, %dma_start3A_242] : memref<4x128xi32, #tpu.memory_space<vmem>> -> memref<1x128xi32, #tpu.memory_space<vmem>>
    %dma_start3A_244 = tpu.memref_squeeze %dma_start3A_243 : memref<1x128xi32, #tpu.memory_space<vmem>> -> memref<128xi32, #tpu.memory_space<vmem>>
    %dma_start3A_245 = arith.constant 0 : i32
    %dma_start3A_246 = tpu.memref_slice %arg2[%shift_right_logical3A_238, %and3A_236, %and3A_240, %dma_start3A_245] : memref<25x128x8x128xi32, #tpu.memory_space<hbm>> -> memref<1x1x1x128xi32, #tpu.memory_space<hbm>>
    %dma_start3A_247 = tpu.memref_squeeze %dma_start3A_246 : memref<1x1x1x128xi32, #tpu.memory_space<hbm>> -> memref<128xi32, #tpu.memory_space<hbm>>
    %dma_start3A_248 = arith.constant 0 : i32
    %dma_start3A_249 = tpu.memref_slice %arg5[%dma_start3A_241, %dma_start3A_248] : memref<4x128xi32, #tpu.memory_space<vmem>> -> memref<1x128xi32, #tpu.memory_space<vmem>>
    %dma_start3A_250 = tpu.memref_squeeze %dma_start3A_249 : memref<1x128xi32, #tpu.memory_space<vmem>> -> memref<128xi32, #tpu.memory_space<vmem>>
    %dma_start3A_251 = arith.constant 0 : i32
    %dma_start3A_252 = tpu.memref_slice %arg2[%shift_right_logical3A_238, %and3A_236, %and3A_240, %dma_start3A_251] : memref<25x128x8x128xi32, #tpu.memory_space<hbm>> -> memref<1x1x1x128xi32, #tpu.memory_space<hbm>>
    %dma_start3A_253 = tpu.memref_squeeze %dma_start3A_252 : memref<1x1x1x128xi32, #tpu.memory_space<hbm>> -> memref<128xi32, #tpu.memory_space<hbm>>
    tpu.enqueue_dma source(%dma_start3A_253 : memref<128xi32, #tpu.memory_space<hbm>>) target(%dma_start3A_250 : memref<128xi32, #tpu.memory_space<vmem>>) target_semaphore(%arg8 : memref<!tpu.dma_semaphore, #tpu.memory_space<semaphore_mem>>)
    %dma_wait3A_254 = arith.constant 0 : i32
    %dma_wait3A_255 = arith.constant 0 : i32
    %dma_wait3A_256 = arith.constant 0 : i32
    %dma_wait3A_257 = arith.constant 2 : i32
    %dma_wait3A_258 = arith.constant 0 : i32
    %dma_wait3A_259 = tpu.memref_slice %arg5[%dma_wait3A_257, %dma_wait3A_258] : memref<4x128xi32, #tpu.memory_space<vmem>> -> memref<1x128xi32, #tpu.memory_space<vmem>>
    %dma_wait3A_260 = tpu.memref_squeeze %dma_wait3A_259 : memref<1x128xi32, #tpu.memory_space<vmem>> -> memref<128xi32, #tpu.memory_space<vmem>>
    %dma_wait3A_261 = arith.constant 0 : i32
    %dma_wait3A_262 = tpu.memref_slice %arg2[%dma_wait3A_254, %dma_wait3A_255, %dma_wait3A_256, %dma_wait3A_261] : memref<25x128x8x128xi32, #tpu.memory_space<hbm>> -> memref<1x1x1x128xi32, #tpu.memory_space<hbm>>
    %dma_wait3A_263 = tpu.memref_squeeze %dma_wait3A_262 : memref<1x1x1x128xi32, #tpu.memory_space<hbm>> -> memref<128xi32, #tpu.memory_space<hbm>>
    %dma_wait3A_264 = arith.constant 0 : i32
    %dma_wait3A_265 = tpu.memref_slice %arg5[%dma_wait3A_257, %dma_wait3A_264] : memref<4x128xi32, #tpu.memory_space<vmem>> -> memref<1x128xi32, #tpu.memory_space<vmem>>
    %dma_wait3A_266 = tpu.memref_squeeze %dma_wait3A_265 : memref<1x128xi32, #tpu.memory_space<vmem>> -> memref<128xi32, #tpu.memory_space<vmem>>
    %dma_wait3A_267 = arith.constant 0 : i32
    %dma_wait3A_268 = tpu.memref_slice %arg2[%dma_wait3A_254, %dma_wait3A_255, %dma_wait3A_256, %dma_wait3A_267] : memref<25x128x8x128xi32, #tpu.memory_space<hbm>> -> memref<1x1x1x128xi32, #tpu.memory_space<hbm>>
    %dma_wait3A_269 = tpu.memref_squeeze %dma_wait3A_268 : memref<1x1x1x128xi32, #tpu.memory_space<hbm>> -> memref<128xi32, #tpu.memory_space<hbm>>
    tpu.wait_dma2 semaphore(%arg10 : memref<!tpu.dma_semaphore, #tpu.memory_space<semaphore_mem>>) src(%dma_wait3A_269 : memref<128xi32, #tpu.memory_space<hbm>>) dst(%dma_wait3A_266 : memref<128xi32, #tpu.memory_space<vmem>>)
    %dma_start3A_270 = arith.constant 2 : i32
    %dma_start3A_271 = arith.constant 2 : i32
    %dma_start3A_272 = arith.constant 0 : i32
    %dma_start3A_273 = arith.constant 0 : i32
    %dma_start3A_274 = tpu.memref_slice %arg6[%dma_start3A_271, %dma_start3A_272, %dma_start3A_273] : memref<4x128x32xf32, #tpu.memory_space<vmem>> -> memref<1x128x32xf32, #tpu.memory_space<vmem>>
    %dma_start3A_275 = tpu.memref_squeeze %dma_start3A_274 : memref<1x128x32xf32, #tpu.memory_space<vmem>> -> memref<128x32xf32, #tpu.memory_space<vmem>>
    %dma_start3A_276 = arith.constant 0 : i32
    %dma_start3A_277 = tpu.memref_slice %arg5[%dma_start3A_270, %dma_start3A_276] : memref<4x128xi32, #tpu.memory_space<vmem>> -> memref<1x128xi32, #tpu.memory_space<vmem>>
    %dma_start3A_278 = tpu.memref_squeeze %dma_start3A_277 : memref<1x128xi32, #tpu.memory_space<vmem>> -> memref<128xi32, #tpu.memory_space<vmem>>
    %dma_start3A_279 = arith.constant 0 : i32
    %dma_start3A_280 = arith.constant 0 : i32
    %dma_start3A_281 = tpu.memref_slice %arg3[%dma_start3A_279, %dma_start3A_280] : memref<1000000x32xf32, #tpu.memory_space<hbm>> -> memref<1000000x32xf32, #tpu.memory_space<hbm>>
    tpu.enqueue_indirect_dma source(%dma_start3A_281 : memref<1000000x32xf32, #tpu.memory_space<hbm>>) target(%dma_start3A_275 : memref<128x32xf32, #tpu.memory_space<vmem>>) offsets(%dma_start3A_278 : memref<128xi32, #tpu.memory_space<vmem>>) semaphore(%arg14 : memref<!tpu.dma_semaphore, #tpu.memory_space<semaphore_mem>>)
    %dma_wait3A_282 = arith.constant 1 : i32
    %dma_wait3A_283 = arith.constant 0 : i32
    %dma_wait3A_284 = arith.constant 0 : i32
    %dma_wait3A_285 = tpu.memref_slice %arg6[%dma_wait3A_282, %dma_wait3A_283, %dma_wait3A_284] : memref<4x128x32xf32, #tpu.memory_space<vmem>> -> memref<1x128x32xf32, #tpu.memory_space<vmem>>
    %dma_wait3A_286 = tpu.memref_squeeze %dma_wait3A_285 : memref<1x128x32xf32, #tpu.memory_space<vmem>> -> memref<128x32xf32, #tpu.memory_space<vmem>>
    %dma_wait3A_287 = arith.constant 0 : i32
    %dma_wait3A_288 = arith.constant 0 : i32
    %dma_wait3A_289 = tpu.memref_slice %arg3[%dma_wait3A_287, %dma_wait3A_288] : memref<1000000x32xf32, #tpu.memory_space<hbm>> -> memref<128x32xf32, #tpu.memory_space<hbm>>
    %dma_wait3A_290 = arith.constant 0 : i32
    %dma_wait3A_291 = arith.constant 0 : i32
    %dma_wait3A_292 = tpu.memref_slice %arg6[%dma_wait3A_282, %dma_wait3A_290, %dma_wait3A_291] : memref<4x128x32xf32, #tpu.memory_space<vmem>> -> memref<1x128x32xf32, #tpu.memory_space<vmem>>
    %dma_wait3A_293 = tpu.memref_squeeze %dma_wait3A_292 : memref<1x128x32xf32, #tpu.memory_space<vmem>> -> memref<128x32xf32, #tpu.memory_space<vmem>>
    %dma_wait3A_294 = arith.constant 0 : i32
    %dma_wait3A_295 = arith.constant 0 : i32
    %dma_wait3A_296 = tpu.memref_slice %arg3[%dma_wait3A_294, %dma_wait3A_295] : memref<1000000x32xf32, #tpu.memory_space<hbm>> -> memref<128x32xf32, #tpu.memory_space<hbm>>
    tpu.wait_dma2 semaphore(%arg13 : memref<!tpu.dma_semaphore, #tpu.memory_space<semaphore_mem>>) src(%dma_wait3A_296 : memref<128x32xf32, #tpu.memory_space<hbm>>) dst(%dma_wait3A_293 : memref<128x32xf32, #tpu.memory_space<vmem>>)
    %iota3A_297 = tpu.iota {dimensions = array<i32: 0>} : vector<16xi32>
    %parallel_loop3A_298 = arith.constant 0 : i32
    %parallel_loop3A_299 = arith.constant 256 : i32
    %parallel_loop3A_300 = arith.constant 1 : i32
    %parallel_loop3A_301 = arith.constant 1 : i32
    scf.for %parallel_loop3A_852 = %parallel_loop3A_298 to %parallel_loop3A_299 step %parallel_loop3A_300  : i32 {
      %parallel_loop3A_853 = arith.constant 3 : i32
      %parallel_loop3A_854 = arith.shrui %parallel_loop3A_852, %parallel_loop3A_853 : i32
      %parallel_loop3A_855 = arith.constant 7 : i32
      %parallel_loop3A_856 = arith.andi %parallel_loop3A_852, %parallel_loop3A_855 : i32
      %parallel_loop3A_857 = arith.constant 16 : i32
      %parallel_loop3A_858 = arith.muli %parallel_loop3A_856, %parallel_loop3A_857 : i32
      %parallel_loop3A_859 = vector.broadcast %parallel_loop3A_854 : i32 to vector<16xi32>
      %parallel_loop3A_860 = arith.addi %parallel_loop3A_859, %iota3A_297 : vector<16xi32>
      %parallel_loop3A_861 = arith.constant 31 : i32
      %parallel_loop3A_862 = vector.broadcast %parallel_loop3A_861 : i32 to vector<16xi32>
      %parallel_loop3A_863 = arith.andi %parallel_loop3A_860, %parallel_loop3A_862 : vector<16xi32>
      %parallel_loop3A_864 = vector.broadcast %parallel_loop3A_858 : i32 to vector<16xi32>
      %parallel_loop3A_865 = arith.addi %iota3A_297, %parallel_loop3A_864 : vector<16xi32>
      %parallel_loop3A_866 = arith.constant 0 : i32
      %parallel_loop3A_867 = arith.constant 0 : i32
      %parallel_loop3A_868 = tpu.memref_slice %arg6[%parallel_loop3A_301, %parallel_loop3A_866, %parallel_loop3A_867] : memref<4x128x32xf32, #tpu.memory_space<vmem>> -> memref<1x128x32xf32, #tpu.memory_space<vmem>>
      %parallel_loop3A_869 = tpu.memref_squeeze %parallel_loop3A_868 : memref<1x128x32xf32, #tpu.memory_space<vmem>> -> memref<128x32xf32, #tpu.memory_space<vmem>>
      %parallel_loop3A_870 = tpu.vector_load_idx %parallel_loop3A_869[%parallel_loop3A_865, %parallel_loop3A_863] : memref<128x32xf32, #tpu.memory_space<vmem>>[vector<16xi32>, vector<16xi32>], vector<16xf32>,
      %parallel_loop3A_871 = arith.constant 128 : i32
      %parallel_loop3A_872 = vector.broadcast %parallel_loop3A_871 : i32 to vector<16xi32>
      %parallel_loop3A_873 = arith.muli %parallel_loop3A_863, %parallel_loop3A_872 : vector<16xi32>
      %parallel_loop3A_874 = vector.broadcast %parallel_loop3A_858 : i32 to vector<16xi32>
      %parallel_loop3A_875 = arith.addi %parallel_loop3A_873, %parallel_loop3A_874 : vector<16xi32>
      %parallel_loop3A_876 = arith.addi %parallel_loop3A_875, %iota3A_297 : vector<16xi32>
      %parallel_loop3A_877 = arith.constant 1 : i32
      %parallel_loop3A_878 = arith.constant 0 : i32
      %parallel_loop3A_879 = tpu.memref_slice %arg7[%parallel_loop3A_877, %parallel_loop3A_878] : memref<4x4096xf32, #tpu.memory_space<vmem>> -> memref<1x4096xf32, #tpu.memory_space<vmem>>
      %parallel_loop3A_880 = tpu.memref_squeeze %parallel_loop3A_879 : memref<1x4096xf32, #tpu.memory_space<vmem>> -> memref<4096xf32, #tpu.memory_space<vmem>>
      tpu.vector_store_idx %parallel_loop3A_880[%parallel_loop3A_876], %parallel_loop3A_870 : memref<4096xf32, #tpu.memory_space<vmem>>[vector<16xi32>], vector<16xf32>,
    } {sc.loop_unroll_factor = 16 : i64, sc.parallel_access}
    %add3A_302 = arith.constant 1 : i32
    %add3A_303 = arith.addi %mul3A_2, %add3A_302 : i32
    %shift_right_logical3A_304 = arith.constant 7 : i32
    %shift_right_logical3A_305 = arith.shrui %add3A_303, %shift_right_logical3A_304 : i32
    %and3A_306 = arith.constant 127 : i32
    %and3A_307 = arith.andi %add3A_303, %and3A_306 : i32
    %shift_right_logical3A_308 = arith.constant 3 : i32
    %shift_right_logical3A_309 = arith.shrui %shift_right_logical3A_305, %shift_right_logical3A_308 : i32
    %and3A_310 = arith.constant 7 : i32
    %and3A_311 = arith.andi %shift_right_logical3A_305, %and3A_310 : i32
    %dma_start3A_312 = arith.constant 1 : i32
    %dma_start3A_313 = arith.constant 0 : i32
    %dma_start3A_314 = arith.constant 0 : i32
    %dma_start3A_315 = tpu.memref_slice %arg7[%dma_start3A_312, %dma_start3A_314] : memref<4x4096xf32, #tpu.memory_space<vmem>> -> memref<1x1024xf32, #tpu.memory_space<vmem>>
    %dma_start3A_316 = tpu.memref_squeeze %dma_start3A_315 : memref<1x1024xf32, #tpu.memory_space<vmem>> -> memref<1024xf32, #tpu.memory_space<vmem>>
    %dma_start3A_317 = arith.constant 0 : i32
    %dma_start3A_318 = tpu.memref_slice %arg4[%shift_right_logical3A_305, %dma_start3A_313, %and3A_307, %dma_start3A_317] : memref<200x4x128x1024xf32, #tpu.memory_space<hbm>> -> memref<1x1x1x1024xf32, #tpu.memory_space<hbm>>
    %dma_start3A_319 = tpu.memref_squeeze %dma_start3A_318 : memref<1x1x1x1024xf32, #tpu.memory_space<hbm>> -> memref<1024xf32, #tpu.memory_space<hbm>>
    %dma_start3A_320 = arith.constant 0 : i32
    %dma_start3A_321 = tpu.memref_slice %arg4[%shift_right_logical3A_305, %dma_start3A_313, %and3A_307, %dma_start3A_320] : memref<200x4x128x1024xf32, #tpu.memory_space<hbm>> -> memref<1x1x1x1024xf32, #tpu.memory_space<hbm>>
    %dma_start3A_322 = tpu.memref_squeeze %dma_start3A_321 : memref<1x1x1x1024xf32, #tpu.memory_space<hbm>> -> memref<1024xf32, #tpu.memory_space<hbm>>
    %dma_start3A_323 = arith.constant 0 : i32
    %dma_start3A_324 = tpu.memref_slice %arg7[%dma_start3A_312, %dma_start3A_323] : memref<4x4096xf32, #tpu.memory_space<vmem>> -> memref<1x1024xf32, #tpu.memory_space<vmem>>
    %dma_start3A_325 = tpu.memref_squeeze %dma_start3A_324 : memref<1x1024xf32, #tpu.memory_space<vmem>> -> memref<1024xf32, #tpu.memory_space<vmem>>
    tpu.enqueue_dma source(%dma_start3A_325 : memref<1024xf32, #tpu.memory_space<vmem>>) target(%dma_start3A_322 : memref<1024xf32, #tpu.memory_space<hbm>>) target_semaphore(%arg17 : memref<!tpu.dma_semaphore, #tpu.memory_space<semaphore_mem>>)
    %dma_start3A_326 = arith.constant 1 : i32
    %dma_start3A_327 = arith.constant 1 : i32
    %dma_start3A_328 = arith.constant 1024 : i32
    %dma_start3A_329 = tpu.memref_slice %arg7[%dma_start3A_326, %dma_start3A_328] : memref<4x4096xf32, #tpu.memory_space<vmem>> -> memref<1x1024xf32, #tpu.memory_space<vmem>>
    %dma_start3A_330 = tpu.memref_squeeze %dma_start3A_329 : memref<1x1024xf32, #tpu.memory_space<vmem>> -> memref<1024xf32, #tpu.memory_space<vmem>>
    %dma_start3A_331 = arith.constant 0 : i32
    %dma_start3A_332 = tpu.memref_slice %arg4[%shift_right_logical3A_305, %dma_start3A_327, %and3A_307, %dma_start3A_331] : memref<200x4x128x1024xf32, #tpu.memory_space<hbm>> -> memref<1x1x1x1024xf32, #tpu.memory_space<hbm>>
    %dma_start3A_333 = tpu.memref_squeeze %dma_start3A_332 : memref<1x1x1x1024xf32, #tpu.memory_space<hbm>> -> memref<1024xf32, #tpu.memory_space<hbm>>
    %dma_start3A_334 = arith.constant 0 : i32
    %dma_start3A_335 = tpu.memref_slice %arg4[%shift_right_logical3A_305, %dma_start3A_327, %and3A_307, %dma_start3A_334] : memref<200x4x128x1024xf32, #tpu.memory_space<hbm>> -> memref<1x1x1x1024xf32, #tpu.memory_space<hbm>>
    %dma_start3A_336 = tpu.memref_squeeze %dma_start3A_335 : memref<1x1x1x1024xf32, #tpu.memory_space<hbm>> -> memref<1024xf32, #tpu.memory_space<hbm>>
    %dma_start3A_337 = arith.constant 1024 : i32
    %dma_start3A_338 = tpu.memref_slice %arg7[%dma_start3A_326, %dma_start3A_337] : memref<4x4096xf32, #tpu.memory_space<vmem>> -> memref<1x1024xf32, #tpu.memory_space<vmem>>
    %dma_start3A_339 = tpu.memref_squeeze %dma_start3A_338 : memref<1x1024xf32, #tpu.memory_space<vmem>> -> memref<1024xf32, #tpu.memory_space<vmem>>
    tpu.enqueue_dma source(%dma_start3A_339 : memref<1024xf32, #tpu.memory_space<vmem>>) target(%dma_start3A_336 : memref<1024xf32, #tpu.memory_space<hbm>>) target_semaphore(%arg17 : memref<!tpu.dma_semaphore, #tpu.memory_space<semaphore_mem>>)
    %dma_start3A_340 = arith.constant 1 : i32
    %dma_start3A_341 = arith.constant 2 : i32
    %dma_start3A_342 = arith.constant 2048 : i32
    %dma_start3A_343 = tpu.memref_slice %arg7[%dma_start3A_340, %dma_start3A_342] : memref<4x4096xf32, #tpu.memory_space<vmem>> -> memref<1x1024xf32, #tpu.memory_space<vmem>>
    %dma_start3A_344 = tpu.memref_squeeze %dma_start3A_343 : memref<1x1024xf32, #tpu.memory_space<vmem>> -> memref<1024xf32, #tpu.memory_space<vmem>>
    %dma_start3A_345 = arith.constant 0 : i32
    %dma_start3A_346 = tpu.memref_slice %arg4[%shift_right_logical3A_305, %dma_start3A_341, %and3A_307, %dma_start3A_345] : memref<200x4x128x1024xf32, #tpu.memory_space<hbm>> -> memref<1x1x1x1024xf32, #tpu.memory_space<hbm>>
    %dma_start3A_347 = tpu.memref_squeeze %dma_start3A_346 : memref<1x1x1x1024xf32, #tpu.memory_space<hbm>> -> memref<1024xf32, #tpu.memory_space<hbm>>
    %dma_start3A_348 = arith.constant 0 : i32
    %dma_start3A_349 = tpu.memref_slice %arg4[%shift_right_logical3A_305, %dma_start3A_341, %and3A_307, %dma_start3A_348] : memref<200x4x128x1024xf32, #tpu.memory_space<hbm>> -> memref<1x1x1x1024xf32, #tpu.memory_space<hbm>>
    %dma_start3A_350 = tpu.memref_squeeze %dma_start3A_349 : memref<1x1x1x1024xf32, #tpu.memory_space<hbm>> -> memref<1024xf32, #tpu.memory_space<hbm>>
    %dma_start3A_351 = arith.constant 2048 : i32
    %dma_start3A_352 = tpu.memref_slice %arg7[%dma_start3A_340, %dma_start3A_351] : memref<4x4096xf32, #tpu.memory_space<vmem>> -> memref<1x1024xf32, #tpu.memory_space<vmem>>
    %dma_start3A_353 = tpu.memref_squeeze %dma_start3A_352 : memref<1x1024xf32, #tpu.memory_space<vmem>> -> memref<1024xf32, #tpu.memory_space<vmem>>
    tpu.enqueue_dma source(%dma_start3A_353 : memref<1024xf32, #tpu.memory_space<vmem>>) target(%dma_start3A_350 : memref<1024xf32, #tpu.memory_space<hbm>>) target_semaphore(%arg17 : memref<!tpu.dma_semaphore, #tpu.memory_space<semaphore_mem>>)
    %dma_start3A_354 = arith.constant 1 : i32
    %dma_start3A_355 = arith.constant 3 : i32
    %dma_start3A_356 = arith.constant 3072 : i32
    %dma_start3A_357 = tpu.memref_slice %arg7[%dma_start3A_354, %dma_start3A_356] : memref<4x4096xf32, #tpu.memory_space<vmem>> -> memref<1x1024xf32, #tpu.memory_space<vmem>>
    %dma_start3A_358 = tpu.memref_squeeze %dma_start3A_357 : memref<1x1024xf32, #tpu.memory_space<vmem>> -> memref<1024xf32, #tpu.memory_space<vmem>>
    %dma_start3A_359 = arith.constant 0 : i32
    %dma_start3A_360 = tpu.memref_slice %arg4[%shift_right_logical3A_305, %dma_start3A_355, %and3A_307, %dma_start3A_359] : memref<200x4x128x1024xf32, #tpu.memory_space<hbm>> -> memref<1x1x1x1024xf32, #tpu.memory_space<hbm>>
    %dma_start3A_361 = tpu.memref_squeeze %dma_start3A_360 : memref<1x1x1x1024xf32, #tpu.memory_space<hbm>> -> memref<1024xf32, #tpu.memory_space<hbm>>
    %dma_start3A_362 = arith.constant 0 : i32
    %dma_start3A_363 = tpu.memref_slice %arg4[%shift_right_logical3A_305, %dma_start3A_355, %and3A_307, %dma_start3A_362] : memref<200x4x128x1024xf32, #tpu.memory_space<hbm>> -> memref<1x1x1x1024xf32, #tpu.memory_space<hbm>>
    %dma_start3A_364 = tpu.memref_squeeze %dma_start3A_363 : memref<1x1x1x1024xf32, #tpu.memory_space<hbm>> -> memref<1024xf32, #tpu.memory_space<hbm>>
    %dma_start3A_365 = arith.constant 3072 : i32
    %dma_start3A_366 = tpu.memref_slice %arg7[%dma_start3A_354, %dma_start3A_365] : memref<4x4096xf32, #tpu.memory_space<vmem>> -> memref<1x1024xf32, #tpu.memory_space<vmem>>
    %dma_start3A_367 = tpu.memref_squeeze %dma_start3A_366 : memref<1x1024xf32, #tpu.memory_space<vmem>> -> memref<1024xf32, #tpu.memory_space<vmem>>
    tpu.enqueue_dma source(%dma_start3A_367 : memref<1024xf32, #tpu.memory_space<vmem>>) target(%dma_start3A_364 : memref<1024xf32, #tpu.memory_space<hbm>>) target_semaphore(%arg17 : memref<!tpu.dma_semaphore, #tpu.memory_space<semaphore_mem>>)
    %add3A_368 = arith.constant 5 : i32
    %add3A_369 = arith.addi %mul3A_2, %add3A_368 : i32
    %shift_right_logical3A_370 = arith.constant 7 : i32
    %shift_right_logical3A_371 = arith.shrui %add3A_369, %shift_right_logical3A_370 : i32
    %and3A_372 = arith.constant 127 : i32
    %and3A_373 = arith.andi %add3A_369, %and3A_372 : i32
    %shift_right_logical3A_374 = arith.constant 3 : i32
    %shift_right_logical3A_375 = arith.shrui %shift_right_logical3A_371, %shift_right_logical3A_374 : i32
    %and3A_376 = arith.constant 7 : i32
    %and3A_377 = arith.andi %shift_right_logical3A_371, %and3A_376 : i32
    %dma_start3A_378 = arith.constant 1 : i32
    %dma_start3A_379 = arith.constant 0 : i32
    %dma_start3A_380 = tpu.memref_slice %arg5[%dma_start3A_378, %dma_start3A_379] : memref<4x128xi32, #tpu.memory_space<vmem>> -> memref<1x128xi32, #tpu.memory_space<vmem>>
    %dma_start3A_381 = tpu.memref_squeeze %dma_start3A_380 : memref<1x128xi32, #tpu.memory_space<vmem>> -> memref<128xi32, #tpu.memory_space<vmem>>
    %dma_start3A_382 = arith.constant 0 : i32
    %dma_start3A_383 = tpu.memref_slice %arg2[%shift_right_logical3A_375, %and3A_373, %and3A_377, %dma_start3A_382] : memref<25x128x8x128xi32, #tpu.memory_space<hbm>> -> memref<1x1x1x128xi32, #tpu.memory_space<hbm>>
    %dma_start3A_384 = tpu.memref_squeeze %dma_start3A_383 : memref<1x1x1x128xi32, #tpu.memory_space<hbm>> -> memref<128xi32, #tpu.memory_space<hbm>>
    %dma_start3A_385 = arith.constant 0 : i32
    %dma_start3A_386 = tpu.memref_slice %arg5[%dma_start3A_378, %dma_start3A_385] : memref<4x128xi32, #tpu.memory_space<vmem>> -> memref<1x128xi32, #tpu.memory_space<vmem>>
    %dma_start3A_387 = tpu.memref_squeeze %dma_start3A_386 : memref<1x128xi32, #tpu.memory_space<vmem>> -> memref<128xi32, #tpu.memory_space<vmem>>
    %dma_start3A_388 = arith.constant 0 : i32
    %dma_start3A_389 = tpu.memref_slice %arg2[%shift_right_logical3A_375, %and3A_373, %and3A_377, %dma_start3A_388] : memref<25x128x8x128xi32, #tpu.memory_space<hbm>> -> memref<1x1x1x128xi32, #tpu.memory_space<hbm>>
    %dma_start3A_390 = tpu.memref_squeeze %dma_start3A_389 : memref<1x1x1x128xi32, #tpu.memory_space<hbm>> -> memref<128xi32, #tpu.memory_space<hbm>>
    tpu.enqueue_dma source(%dma_start3A_390 : memref<128xi32, #tpu.memory_space<hbm>>) target(%dma_start3A_387 : memref<128xi32, #tpu.memory_space<vmem>>) target_semaphore(%arg9 : memref<!tpu.dma_semaphore, #tpu.memory_space<semaphore_mem>>)
    %dma_wait3A_391 = arith.constant 0 : i32
    %dma_wait3A_392 = arith.constant 0 : i32
    %dma_wait3A_393 = arith.constant 0 : i32
    %dma_wait3A_394 = arith.constant 3 : i32
    %dma_wait3A_395 = arith.constant 0 : i32
    %dma_wait3A_396 = tpu.memref_slice %arg5[%dma_wait3A_394, %dma_wait3A_395] : memref<4x128xi32, #tpu.memory_space<vmem>> -> memref<1x128xi32, #tpu.memory_space<vmem>>
    %dma_wait3A_397 = tpu.memref_squeeze %dma_wait3A_396 : memref<1x128xi32, #tpu.memory_space<vmem>> -> memref<128xi32, #tpu.memory_space<vmem>>
    %dma_wait3A_398 = arith.constant 0 : i32
    %dma_wait3A_399 = tpu.memref_slice %arg2[%dma_wait3A_391, %dma_wait3A_392, %dma_wait3A_393, %dma_wait3A_398] : memref<25x128x8x128xi32, #tpu.memory_space<hbm>> -> memref<1x1x1x128xi32, #tpu.memory_space<hbm>>
    %dma_wait3A_400 = tpu.memref_squeeze %dma_wait3A_399 : memref<1x1x1x128xi32, #tpu.memory_space<hbm>> -> memref<128xi32, #tpu.memory_space<hbm>>
    %dma_wait3A_401 = arith.constant 0 : i32
    %dma_wait3A_402 = tpu.memref_slice %arg5[%dma_wait3A_394, %dma_wait3A_401] : memref<4x128xi32, #tpu.memory_space<vmem>> -> memref<1x128xi32, #tpu.memory_space<vmem>>
    %dma_wait3A_403 = tpu.memref_squeeze %dma_wait3A_402 : memref<1x128xi32, #tpu.memory_space<vmem>> -> memref<128xi32, #tpu.memory_space<vmem>>
    %dma_wait3A_404 = arith.constant 0 : i32
    %dma_wait3A_405 = tpu.memref_slice %arg2[%dma_wait3A_391, %dma_wait3A_392, %dma_wait3A_393, %dma_wait3A_404] : memref<25x128x8x128xi32, #tpu.memory_space<hbm>> -> memref<1x1x1x128xi32, #tpu.memory_space<hbm>>
    %dma_wait3A_406 = tpu.memref_squeeze %dma_wait3A_405 : memref<1x1x1x128xi32, #tpu.memory_space<hbm>> -> memref<128xi32, #tpu.memory_space<hbm>>
    tpu.wait_dma2 semaphore(%arg11 : memref<!tpu.dma_semaphore, #tpu.memory_space<semaphore_mem>>) src(%dma_wait3A_406 : memref<128xi32, #tpu.memory_space<hbm>>) dst(%dma_wait3A_403 : memref<128xi32, #tpu.memory_space<vmem>>)
    %dma_start3A_407 = arith.constant 3 : i32
    %dma_start3A_408 = arith.constant 3 : i32
    %dma_start3A_409 = arith.constant 0 : i32
    %dma_start3A_410 = arith.constant 0 : i32
    %dma_start3A_411 = tpu.memref_slice %arg6[%dma_start3A_408, %dma_start3A_409, %dma_start3A_410] : memref<4x128x32xf32, #tpu.memory_space<vmem>> -> memref<1x128x32xf32, #tpu.memory_space<vmem>>
    %dma_start3A_412 = tpu.memref_squeeze %dma_start3A_411 : memref<1x128x32xf32, #tpu.memory_space<vmem>> -> memref<128x32xf32, #tpu.memory_space<vmem>>
    %dma_start3A_413 = arith.constant 0 : i32
    %dma_start3A_414 = tpu.memref_slice %arg5[%dma_start3A_407, %dma_start3A_413] : memref<4x128xi32, #tpu.memory_space<vmem>> -> memref<1x128xi32, #tpu.memory_space<vmem>>
    %dma_start3A_415 = tpu.memref_squeeze %dma_start3A_414 : memref<1x128xi32, #tpu.memory_space<vmem>> -> memref<128xi32, #tpu.memory_space<vmem>>
    %dma_start3A_416 = arith.constant 0 : i32
    %dma_start3A_417 = arith.constant 0 : i32
    %dma_start3A_418 = tpu.memref_slice %arg3[%dma_start3A_416, %dma_start3A_417] : memref<1000000x32xf32, #tpu.memory_space<hbm>> -> memref<1000000x32xf32, #tpu.memory_space<hbm>>
    tpu.enqueue_indirect_dma source(%dma_start3A_418 : memref<1000000x32xf32, #tpu.memory_space<hbm>>) target(%dma_start3A_412 : memref<128x32xf32, #tpu.memory_space<vmem>>) offsets(%dma_start3A_415 : memref<128xi32, #tpu.memory_space<vmem>>) semaphore(%arg15 : memref<!tpu.dma_semaphore, #tpu.memory_space<semaphore_mem>>)
    %scan3A = arith.constant 0 : i32
    %scan3A_419 = arith.constant 0 : i32
    %scan3A_420 = arith.constant 199 : i32
    %scan3A_421 = arith.addi %scan3A_419, %scan3A_420 : i32
    %scan3A_422 = arith.constant 1 : i32
    scf.for %scan3A_852 = %scan3A_419 to %scan3A_421 step %scan3A_422  : i32 {
      %mul3A_853 = arith.constant 4 : i32
      %mul3A_854 = arith.muli %mul3A_853, %scan3A_852 : i32
      %add3A_855 = arith.constant 2 : i32
      %add3A_856 = arith.addi %mul3A_854, %add3A_855 : i32
      %add3A_857 = arith.constant 0 : i32
      %add3A_858 = arith.addi %add3A_856, %add3A_857 : i32
      %dma_wait3A_859 = arith.constant 2 : i32
      %dma_wait3A_860 = arith.constant 0 : i32
      %dma_wait3A_861 = arith.constant 0 : i32
      %dma_wait3A_862 = tpu.memref_slice %arg6[%dma_wait3A_859, %dma_wait3A_860, %dma_wait3A_861] : memref<4x128x32xf32, #tpu.memory_space<vmem>> -> memref<1x128x32xf32, #tpu.memory_space<vmem>>
      %dma_wait3A_863 = tpu.memref_squeeze %dma_wait3A_862 : memref<1x128x32xf32, #tpu.memory_space<vmem>> -> memref<128x32xf32, #tpu.memory_space<vmem>>
      %dma_wait3A_864 = arith.constant 0 : i32
      %dma_wait3A_865 = arith.constant 0 : i32
      %dma_wait3A_866 = tpu.memref_slice %arg3[%dma_wait3A_864, %dma_wait3A_865] : memref<1000000x32xf32, #tpu.memory_space<hbm>> -> memref<128x32xf32, #tpu.memory_space<hbm>>
      %dma_wait3A_867 = arith.constant 0 : i32
      %dma_wait3A_868 = arith.constant 0 : i32
      %dma_wait3A_869 = tpu.memref_slice %arg6[%dma_wait3A_859, %dma_wait3A_867, %dma_wait3A_868] : memref<4x128x32xf32, #tpu.memory_space<vmem>> -> memref<1x128x32xf32, #tpu.memory_space<vmem>>
      %dma_wait3A_870 = tpu.memref_squeeze %dma_wait3A_869 : memref<1x128x32xf32, #tpu.memory_space<vmem>> -> memref<128x32xf32, #tpu.memory_space<vmem>>
      %dma_wait3A_871 = arith.constant 0 : i32
      %dma_wait3A_872 = arith.constant 0 : i32
      %dma_wait3A_873 = tpu.memref_slice %arg3[%dma_wait3A_871, %dma_wait3A_872] : memref<1000000x32xf32, #tpu.memory_space<hbm>> -> memref<128x32xf32, #tpu.memory_space<hbm>>
      tpu.wait_dma2 semaphore(%arg14 : memref<!tpu.dma_semaphore, #tpu.memory_space<semaphore_mem>>) src(%dma_wait3A_873 : memref<128x32xf32, #tpu.memory_space<hbm>>) dst(%dma_wait3A_870 : memref<128x32xf32, #tpu.memory_space<vmem>>)
      %iota3A_874 = tpu.iota {dimensions = array<i32: 0>} : vector<16xi32>
      %parallel_loop3A_875 = arith.constant 0 : i32
      %parallel_loop3A_876 = arith.constant 256 : i32
      %parallel_loop3A_877 = arith.constant 1 : i32
      %parallel_loop3A_878 = arith.constant 2 : i32
      scf.for %parallel_loop3A_1606 = %parallel_loop3A_875 to %parallel_loop3A_876 step %parallel_loop3A_877  : i32 {
        %parallel_loop3A_1607 = arith.constant 3 : i32
        %parallel_loop3A_1608 = arith.shrui %parallel_loop3A_1606, %parallel_loop3A_1607 : i32
        %parallel_loop3A_1609 = arith.constant 7 : i32
        %parallel_loop3A_1610 = arith.andi %parallel_loop3A_1606, %parallel_loop3A_1609 : i32
        %parallel_loop3A_1611 = arith.constant 16 : i32
        %parallel_loop3A_1612 = arith.muli %parallel_loop3A_1610, %parallel_loop3A_1611 : i32
        %parallel_loop3A_1613 = vector.broadcast %parallel_loop3A_1608 : i32 to vector<16xi32>
        %parallel_loop3A_1614 = arith.addi %parallel_loop3A_1613, %iota3A_874 : vector<16xi32>
        %parallel_loop3A_1615 = arith.constant 31 : i32
        %parallel_loop3A_1616 = vector.broadcast %parallel_loop3A_1615 : i32 to vector<16xi32>
        %parallel_loop3A_1617 = arith.andi %parallel_loop3A_1614, %parallel_loop3A_1616 : vector<16xi32>
        %parallel_loop3A_1618 = vector.broadcast %parallel_loop3A_1612 : i32 to vector<16xi32>
        %parallel_loop3A_1619 = arith.addi %iota3A_874, %parallel_loop3A_1618 : vector<16xi32>
        %parallel_loop3A_1620 = arith.constant 0 : i32
        %parallel_loop3A_1621 = arith.constant 0 : i32
        %parallel_loop3A_1622 = tpu.memref_slice %arg6[%parallel_loop3A_878, %parallel_loop3A_1620, %parallel_loop3A_1621] : memref<4x128x32xf32, #tpu.memory_space<vmem>> -> memref<1x128x32xf32, #tpu.memory_space<vmem>>
        %parallel_loop3A_1623 = tpu.memref_squeeze %parallel_loop3A_1622 : memref<1x128x32xf32, #tpu.memory_space<vmem>> -> memref<128x32xf32, #tpu.memory_space<vmem>>
        %parallel_loop3A_1624 = tpu.vector_load_idx %parallel_loop3A_1623[%parallel_loop3A_1619, %parallel_loop3A_1617] : memref<128x32xf32, #tpu.memory_space<vmem>>[vector<16xi32>, vector<16xi32>], vector<16xf32>,
        %parallel_loop3A_1625 = arith.constant 128 : i32
        %parallel_loop3A_1626 = vector.broadcast %parallel_loop3A_1625 : i32 to vector<16xi32>
        %parallel_loop3A_1627 = arith.muli %parallel_loop3A_1617, %parallel_loop3A_1626 : vector<16xi32>
        %parallel_loop3A_1628 = vector.broadcast %parallel_loop3A_1612 : i32 to vector<16xi32>
        %parallel_loop3A_1629 = arith.addi %parallel_loop3A_1627, %parallel_loop3A_1628 : vector<16xi32>
        %parallel_loop3A_1630 = arith.addi %parallel_loop3A_1629, %iota3A_874 : vector<16xi32>
        %parallel_loop3A_1631 = arith.constant 2 : i32
        %parallel_loop3A_1632 = arith.constant 0 : i32
        %parallel_loop3A_1633 = tpu.memref_slice %arg7[%parallel_loop3A_1631, %parallel_loop3A_1632] : memref<4x4096xf32, #tpu.memory_space<vmem>> -> memref<1x4096xf32, #tpu.memory_space<vmem>>
        %parallel_loop3A_1634 = tpu.memref_squeeze %parallel_loop3A_1633 : memref<1x4096xf32, #tpu.memory_space<vmem>> -> memref<4096xf32, #tpu.memory_space<vmem>>
        tpu.vector_store_idx %parallel_loop3A_1634[%parallel_loop3A_1630], %parallel_loop3A_1624 : memref<4096xf32, #tpu.memory_space<vmem>>[vector<16xi32>], vector<16xf32>,
      } {sc.loop_unroll_factor = 16 : i64, sc.parallel_access}
      %add3A_879 = arith.addi %mul3A_2, %add3A_858 : i32
      %shift_right_logical3A_880 = arith.constant 7 : i32
      %shift_right_logical3A_881 = arith.shrui %add3A_879, %shift_right_logical3A_880 : i32
      %and3A_882 = arith.constant 127 : i32
      %and3A_883 = arith.andi %add3A_879, %and3A_882 : i32
      %shift_right_logical3A_884 = arith.constant 3 : i32
      %shift_right_logical3A_885 = arith.shrui %shift_right_logical3A_881, %shift_right_logical3A_884 : i32
      %and3A_886 = arith.constant 7 : i32
      %and3A_887 = arith.andi %shift_right_logical3A_881, %and3A_886 : i32
      %dma_start3A_888 = arith.constant 2 : i32
      %dma_start3A_889 = arith.constant 0 : i32
      %dma_start3A_890 = arith.constant 0 : i32
      %dma_start3A_891 = tpu.memref_slice %arg7[%dma_start3A_888, %dma_start3A_890] : memref<4x4096xf32, #tpu.memory_space<vmem>> -> memref<1x1024xf32, #tpu.memory_space<vmem>>
      %dma_start3A_892 = tpu.memref_squeeze %dma_start3A_891 : memref<1x1024xf32, #tpu.memory_space<vmem>> -> memref<1024xf32, #tpu.memory_space<vmem>>
      %dma_start3A_893 = arith.constant 0 : i32
      %dma_start3A_894 = tpu.memref_slice %arg4[%shift_right_logical3A_881, %dma_start3A_889, %and3A_883, %dma_start3A_893] : memref<200x4x128x1024xf32, #tpu.memory_space<hbm>> -> memref<1x1x1x1024xf32, #tpu.memory_space<hbm>>
      %dma_start3A_895 = tpu.memref_squeeze %dma_start3A_894 : memref<1x1x1x1024xf32, #tpu.memory_space<hbm>> -> memref<1024xf32, #tpu.memory_space<hbm>>
      %dma_start3A_896 = arith.constant 0 : i32
      %dma_start3A_897 = tpu.memref_slice %arg4[%shift_right_logical3A_881, %dma_start3A_889, %and3A_883, %dma_start3A_896] : memref<200x4x128x1024xf32, #tpu.memory_space<hbm>> -> memref<1x1x1x1024xf32, #tpu.memory_space<hbm>>
      %dma_start3A_898 = tpu.memref_squeeze %dma_start3A_897 : memref<1x1x1x1024xf32, #tpu.memory_space<hbm>> -> memref<1024xf32, #tpu.memory_space<hbm>>
      %dma_start3A_899 = arith.constant 0 : i32
      %dma_start3A_900 = tpu.memref_slice %arg7[%dma_start3A_888, %dma_start3A_899] : memref<4x4096xf32, #tpu.memory_space<vmem>> -> memref<1x1024xf32, #tpu.memory_space<vmem>>
      %dma_start3A_901 = tpu.memref_squeeze %dma_start3A_900 : memref<1x1024xf32, #tpu.memory_space<vmem>> -> memref<1024xf32, #tpu.memory_space<vmem>>
      tpu.enqueue_dma source(%dma_start3A_901 : memref<1024xf32, #tpu.memory_space<vmem>>) target(%dma_start3A_898 : memref<1024xf32, #tpu.memory_space<hbm>>) target_semaphore(%arg18 : memref<!tpu.dma_semaphore, #tpu.memory_space<semaphore_mem>>)
      %dma_start3A_902 = arith.constant 2 : i32
      %dma_start3A_903 = arith.constant 1 : i32
      %dma_start3A_904 = arith.constant 1024 : i32
      %dma_start3A_905 = tpu.memref_slice %arg7[%dma_start3A_902, %dma_start3A_904] : memref<4x4096xf32, #tpu.memory_space<vmem>> -> memref<1x1024xf32, #tpu.memory_space<vmem>>
      %dma_start3A_906 = tpu.memref_squeeze %dma_start3A_905 : memref<1x1024xf32, #tpu.memory_space<vmem>> -> memref<1024xf32, #tpu.memory_space<vmem>>
      %dma_start3A_907 = arith.constant 0 : i32
      %dma_start3A_908 = tpu.memref_slice %arg4[%shift_right_logical3A_881, %dma_start3A_903, %and3A_883, %dma_start3A_907] : memref<200x4x128x1024xf32, #tpu.memory_space<hbm>> -> memref<1x1x1x1024xf32, #tpu.memory_space<hbm>>
      %dma_start3A_909 = tpu.memref_squeeze %dma_start3A_908 : memref<1x1x1x1024xf32, #tpu.memory_space<hbm>> -> memref<1024xf32, #tpu.memory_space<hbm>>
      %dma_start3A_910 = arith.constant 0 : i32
      %dma_start3A_911 = tpu.memref_slice %arg4[%shift_right_logical3A_881, %dma_start3A_903, %and3A_883, %dma_start3A_910] : memref<200x4x128x1024xf32, #tpu.memory_space<hbm>> -> memref<1x1x1x1024xf32, #tpu.memory_space<hbm>>
      %dma_start3A_912 = tpu.memref_squeeze %dma_start3A_911 : memref<1x1x1x1024xf32, #tpu.memory_space<hbm>> -> memref<1024xf32, #tpu.memory_space<hbm>>
      %dma_start3A_913 = arith.constant 1024 : i32
      %dma_start3A_914 = tpu.memref_slice %arg7[%dma_start3A_902, %dma_start3A_913] : memref<4x4096xf32, #tpu.memory_space<vmem>> -> memref<1x1024xf32, #tpu.memory_space<vmem>>
      %dma_start3A_915 = tpu.memref_squeeze %dma_start3A_914 : memref<1x1024xf32, #tpu.memory_space<vmem>> -> memref<1024xf32, #tpu.memory_space<vmem>>
      tpu.enqueue_dma source(%dma_start3A_915 : memref<1024xf32, #tpu.memory_space<vmem>>) target(%dma_start3A_912 : memref<1024xf32, #tpu.memory_space<hbm>>) target_semaphore(%arg18 : memref<!tpu.dma_semaphore, #tpu.memory_space<semaphore_mem>>)
      %dma_start3A_916 = arith.constant 2 : i32
      %dma_start3A_917 = arith.constant 2 : i32
      %dma_start3A_918 = arith.constant 2048 : i32
      %dma_start3A_919 = tpu.memref_slice %arg7[%dma_start3A_916, %dma_start3A_918] : memref<4x4096xf32, #tpu.memory_space<vmem>> -> memref<1x1024xf32, #tpu.memory_space<vmem>>
      %dma_start3A_920 = tpu.memref_squeeze %dma_start3A_919 : memref<1x1024xf32, #tpu.memory_space<vmem>> -> memref<1024xf32, #tpu.memory_space<vmem>>
      %dma_start3A_921 = arith.constant 0 : i32
      %dma_start3A_922 = tpu.memref_slice %arg4[%shift_right_logical3A_881, %dma_start3A_917, %and3A_883, %dma_start3A_921] : memref<200x4x128x1024xf32, #tpu.memory_space<hbm>> -> memref<1x1x1x1024xf32, #tpu.memory_space<hbm>>
      %dma_start3A_923 = tpu.memref_squeeze %dma_start3A_922 : memref<1x1x1x1024xf32, #tpu.memory_space<hbm>> -> memref<1024xf32, #tpu.memory_space<hbm>>
      %dma_start3A_924 = arith.constant 0 : i32
      %dma_start3A_925 = tpu.memref_slice %arg4[%shift_right_logical3A_881, %dma_start3A_917, %and3A_883, %dma_start3A_924] : memref<200x4x128x1024xf32, #tpu.memory_space<hbm>> -> memref<1x1x1x1024xf32, #tpu.memory_space<hbm>>
      %dma_start3A_926 = tpu.memref_squeeze %dma_start3A_925 : memref<1x1x1x1024xf32, #tpu.memory_space<hbm>> -> memref<1024xf32, #tpu.memory_space<hbm>>
      %dma_start3A_927 = arith.constant 2048 : i32
      %dma_start3A_928 = tpu.memref_slice %arg7[%dma_start3A_916, %dma_start3A_927] : memref<4x4096xf32, #tpu.memory_space<vmem>> -> memref<1x1024xf32, #tpu.memory_space<vmem>>
      %dma_start3A_929 = tpu.memref_squeeze %dma_start3A_928 : memref<1x1024xf32, #tpu.memory_space<vmem>> -> memref<1024xf32, #tpu.memory_space<vmem>>
      tpu.enqueue_dma source(%dma_start3A_929 : memref<1024xf32, #tpu.memory_space<vmem>>) target(%dma_start3A_926 : memref<1024xf32, #tpu.memory_space<hbm>>) target_semaphore(%arg18 : memref<!tpu.dma_semaphore, #tpu.memory_space<semaphore_mem>>)
      %dma_start3A_930 = arith.constant 2 : i32
      %dma_start3A_931 = arith.constant 3 : i32
      %dma_start3A_932 = arith.constant 3072 : i32
      %dma_start3A_933 = tpu.memref_slice %arg7[%dma_start3A_930, %dma_start3A_932] : memref<4x4096xf32, #tpu.memory_space<vmem>> -> memref<1x1024xf32, #tpu.memory_space<vmem>>
      %dma_start3A_934 = tpu.memref_squeeze %dma_start3A_933 : memref<1x1024xf32, #tpu.memory_space<vmem>> -> memref<1024xf32, #tpu.memory_space<vmem>>
      %dma_start3A_935 = arith.constant 0 : i32
      %dma_start3A_936 = tpu.memref_slice %arg4[%shift_right_logical3A_881, %dma_start3A_931, %and3A_883, %dma_start3A_935] : memref<200x4x128x1024xf32, #tpu.memory_space<hbm>> -> memref<1x1x1x1024xf32, #tpu.memory_space<hbm>>
      %dma_start3A_937 = tpu.memref_squeeze %dma_start3A_936 : memref<1x1x1x1024xf32, #tpu.memory_space<hbm>> -> memref<1024xf32, #tpu.memory_space<hbm>>
      %dma_start3A_938 = arith.constant 0 : i32
      %dma_start3A_939 = tpu.memref_slice %arg4[%shift_right_logical3A_881, %dma_start3A_931, %and3A_883, %dma_start3A_938] : memref<200x4x128x1024xf32, #tpu.memory_space<hbm>> -> memref<1x1x1x1024xf32, #tpu.memory_space<hbm>>
      %dma_start3A_940 = tpu.memref_squeeze %dma_start3A_939 : memref<1x1x1x1024xf32, #tpu.memory_space<hbm>> -> memref<1024xf32, #tpu.memory_space<hbm>>
      %dma_start3A_941 = arith.constant 3072 : i32
      %dma_start3A_942 = tpu.memref_slice %arg7[%dma_start3A_930, %dma_start3A_941] : memref<4x4096xf32, #tpu.memory_space<vmem>> -> memref<1x1024xf32, #tpu.memory_space<vmem>>
      %dma_start3A_943 = tpu.memref_squeeze %dma_start3A_942 : memref<1x1024xf32, #tpu.memory_space<vmem>> -> memref<1024xf32, #tpu.memory_space<vmem>>
      tpu.enqueue_dma source(%dma_start3A_943 : memref<1024xf32, #tpu.memory_space<vmem>>) target(%dma_start3A_940 : memref<1024xf32, #tpu.memory_space<hbm>>) target_semaphore(%arg18 : memref<!tpu.dma_semaphore, #tpu.memory_space<semaphore_mem>>)
      %add3A_944 = arith.constant 4 : i32
      %add3A_945 = arith.addi %add3A_858, %add3A_944 : i32
      %lt3A = arith.constant 800 : i32
      %lt3A_946 = arith.cmpi slt, %add3A_945, %lt3A : i32
      %convert_element_type3A = arith.extui %lt3A_946 : i1 to i32
      %cond3A = arith.constant 0 : i32
      %cond3A_947 = arith.cmpi ne, %convert_element_type3A, %cond3A : i32
      scf.if %cond3A_947 {
        %add3A_1606 = arith.constant 4 : i32
        %add3A_1607 = arith.addi %add3A_858, %add3A_1606 : i32
        %add3A_1608 = arith.addi %mul3A_2, %add3A_1607 : i32
        %shift_right_logical3A_1609 = arith.constant 7 : i32
        %shift_right_logical3A_1610 = arith.shrui %add3A_1608, %shift_right_logical3A_1609 : i32
        %and3A_1611 = arith.constant 127 : i32
        %and3A_1612 = arith.andi %add3A_1608, %and3A_1611 : i32
        %shift_right_logical3A_1613 = arith.constant 3 : i32
        %shift_right_logical3A_1614 = arith.shrui %shift_right_logical3A_1610, %shift_right_logical3A_1613 : i32
        %and3A_1615 = arith.constant 7 : i32
        %and3A_1616 = arith.andi %shift_right_logical3A_1610, %and3A_1615 : i32
        %dma_start3A_1617 = arith.constant 2 : i32
        %dma_start3A_1618 = arith.constant 0 : i32
        %dma_start3A_1619 = tpu.memref_slice %arg5[%dma_start3A_1617, %dma_start3A_1618] : memref<4x128xi32, #tpu.memory_space<vmem>> -> memref<1x128xi32, #tpu.memory_space<vmem>>
        %dma_start3A_1620 = tpu.memref_squeeze %dma_start3A_1619 : memref<1x128xi32, #tpu.memory_space<vmem>> -> memref<128xi32, #tpu.memory_space<vmem>>
        %dma_start3A_1621 = arith.constant 0 : i32
        %dma_start3A_1622 = tpu.memref_slice %arg2[%shift_right_logical3A_1614, %and3A_1612, %and3A_1616, %dma_start3A_1621] : memref<25x128x8x128xi32, #tpu.memory_space<hbm>> -> memref<1x1x1x128xi32, #tpu.memory_space<hbm>>
        %dma_start3A_1623 = tpu.memref_squeeze %dma_start3A_1622 : memref<1x1x1x128xi32, #tpu.memory_space<hbm>> -> memref<128xi32, #tpu.memory_space<hbm>>
        %dma_start3A_1624 = arith.constant 0 : i32
        %dma_start3A_1625 = tpu.memref_slice %arg5[%dma_start3A_1617, %dma_start3A_1624] : memref<4x128xi32, #tpu.memory_space<vmem>> -> memref<1x128xi32, #tpu.memory_space<vmem>>
        %dma_start3A_1626 = tpu.memref_squeeze %dma_start3A_1625 : memref<1x128xi32, #tpu.memory_space<vmem>> -> memref<128xi32, #tpu.memory_space<vmem>>
        %dma_start3A_1627 = arith.constant 0 : i32
        %dma_start3A_1628 = tpu.memref_slice %arg2[%shift_right_logical3A_1614, %and3A_1612, %and3A_1616, %dma_start3A_1627] : memref<25x128x8x128xi32, #tpu.memory_space<hbm>> -> memref<1x1x1x128xi32, #tpu.memory_space<hbm>>
        %dma_start3A_1629 = tpu.memref_squeeze %dma_start3A_1628 : memref<1x1x1x128xi32, #tpu.memory_space<hbm>> -> memref<128xi32, #tpu.memory_space<hbm>>
        tpu.enqueue_dma source(%dma_start3A_1629 : memref<128xi32, #tpu.memory_space<hbm>>) target(%dma_start3A_1626 : memref<128xi32, #tpu.memory_space<vmem>>) target_semaphore(%arg10 : memref<!tpu.dma_semaphore, #tpu.memory_space<semaphore_mem>>)
      } else {
      }
      %dma_wait3A_948 = arith.constant 0 : i32
      %dma_wait3A_949 = arith.constant 0 : i32
      %dma_wait3A_950 = arith.constant 0 : i32
      %dma_wait3A_951 = arith.constant 0 : i32
      %dma_wait3A_952 = arith.constant 0 : i32
      %dma_wait3A_953 = tpu.memref_slice %arg7[%dma_wait3A_948, %dma_wait3A_952] : memref<4x4096xf32, #tpu.memory_space<vmem>> -> memref<1x1024xf32, #tpu.memory_space<vmem>>
      %dma_wait3A_954 = tpu.memref_squeeze %dma_wait3A_953 : memref<1x1024xf32, #tpu.memory_space<vmem>> -> memref<1024xf32, #tpu.memory_space<vmem>>
      %dma_wait3A_955 = arith.constant 0 : i32
      %dma_wait3A_956 = tpu.memref_slice %arg4[%dma_wait3A_949, %dma_wait3A_950, %dma_wait3A_951, %dma_wait3A_955] : memref<200x4x128x1024xf32, #tpu.memory_space<hbm>> -> memref<1x1x1x1024xf32, #tpu.memory_space<hbm>>
      %dma_wait3A_957 = tpu.memref_squeeze %dma_wait3A_956 : memref<1x1x1x1024xf32, #tpu.memory_space<hbm>> -> memref<1024xf32, #tpu.memory_space<hbm>>
      %dma_wait3A_958 = arith.constant 0 : i32
      %dma_wait3A_959 = tpu.memref_slice %arg4[%dma_wait3A_949, %dma_wait3A_950, %dma_wait3A_951, %dma_wait3A_958] : memref<200x4x128x1024xf32, #tpu.memory_space<hbm>> -> memref<1x1x1x1024xf32, #tpu.memory_space<hbm>>
      %dma_wait3A_960 = tpu.memref_squeeze %dma_wait3A_959 : memref<1x1x1x1024xf32, #tpu.memory_space<hbm>> -> memref<1024xf32, #tpu.memory_space<hbm>>
      %dma_wait3A_961 = arith.constant 0 : i32
      %dma_wait3A_962 = tpu.memref_slice %arg7[%dma_wait3A_948, %dma_wait3A_961] : memref<4x4096xf32, #tpu.memory_space<vmem>> -> memref<1x1024xf32, #tpu.memory_space<vmem>>
      %dma_wait3A_963 = tpu.memref_squeeze %dma_wait3A_962 : memref<1x1024xf32, #tpu.memory_space<vmem>> -> memref<1024xf32, #tpu.memory_space<vmem>>
      tpu.wait_dma2 semaphore(%arg16 : memref<!tpu.dma_semaphore, #tpu.memory_space<semaphore_mem>>) src(%dma_wait3A_963 : memref<1024xf32, #tpu.memory_space<vmem>>) dst(%dma_wait3A_960 : memref<1024xf32, #tpu.memory_space<hbm>>)
      %dma_wait3A_964 = arith.constant 0 : i32
      %dma_wait3A_965 = arith.constant 0 : i32
      %dma_wait3A_966 = arith.constant 1 : i32
      %dma_wait3A_967 = arith.constant 0 : i32
      %dma_wait3A_968 = arith.constant 1024 : i32
      %dma_wait3A_969 = tpu.memref_slice %arg7[%dma_wait3A_964, %dma_wait3A_968] : memref<4x4096xf32, #tpu.memory_space<vmem>> -> memref<1x1024xf32, #tpu.memory_space<vmem>>
      %dma_wait3A_970 = tpu.memref_squeeze %dma_wait3A_969 : memref<1x1024xf32, #tpu.memory_space<vmem>> -> memref<1024xf32, #tpu.memory_space<vmem>>
      %dma_wait3A_971 = arith.constant 0 : i32
      %dma_wait3A_972 = tpu.memref_slice %arg4[%dma_wait3A_965, %dma_wait3A_966, %dma_wait3A_967, %dma_wait3A_971] : memref<200x4x128x1024xf32, #tpu.memory_space<hbm>> -> memref<1x1x1x1024xf32, #tpu.memory_space<hbm>>
      %dma_wait3A_973 = tpu.memref_squeeze %dma_wait3A_972 : memref<1x1x1x1024xf32, #tpu.memory_space<hbm>> -> memref<1024xf32, #tpu.memory_space<hbm>>
      %dma_wait3A_974 = arith.constant 0 : i32
      %dma_wait3A_975 = tpu.memref_slice %arg4[%dma_wait3A_965, %dma_wait3A_966, %dma_wait3A_967, %dma_wait3A_974] : memref<200x4x128x1024xf32, #tpu.memory_space<hbm>> -> memref<1x1x1x1024xf32, #tpu.memory_space<hbm>>
      %dma_wait3A_976 = tpu.memref_squeeze %dma_wait3A_975 : memref<1x1x1x1024xf32, #tpu.memory_space<hbm>> -> memref<1024xf32, #tpu.memory_space<hbm>>
      %dma_wait3A_977 = arith.constant 1024 : i32
      %dma_wait3A_978 = tpu.memref_slice %arg7[%dma_wait3A_964, %dma_wait3A_977] : memref<4x4096xf32, #tpu.memory_space<vmem>> -> memref<1x1024xf32, #tpu.memory_space<vmem>>
      %dma_wait3A_979 = tpu.memref_squeeze %dma_wait3A_978 : memref<1x1024xf32, #tpu.memory_space<vmem>> -> memref<1024xf32, #tpu.memory_space<vmem>>
      tpu.wait_dma2 semaphore(%arg16 : memref<!tpu.dma_semaphore, #tpu.memory_space<semaphore_mem>>) src(%dma_wait3A_979 : memref<1024xf32, #tpu.memory_space<vmem>>) dst(%dma_wait3A_976 : memref<1024xf32, #tpu.memory_space<hbm>>)
      %dma_wait3A_980 = arith.constant 0 : i32
      %dma_wait3A_981 = arith.constant 0 : i32
      %dma_wait3A_982 = arith.constant 2 : i32
      %dma_wait3A_983 = arith.constant 0 : i32
      %dma_wait3A_984 = arith.constant 2048 : i32
      %dma_wait3A_985 = tpu.memref_slice %arg7[%dma_wait3A_980, %dma_wait3A_984] : memref<4x4096xf32, #tpu.memory_space<vmem>> -> memref<1x1024xf32, #tpu.memory_space<vmem>>
      %dma_wait3A_986 = tpu.memref_squeeze %dma_wait3A_985 : memref<1x1024xf32, #tpu.memory_space<vmem>> -> memref<1024xf32, #tpu.memory_space<vmem>>
      %dma_wait3A_987 = arith.constant 0 : i32
      %dma_wait3A_988 = tpu.memref_slice %arg4[%dma_wait3A_981, %dma_wait3A_982, %dma_wait3A_983, %dma_wait3A_987] : memref<200x4x128x1024xf32, #tpu.memory_space<hbm>> -> memref<1x1x1x1024xf32, #tpu.memory_space<hbm>>
      %dma_wait3A_989 = tpu.memref_squeeze %dma_wait3A_988 : memref<1x1x1x1024xf32, #tpu.memory_space<hbm>> -> memref<1024xf32, #tpu.memory_space<hbm>>
      %dma_wait3A_990 = arith.constant 0 : i32
      %dma_wait3A_991 = tpu.memref_slice %arg4[%dma_wait3A_981, %dma_wait3A_982, %dma_wait3A_983, %dma_wait3A_990] : memref<200x4x128x1024xf32, #tpu.memory_space<hbm>> -> memref<1x1x1x1024xf32, #tpu.memory_space<hbm>>
      %dma_wait3A_992 = tpu.memref_squeeze %dma_wait3A_991 : memref<1x1x1x1024xf32, #tpu.memory_space<hbm>> -> memref<1024xf32, #tpu.memory_space<hbm>>
      %dma_wait3A_993 = arith.constant 2048 : i32
      %dma_wait3A_994 = tpu.memref_slice %arg7[%dma_wait3A_980, %dma_wait3A_993] : memref<4x4096xf32, #tpu.memory_space<vmem>> -> memref<1x1024xf32, #tpu.memory_space<vmem>>
      %dma_wait3A_995 = tpu.memref_squeeze %dma_wait3A_994 : memref<1x1024xf32, #tpu.memory_space<vmem>> -> memref<1024xf32, #tpu.memory_space<vmem>>
      tpu.wait_dma2 semaphore(%arg16 : memref<!tpu.dma_semaphore, #tpu.memory_space<semaphore_mem>>) src(%dma_wait3A_995 : memref<1024xf32, #tpu.memory_space<vmem>>) dst(%dma_wait3A_992 : memref<1024xf32, #tpu.memory_space<hbm>>)
      %dma_wait3A_996 = arith.constant 0 : i32
      %dma_wait3A_997 = arith.constant 0 : i32
      %dma_wait3A_998 = arith.constant 3 : i32
      %dma_wait3A_999 = arith.constant 0 : i32
      %dma_wait3A_1000 = arith.constant 3072 : i32
      %dma_wait3A_1001 = tpu.memref_slice %arg7[%dma_wait3A_996, %dma_wait3A_1000] : memref<4x4096xf32, #tpu.memory_space<vmem>> -> memref<1x1024xf32, #tpu.memory_space<vmem>>
      %dma_wait3A_1002 = tpu.memref_squeeze %dma_wait3A_1001 : memref<1x1024xf32, #tpu.memory_space<vmem>> -> memref<1024xf32, #tpu.memory_space<vmem>>
      %dma_wait3A_1003 = arith.constant 0 : i32
      %dma_wait3A_1004 = tpu.memref_slice %arg4[%dma_wait3A_997, %dma_wait3A_998, %dma_wait3A_999, %dma_wait3A_1003] : memref<200x4x128x1024xf32, #tpu.memory_space<hbm>> -> memref<1x1x1x1024xf32, #tpu.memory_space<hbm>>
      %dma_wait3A_1005 = tpu.memref_squeeze %dma_wait3A_1004 : memref<1x1x1x1024xf32, #tpu.memory_space<hbm>> -> memref<1024xf32, #tpu.memory_space<hbm>>
      %dma_wait3A_1006 = arith.constant 0 : i32
      %dma_wait3A_1007 = tpu.memref_slice %arg4[%dma_wait3A_997, %dma_wait3A_998, %dma_wait3A_999, %dma_wait3A_1006] : memref<200x4x128x1024xf32, #tpu.memory_space<hbm>> -> memref<1x1x1x1024xf32, #tpu.memory_space<hbm>>
      %dma_wait3A_1008 = tpu.memref_squeeze %dma_wait3A_1007 : memref<1x1x1x1024xf32, #tpu.memory_space<hbm>> -> memref<1024xf32, #tpu.memory_space<hbm>>
      %dma_wait3A_1009 = arith.constant 3072 : i32
      %dma_wait3A_1010 = tpu.memref_slice %arg7[%dma_wait3A_996, %dma_wait3A_1009] : memref<4x4096xf32, #tpu.memory_space<vmem>> -> memref<1x1024xf32, #tpu.memory_space<vmem>>
      %dma_wait3A_1011 = tpu.memref_squeeze %dma_wait3A_1010 : memref<1x1024xf32, #tpu.memory_space<vmem>> -> memref<1024xf32, #tpu.memory_space<vmem>>
      tpu.wait_dma2 semaphore(%arg16 : memref<!tpu.dma_semaphore, #tpu.memory_space<semaphore_mem>>) src(%dma_wait3A_1011 : memref<1024xf32, #tpu.memory_space<vmem>>) dst(%dma_wait3A_1008 : memref<1024xf32, #tpu.memory_space<hbm>>)
      %dma_wait3A_1012 = arith.constant 0 : i32
      %dma_wait3A_1013 = arith.constant 0 : i32
      %dma_wait3A_1014 = arith.constant 0 : i32
      %dma_wait3A_1015 = arith.constant 0 : i32
      %dma_wait3A_1016 = arith.constant 0 : i32
      %dma_wait3A_1017 = tpu.memref_slice %arg5[%dma_wait3A_1015, %dma_wait3A_1016] : memref<4x128xi32, #tpu.memory_space<vmem>> -> memref<1x128xi32, #tpu.memory_space<vmem>>
      %dma_wait3A_1018 = tpu.memref_squeeze %dma_wait3A_1017 : memref<1x128xi32, #tpu.memory_space<vmem>> -> memref<128xi32, #tpu.memory_space<vmem>>
      %dma_wait3A_1019 = arith.constant 0 : i32
      %dma_wait3A_1020 = tpu.memref_slice %arg2[%dma_wait3A_1012, %dma_wait3A_1013, %dma_wait3A_1014, %dma_wait3A_1019] : memref<25x128x8x128xi32, #tpu.memory_space<hbm>> -> memref<1x1x1x128xi32, #tpu.memory_space<hbm>>
      %dma_wait3A_1021 = tpu.memref_squeeze %dma_wait3A_1020 : memref<1x1x1x128xi32, #tpu.memory_space<hbm>> -> memref<128xi32, #tpu.memory_space<hbm>>
      %dma_wait3A_1022 = arith.constant 0 : i32
      %dma_wait3A_1023 = tpu.memref_slice %arg5[%dma_wait3A_1015, %dma_wait3A_1022] : memref<4x128xi32, #tpu.memory_space<vmem>> -> memref<1x128xi32, #tpu.memory_space<vmem>>
      %dma_wait3A_1024 = tpu.memref_squeeze %dma_wait3A_1023 : memref<1x128xi32, #tpu.memory_space<vmem>> -> memref<128xi32, #tpu.memory_space<vmem>>
      %dma_wait3A_1025 = arith.constant 0 : i32
      %dma_wait3A_1026 = tpu.memref_slice %arg2[%dma_wait3A_1012, %dma_wait3A_1013, %dma_wait3A_1014, %dma_wait3A_1025] : memref<25x128x8x128xi32, #tpu.memory_space<hbm>> -> memref<1x1x1x128xi32, #tpu.memory_space<hbm>>
      %dma_wait3A_1027 = tpu.memref_squeeze %dma_wait3A_1026 : memref<1x1x1x128xi32, #tpu.memory_space<hbm>> -> memref<128xi32, #tpu.memory_space<hbm>>
      tpu.wait_dma2 semaphore(%arg8 : memref<!tpu.dma_semaphore, #tpu.memory_space<semaphore_mem>>) src(%dma_wait3A_1027 : memref<128xi32, #tpu.memory_space<hbm>>) dst(%dma_wait3A_1024 : memref<128xi32, #tpu.memory_space<vmem>>)
      %add3A_1028 = arith.constant 2 : i32
      %add3A_1029 = arith.addi %add3A_858, %add3A_1028 : i32
      %dma_start3A_1030 = arith.constant 0 : i32
      %dma_start3A_1031 = arith.constant 0 : i32
      %dma_start3A_1032 = arith.constant 0 : i32
      %dma_start3A_1033 = arith.constant 0 : i32
      %dma_start3A_1034 = tpu.memref_slice %arg6[%dma_start3A_1031, %dma_start3A_1032, %dma_start3A_1033] : memref<4x128x32xf32, #tpu.memory_space<vmem>> -> memref<1x128x32xf32, #tpu.memory_space<vmem>>
      %dma_start3A_1035 = tpu.memref_squeeze %dma_start3A_1034 : memref<1x128x32xf32, #tpu.memory_space<vmem>> -> memref<128x32xf32, #tpu.memory_space<vmem>>
      %dma_start3A_1036 = arith.constant 0 : i32
      %dma_start3A_1037 = tpu.memref_slice %arg5[%dma_start3A_1030, %dma_start3A_1036] : memref<4x128xi32, #tpu.memory_space<vmem>> -> memref<1x128xi32, #tpu.memory_space<vmem>>
      %dma_start3A_1038 = tpu.memref_squeeze %dma_start3A_1037 : memref<1x128xi32, #tpu.memory_space<vmem>> -> memref<128xi32, #tpu.memory_space<vmem>>
      %dma_start3A_1039 = arith.constant 0 : i32
      %dma_start3A_1040 = arith.constant 0 : i32
      %dma_start3A_1041 = tpu.memref_slice %arg3[%dma_start3A_1039, %dma_start3A_1040] : memref<1000000x32xf32, #tpu.memory_space<hbm>> -> memref<1000000x32xf32, #tpu.memory_space<hbm>>
      tpu.enqueue_indirect_dma source(%dma_start3A_1041 : memref<1000000x32xf32, #tpu.memory_space<hbm>>) target(%dma_start3A_1035 : memref<128x32xf32, #tpu.memory_space<vmem>>) offsets(%dma_start3A_1038 : memref<128xi32, #tpu.memory_space<vmem>>) semaphore(%arg12 : memref<!tpu.dma_semaphore, #tpu.memory_space<semaphore_mem>>)
      %add3A_1042 = arith.constant 1 : i32
      %add3A_1043 = arith.addi %add3A_856, %add3A_1042 : i32
      %dma_wait3A_1044 = arith.constant 3 : i32
      %dma_wait3A_1045 = arith.constant 0 : i32
      %dma_wait3A_1046 = arith.constant 0 : i32
      %dma_wait3A_1047 = tpu.memref_slice %arg6[%dma_wait3A_1044, %dma_wait3A_1045, %dma_wait3A_1046] : memref<4x128x32xf32, #tpu.memory_space<vmem>> -> memref<1x128x32xf32, #tpu.memory_space<vmem>>
      %dma_wait3A_1048 = tpu.memref_squeeze %dma_wait3A_1047 : memref<1x128x32xf32, #tpu.memory_space<vmem>> -> memref<128x32xf32, #tpu.memory_space<vmem>>
      %dma_wait3A_1049 = arith.constant 0 : i32
      %dma_wait3A_1050 = arith.constant 0 : i32
      %dma_wait3A_1051 = tpu.memref_slice %arg3[%dma_wait3A_1049, %dma_wait3A_1050] : memref<1000000x32xf32, #tpu.memory_space<hbm>> -> memref<128x32xf32, #tpu.memory_space<hbm>>
      %dma_wait3A_1052 = arith.constant 0 : i32
      %dma_wait3A_1053 = arith.constant 0 : i32
      %dma_wait3A_1054 = tpu.memref_slice %arg6[%dma_wait3A_1044, %dma_wait3A_1052, %dma_wait3A_1053] : memref<4x128x32xf32, #tpu.memory_space<vmem>> -> memref<1x128x32xf32, #tpu.memory_space<vmem>>
      %dma_wait3A_1055 = tpu.memref_squeeze %dma_wait3A_1054 : memref<1x128x32xf32, #tpu.memory_space<vmem>> -> memref<128x32xf32, #tpu.memory_space<vmem>>
      %dma_wait3A_1056 = arith.constant 0 : i32
      %dma_wait3A_1057 = arith.constant 0 : i32
      %dma_wait3A_1058 = tpu.memref_slice %arg3[%dma_wait3A_1056, %dma_wait3A_1057] : memref<1000000x32xf32, #tpu.memory_space<hbm>> -> memref<128x32xf32, #tpu.memory_space<hbm>>
      tpu.wait_dma2 semaphore(%arg15 : memref<!tpu.dma_semaphore, #tpu.memory_space<semaphore_mem>>) src(%dma_wait3A_1058 : memref<128x32xf32, #tpu.memory_space<hbm>>) dst(%dma_wait3A_1055 : memref<128x32xf32, #tpu.memory_space<vmem>>)
      %iota3A_1059 = tpu.iota {dimensions = array<i32: 0>} : vector<16xi32>
      %parallel_loop3A_1060 = arith.constant 0 : i32
      %parallel_loop3A_1061 = arith.constant 256 : i32
      %parallel_loop3A_1062 = arith.constant 1 : i32
      %parallel_loop3A_1063 = arith.constant 3 : i32
      scf.for %parallel_loop3A_1606 = %parallel_loop3A_1060 to %parallel_loop3A_1061 step %parallel_loop3A_1062  : i32 {
        %parallel_loop3A_1607 = arith.constant 3 : i32
        %parallel_loop3A_1608 = arith.shrui %parallel_loop3A_1606, %parallel_loop3A_1607 : i32
        %parallel_loop3A_1609 = arith.constant 7 : i32
        %parallel_loop3A_1610 = arith.andi %parallel_loop3A_1606, %parallel_loop3A_1609 : i32
        %parallel_loop3A_1611 = arith.constant 16 : i32
        %parallel_loop3A_1612 = arith.muli %parallel_loop3A_1610, %parallel_loop3A_1611 : i32
        %parallel_loop3A_1613 = vector.broadcast %parallel_loop3A_1608 : i32 to vector<16xi32>
        %parallel_loop3A_1614 = arith.addi %parallel_loop3A_1613, %iota3A_1059 : vector<16xi32>
        %parallel_loop3A_1615 = arith.constant 31 : i32
        %parallel_loop3A_1616 = vector.broadcast %parallel_loop3A_1615 : i32 to vector<16xi32>
        %parallel_loop3A_1617 = arith.andi %parallel_loop3A_1614, %parallel_loop3A_1616 : vector<16xi32>
        %parallel_loop3A_1618 = vector.broadcast %parallel_loop3A_1612 : i32 to vector<16xi32>
        %parallel_loop3A_1619 = arith.addi %iota3A_1059, %parallel_loop3A_1618 : vector<16xi32>
        %parallel_loop3A_1620 = arith.constant 0 : i32
        %parallel_loop3A_1621 = arith.constant 0 : i32
        %parallel_loop3A_1622 = tpu.memref_slice %arg6[%parallel_loop3A_1063, %parallel_loop3A_1620, %parallel_loop3A_1621] : memref<4x128x32xf32, #tpu.memory_space<vmem>> -> memref<1x128x32xf32, #tpu.memory_space<vmem>>
        %parallel_loop3A_1623 = tpu.memref_squeeze %parallel_loop3A_1622 : memref<1x128x32xf32, #tpu.memory_space<vmem>> -> memref<128x32xf32, #tpu.memory_space<vmem>>
        %parallel_loop3A_1624 = tpu.vector_load_idx %parallel_loop3A_1623[%parallel_loop3A_1619, %parallel_loop3A_1617] : memref<128x32xf32, #tpu.memory_space<vmem>>[vector<16xi32>, vector<16xi32>], vector<16xf32>,
        %parallel_loop3A_1625 = arith.constant 128 : i32
        %parallel_loop3A_1626 = vector.broadcast %parallel_loop3A_1625 : i32 to vector<16xi32>
        %parallel_loop3A_1627 = arith.muli %parallel_loop3A_1617, %parallel_loop3A_1626 : vector<16xi32>
        %parallel_loop3A_1628 = vector.broadcast %parallel_loop3A_1612 : i32 to vector<16xi32>
        %parallel_loop3A_1629 = arith.addi %parallel_loop3A_1627, %parallel_loop3A_1628 : vector<16xi32>
        %parallel_loop3A_1630 = arith.addi %parallel_loop3A_1629, %iota3A_1059 : vector<16xi32>
        %parallel_loop3A_1631 = arith.constant 3 : i32
        %parallel_loop3A_1632 = arith.constant 0 : i32
        %parallel_loop3A_1633 = tpu.memref_slice %arg7[%parallel_loop3A_1631, %parallel_loop3A_1632] : memref<4x4096xf32, #tpu.memory_space<vmem>> -> memref<1x4096xf32, #tpu.memory_space<vmem>>
        %parallel_loop3A_1634 = tpu.memref_squeeze %parallel_loop3A_1633 : memref<1x4096xf32, #tpu.memory_space<vmem>> -> memref<4096xf32, #tpu.memory_space<vmem>>
        tpu.vector_store_idx %parallel_loop3A_1634[%parallel_loop3A_1630], %parallel_loop3A_1624 : memref<4096xf32, #tpu.memory_space<vmem>>[vector<16xi32>], vector<16xf32>,
      } {sc.loop_unroll_factor = 16 : i64, sc.parallel_access}
      %add3A_1064 = arith.addi %mul3A_2, %add3A_1043 : i32
      %shift_right_logical3A_1065 = arith.constant 7 : i32
      %shift_right_logical3A_1066 = arith.shrui %add3A_1064, %shift_right_logical3A_1065 : i32
      %and3A_1067 = arith.constant 127 : i32
      %and3A_1068 = arith.andi %add3A_1064, %and3A_1067 : i32
      %shift_right_logical3A_1069 = arith.constant 3 : i32
      %shift_right_logical3A_1070 = arith.shrui %shift_right_logical3A_1066, %shift_right_logical3A_1069 : i32
      %and3A_1071 = arith.constant 7 : i32
      %and3A_1072 = arith.andi %shift_right_logical3A_1066, %and3A_1071 : i32
      %dma_start3A_1073 = arith.constant 3 : i32
      %dma_start3A_1074 = arith.constant 0 : i32
      %dma_start3A_1075 = arith.constant 0 : i32
      %dma_start3A_1076 = tpu.memref_slice %arg7[%dma_start3A_1073, %dma_start3A_1075] : memref<4x4096xf32, #tpu.memory_space<vmem>> -> memref<1x1024xf32, #tpu.memory_space<vmem>>
      %dma_start3A_1077 = tpu.memref_squeeze %dma_start3A_1076 : memref<1x1024xf32, #tpu.memory_space<vmem>> -> memref<1024xf32, #tpu.memory_space<vmem>>
      %dma_start3A_1078 = arith.constant 0 : i32
      %dma_start3A_1079 = tpu.memref_slice %arg4[%shift_right_logical3A_1066, %dma_start3A_1074, %and3A_1068, %dma_start3A_1078] : memref<200x4x128x1024xf32, #tpu.memory_space<hbm>> -> memref<1x1x1x1024xf32, #tpu.memory_space<hbm>>
      %dma_start3A_1080 = tpu.memref_squeeze %dma_start3A_1079 : memref<1x1x1x1024xf32, #tpu.memory_space<hbm>> -> memref<1024xf32, #tpu.memory_space<hbm>>
      %dma_start3A_1081 = arith.constant 0 : i32
      %dma_start3A_1082 = tpu.memref_slice %arg4[%shift_right_logical3A_1066, %dma_start3A_1074, %and3A_1068, %dma_start3A_1081] : memref<200x4x128x1024xf32, #tpu.memory_space<hbm>> -> memref<1x1x1x1024xf32, #tpu.memory_space<hbm>>
      %dma_start3A_1083 = tpu.memref_squeeze %dma_start3A_1082 : memref<1x1x1x1024xf32, #tpu.memory_space<hbm>> -> memref<1024xf32, #tpu.memory_space<hbm>>
      %dma_start3A_1084 = arith.constant 0 : i32
      %dma_start3A_1085 = tpu.memref_slice %arg7[%dma_start3A_1073, %dma_start3A_1084] : memref<4x4096xf32, #tpu.memory_space<vmem>> -> memref<1x1024xf32, #tpu.memory_space<vmem>>
      %dma_start3A_1086 = tpu.memref_squeeze %dma_start3A_1085 : memref<1x1024xf32, #tpu.memory_space<vmem>> -> memref<1024xf32, #tpu.memory_space<vmem>>
      tpu.enqueue_dma source(%dma_start3A_1086 : memref<1024xf32, #tpu.memory_space<vmem>>) target(%dma_start3A_1083 : memref<1024xf32, #tpu.memory_space<hbm>>) target_semaphore(%arg19 : memref<!tpu.dma_semaphore, #tpu.memory_space<semaphore_mem>>)
      %dma_start3A_1087 = arith.constant 3 : i32
      %dma_start3A_1088 = arith.constant 1 : i32
      %dma_start3A_1089 = arith.constant 1024 : i32
      %dma_start3A_1090 = tpu.memref_slice %arg7[%dma_start3A_1087, %dma_start3A_1089] : memref<4x4096xf32, #tpu.memory_space<vmem>> -> memref<1x1024xf32, #tpu.memory_space<vmem>>
      %dma_start3A_1091 = tpu.memref_squeeze %dma_start3A_1090 : memref<1x1024xf32, #tpu.memory_space<vmem>> -> memref<1024xf32, #tpu.memory_space<vmem>>
      %dma_start3A_1092 = arith.constant 0 : i32
      %dma_start3A_1093 = tpu.memref_slice %arg4[%shift_right_logical3A_1066, %dma_start3A_1088, %and3A_1068, %dma_start3A_1092] : memref<200x4x128x1024xf32, #tpu.memory_space<hbm>> -> memref<1x1x1x1024xf32, #tpu.memory_space<hbm>>
      %dma_start3A_1094 = tpu.memref_squeeze %dma_start3A_1093 : memref<1x1x1x1024xf32, #tpu.memory_space<hbm>> -> memref<1024xf32, #tpu.memory_space<hbm>>
      %dma_start3A_1095 = arith.constant 0 : i32
      %dma_start3A_1096 = tpu.memref_slice %arg4[%shift_right_logical3A_1066, %dma_start3A_1088, %and3A_1068, %dma_start3A_1095] : memref<200x4x128x1024xf32, #tpu.memory_space<hbm>> -> memref<1x1x1x1024xf32, #tpu.memory_space<hbm>>
      %dma_start3A_1097 = tpu.memref_squeeze %dma_start3A_1096 : memref<1x1x1x1024xf32, #tpu.memory_space<hbm>> -> memref<1024xf32, #tpu.memory_space<hbm>>
      %dma_start3A_1098 = arith.constant 1024 : i32
      %dma_start3A_1099 = tpu.memref_slice %arg7[%dma_start3A_1087, %dma_start3A_1098] : memref<4x4096xf32, #tpu.memory_space<vmem>> -> memref<1x1024xf32, #tpu.memory_space<vmem>>
      %dma_start3A_1100 = tpu.memref_squeeze %dma_start3A_1099 : memref<1x1024xf32, #tpu.memory_space<vmem>> -> memref<1024xf32, #tpu.memory_space<vmem>>
      tpu.enqueue_dma source(%dma_start3A_1100 : memref<1024xf32, #tpu.memory_space<vmem>>) target(%dma_start3A_1097 : memref<1024xf32, #tpu.memory_space<hbm>>) target_semaphore(%arg19 : memref<!tpu.dma_semaphore, #tpu.memory_space<semaphore_mem>>)
      %dma_start3A_1101 = arith.constant 3 : i32
      %dma_start3A_1102 = arith.constant 2 : i32
      %dma_start3A_1103 = arith.constant 2048 : i32
      %dma_start3A_1104 = tpu.memref_slice %arg7[%dma_start3A_1101, %dma_start3A_1103] : memref<4x4096xf32, #tpu.memory_space<vmem>> -> memref<1x1024xf32, #tpu.memory_space<vmem>>
      %dma_start3A_1105 = tpu.memref_squeeze %dma_start3A_1104 : memref<1x1024xf32, #tpu.memory_space<vmem>> -> memref<1024xf32, #tpu.memory_space<vmem>>
      %dma_start3A_1106 = arith.constant 0 : i32
      %dma_start3A_1107 = tpu.memref_slice %arg4[%shift_right_logical3A_1066, %dma_start3A_1102, %and3A_1068, %dma_start3A_1106] : memref<200x4x128x1024xf32, #tpu.memory_space<hbm>> -> memref<1x1x1x1024xf32, #tpu.memory_space<hbm>>
      %dma_start3A_1108 = tpu.memref_squeeze %dma_start3A_1107 : memref<1x1x1x1024xf32, #tpu.memory_space<hbm>> -> memref<1024xf32, #tpu.memory_space<hbm>>
      %dma_start3A_1109 = arith.constant 0 : i32
      %dma_start3A_1110 = tpu.memref_slice %arg4[%shift_right_logical3A_1066, %dma_start3A_1102, %and3A_1068, %dma_start3A_1109] : memref<200x4x128x1024xf32, #tpu.memory_space<hbm>> -> memref<1x1x1x1024xf32, #tpu.memory_space<hbm>>
      %dma_start3A_1111 = tpu.memref_squeeze %dma_start3A_1110 : memref<1x1x1x1024xf32, #tpu.memory_space<hbm>> -> memref<1024xf32, #tpu.memory_space<hbm>>
      %dma_start3A_1112 = arith.constant 2048 : i32
      %dma_start3A_1113 = tpu.memref_slice %arg7[%dma_start3A_1101, %dma_start3A_1112] : memref<4x4096xf32, #tpu.memory_space<vmem>> -> memref<1x1024xf32, #tpu.memory_space<vmem>>
      %dma_start3A_1114 = tpu.memref_squeeze %dma_start3A_1113 : memref<1x1024xf32, #tpu.memory_space<vmem>> -> memref<1024xf32, #tpu.memory_space<vmem>>
      tpu.enqueue_dma source(%dma_start3A_1114 : memref<1024xf32, #tpu.memory_space<vmem>>) target(%dma_start3A_1111 : memref<1024xf32, #tpu.memory_space<hbm>>) target_semaphore(%arg19 : memref<!tpu.dma_semaphore, #tpu.memory_space<semaphore_mem>>)
      %dma_start3A_1115 = arith.constant 3 : i32
      %dma_start3A_1116 = arith.constant 3 : i32
      %dma_start3A_1117 = arith.constant 3072 : i32
      %dma_start3A_1118 = tpu.memref_slice %arg7[%dma_start3A_1115, %dma_start3A_1117] : memref<4x4096xf32, #tpu.memory_space<vmem>> -> memref<1x1024xf32, #tpu.memory_space<vmem>>
      %dma_start3A_1119 = tpu.memref_squeeze %dma_start3A_1118 : memref<1x1024xf32, #tpu.memory_space<vmem>> -> memref<1024xf32, #tpu.memory_space<vmem>>
      %dma_start3A_1120 = arith.constant 0 : i32
      %dma_start3A_1121 = tpu.memref_slice %arg4[%shift_right_logical3A_1066, %dma_start3A_1116, %and3A_1068, %dma_start3A_1120] : memref<200x4x128x1024xf32, #tpu.memory_space<hbm>> -> memref<1x1x1x1024xf32, #tpu.memory_space<hbm>>
      %dma_start3A_1122 = tpu.memref_squeeze %dma_start3A_1121 : memref<1x1x1x1024xf32, #tpu.memory_space<hbm>> -> memref<1024xf32, #tpu.memory_space<hbm>>
      %dma_start3A_1123 = arith.constant 0 : i32
      %dma_start3A_1124 = tpu.memref_slice %arg4[%shift_right_logical3A_1066, %dma_start3A_1116, %and3A_1068, %dma_start3A_1123] : memref<200x4x128x1024xf32, #tpu.memory_space<hbm>> -> memref<1x1x1x1024xf32, #tpu.memory_space<hbm>>
      %dma_start3A_1125 = tpu.memref_squeeze %dma_start3A_1124 : memref<1x1x1x1024xf32, #tpu.memory_space<hbm>> -> memref<1024xf32, #tpu.memory_space<hbm>>
      %dma_start3A_1126 = arith.constant 3072 : i32
      %dma_start3A_1127 = tpu.memref_slice %arg7[%dma_start3A_1115, %dma_start3A_1126] : memref<4x4096xf32, #tpu.memory_space<vmem>> -> memref<1x1024xf32, #tpu.memory_space<vmem>>
      %dma_start3A_1128 = tpu.memref_squeeze %dma_start3A_1127 : memref<1x1024xf32, #tpu.memory_space<vmem>> -> memref<1024xf32, #tpu.memory_space<vmem>>
      tpu.enqueue_dma source(%dma_start3A_1128 : memref<1024xf32, #tpu.memory_space<vmem>>) target(%dma_start3A_1125 : memref<1024xf32, #tpu.memory_space<hbm>>) target_semaphore(%arg19 : memref<!tpu.dma_semaphore, #tpu.memory_space<semaphore_mem>>)
      %add3A_1129 = arith.constant 4 : i32
      %add3A_1130 = arith.addi %add3A_1043, %add3A_1129 : i32
      %lt3A_1131 = arith.constant 800 : i32
      %lt3A_1132 = arith.cmpi slt, %add3A_1130, %lt3A_1131 : i32
      %convert_element_type3A_1133 = arith.extui %lt3A_1132 : i1 to i32
      %cond3A_1134 = arith.constant 0 : i32
      %cond3A_1135 = arith.cmpi ne, %convert_element_type3A_1133, %cond3A_1134 : i32
      scf.if %cond3A_1135 {
        %add3A_1606 = arith.constant 4 : i32
        %add3A_1607 = arith.addi %add3A_1043, %add3A_1606 : i32
        %add3A_1608 = arith.addi %mul3A_2, %add3A_1607 : i32
        %shift_right_logical3A_1609 = arith.constant 7 : i32
        %shift_right_logical3A_1610 = arith.shrui %add3A_1608, %shift_right_logical3A_1609 : i32
        %and3A_1611 = arith.constant 127 : i32
        %and3A_1612 = arith.andi %add3A_1608, %and3A_1611 : i32
        %shift_right_logical3A_1613 = arith.constant 3 : i32
        %shift_right_logical3A_1614 = arith.shrui %shift_right_logical3A_1610, %shift_right_logical3A_1613 : i32
        %and3A_1615 = arith.constant 7 : i32
        %and3A_1616 = arith.andi %shift_right_logical3A_1610, %and3A_1615 : i32
        %dma_start3A_1617 = arith.constant 3 : i32
        %dma_start3A_1618 = arith.constant 0 : i32
        %dma_start3A_1619 = tpu.memref_slice %arg5[%dma_start3A_1617, %dma_start3A_1618] : memref<4x128xi32, #tpu.memory_space<vmem>> -> memref<1x128xi32, #tpu.memory_space<vmem>>
        %dma_start3A_1620 = tpu.memref_squeeze %dma_start3A_1619 : memref<1x128xi32, #tpu.memory_space<vmem>> -> memref<128xi32, #tpu.memory_space<vmem>>
        %dma_start3A_1621 = arith.constant 0 : i32
        %dma_start3A_1622 = tpu.memref_slice %arg2[%shift_right_logical3A_1614, %and3A_1612, %and3A_1616, %dma_start3A_1621] : memref<25x128x8x128xi32, #tpu.memory_space<hbm>> -> memref<1x1x1x128xi32, #tpu.memory_space<hbm>>
        %dma_start3A_1623 = tpu.memref_squeeze %dma_start3A_1622 : memref<1x1x1x128xi32, #tpu.memory_space<hbm>> -> memref<128xi32, #tpu.memory_space<hbm>>
        %dma_start3A_1624 = arith.constant 0 : i32
        %dma_start3A_1625 = tpu.memref_slice %arg5[%dma_start3A_1617, %dma_start3A_1624] : memref<4x128xi32, #tpu.memory_space<vmem>> -> memref<1x128xi32, #tpu.memory_space<vmem>>
        %dma_start3A_1626 = tpu.memref_squeeze %dma_start3A_1625 : memref<1x128xi32, #tpu.memory_space<vmem>> -> memref<128xi32, #tpu.memory_space<vmem>>
        %dma_start3A_1627 = arith.constant 0 : i32
        %dma_start3A_1628 = tpu.memref_slice %arg2[%shift_right_logical3A_1614, %and3A_1612, %and3A_1616, %dma_start3A_1627] : memref<25x128x8x128xi32, #tpu.memory_space<hbm>> -> memref<1x1x1x128xi32, #tpu.memory_space<hbm>>
        %dma_start3A_1629 = tpu.memref_squeeze %dma_start3A_1628 : memref<1x1x1x128xi32, #tpu.memory_space<hbm>> -> memref<128xi32, #tpu.memory_space<hbm>>
        tpu.enqueue_dma source(%dma_start3A_1629 : memref<128xi32, #tpu.memory_space<hbm>>) target(%dma_start3A_1626 : memref<128xi32, #tpu.memory_space<vmem>>) target_semaphore(%arg11 : memref<!tpu.dma_semaphore, #tpu.memory_space<semaphore_mem>>)
      } else {
      }
      %dma_wait3A_1136 = arith.constant 1 : i32
      %dma_wait3A_1137 = arith.constant 0 : i32
      %dma_wait3A_1138 = arith.constant 0 : i32
      %dma_wait3A_1139 = arith.constant 0 : i32
      %dma_wait3A_1140 = arith.constant 0 : i32
      %dma_wait3A_1141 = tpu.memref_slice %arg7[%dma_wait3A_1136, %dma_wait3A_1140] : memref<4x4096xf32, #tpu.memory_space<vmem>> -> memref<1x1024xf32, #tpu.memory_space<vmem>>
      %dma_wait3A_1142 = tpu.memref_squeeze %dma_wait3A_1141 : memref<1x1024xf32, #tpu.memory_space<vmem>> -> memref<1024xf32, #tpu.memory_space<vmem>>
      %dma_wait3A_1143 = arith.constant 0 : i32
      %dma_wait3A_1144 = tpu.memref_slice %arg4[%dma_wait3A_1137, %dma_wait3A_1138, %dma_wait3A_1139, %dma_wait3A_1143] : memref<200x4x128x1024xf32, #tpu.memory_space<hbm>> -> memref<1x1x1x1024xf32, #tpu.memory_space<hbm>>
      %dma_wait3A_1145 = tpu.memref_squeeze %dma_wait3A_1144 : memref<1x1x1x1024xf32, #tpu.memory_space<hbm>> -> memref<1024xf32, #tpu.memory_space<hbm>>
      %dma_wait3A_1146 = arith.constant 0 : i32
      %dma_wait3A_1147 = tpu.memref_slice %arg4[%dma_wait3A_1137, %dma_wait3A_1138, %dma_wait3A_1139, %dma_wait3A_1146] : memref<200x4x128x1024xf32, #tpu.memory_space<hbm>> -> memref<1x1x1x1024xf32, #tpu.memory_space<hbm>>
      %dma_wait3A_1148 = tpu.memref_squeeze %dma_wait3A_1147 : memref<1x1x1x1024xf32, #tpu.memory_space<hbm>> -> memref<1024xf32, #tpu.memory_space<hbm>>
      %dma_wait3A_1149 = arith.constant 0 : i32
      %dma_wait3A_1150 = tpu.memref_slice %arg7[%dma_wait3A_1136, %dma_wait3A_1149] : memref<4x4096xf32, #tpu.memory_space<vmem>> -> memref<1x1024xf32, #tpu.memory_space<vmem>>
      %dma_wait3A_1151 = tpu.memref_squeeze %dma_wait3A_1150 : memref<1x1024xf32, #tpu.memory_space<vmem>> -> memref<1024xf32, #tpu.memory_space<vmem>>
      tpu.wait_dma2 semaphore(%arg17 : memref<!tpu.dma_semaphore, #tpu.memory_space<semaphore_mem>>) src(%dma_wait3A_1151 : memref<1024xf32, #tpu.memory_space<vmem>>) dst(%dma_wait3A_1148 : memref<1024xf32, #tpu.memory_space<hbm>>)
      %dma_wait3A_1152 = arith.constant 1 : i32
      %dma_wait3A_1153 = arith.constant 0 : i32
      %dma_wait3A_1154 = arith.constant 1 : i32
      %dma_wait3A_1155 = arith.constant 0 : i32
      %dma_wait3A_1156 = arith.constant 1024 : i32
      %dma_wait3A_1157 = tpu.memref_slice %arg7[%dma_wait3A_1152, %dma_wait3A_1156] : memref<4x4096xf32, #tpu.memory_space<vmem>> -> memref<1x1024xf32, #tpu.memory_space<vmem>>
      %dma_wait3A_1158 = tpu.memref_squeeze %dma_wait3A_1157 : memref<1x1024xf32, #tpu.memory_space<vmem>> -> memref<1024xf32, #tpu.memory_space<vmem>>
      %dma_wait3A_1159 = arith.constant 0 : i32
      %dma_wait3A_1160 = tpu.memref_slice %arg4[%dma_wait3A_1153, %dma_wait3A_1154, %dma_wait3A_1155, %dma_wait3A_1159] : memref<200x4x128x1024xf32, #tpu.memory_space<hbm>> -> memref<1x1x1x1024xf32, #tpu.memory_space<hbm>>
      %dma_wait3A_1161 = tpu.memref_squeeze %dma_wait3A_1160 : memref<1x1x1x1024xf32, #tpu.memory_space<hbm>> -> memref<1024xf32, #tpu.memory_space<hbm>>
      %dma_wait3A_1162 = arith.constant 0 : i32
      %dma_wait3A_1163 = tpu.memref_slice %arg4[%dma_wait3A_1153, %dma_wait3A_1154, %dma_wait3A_1155, %dma_wait3A_1162] : memref<200x4x128x1024xf32, #tpu.memory_space<hbm>> -> memref<1x1x1x1024xf32, #tpu.memory_space<hbm>>
      %dma_wait3A_1164 = tpu.memref_squeeze %dma_wait3A_1163 : memref<1x1x1x1024xf32, #tpu.memory_space<hbm>> -> memref<1024xf32, #tpu.memory_space<hbm>>
      %dma_wait3A_1165 = arith.constant 1024 : i32
      %dma_wait3A_1166 = tpu.memref_slice %arg7[%dma_wait3A_1152, %dma_wait3A_1165] : memref<4x4096xf32, #tpu.memory_space<vmem>> -> memref<1x1024xf32, #tpu.memory_space<vmem>>
      %dma_wait3A_1167 = tpu.memref_squeeze %dma_wait3A_1166 : memref<1x1024xf32, #tpu.memory_space<vmem>> -> memref<1024xf32, #tpu.memory_space<vmem>>
      tpu.wait_dma2 semaphore(%arg17 : memref<!tpu.dma_semaphore, #tpu.memory_space<semaphore_mem>>) src(%dma_wait3A_1167 : memref<1024xf32, #tpu.memory_space<vmem>>) dst(%dma_wait3A_1164 : memref<1024xf32, #tpu.memory_space<hbm>>)
      %dma_wait3A_1168 = arith.constant 1 : i32
      %dma_wait3A_1169 = arith.constant 0 : i32
      %dma_wait3A_1170 = arith.constant 2 : i32
      %dma_wait3A_1171 = arith.constant 0 : i32
      %dma_wait3A_1172 = arith.constant 2048 : i32
      %dma_wait3A_1173 = tpu.memref_slice %arg7[%dma_wait3A_1168, %dma_wait3A_1172] : memref<4x4096xf32, #tpu.memory_space<vmem>> -> memref<1x1024xf32, #tpu.memory_space<vmem>>
      %dma_wait3A_1174 = tpu.memref_squeeze %dma_wait3A_1173 : memref<1x1024xf32, #tpu.memory_space<vmem>> -> memref<1024xf32, #tpu.memory_space<vmem>>
      %dma_wait3A_1175 = arith.constant 0 : i32
      %dma_wait3A_1176 = tpu.memref_slice %arg4[%dma_wait3A_1169, %dma_wait3A_1170, %dma_wait3A_1171, %dma_wait3A_1175] : memref<200x4x128x1024xf32, #tpu.memory_space<hbm>> -> memref<1x1x1x1024xf32, #tpu.memory_space<hbm>>
      %dma_wait3A_1177 = tpu.memref_squeeze %dma_wait3A_1176 : memref<1x1x1x1024xf32, #tpu.memory_space<hbm>> -> memref<1024xf32, #tpu.memory_space<hbm>>
      %dma_wait3A_1178 = arith.constant 0 : i32
      %dma_wait3A_1179 = tpu.memref_slice %arg4[%dma_wait3A_1169, %dma_wait3A_1170, %dma_wait3A_1171, %dma_wait3A_1178] : memref<200x4x128x1024xf32, #tpu.memory_space<hbm>> -> memref<1x1x1x1024xf32, #tpu.memory_space<hbm>>
      %dma_wait3A_1180 = tpu.memref_squeeze %dma_wait3A_1179 : memref<1x1x1x1024xf32, #tpu.memory_space<hbm>> -> memref<1024xf32, #tpu.memory_space<hbm>>
      %dma_wait3A_1181 = arith.constant 2048 : i32
      %dma_wait3A_1182 = tpu.memref_slice %arg7[%dma_wait3A_1168, %dma_wait3A_1181] : memref<4x4096xf32, #tpu.memory_space<vmem>> -> memref<1x1024xf32, #tpu.memory_space<vmem>>
      %dma_wait3A_1183 = tpu.memref_squeeze %dma_wait3A_1182 : memref<1x1024xf32, #tpu.memory_space<vmem>> -> memref<1024xf32, #tpu.memory_space<vmem>>
      tpu.wait_dma2 semaphore(%arg17 : memref<!tpu.dma_semaphore, #tpu.memory_space<semaphore_mem>>) src(%dma_wait3A_1183 : memref<1024xf32, #tpu.memory_space<vmem>>) dst(%dma_wait3A_1180 : memref<1024xf32, #tpu.memory_space<hbm>>)
      %dma_wait3A_1184 = arith.constant 1 : i32
      %dma_wait3A_1185 = arith.constant 0 : i32
      %dma_wait3A_1186 = arith.constant 3 : i32
      %dma_wait3A_1187 = arith.constant 0 : i32
      %dma_wait3A_1188 = arith.constant 3072 : i32
      %dma_wait3A_1189 = tpu.memref_slice %arg7[%dma_wait3A_1184, %dma_wait3A_1188] : memref<4x4096xf32, #tpu.memory_space<vmem>> -> memref<1x1024xf32, #tpu.memory_space<vmem>>
      %dma_wait3A_1190 = tpu.memref_squeeze %dma_wait3A_1189 : memref<1x1024xf32, #tpu.memory_space<vmem>> -> memref<1024xf32, #tpu.memory_space<vmem>>
      %dma_wait3A_1191 = arith.constant 0 : i32
      %dma_wait3A_1192 = tpu.memref_slice %arg4[%dma_wait3A_1185, %dma_wait3A_1186, %dma_wait3A_1187, %dma_wait3A_1191] : memref<200x4x128x1024xf32, #tpu.memory_space<hbm>> -> memref<1x1x1x1024xf32, #tpu.memory_space<hbm>>
      %dma_wait3A_1193 = tpu.memref_squeeze %dma_wait3A_1192 : memref<1x1x1x1024xf32, #tpu.memory_space<hbm>> -> memref<1024xf32, #tpu.memory_space<hbm>>
      %dma_wait3A_1194 = arith.constant 0 : i32
      %dma_wait3A_1195 = tpu.memref_slice %arg4[%dma_wait3A_1185, %dma_wait3A_1186, %dma_wait3A_1187, %dma_wait3A_1194] : memref<200x4x128x1024xf32, #tpu.memory_space<hbm>> -> memref<1x1x1x1024xf32, #tpu.memory_space<hbm>>
      %dma_wait3A_1196 = tpu.memref_squeeze %dma_wait3A_1195 : memref<1x1x1x1024xf32, #tpu.memory_space<hbm>> -> memref<1024xf32, #tpu.memory_space<hbm>>
      %dma_wait3A_1197 = arith.constant 3072 : i32
      %dma_wait3A_1198 = tpu.memref_slice %arg7[%dma_wait3A_1184, %dma_wait3A_1197] : memref<4x4096xf32, #tpu.memory_space<vmem>> -> memref<1x1024xf32, #tpu.memory_space<vmem>>
      %dma_wait3A_1199 = tpu.memref_squeeze %dma_wait3A_1198 : memref<1x1024xf32, #tpu.memory_space<vmem>> -> memref<1024xf32, #tpu.memory_space<vmem>>
      tpu.wait_dma2 semaphore(%arg17 : memref<!tpu.dma_semaphore, #tpu.memory_space<semaphore_mem>>) src(%dma_wait3A_1199 : memref<1024xf32, #tpu.memory_space<vmem>>) dst(%dma_wait3A_1196 : memref<1024xf32, #tpu.memory_space<hbm>>)
      %dma_wait3A_1200 = arith.constant 0 : i32
      %dma_wait3A_1201 = arith.constant 0 : i32
      %dma_wait3A_1202 = arith.constant 0 : i32
      %dma_wait3A_1203 = arith.constant 1 : i32
      %dma_wait3A_1204 = arith.constant 0 : i32
      %dma_wait3A_1205 = tpu.memref_slice %arg5[%dma_wait3A_1203, %dma_wait3A_1204] : memref<4x128xi32, #tpu.memory_space<vmem>> -> memref<1x128xi32, #tpu.memory_space<vmem>>
      %dma_wait3A_1206 = tpu.memref_squeeze %dma_wait3A_1205 : memref<1x128xi32, #tpu.memory_space<vmem>> -> memref<128xi32, #tpu.memory_space<vmem>>
      %dma_wait3A_1207 = arith.constant 0 : i32
      %dma_wait3A_1208 = tpu.memref_slice %arg2[%dma_wait3A_1200, %dma_wait3A_1201, %dma_wait3A_1202, %dma_wait3A_1207] : memref<25x128x8x128xi32, #tpu.memory_space<hbm>> -> memref<1x1x1x128xi32, #tpu.memory_space<hbm>>
      %dma_wait3A_1209 = tpu.memref_squeeze %dma_wait3A_1208 : memref<1x1x1x128xi32, #tpu.memory_space<hbm>> -> memref<128xi32, #tpu.memory_space<hbm>>
      %dma_wait3A_1210 = arith.constant 0 : i32
      %dma_wait3A_1211 = tpu.memref_slice %arg5[%dma_wait3A_1203, %dma_wait3A_1210] : memref<4x128xi32, #tpu.memory_space<vmem>> -> memref<1x128xi32, #tpu.memory_space<vmem>>
      %dma_wait3A_1212 = tpu.memref_squeeze %dma_wait3A_1211 : memref<1x128xi32, #tpu.memory_space<vmem>> -> memref<128xi32, #tpu.memory_space<vmem>>
      %dma_wait3A_1213 = arith.constant 0 : i32
      %dma_wait3A_1214 = tpu.memref_slice %arg2[%dma_wait3A_1200, %dma_wait3A_1201, %dma_wait3A_1202, %dma_wait3A_1213] : memref<25x128x8x128xi32, #tpu.memory_space<hbm>> -> memref<1x1x1x128xi32, #tpu.memory_space<hbm>>
      %dma_wait3A_1215 = tpu.memref_squeeze %dma_wait3A_1214 : memref<1x1x1x128xi32, #tpu.memory_space<hbm>> -> memref<128xi32, #tpu.memory_space<hbm>>
      tpu.wait_dma2 semaphore(%arg9 : memref<!tpu.dma_semaphore, #tpu.memory_space<semaphore_mem>>) src(%dma_wait3A_1215 : memref<128xi32, #tpu.memory_space<hbm>>) dst(%dma_wait3A_1212 : memref<128xi32, #tpu.memory_space<vmem>>)
      %add3A_1216 = arith.constant 2 : i32
      %add3A_1217 = arith.addi %add3A_1043, %add3A_1216 : i32
      %dma_start3A_1218 = arith.constant 1 : i32
      %dma_start3A_1219 = arith.constant 1 : i32
      %dma_start3A_1220 = arith.constant 0 : i32
      %dma_start3A_1221 = arith.constant 0 : i32
      %dma_start3A_1222 = tpu.memref_slice %arg6[%dma_start3A_1219, %dma_start3A_1220, %dma_start3A_1221] : memref<4x128x32xf32, #tpu.memory_space<vmem>> -> memref<1x128x32xf32, #tpu.memory_space<vmem>>
      %dma_start3A_1223 = tpu.memref_squeeze %dma_start3A_1222 : memref<1x128x32xf32, #tpu.memory_space<vmem>> -> memref<128x32xf32, #tpu.memory_space<vmem>>
      %dma_start3A_1224 = arith.constant 0 : i32
      %dma_start3A_1225 = tpu.memref_slice %arg5[%dma_start3A_1218, %dma_start3A_1224] : memref<4x128xi32, #tpu.memory_space<vmem>> -> memref<1x128xi32, #tpu.memory_space<vmem>>
      %dma_start3A_1226 = tpu.memref_squeeze %dma_start3A_1225 : memref<1x128xi32, #tpu.memory_space<vmem>> -> memref<128xi32, #tpu.memory_space<vmem>>
      %dma_start3A_1227 = arith.constant 0 : i32
      %dma_start3A_1228 = arith.constant 0 : i32
      %dma_start3A_1229 = tpu.memref_slice %arg3[%dma_start3A_1227, %dma_start3A_1228] : memref<1000000x32xf32, #tpu.memory_space<hbm>> -> memref<1000000x32xf32, #tpu.memory_space<hbm>>
      tpu.enqueue_indirect_dma source(%dma_start3A_1229 : memref<1000000x32xf32, #tpu.memory_space<hbm>>) target(%dma_start3A_1223 : memref<128x32xf32, #tpu.memory_space<vmem>>) offsets(%dma_start3A_1226 : memref<128xi32, #tpu.memory_space<vmem>>) semaphore(%arg13 : memref<!tpu.dma_semaphore, #tpu.memory_space<semaphore_mem>>)
      %add3A_1230 = arith.constant 2 : i32
      %add3A_1231 = arith.addi %add3A_856, %add3A_1230 : i32
      %dma_wait3A_1232 = arith.constant 0 : i32
      %dma_wait3A_1233 = arith.constant 0 : i32
      %dma_wait3A_1234 = arith.constant 0 : i32
      %dma_wait3A_1235 = tpu.memref_slice %arg6[%dma_wait3A_1232, %dma_wait3A_1233, %dma_wait3A_1234] : memref<4x128x32xf32, #tpu.memory_space<vmem>> -> memref<1x128x32xf32, #tpu.memory_space<vmem>>
      %dma_wait3A_1236 = tpu.memref_squeeze %dma_wait3A_1235 : memref<1x128x32xf32, #tpu.memory_space<vmem>> -> memref<128x32xf32, #tpu.memory_space<vmem>>
      %dma_wait3A_1237 = arith.constant 0 : i32
      %dma_wait3A_1238 = arith.constant 0 : i32
      %dma_wait3A_1239 = tpu.memref_slice %arg3[%dma_wait3A_1237, %dma_wait3A_1238] : memref<1000000x32xf32, #tpu.memory_space<hbm>> -> memref<128x32xf32, #tpu.memory_space<hbm>>
      %dma_wait3A_1240 = arith.constant 0 : i32
      %dma_wait3A_1241 = arith.constant 0 : i32
      %dma_wait3A_1242 = tpu.memref_slice %arg6[%dma_wait3A_1232, %dma_wait3A_1240, %dma_wait3A_1241] : memref<4x128x32xf32, #tpu.memory_space<vmem>> -> memref<1x128x32xf32, #tpu.memory_space<vmem>>
      %dma_wait3A_1243 = tpu.memref_squeeze %dma_wait3A_1242 : memref<1x128x32xf32, #tpu.memory_space<vmem>> -> memref<128x32xf32, #tpu.memory_space<vmem>>
      %dma_wait3A_1244 = arith.constant 0 : i32
      %dma_wait3A_1245 = arith.constant 0 : i32
      %dma_wait3A_1246 = tpu.memref_slice %arg3[%dma_wait3A_1244, %dma_wait3A_1245] : memref<1000000x32xf32, #tpu.memory_space<hbm>> -> memref<128x32xf32, #tpu.memory_space<hbm>>
      tpu.wait_dma2 semaphore(%arg12 : memref<!tpu.dma_semaphore, #tpu.memory_space<semaphore_mem>>) src(%dma_wait3A_1246 : memref<128x32xf32, #tpu.memory_space<hbm>>) dst(%dma_wait3A_1243 : memref<128x32xf32, #tpu.memory_space<vmem>>)
      %iota3A_1247 = tpu.iota {dimensions = array<i32: 0>} : vector<16xi32>
      %parallel_loop3A_1248 = arith.constant 0 : i32
      %parallel_loop3A_1249 = arith.constant 256 : i32
      %parallel_loop3A_1250 = arith.constant 1 : i32
      %parallel_loop3A_1251 = arith.constant 0 : i32
      scf.for %parallel_loop3A_1606 = %parallel_loop3A_1248 to %parallel_loop3A_1249 step %parallel_loop3A_1250  : i32 {
        %parallel_loop3A_1607 = arith.constant 3 : i32
        %parallel_loop3A_1608 = arith.shrui %parallel_loop3A_1606, %parallel_loop3A_1607 : i32
        %parallel_loop3A_1609 = arith.constant 7 : i32
        %parallel_loop3A_1610 = arith.andi %parallel_loop3A_1606, %parallel_loop3A_1609 : i32
        %parallel_loop3A_1611 = arith.constant 16 : i32
        %parallel_loop3A_1612 = arith.muli %parallel_loop3A_1610, %parallel_loop3A_1611 : i32
        %parallel_loop3A_1613 = vector.broadcast %parallel_loop3A_1608 : i32 to vector<16xi32>
        %parallel_loop3A_1614 = arith.addi %parallel_loop3A_1613, %iota3A_1247 : vector<16xi32>
        %parallel_loop3A_1615 = arith.constant 31 : i32
        %parallel_loop3A_1616 = vector.broadcast %parallel_loop3A_1615 : i32 to vector<16xi32>
        %parallel_loop3A_1617 = arith.andi %parallel_loop3A_1614, %parallel_loop3A_1616 : vector<16xi32>
        %parallel_loop3A_1618 = vector.broadcast %parallel_loop3A_1612 : i32 to vector<16xi32>
        %parallel_loop3A_1619 = arith.addi %iota3A_1247, %parallel_loop3A_1618 : vector<16xi32>
        %parallel_loop3A_1620 = arith.constant 0 : i32
        %parallel_loop3A_1621 = arith.constant 0 : i32
        %parallel_loop3A_1622 = tpu.memref_slice %arg6[%parallel_loop3A_1251, %parallel_loop3A_1620, %parallel_loop3A_1621] : memref<4x128x32xf32, #tpu.memory_space<vmem>> -> memref<1x128x32xf32, #tpu.memory_space<vmem>>
        %parallel_loop3A_1623 = tpu.memref_squeeze %parallel_loop3A_1622 : memref<1x128x32xf32, #tpu.memory_space<vmem>> -> memref<128x32xf32, #tpu.memory_space<vmem>>
        %parallel_loop3A_1624 = tpu.vector_load_idx %parallel_loop3A_1623[%parallel_loop3A_1619, %parallel_loop3A_1617] : memref<128x32xf32, #tpu.memory_space<vmem>>[vector<16xi32>, vector<16xi32>], vector<16xf32>,
        %parallel_loop3A_1625 = arith.constant 128 : i32
        %parallel_loop3A_1626 = vector.broadcast %parallel_loop3A_1625 : i32 to vector<16xi32>
        %parallel_loop3A_1627 = arith.muli %parallel_loop3A_1617, %parallel_loop3A_1626 : vector<16xi32>
        %parallel_loop3A_1628 = vector.broadcast %parallel_loop3A_1612 : i32 to vector<16xi32>
        %parallel_loop3A_1629 = arith.addi %parallel_loop3A_1627, %parallel_loop3A_1628 : vector<16xi32>
        %parallel_loop3A_1630 = arith.addi %parallel_loop3A_1629, %iota3A_1247 : vector<16xi32>
        %parallel_loop3A_1631 = arith.constant 0 : i32
        %parallel_loop3A_1632 = arith.constant 0 : i32
        %parallel_loop3A_1633 = tpu.memref_slice %arg7[%parallel_loop3A_1631, %parallel_loop3A_1632] : memref<4x4096xf32, #tpu.memory_space<vmem>> -> memref<1x4096xf32, #tpu.memory_space<vmem>>
        %parallel_loop3A_1634 = tpu.memref_squeeze %parallel_loop3A_1633 : memref<1x4096xf32, #tpu.memory_space<vmem>> -> memref<4096xf32, #tpu.memory_space<vmem>>
        tpu.vector_store_idx %parallel_loop3A_1634[%parallel_loop3A_1630], %parallel_loop3A_1624 : memref<4096xf32, #tpu.memory_space<vmem>>[vector<16xi32>], vector<16xf32>,
      } {sc.loop_unroll_factor = 16 : i64, sc.parallel_access}
      %add3A_1252 = arith.addi %mul3A_2, %add3A_1231 : i32
      %shift_right_logical3A_1253 = arith.constant 7 : i32
      %shift_right_logical3A_1254 = arith.shrui %add3A_1252, %shift_right_logical3A_1253 : i32
      %and3A_1255 = arith.constant 127 : i32
      %and3A_1256 = arith.andi %add3A_1252, %and3A_1255 : i32
      %shift_right_logical3A_1257 = arith.constant 3 : i32
      %shift_right_logical3A_1258 = arith.shrui %shift_right_logical3A_1254, %shift_right_logical3A_1257 : i32
      %and3A_1259 = arith.constant 7 : i32
      %and3A_1260 = arith.andi %shift_right_logical3A_1254, %and3A_1259 : i32
      %dma_start3A_1261 = arith.constant 0 : i32
      %dma_start3A_1262 = arith.constant 0 : i32
      %dma_start3A_1263 = arith.constant 0 : i32
      %dma_start3A_1264 = tpu.memref_slice %arg7[%dma_start3A_1261, %dma_start3A_1263] : memref<4x4096xf32, #tpu.memory_space<vmem>> -> memref<1x1024xf32, #tpu.memory_space<vmem>>
      %dma_start3A_1265 = tpu.memref_squeeze %dma_start3A_1264 : memref<1x1024xf32, #tpu.memory_space<vmem>> -> memref<1024xf32, #tpu.memory_space<vmem>>
      %dma_start3A_1266 = arith.constant 0 : i32
      %dma_start3A_1267 = tpu.memref_slice %arg4[%shift_right_logical3A_1254, %dma_start3A_1262, %and3A_1256, %dma_start3A_1266] : memref<200x4x128x1024xf32, #tpu.memory_space<hbm>> -> memref<1x1x1x1024xf32, #tpu.memory_space<hbm>>
      %dma_start3A_1268 = tpu.memref_squeeze %dma_start3A_1267 : memref<1x1x1x1024xf32, #tpu.memory_space<hbm>> -> memref<1024xf32, #tpu.memory_space<hbm>>
      %dma_start3A_1269 = arith.constant 0 : i32
      %dma_start3A_1270 = tpu.memref_slice %arg4[%shift_right_logical3A_1254, %dma_start3A_1262, %and3A_1256, %dma_start3A_1269] : memref<200x4x128x1024xf32, #tpu.memory_space<hbm>> -> memref<1x1x1x1024xf32, #tpu.memory_space<hbm>>
      %dma_start3A_1271 = tpu.memref_squeeze %dma_start3A_1270 : memref<1x1x1x1024xf32, #tpu.memory_space<hbm>> -> memref<1024xf32, #tpu.memory_space<hbm>>
      %dma_start3A_1272 = arith.constant 0 : i32
      %dma_start3A_1273 = tpu.memref_slice %arg7[%dma_start3A_1261, %dma_start3A_1272] : memref<4x4096xf32, #tpu.memory_space<vmem>> -> memref<1x1024xf32, #tpu.memory_space<vmem>>
      %dma_start3A_1274 = tpu.memref_squeeze %dma_start3A_1273 : memref<1x1024xf32, #tpu.memory_space<vmem>> -> memref<1024xf32, #tpu.memory_space<vmem>>
      tpu.enqueue_dma source(%dma_start3A_1274 : memref<1024xf32, #tpu.memory_space<vmem>>) target(%dma_start3A_1271 : memref<1024xf32, #tpu.memory_space<hbm>>) target_semaphore(%arg16 : memref<!tpu.dma_semaphore, #tpu.memory_space<semaphore_mem>>)
      %dma_start3A_1275 = arith.constant 0 : i32
      %dma_start3A_1276 = arith.constant 1 : i32
      %dma_start3A_1277 = arith.constant 1024 : i32
      %dma_start3A_1278 = tpu.memref_slice %arg7[%dma_start3A_1275, %dma_start3A_1277] : memref<4x4096xf32, #tpu.memory_space<vmem>> -> memref<1x1024xf32, #tpu.memory_space<vmem>>
      %dma_start3A_1279 = tpu.memref_squeeze %dma_start3A_1278 : memref<1x1024xf32, #tpu.memory_space<vmem>> -> memref<1024xf32, #tpu.memory_space<vmem>>
      %dma_start3A_1280 = arith.constant 0 : i32
      %dma_start3A_1281 = tpu.memref_slice %arg4[%shift_right_logical3A_1254, %dma_start3A_1276, %and3A_1256, %dma_start3A_1280] : memref<200x4x128x1024xf32, #tpu.memory_space<hbm>> -> memref<1x1x1x1024xf32, #tpu.memory_space<hbm>>
      %dma_start3A_1282 = tpu.memref_squeeze %dma_start3A_1281 : memref<1x1x1x1024xf32, #tpu.memory_space<hbm>> -> memref<1024xf32, #tpu.memory_space<hbm>>
      %dma_start3A_1283 = arith.constant 0 : i32
      %dma_start3A_1284 = tpu.memref_slice %arg4[%shift_right_logical3A_1254, %dma_start3A_1276, %and3A_1256, %dma_start3A_1283] : memref<200x4x128x1024xf32, #tpu.memory_space<hbm>> -> memref<1x1x1x1024xf32, #tpu.memory_space<hbm>>
      %dma_start3A_1285 = tpu.memref_squeeze %dma_start3A_1284 : memref<1x1x1x1024xf32, #tpu.memory_space<hbm>> -> memref<1024xf32, #tpu.memory_space<hbm>>
      %dma_start3A_1286 = arith.constant 1024 : i32
      %dma_start3A_1287 = tpu.memref_slice %arg7[%dma_start3A_1275, %dma_start3A_1286] : memref<4x4096xf32, #tpu.memory_space<vmem>> -> memref<1x1024xf32, #tpu.memory_space<vmem>>
      %dma_start3A_1288 = tpu.memref_squeeze %dma_start3A_1287 : memref<1x1024xf32, #tpu.memory_space<vmem>> -> memref<1024xf32, #tpu.memory_space<vmem>>
      tpu.enqueue_dma source(%dma_start3A_1288 : memref<1024xf32, #tpu.memory_space<vmem>>) target(%dma_start3A_1285 : memref<1024xf32, #tpu.memory_space<hbm>>) target_semaphore(%arg16 : memref<!tpu.dma_semaphore, #tpu.memory_space<semaphore_mem>>)
      %dma_start3A_1289 = arith.constant 0 : i32
      %dma_start3A_1290 = arith.constant 2 : i32
      %dma_start3A_1291 = arith.constant 2048 : i32
      %dma_start3A_1292 = tpu.memref_slice %arg7[%dma_start3A_1289, %dma_start3A_1291] : memref<4x4096xf32, #tpu.memory_space<vmem>> -> memref<1x1024xf32, #tpu.memory_space<vmem>>
      %dma_start3A_1293 = tpu.memref_squeeze %dma_start3A_1292 : memref<1x1024xf32, #tpu.memory_space<vmem>> -> memref<1024xf32, #tpu.memory_space<vmem>>
      %dma_start3A_1294 = arith.constant 0 : i32
      %dma_start3A_1295 = tpu.memref_slice %arg4[%shift_right_logical3A_1254, %dma_start3A_1290, %and3A_1256, %dma_start3A_1294] : memref<200x4x128x1024xf32, #tpu.memory_space<hbm>> -> memref<1x1x1x1024xf32, #tpu.memory_space<hbm>>
      %dma_start3A_1296 = tpu.memref_squeeze %dma_start3A_1295 : memref<1x1x1x1024xf32, #tpu.memory_space<hbm>> -> memref<1024xf32, #tpu.memory_space<hbm>>
      %dma_start3A_1297 = arith.constant 0 : i32
      %dma_start3A_1298 = tpu.memref_slice %arg4[%shift_right_logical3A_1254, %dma_start3A_1290, %and3A_1256, %dma_start3A_1297] : memref<200x4x128x1024xf32, #tpu.memory_space<hbm>> -> memref<1x1x1x1024xf32, #tpu.memory_space<hbm>>
      %dma_start3A_1299 = tpu.memref_squeeze %dma_start3A_1298 : memref<1x1x1x1024xf32, #tpu.memory_space<hbm>> -> memref<1024xf32, #tpu.memory_space<hbm>>
      %dma_start3A_1300 = arith.constant 2048 : i32
      %dma_start3A_1301 = tpu.memref_slice %arg7[%dma_start3A_1289, %dma_start3A_1300] : memref<4x4096xf32, #tpu.memory_space<vmem>> -> memref<1x1024xf32, #tpu.memory_space<vmem>>
      %dma_start3A_1302 = tpu.memref_squeeze %dma_start3A_1301 : memref<1x1024xf32, #tpu.memory_space<vmem>> -> memref<1024xf32, #tpu.memory_space<vmem>>
      tpu.enqueue_dma source(%dma_start3A_1302 : memref<1024xf32, #tpu.memory_space<vmem>>) target(%dma_start3A_1299 : memref<1024xf32, #tpu.memory_space<hbm>>) target_semaphore(%arg16 : memref<!tpu.dma_semaphore, #tpu.memory_space<semaphore_mem>>)
      %dma_start3A_1303 = arith.constant 0 : i32
      %dma_start3A_1304 = arith.constant 3 : i32
      %dma_start3A_1305 = arith.constant 3072 : i32
      %dma_start3A_1306 = tpu.memref_slice %arg7[%dma_start3A_1303, %dma_start3A_1305] : memref<4x4096xf32, #tpu.memory_space<vmem>> -> memref<1x1024xf32, #tpu.memory_space<vmem>>
      %dma_start3A_1307 = tpu.memref_squeeze %dma_start3A_1306 : memref<1x1024xf32, #tpu.memory_space<vmem>> -> memref<1024xf32, #tpu.memory_space<vmem>>
      %dma_start3A_1308 = arith.constant 0 : i32
      %dma_start3A_1309 = tpu.memref_slice %arg4[%shift_right_logical3A_1254, %dma_start3A_1304, %and3A_1256, %dma_start3A_1308] : memref<200x4x128x1024xf32, #tpu.memory_space<hbm>> -> memref<1x1x1x1024xf32, #tpu.memory_space<hbm>>
      %dma_start3A_1310 = tpu.memref_squeeze %dma_start3A_1309 : memref<1x1x1x1024xf32, #tpu.memory_space<hbm>> -> memref<1024xf32, #tpu.memory_space<hbm>>
      %dma_start3A_1311 = arith.constant 0 : i32
      %dma_start3A_1312 = tpu.memref_slice %arg4[%shift_right_logical3A_1254, %dma_start3A_1304, %and3A_1256, %dma_start3A_1311] : memref<200x4x128x1024xf32, #tpu.memory_space<hbm>> -> memref<1x1x1x1024xf32, #tpu.memory_space<hbm>>
      %dma_start3A_1313 = tpu.memref_squeeze %dma_start3A_1312 : memref<1x1x1x1024xf32, #tpu.memory_space<hbm>> -> memref<1024xf32, #tpu.memory_space<hbm>>
      %dma_start3A_1314 = arith.constant 3072 : i32
      %dma_start3A_1315 = tpu.memref_slice %arg7[%dma_start3A_1303, %dma_start3A_1314] : memref<4x4096xf32, #tpu.memory_space<vmem>> -> memref<1x1024xf32, #tpu.memory_space<vmem>>
      %dma_start3A_1316 = tpu.memref_squeeze %dma_start3A_1315 : memref<1x1024xf32, #tpu.memory_space<vmem>> -> memref<1024xf32, #tpu.memory_space<vmem>>
      tpu.enqueue_dma source(%dma_start3A_1316 : memref<1024xf32, #tpu.memory_space<vmem>>) target(%dma_start3A_1313 : memref<1024xf32, #tpu.memory_space<hbm>>) target_semaphore(%arg16 : memref<!tpu.dma_semaphore, #tpu.memory_space<semaphore_mem>>)
      %add3A_1317 = arith.constant 4 : i32
      %add3A_1318 = arith.addi %add3A_1231, %add3A_1317 : i32
      %lt3A_1319 = arith.constant 800 : i32
      %lt3A_1320 = arith.cmpi slt, %add3A_1318, %lt3A_1319 : i32
      %convert_element_type3A_1321 = arith.extui %lt3A_1320 : i1 to i32
      %cond3A_1322 = arith.constant 0 : i32
      %cond3A_1323 = arith.cmpi ne, %convert_element_type3A_1321, %cond3A_1322 : i32
      scf.if %cond3A_1323 {
        %add3A_1606 = arith.constant 4 : i32
        %add3A_1607 = arith.addi %add3A_1231, %add3A_1606 : i32
        %add3A_1608 = arith.addi %mul3A_2, %add3A_1607 : i32
        %shift_right_logical3A_1609 = arith.constant 7 : i32
        %shift_right_logical3A_1610 = arith.shrui %add3A_1608, %shift_right_logical3A_1609 : i32
        %and3A_1611 = arith.constant 127 : i32
        %and3A_1612 = arith.andi %add3A_1608, %and3A_1611 : i32
        %shift_right_logical3A_1613 = arith.constant 3 : i32
        %shift_right_logical3A_1614 = arith.shrui %shift_right_logical3A_1610, %shift_right_logical3A_1613 : i32
        %and3A_1615 = arith.constant 7 : i32
        %and3A_1616 = arith.andi %shift_right_logical3A_1610, %and3A_1615 : i32
        %dma_start3A_1617 = arith.constant 0 : i32
        %dma_start3A_1618 = arith.constant 0 : i32
        %dma_start3A_1619 = tpu.memref_slice %arg5[%dma_start3A_1617, %dma_start3A_1618] : memref<4x128xi32, #tpu.memory_space<vmem>> -> memref<1x128xi32, #tpu.memory_space<vmem>>
        %dma_start3A_1620 = tpu.memref_squeeze %dma_start3A_1619 : memref<1x128xi32, #tpu.memory_space<vmem>> -> memref<128xi32, #tpu.memory_space<vmem>>
        %dma_start3A_1621 = arith.constant 0 : i32
        %dma_start3A_1622 = tpu.memref_slice %arg2[%shift_right_logical3A_1614, %and3A_1612, %and3A_1616, %dma_start3A_1621] : memref<25x128x8x128xi32, #tpu.memory_space<hbm>> -> memref<1x1x1x128xi32, #tpu.memory_space<hbm>>
        %dma_start3A_1623 = tpu.memref_squeeze %dma_start3A_1622 : memref<1x1x1x128xi32, #tpu.memory_space<hbm>> -> memref<128xi32, #tpu.memory_space<hbm>>
        %dma_start3A_1624 = arith.constant 0 : i32
        %dma_start3A_1625 = tpu.memref_slice %arg5[%dma_start3A_1617, %dma_start3A_1624] : memref<4x128xi32, #tpu.memory_space<vmem>> -> memref<1x128xi32, #tpu.memory_space<vmem>>
        %dma_start3A_1626 = tpu.memref_squeeze %dma_start3A_1625 : memref<1x128xi32, #tpu.memory_space<vmem>> -> memref<128xi32, #tpu.memory_space<vmem>>
        %dma_start3A_1627 = arith.constant 0 : i32
        %dma_start3A_1628 = tpu.memref_slice %arg2[%shift_right_logical3A_1614, %and3A_1612, %and3A_1616, %dma_start3A_1627] : memref<25x128x8x128xi32, #tpu.memory_space<hbm>> -> memref<1x1x1x128xi32, #tpu.memory_space<hbm>>
        %dma_start3A_1629 = tpu.memref_squeeze %dma_start3A_1628 : memref<1x1x1x128xi32, #tpu.memory_space<hbm>> -> memref<128xi32, #tpu.memory_space<hbm>>
        tpu.enqueue_dma source(%dma_start3A_1629 : memref<128xi32, #tpu.memory_space<hbm>>) target(%dma_start3A_1626 : memref<128xi32, #tpu.memory_space<vmem>>) target_semaphore(%arg8 : memref<!tpu.dma_semaphore, #tpu.memory_space<semaphore_mem>>)
      } else {
      }
      %dma_wait3A_1324 = arith.constant 2 : i32
      %dma_wait3A_1325 = arith.constant 0 : i32
      %dma_wait3A_1326 = arith.constant 0 : i32
      %dma_wait3A_1327 = arith.constant 0 : i32
      %dma_wait3A_1328 = arith.constant 0 : i32
      %dma_wait3A_1329 = tpu.memref_slice %arg7[%dma_wait3A_1324, %dma_wait3A_1328] : memref<4x4096xf32, #tpu.memory_space<vmem>> -> memref<1x1024xf32, #tpu.memory_space<vmem>>
      %dma_wait3A_1330 = tpu.memref_squeeze %dma_wait3A_1329 : memref<1x1024xf32, #tpu.memory_space<vmem>> -> memref<1024xf32, #tpu.memory_space<vmem>>
      %dma_wait3A_1331 = arith.constant 0 : i32
      %dma_wait3A_1332 = tpu.memref_slice %arg4[%dma_wait3A_1325, %dma_wait3A_1326, %dma_wait3A_1327, %dma_wait3A_1331] : memref<200x4x128x1024xf32, #tpu.memory_space<hbm>> -> memref<1x1x1x1024xf32, #tpu.memory_space<hbm>>
      %dma_wait3A_1333 = tpu.memref_squeeze %dma_wait3A_1332 : memref<1x1x1x1024xf32, #tpu.memory_space<hbm>> -> memref<1024xf32, #tpu.memory_space<hbm>>
      %dma_wait3A_1334 = arith.constant 0 : i32
      %dma_wait3A_1335 = tpu.memref_slice %arg4[%dma_wait3A_1325, %dma_wait3A_1326, %dma_wait3A_1327, %dma_wait3A_1334] : memref<200x4x128x1024xf32, #tpu.memory_space<hbm>> -> memref<1x1x1x1024xf32, #tpu.memory_space<hbm>>
      %dma_wait3A_1336 = tpu.memref_squeeze %dma_wait3A_1335 : memref<1x1x1x1024xf32, #tpu.memory_space<hbm>> -> memref<1024xf32, #tpu.memory_space<hbm>>
      %dma_wait3A_1337 = arith.constant 0 : i32
      %dma_wait3A_1338 = tpu.memref_slice %arg7[%dma_wait3A_1324, %dma_wait3A_1337] : memref<4x4096xf32, #tpu.memory_space<vmem>> -> memref<1x1024xf32, #tpu.memory_space<vmem>>
      %dma_wait3A_1339 = tpu.memref_squeeze %dma_wait3A_1338 : memref<1x1024xf32, #tpu.memory_space<vmem>> -> memref<1024xf32, #tpu.memory_space<vmem>>
      tpu.wait_dma2 semaphore(%arg18 : memref<!tpu.dma_semaphore, #tpu.memory_space<semaphore_mem>>) src(%dma_wait3A_1339 : memref<1024xf32, #tpu.memory_space<vmem>>) dst(%dma_wait3A_1336 : memref<1024xf32, #tpu.memory_space<hbm>>)
      %dma_wait3A_1340 = arith.constant 2 : i32
      %dma_wait3A_1341 = arith.constant 0 : i32
      %dma_wait3A_1342 = arith.constant 1 : i32
      %dma_wait3A_1343 = arith.constant 0 : i32
      %dma_wait3A_1344 = arith.constant 1024 : i32
      %dma_wait3A_1345 = tpu.memref_slice %arg7[%dma_wait3A_1340, %dma_wait3A_1344] : memref<4x4096xf32, #tpu.memory_space<vmem>> -> memref<1x1024xf32, #tpu.memory_space<vmem>>
      %dma_wait3A_1346 = tpu.memref_squeeze %dma_wait3A_1345 : memref<1x1024xf32, #tpu.memory_space<vmem>> -> memref<1024xf32, #tpu.memory_space<vmem>>
      %dma_wait3A_1347 = arith.constant 0 : i32
      %dma_wait3A_1348 = tpu.memref_slice %arg4[%dma_wait3A_1341, %dma_wait3A_1342, %dma_wait3A_1343, %dma_wait3A_1347] : memref<200x4x128x1024xf32, #tpu.memory_space<hbm>> -> memref<1x1x1x1024xf32, #tpu.memory_space<hbm>>
      %dma_wait3A_1349 = tpu.memref_squeeze %dma_wait3A_1348 : memref<1x1x1x1024xf32, #tpu.memory_space<hbm>> -> memref<1024xf32, #tpu.memory_space<hbm>>
      %dma_wait3A_1350 = arith.constant 0 : i32
      %dma_wait3A_1351 = tpu.memref_slice %arg4[%dma_wait3A_1341, %dma_wait3A_1342, %dma_wait3A_1343, %dma_wait3A_1350] : memref<200x4x128x1024xf32, #tpu.memory_space<hbm>> -> memref<1x1x1x1024xf32, #tpu.memory_space<hbm>>
      %dma_wait3A_1352 = tpu.memref_squeeze %dma_wait3A_1351 : memref<1x1x1x1024xf32, #tpu.memory_space<hbm>> -> memref<1024xf32, #tpu.memory_space<hbm>>
      %dma_wait3A_1353 = arith.constant 1024 : i32
      %dma_wait3A_1354 = tpu.memref_slice %arg7[%dma_wait3A_1340, %dma_wait3A_1353] : memref<4x4096xf32, #tpu.memory_space<vmem>> -> memref<1x1024xf32, #tpu.memory_space<vmem>>
      %dma_wait3A_1355 = tpu.memref_squeeze %dma_wait3A_1354 : memref<1x1024xf32, #tpu.memory_space<vmem>> -> memref<1024xf32, #tpu.memory_space<vmem>>
      tpu.wait_dma2 semaphore(%arg18 : memref<!tpu.dma_semaphore, #tpu.memory_space<semaphore_mem>>) src(%dma_wait3A_1355 : memref<1024xf32, #tpu.memory_space<vmem>>) dst(%dma_wait3A_1352 : memref<1024xf32, #tpu.memory_space<hbm>>)
      %dma_wait3A_1356 = arith.constant 2 : i32
      %dma_wait3A_1357 = arith.constant 0 : i32
      %dma_wait3A_1358 = arith.constant 2 : i32
      %dma_wait3A_1359 = arith.constant 0 : i32
      %dma_wait3A_1360 = arith.constant 2048 : i32
      %dma_wait3A_1361 = tpu.memref_slice %arg7[%dma_wait3A_1356, %dma_wait3A_1360] : memref<4x4096xf32, #tpu.memory_space<vmem>> -> memref<1x1024xf32, #tpu.memory_space<vmem>>
      %dma_wait3A_1362 = tpu.memref_squeeze %dma_wait3A_1361 : memref<1x1024xf32, #tpu.memory_space<vmem>> -> memref<1024xf32, #tpu.memory_space<vmem>>
      %dma_wait3A_1363 = arith.constant 0 : i32
      %dma_wait3A_1364 = tpu.memref_slice %arg4[%dma_wait3A_1357, %dma_wait3A_1358, %dma_wait3A_1359, %dma_wait3A_1363] : memref<200x4x128x1024xf32, #tpu.memory_space<hbm>> -> memref<1x1x1x1024xf32, #tpu.memory_space<hbm>>
      %dma_wait3A_1365 = tpu.memref_squeeze %dma_wait3A_1364 : memref<1x1x1x1024xf32, #tpu.memory_space<hbm>> -> memref<1024xf32, #tpu.memory_space<hbm>>
      %dma_wait3A_1366 = arith.constant 0 : i32
      %dma_wait3A_1367 = tpu.memref_slice %arg4[%dma_wait3A_1357, %dma_wait3A_1358, %dma_wait3A_1359, %dma_wait3A_1366] : memref<200x4x128x1024xf32, #tpu.memory_space<hbm>> -> memref<1x1x1x1024xf32, #tpu.memory_space<hbm>>
      %dma_wait3A_1368 = tpu.memref_squeeze %dma_wait3A_1367 : memref<1x1x1x1024xf32, #tpu.memory_space<hbm>> -> memref<1024xf32, #tpu.memory_space<hbm>>
      %dma_wait3A_1369 = arith.constant 2048 : i32
      %dma_wait3A_1370 = tpu.memref_slice %arg7[%dma_wait3A_1356, %dma_wait3A_1369] : memref<4x4096xf32, #tpu.memory_space<vmem>> -> memref<1x1024xf32, #tpu.memory_space<vmem>>
      %dma_wait3A_1371 = tpu.memref_squeeze %dma_wait3A_1370 : memref<1x1024xf32, #tpu.memory_space<vmem>> -> memref<1024xf32, #tpu.memory_space<vmem>>
      tpu.wait_dma2 semaphore(%arg18 : memref<!tpu.dma_semaphore, #tpu.memory_space<semaphore_mem>>) src(%dma_wait3A_1371 : memref<1024xf32, #tpu.memory_space<vmem>>) dst(%dma_wait3A_1368 : memref<1024xf32, #tpu.memory_space<hbm>>)
      %dma_wait3A_1372 = arith.constant 2 : i32
      %dma_wait3A_1373 = arith.constant 0 : i32
      %dma_wait3A_1374 = arith.constant 3 : i32
      %dma_wait3A_1375 = arith.constant 0 : i32
      %dma_wait3A_1376 = arith.constant 3072 : i32
      %dma_wait3A_1377 = tpu.memref_slice %arg7[%dma_wait3A_1372, %dma_wait3A_1376] : memref<4x4096xf32, #tpu.memory_space<vmem>> -> memref<1x1024xf32, #tpu.memory_space<vmem>>
      %dma_wait3A_1378 = tpu.memref_squeeze %dma_wait3A_1377 : memref<1x1024xf32, #tpu.memory_space<vmem>> -> memref<1024xf32, #tpu.memory_space<vmem>>
      %dma_wait3A_1379 = arith.constant 0 : i32
      %dma_wait3A_1380 = tpu.memref_slice %arg4[%dma_wait3A_1373, %dma_wait3A_1374, %dma_wait3A_1375, %dma_wait3A_1379] : memref<200x4x128x1024xf32, #tpu.memory_space<hbm>> -> memref<1x1x1x1024xf32, #tpu.memory_space<hbm>>
      %dma_wait3A_1381 = tpu.memref_squeeze %dma_wait3A_1380 : memref<1x1x1x1024xf32, #tpu.memory_space<hbm>> -> memref<1024xf32, #tpu.memory_space<hbm>>
      %dma_wait3A_1382 = arith.constant 0 : i32
      %dma_wait3A_1383 = tpu.memref_slice %arg4[%dma_wait3A_1373, %dma_wait3A_1374, %dma_wait3A_1375, %dma_wait3A_1382] : memref<200x4x128x1024xf32, #tpu.memory_space<hbm>> -> memref<1x1x1x1024xf32, #tpu.memory_space<hbm>>
      %dma_wait3A_1384 = tpu.memref_squeeze %dma_wait3A_1383 : memref<1x1x1x1024xf32, #tpu.memory_space<hbm>> -> memref<1024xf32, #tpu.memory_space<hbm>>
      %dma_wait3A_1385 = arith.constant 3072 : i32
      %dma_wait3A_1386 = tpu.memref_slice %arg7[%dma_wait3A_1372, %dma_wait3A_1385] : memref<4x4096xf32, #tpu.memory_space<vmem>> -> memref<1x1024xf32, #tpu.memory_space<vmem>>
      %dma_wait3A_1387 = tpu.memref_squeeze %dma_wait3A_1386 : memref<1x1024xf32, #tpu.memory_space<vmem>> -> memref<1024xf32, #tpu.memory_space<vmem>>
      tpu.wait_dma2 semaphore(%arg18 : memref<!tpu.dma_semaphore, #tpu.memory_space<semaphore_mem>>) src(%dma_wait3A_1387 : memref<1024xf32, #tpu.memory_space<vmem>>) dst(%dma_wait3A_1384 : memref<1024xf32, #tpu.memory_space<hbm>>)
      %dma_wait3A_1388 = arith.constant 0 : i32
      %dma_wait3A_1389 = arith.constant 0 : i32
      %dma_wait3A_1390 = arith.constant 0 : i32
      %dma_wait3A_1391 = arith.constant 2 : i32
      %dma_wait3A_1392 = arith.constant 0 : i32
      %dma_wait3A_1393 = tpu.memref_slice %arg5[%dma_wait3A_1391, %dma_wait3A_1392] : memref<4x128xi32, #tpu.memory_space<vmem>> -> memref<1x128xi32, #tpu.memory_space<vmem>>
      %dma_wait3A_1394 = tpu.memref_squeeze %dma_wait3A_1393 : memref<1x128xi32, #tpu.memory_space<vmem>> -> memref<128xi32, #tpu.memory_space<vmem>>
      %dma_wait3A_1395 = arith.constant 0 : i32
      %dma_wait3A_1396 = tpu.memref_slice %arg2[%dma_wait3A_1388, %dma_wait3A_1389, %dma_wait3A_1390, %dma_wait3A_1395] : memref<25x128x8x128xi32, #tpu.memory_space<hbm>> -> memref<1x1x1x128xi32, #tpu.memory_space<hbm>>
      %dma_wait3A_1397 = tpu.memref_squeeze %dma_wait3A_1396 : memref<1x1x1x128xi32, #tpu.memory_space<hbm>> -> memref<128xi32, #tpu.memory_space<hbm>>
      %dma_wait3A_1398 = arith.constant 0 : i32
      %dma_wait3A_1399 = tpu.memref_slice %arg5[%dma_wait3A_1391, %dma_wait3A_1398] : memref<4x128xi32, #tpu.memory_space<vmem>> -> memref<1x128xi32, #tpu.memory_space<vmem>>
      %dma_wait3A_1400 = tpu.memref_squeeze %dma_wait3A_1399 : memref<1x128xi32, #tpu.memory_space<vmem>> -> memref<128xi32, #tpu.memory_space<vmem>>
      %dma_wait3A_1401 = arith.constant 0 : i32
      %dma_wait3A_1402 = tpu.memref_slice %arg2[%dma_wait3A_1388, %dma_wait3A_1389, %dma_wait3A_1390, %dma_wait3A_1401] : memref<25x128x8x128xi32, #tpu.memory_space<hbm>> -> memref<1x1x1x128xi32, #tpu.memory_space<hbm>>
      %dma_wait3A_1403 = tpu.memref_squeeze %dma_wait3A_1402 : memref<1x1x1x128xi32, #tpu.memory_space<hbm>> -> memref<128xi32, #tpu.memory_space<hbm>>
      tpu.wait_dma2 semaphore(%arg10 : memref<!tpu.dma_semaphore, #tpu.memory_space<semaphore_mem>>) src(%dma_wait3A_1403 : memref<128xi32, #tpu.memory_space<hbm>>) dst(%dma_wait3A_1400 : memref<128xi32, #tpu.memory_space<vmem>>)
      %add3A_1404 = arith.constant 2 : i32
      %add3A_1405 = arith.addi %add3A_1231, %add3A_1404 : i32
      %dma_start3A_1406 = arith.constant 2 : i32
      %dma_start3A_1407 = arith.constant 2 : i32
      %dma_start3A_1408 = arith.constant 0 : i32
      %dma_start3A_1409 = arith.constant 0 : i32
      %dma_start3A_1410 = tpu.memref_slice %arg6[%dma_start3A_1407, %dma_start3A_1408, %dma_start3A_1409] : memref<4x128x32xf32, #tpu.memory_space<vmem>> -> memref<1x128x32xf32, #tpu.memory_space<vmem>>
      %dma_start3A_1411 = tpu.memref_squeeze %dma_start3A_1410 : memref<1x128x32xf32, #tpu.memory_space<vmem>> -> memref<128x32xf32, #tpu.memory_space<vmem>>
      %dma_start3A_1412 = arith.constant 0 : i32
      %dma_start3A_1413 = tpu.memref_slice %arg5[%dma_start3A_1406, %dma_start3A_1412] : memref<4x128xi32, #tpu.memory_space<vmem>> -> memref<1x128xi32, #tpu.memory_space<vmem>>
      %dma_start3A_1414 = tpu.memref_squeeze %dma_start3A_1413 : memref<1x128xi32, #tpu.memory_space<vmem>> -> memref<128xi32, #tpu.memory_space<vmem>>
      %dma_start3A_1415 = arith.constant 0 : i32
      %dma_start3A_1416 = arith.constant 0 : i32
      %dma_start3A_1417 = tpu.memref_slice %arg3[%dma_start3A_1415, %dma_start3A_1416] : memref<1000000x32xf32, #tpu.memory_space<hbm>> -> memref<1000000x32xf32, #tpu.memory_space<hbm>>
      tpu.enqueue_indirect_dma source(%dma_start3A_1417 : memref<1000000x32xf32, #tpu.memory_space<hbm>>) target(%dma_start3A_1411 : memref<128x32xf32, #tpu.memory_space<vmem>>) offsets(%dma_start3A_1414 : memref<128xi32, #tpu.memory_space<vmem>>) semaphore(%arg14 : memref<!tpu.dma_semaphore, #tpu.memory_space<semaphore_mem>>)
      %add3A_1418 = arith.constant 3 : i32
      %add3A_1419 = arith.addi %add3A_856, %add3A_1418 : i32
      %dma_wait3A_1420 = arith.constant 1 : i32
      %dma_wait3A_1421 = arith.constant 0 : i32
      %dma_wait3A_1422 = arith.constant 0 : i32
      %dma_wait3A_1423 = tpu.memref_slice %arg6[%dma_wait3A_1420, %dma_wait3A_1421, %dma_wait3A_1422] : memref<4x128x32xf32, #tpu.memory_space<vmem>> -> memref<1x128x32xf32, #tpu.memory_space<vmem>>
      %dma_wait3A_1424 = tpu.memref_squeeze %dma_wait3A_1423 : memref<1x128x32xf32, #tpu.memory_space<vmem>> -> memref<128x32xf32, #tpu.memory_space<vmem>>
      %dma_wait3A_1425 = arith.constant 0 : i32
      %dma_wait3A_1426 = arith.constant 0 : i32
      %dma_wait3A_1427 = tpu.memref_slice %arg3[%dma_wait3A_1425, %dma_wait3A_1426] : memref<1000000x32xf32, #tpu.memory_space<hbm>> -> memref<128x32xf32, #tpu.memory_space<hbm>>
      %dma_wait3A_1428 = arith.constant 0 : i32
      %dma_wait3A_1429 = arith.constant 0 : i32
      %dma_wait3A_1430 = tpu.memref_slice %arg6[%dma_wait3A_1420, %dma_wait3A_1428, %dma_wait3A_1429] : memref<4x128x32xf32, #tpu.memory_space<vmem>> -> memref<1x128x32xf32, #tpu.memory_space<vmem>>
      %dma_wait3A_1431 = tpu.memref_squeeze %dma_wait3A_1430 : memref<1x128x32xf32, #tpu.memory_space<vmem>> -> memref<128x32xf32, #tpu.memory_space<vmem>>
      %dma_wait3A_1432 = arith.constant 0 : i32
      %dma_wait3A_1433 = arith.constant 0 : i32
      %dma_wait3A_1434 = tpu.memref_slice %arg3[%dma_wait3A_1432, %dma_wait3A_1433] : memref<1000000x32xf32, #tpu.memory_space<hbm>> -> memref<128x32xf32, #tpu.memory_space<hbm>>
      tpu.wait_dma2 semaphore(%arg13 : memref<!tpu.dma_semaphore, #tpu.memory_space<semaphore_mem>>) src(%dma_wait3A_1434 : memref<128x32xf32, #tpu.memory_space<hbm>>) dst(%dma_wait3A_1431 : memref<128x32xf32, #tpu.memory_space<vmem>>)
      %iota3A_1435 = tpu.iota {dimensions = array<i32: 0>} : vector<16xi32>
      %parallel_loop3A_1436 = arith.constant 0 : i32
      %parallel_loop3A_1437 = arith.constant 256 : i32
      %parallel_loop3A_1438 = arith.constant 1 : i32
      %parallel_loop3A_1439 = arith.constant 1 : i32
      scf.for %parallel_loop3A_1606 = %parallel_loop3A_1436 to %parallel_loop3A_1437 step %parallel_loop3A_1438  : i32 {
        %parallel_loop3A_1607 = arith.constant 3 : i32
        %parallel_loop3A_1608 = arith.shrui %parallel_loop3A_1606, %parallel_loop3A_1607 : i32
        %parallel_loop3A_1609 = arith.constant 7 : i32
        %parallel_loop3A_1610 = arith.andi %parallel_loop3A_1606, %parallel_loop3A_1609 : i32
        %parallel_loop3A_1611 = arith.constant 16 : i32
        %parallel_loop3A_1612 = arith.muli %parallel_loop3A_1610, %parallel_loop3A_1611 : i32
        %parallel_loop3A_1613 = vector.broadcast %parallel_loop3A_1608 : i32 to vector<16xi32>
        %parallel_loop3A_1614 = arith.addi %parallel_loop3A_1613, %iota3A_1435 : vector<16xi32>
        %parallel_loop3A_1615 = arith.constant 31 : i32
        %parallel_loop3A_1616 = vector.broadcast %parallel_loop3A_1615 : i32 to vector<16xi32>
        %parallel_loop3A_1617 = arith.andi %parallel_loop3A_1614, %parallel_loop3A_1616 : vector<16xi32>
        %parallel_loop3A_1618 = vector.broadcast %parallel_loop3A_1612 : i32 to vector<16xi32>
        %parallel_loop3A_1619 = arith.addi %iota3A_1435, %parallel_loop3A_1618 : vector<16xi32>
        %parallel_loop3A_1620 = arith.constant 0 : i32
        %parallel_loop3A_1621 = arith.constant 0 : i32
        %parallel_loop3A_1622 = tpu.memref_slice %arg6[%parallel_loop3A_1439, %parallel_loop3A_1620, %parallel_loop3A_1621] : memref<4x128x32xf32, #tpu.memory_space<vmem>> -> memref<1x128x32xf32, #tpu.memory_space<vmem>>
        %parallel_loop3A_1623 = tpu.memref_squeeze %parallel_loop3A_1622 : memref<1x128x32xf32, #tpu.memory_space<vmem>> -> memref<128x32xf32, #tpu.memory_space<vmem>>
        %parallel_loop3A_1624 = tpu.vector_load_idx %parallel_loop3A_1623[%parallel_loop3A_1619, %parallel_loop3A_1617] : memref<128x32xf32, #tpu.memory_space<vmem>>[vector<16xi32>, vector<16xi32>], vector<16xf32>,
        %parallel_loop3A_1625 = arith.constant 128 : i32
        %parallel_loop3A_1626 = vector.broadcast %parallel_loop3A_1625 : i32 to vector<16xi32>
        %parallel_loop3A_1627 = arith.muli %parallel_loop3A_1617, %parallel_loop3A_1626 : vector<16xi32>
        %parallel_loop3A_1628 = vector.broadcast %parallel_loop3A_1612 : i32 to vector<16xi32>
        %parallel_loop3A_1629 = arith.addi %parallel_loop3A_1627, %parallel_loop3A_1628 : vector<16xi32>
        %parallel_loop3A_1630 = arith.addi %parallel_loop3A_1629, %iota3A_1435 : vector<16xi32>
        %parallel_loop3A_1631 = arith.constant 1 : i32
        %parallel_loop3A_1632 = arith.constant 0 : i32
        %parallel_loop3A_1633 = tpu.memref_slice %arg7[%parallel_loop3A_1631, %parallel_loop3A_1632] : memref<4x4096xf32, #tpu.memory_space<vmem>> -> memref<1x4096xf32, #tpu.memory_space<vmem>>
        %parallel_loop3A_1634 = tpu.memref_squeeze %parallel_loop3A_1633 : memref<1x4096xf32, #tpu.memory_space<vmem>> -> memref<4096xf32, #tpu.memory_space<vmem>>
        tpu.vector_store_idx %parallel_loop3A_1634[%parallel_loop3A_1630], %parallel_loop3A_1624 : memref<4096xf32, #tpu.memory_space<vmem>>[vector<16xi32>], vector<16xf32>,
      } {sc.loop_unroll_factor = 16 : i64, sc.parallel_access}
      %add3A_1440 = arith.addi %mul3A_2, %add3A_1419 : i32
      %shift_right_logical3A_1441 = arith.constant 7 : i32
      %shift_right_logical3A_1442 = arith.shrui %add3A_1440, %shift_right_logical3A_1441 : i32
      %and3A_1443 = arith.constant 127 : i32
      %and3A_1444 = arith.andi %add3A_1440, %and3A_1443 : i32
      %shift_right_logical3A_1445 = arith.constant 3 : i32
      %shift_right_logical3A_1446 = arith.shrui %shift_right_logical3A_1442, %shift_right_logical3A_1445 : i32
      %and3A_1447 = arith.constant 7 : i32
      %and3A_1448 = arith.andi %shift_right_logical3A_1442, %and3A_1447 : i32
      %dma_start3A_1449 = arith.constant 1 : i32
      %dma_start3A_1450 = arith.constant 0 : i32
      %dma_start3A_1451 = arith.constant 0 : i32
      %dma_start3A_1452 = tpu.memref_slice %arg7[%dma_start3A_1449, %dma_start3A_1451] : memref<4x4096xf32, #tpu.memory_space<vmem>> -> memref<1x1024xf32, #tpu.memory_space<vmem>>
      %dma_start3A_1453 = tpu.memref_squeeze %dma_start3A_1452 : memref<1x1024xf32, #tpu.memory_space<vmem>> -> memref<1024xf32, #tpu.memory_space<vmem>>
      %dma_start3A_1454 = arith.constant 0 : i32
      %dma_start3A_1455 = tpu.memref_slice %arg4[%shift_right_logical3A_1442, %dma_start3A_1450, %and3A_1444, %dma_start3A_1454] : memref<200x4x128x1024xf32, #tpu.memory_space<hbm>> -> memref<1x1x1x1024xf32, #tpu.memory_space<hbm>>
      %dma_start3A_1456 = tpu.memref_squeeze %dma_start3A_1455 : memref<1x1x1x1024xf32, #tpu.memory_space<hbm>> -> memref<1024xf32, #tpu.memory_space<hbm>>
      %dma_start3A_1457 = arith.constant 0 : i32
      %dma_start3A_1458 = tpu.memref_slice %arg4[%shift_right_logical3A_1442, %dma_start3A_1450, %and3A_1444, %dma_start3A_1457] : memref<200x4x128x1024xf32, #tpu.memory_space<hbm>> -> memref<1x1x1x1024xf32, #tpu.memory_space<hbm>>
      %dma_start3A_1459 = tpu.memref_squeeze %dma_start3A_1458 : memref<1x1x1x1024xf32, #tpu.memory_space<hbm>> -> memref<1024xf32, #tpu.memory_space<hbm>>
      %dma_start3A_1460 = arith.constant 0 : i32
      %dma_start3A_1461 = tpu.memref_slice %arg7[%dma_start3A_1449, %dma_start3A_1460] : memref<4x4096xf32, #tpu.memory_space<vmem>> -> memref<1x1024xf32, #tpu.memory_space<vmem>>
      %dma_start3A_1462 = tpu.memref_squeeze %dma_start3A_1461 : memref<1x1024xf32, #tpu.memory_space<vmem>> -> memref<1024xf32, #tpu.memory_space<vmem>>
      tpu.enqueue_dma source(%dma_start3A_1462 : memref<1024xf32, #tpu.memory_space<vmem>>) target(%dma_start3A_1459 : memref<1024xf32, #tpu.memory_space<hbm>>) target_semaphore(%arg17 : memref<!tpu.dma_semaphore, #tpu.memory_space<semaphore_mem>>)
      %dma_start3A_1463 = arith.constant 1 : i32
      %dma_start3A_1464 = arith.constant 1 : i32
      %dma_start3A_1465 = arith.constant 1024 : i32
      %dma_start3A_1466 = tpu.memref_slice %arg7[%dma_start3A_1463, %dma_start3A_1465] : memref<4x4096xf32, #tpu.memory_space<vmem>> -> memref<1x1024xf32, #tpu.memory_space<vmem>>
      %dma_start3A_1467 = tpu.memref_squeeze %dma_start3A_1466 : memref<1x1024xf32, #tpu.memory_space<vmem>> -> memref<1024xf32, #tpu.memory_space<vmem>>
      %dma_start3A_1468 = arith.constant 0 : i32
      %dma_start3A_1469 = tpu.memref_slice %arg4[%shift_right_logical3A_1442, %dma_start3A_1464, %and3A_1444, %dma_start3A_1468] : memref<200x4x128x1024xf32, #tpu.memory_space<hbm>> -> memref<1x1x1x1024xf32, #tpu.memory_space<hbm>>
      %dma_start3A_1470 = tpu.memref_squeeze %dma_start3A_1469 : memref<1x1x1x1024xf32, #tpu.memory_space<hbm>> -> memref<1024xf32, #tpu.memory_space<hbm>>
      %dma_start3A_1471 = arith.constant 0 : i32
      %dma_start3A_1472 = tpu.memref_slice %arg4[%shift_right_logical3A_1442, %dma_start3A_1464, %and3A_1444, %dma_start3A_1471] : memref<200x4x128x1024xf32, #tpu.memory_space<hbm>> -> memref<1x1x1x1024xf32, #tpu.memory_space<hbm>>
      %dma_start3A_1473 = tpu.memref_squeeze %dma_start3A_1472 : memref<1x1x1x1024xf32, #tpu.memory_space<hbm>> -> memref<1024xf32, #tpu.memory_space<hbm>>
      %dma_start3A_1474 = arith.constant 1024 : i32
      %dma_start3A_1475 = tpu.memref_slice %arg7[%dma_start3A_1463, %dma_start3A_1474] : memref<4x4096xf32, #tpu.memory_space<vmem>> -> memref<1x1024xf32, #tpu.memory_space<vmem>>
      %dma_start3A_1476 = tpu.memref_squeeze %dma_start3A_1475 : memref<1x1024xf32, #tpu.memory_space<vmem>> -> memref<1024xf32, #tpu.memory_space<vmem>>
      tpu.enqueue_dma source(%dma_start3A_1476 : memref<1024xf32, #tpu.memory_space<vmem>>) target(%dma_start3A_1473 : memref<1024xf32, #tpu.memory_space<hbm>>) target_semaphore(%arg17 : memref<!tpu.dma_semaphore, #tpu.memory_space<semaphore_mem>>)
      %dma_start3A_1477 = arith.constant 1 : i32
      %dma_start3A_1478 = arith.constant 2 : i32
      %dma_start3A_1479 = arith.constant 2048 : i32
      %dma_start3A_1480 = tpu.memref_slice %arg7[%dma_start3A_1477, %dma_start3A_1479] : memref<4x4096xf32, #tpu.memory_space<vmem>> -> memref<1x1024xf32, #tpu.memory_space<vmem>>
      %dma_start3A_1481 = tpu.memref_squeeze %dma_start3A_1480 : memref<1x1024xf32, #tpu.memory_space<vmem>> -> memref<1024xf32, #tpu.memory_space<vmem>>
      %dma_start3A_1482 = arith.constant 0 : i32
      %dma_start3A_1483 = tpu.memref_slice %arg4[%shift_right_logical3A_1442, %dma_start3A_1478, %and3A_1444, %dma_start3A_1482] : memref<200x4x128x1024xf32, #tpu.memory_space<hbm>> -> memref<1x1x1x1024xf32, #tpu.memory_space<hbm>>
      %dma_start3A_1484 = tpu.memref_squeeze %dma_start3A_1483 : memref<1x1x1x1024xf32, #tpu.memory_space<hbm>> -> memref<1024xf32, #tpu.memory_space<hbm>>
      %dma_start3A_1485 = arith.constant 0 : i32
      %dma_start3A_1486 = tpu.memref_slice %arg4[%shift_right_logical3A_1442, %dma_start3A_1478, %and3A_1444, %dma_start3A_1485] : memref<200x4x128x1024xf32, #tpu.memory_space<hbm>> -> memref<1x1x1x1024xf32, #tpu.memory_space<hbm>>
      %dma_start3A_1487 = tpu.memref_squeeze %dma_start3A_1486 : memref<1x1x1x1024xf32, #tpu.memory_space<hbm>> -> memref<1024xf32, #tpu.memory_space<hbm>>
      %dma_start3A_1488 = arith.constant 2048 : i32
      %dma_start3A_1489 = tpu.memref_slice %arg7[%dma_start3A_1477, %dma_start3A_1488] : memref<4x4096xf32, #tpu.memory_space<vmem>> -> memref<1x1024xf32, #tpu.memory_space<vmem>>
      %dma_start3A_1490 = tpu.memref_squeeze %dma_start3A_1489 : memref<1x1024xf32, #tpu.memory_space<vmem>> -> memref<1024xf32, #tpu.memory_space<vmem>>
      tpu.enqueue_dma source(%dma_start3A_1490 : memref<1024xf32, #tpu.memory_space<vmem>>) target(%dma_start3A_1487 : memref<1024xf32, #tpu.memory_space<hbm>>) target_semaphore(%arg17 : memref<!tpu.dma_semaphore, #tpu.memory_space<semaphore_mem>>)
      %dma_start3A_1491 = arith.constant 1 : i32
      %dma_start3A_1492 = arith.constant 3 : i32
      %dma_start3A_1493 = arith.constant 3072 : i32
      %dma_start3A_1494 = tpu.memref_slice %arg7[%dma_start3A_1491, %dma_start3A_1493] : memref<4x4096xf32, #tpu.memory_space<vmem>> -> memref<1x1024xf32, #tpu.memory_space<vmem>>
      %dma_start3A_1495 = tpu.memref_squeeze %dma_start3A_1494 : memref<1x1024xf32, #tpu.memory_space<vmem>> -> memref<1024xf32, #tpu.memory_space<vmem>>
      %dma_start3A_1496 = arith.constant 0 : i32
      %dma_start3A_1497 = tpu.memref_slice %arg4[%shift_right_logical3A_1442, %dma_start3A_1492, %and3A_1444, %dma_start3A_1496] : memref<200x4x128x1024xf32, #tpu.memory_space<hbm>> -> memref<1x1x1x1024xf32, #tpu.memory_space<hbm>>
      %dma_start3A_1498 = tpu.memref_squeeze %dma_start3A_1497 : memref<1x1x1x1024xf32, #tpu.memory_space<hbm>> -> memref<1024xf32, #tpu.memory_space<hbm>>
      %dma_start3A_1499 = arith.constant 0 : i32
      %dma_start3A_1500 = tpu.memref_slice %arg4[%shift_right_logical3A_1442, %dma_start3A_1492, %and3A_1444, %dma_start3A_1499] : memref<200x4x128x1024xf32, #tpu.memory_space<hbm>> -> memref<1x1x1x1024xf32, #tpu.memory_space<hbm>>
      %dma_start3A_1501 = tpu.memref_squeeze %dma_start3A_1500 : memref<1x1x1x1024xf32, #tpu.memory_space<hbm>> -> memref<1024xf32, #tpu.memory_space<hbm>>
      %dma_start3A_1502 = arith.constant 3072 : i32
      %dma_start3A_1503 = tpu.memref_slice %arg7[%dma_start3A_1491, %dma_start3A_1502] : memref<4x4096xf32, #tpu.memory_space<vmem>> -> memref<1x1024xf32, #tpu.memory_space<vmem>>
      %dma_start3A_1504 = tpu.memref_squeeze %dma_start3A_1503 : memref<1x1024xf32, #tpu.memory_space<vmem>> -> memref<1024xf32, #tpu.memory_space<vmem>>
      tpu.enqueue_dma source(%dma_start3A_1504 : memref<1024xf32, #tpu.memory_space<vmem>>) target(%dma_start3A_1501 : memref<1024xf32, #tpu.memory_space<hbm>>) target_semaphore(%arg17 : memref<!tpu.dma_semaphore, #tpu.memory_space<semaphore_mem>>)
      %add3A_1505 = arith.constant 4 : i32
      %add3A_1506 = arith.addi %add3A_1419, %add3A_1505 : i32
      %lt3A_1507 = arith.constant 800 : i32
      %lt3A_1508 = arith.cmpi slt, %add3A_1506, %lt3A_1507 : i32
      %convert_element_type3A_1509 = arith.extui %lt3A_1508 : i1 to i32
      %cond3A_1510 = arith.constant 0 : i32
      %cond3A_1511 = arith.cmpi ne, %convert_element_type3A_1509, %cond3A_1510 : i32
      scf.if %cond3A_1511 {
        %add3A_1606 = arith.constant 4 : i32
        %add3A_1607 = arith.addi %add3A_1419, %add3A_1606 : i32
        %add3A_1608 = arith.addi %mul3A_2, %add3A_1607 : i32
        %shift_right_logical3A_1609 = arith.constant 7 : i32
        %shift_right_logical3A_1610 = arith.shrui %add3A_1608, %shift_right_logical3A_1609 : i32
        %and3A_1611 = arith.constant 127 : i32
        %and3A_1612 = arith.andi %add3A_1608, %and3A_1611 : i32
        %shift_right_logical3A_1613 = arith.constant 3 : i32
        %shift_right_logical3A_1614 = arith.shrui %shift_right_logical3A_1610, %shift_right_logical3A_1613 : i32
        %and3A_1615 = arith.constant 7 : i32
        %and3A_1616 = arith.andi %shift_right_logical3A_1610, %and3A_1615 : i32
        %dma_start3A_1617 = arith.constant 1 : i32
        %dma_start3A_1618 = arith.constant 0 : i32
        %dma_start3A_1619 = tpu.memref_slice %arg5[%dma_start3A_1617, %dma_start3A_1618] : memref<4x128xi32, #tpu.memory_space<vmem>> -> memref<1x128xi32, #tpu.memory_space<vmem>>
        %dma_start3A_1620 = tpu.memref_squeeze %dma_start3A_1619 : memref<1x128xi32, #tpu.memory_space<vmem>> -> memref<128xi32, #tpu.memory_space<vmem>>
        %dma_start3A_1621 = arith.constant 0 : i32
        %dma_start3A_1622 = tpu.memref_slice %arg2[%shift_right_logical3A_1614, %and3A_1612, %and3A_1616, %dma_start3A_1621] : memref<25x128x8x128xi32, #tpu.memory_space<hbm>> -> memref<1x1x1x128xi32, #tpu.memory_space<hbm>>
        %dma_start3A_1623 = tpu.memref_squeeze %dma_start3A_1622 : memref<1x1x1x128xi32, #tpu.memory_space<hbm>> -> memref<128xi32, #tpu.memory_space<hbm>>
        %dma_start3A_1624 = arith.constant 0 : i32
        %dma_start3A_1625 = tpu.memref_slice %arg5[%dma_start3A_1617, %dma_start3A_1624] : memref<4x128xi32, #tpu.memory_space<vmem>> -> memref<1x128xi32, #tpu.memory_space<vmem>>
        %dma_start3A_1626 = tpu.memref_squeeze %dma_start3A_1625 : memref<1x128xi32, #tpu.memory_space<vmem>> -> memref<128xi32, #tpu.memory_space<vmem>>
        %dma_start3A_1627 = arith.constant 0 : i32
        %dma_start3A_1628 = tpu.memref_slice %arg2[%shift_right_logical3A_1614, %and3A_1612, %and3A_1616, %dma_start3A_1627] : memref<25x128x8x128xi32, #tpu.memory_space<hbm>> -> memref<1x1x1x128xi32, #tpu.memory_space<hbm>>
        %dma_start3A_1629 = tpu.memref_squeeze %dma_start3A_1628 : memref<1x1x1x128xi32, #tpu.memory_space<hbm>> -> memref<128xi32, #tpu.memory_space<hbm>>
        tpu.enqueue_dma source(%dma_start3A_1629 : memref<128xi32, #tpu.memory_space<hbm>>) target(%dma_start3A_1626 : memref<128xi32, #tpu.memory_space<vmem>>) target_semaphore(%arg9 : memref<!tpu.dma_semaphore, #tpu.memory_space<semaphore_mem>>)
      } else {
      }
      %dma_wait3A_1512 = arith.constant 3 : i32
      %dma_wait3A_1513 = arith.constant 0 : i32
      %dma_wait3A_1514 = arith.constant 0 : i32
      %dma_wait3A_1515 = arith.constant 0 : i32
      %dma_wait3A_1516 = arith.constant 0 : i32
      %dma_wait3A_1517 = tpu.memref_slice %arg7[%dma_wait3A_1512, %dma_wait3A_1516] : memref<4x4096xf32, #tpu.memory_space<vmem>> -> memref<1x1024xf32, #tpu.memory_space<vmem>>
      %dma_wait3A_1518 = tpu.memref_squeeze %dma_wait3A_1517 : memref<1x1024xf32, #tpu.memory_space<vmem>> -> memref<1024xf32, #tpu.memory_space<vmem>>
      %dma_wait3A_1519 = arith.constant 0 : i32
      %dma_wait3A_1520 = tpu.memref_slice %arg4[%dma_wait3A_1513, %dma_wait3A_1514, %dma_wait3A_1515, %dma_wait3A_1519] : memref<200x4x128x1024xf32, #tpu.memory_space<hbm>> -> memref<1x1x1x1024xf32, #tpu.memory_space<hbm>>
      %dma_wait3A_1521 = tpu.memref_squeeze %dma_wait3A_1520 : memref<1x1x1x1024xf32, #tpu.memory_space<hbm>> -> memref<1024xf32, #tpu.memory_space<hbm>>
      %dma_wait3A_1522 = arith.constant 0 : i32
      %dma_wait3A_1523 = tpu.memref_slice %arg4[%dma_wait3A_1513, %dma_wait3A_1514, %dma_wait3A_1515, %dma_wait3A_1522] : memref<200x4x128x1024xf32, #tpu.memory_space<hbm>> -> memref<1x1x1x1024xf32, #tpu.memory_space<hbm>>
      %dma_wait3A_1524 = tpu.memref_squeeze %dma_wait3A_1523 : memref<1x1x1x1024xf32, #tpu.memory_space<hbm>> -> memref<1024xf32, #tpu.memory_space<hbm>>
      %dma_wait3A_1525 = arith.constant 0 : i32
      %dma_wait3A_1526 = tpu.memref_slice %arg7[%dma_wait3A_1512, %dma_wait3A_1525] : memref<4x4096xf32, #tpu.memory_space<vmem>> -> memref<1x1024xf32, #tpu.memory_space<vmem>>
      %dma_wait3A_1527 = tpu.memref_squeeze %dma_wait3A_1526 : memref<1x1024xf32, #tpu.memory_space<vmem>> -> memref<1024xf32, #tpu.memory_space<vmem>>
      tpu.wait_dma2 semaphore(%arg19 : memref<!tpu.dma_semaphore, #tpu.memory_space<semaphore_mem>>) src(%dma_wait3A_1527 : memref<1024xf32, #tpu.memory_space<vmem>>) dst(%dma_wait3A_1524 : memref<1024xf32, #tpu.memory_space<hbm>>)
      %dma_wait3A_1528 = arith.constant 3 : i32
      %dma_wait3A_1529 = arith.constant 0 : i32
      %dma_wait3A_1530 = arith.constant 1 : i32
      %dma_wait3A_1531 = arith.constant 0 : i32
      %dma_wait3A_1532 = arith.constant 1024 : i32
      %dma_wait3A_1533 = tpu.memref_slice %arg7[%dma_wait3A_1528, %dma_wait3A_1532] : memref<4x4096xf32, #tpu.memory_space<vmem>> -> memref<1x1024xf32, #tpu.memory_space<vmem>>
      %dma_wait3A_1534 = tpu.memref_squeeze %dma_wait3A_1533 : memref<1x1024xf32, #tpu.memory_space<vmem>> -> memref<1024xf32, #tpu.memory_space<vmem>>
      %dma_wait3A_1535 = arith.constant 0 : i32
      %dma_wait3A_1536 = tpu.memref_slice %arg4[%dma_wait3A_1529, %dma_wait3A_1530, %dma_wait3A_1531, %dma_wait3A_1535] : memref<200x4x128x1024xf32, #tpu.memory_space<hbm>> -> memref<1x1x1x1024xf32, #tpu.memory_space<hbm>>
      %dma_wait3A_1537 = tpu.memref_squeeze %dma_wait3A_1536 : memref<1x1x1x1024xf32, #tpu.memory_space<hbm>> -> memref<1024xf32, #tpu.memory_space<hbm>>
      %dma_wait3A_1538 = arith.constant 0 : i32
      %dma_wait3A_1539 = tpu.memref_slice %arg4[%dma_wait3A_1529, %dma_wait3A_1530, %dma_wait3A_1531, %dma_wait3A_1538] : memref<200x4x128x1024xf32, #tpu.memory_space<hbm>> -> memref<1x1x1x1024xf32, #tpu.memory_space<hbm>>
      %dma_wait3A_1540 = tpu.memref_squeeze %dma_wait3A_1539 : memref<1x1x1x1024xf32, #tpu.memory_space<hbm>> -> memref<1024xf32, #tpu.memory_space<hbm>>
      %dma_wait3A_1541 = arith.constant 1024 : i32
      %dma_wait3A_1542 = tpu.memref_slice %arg7[%dma_wait3A_1528, %dma_wait3A_1541] : memref<4x4096xf32, #tpu.memory_space<vmem>> -> memref<1x1024xf32, #tpu.memory_space<vmem>>
      %dma_wait3A_1543 = tpu.memref_squeeze %dma_wait3A_1542 : memref<1x1024xf32, #tpu.memory_space<vmem>> -> memref<1024xf32, #tpu.memory_space<vmem>>
      tpu.wait_dma2 semaphore(%arg19 : memref<!tpu.dma_semaphore, #tpu.memory_space<semaphore_mem>>) src(%dma_wait3A_1543 : memref<1024xf32, #tpu.memory_space<vmem>>) dst(%dma_wait3A_1540 : memref<1024xf32, #tpu.memory_space<hbm>>)
      %dma_wait3A_1544 = arith.constant 3 : i32
      %dma_wait3A_1545 = arith.constant 0 : i32
      %dma_wait3A_1546 = arith.constant 2 : i32
      %dma_wait3A_1547 = arith.constant 0 : i32
      %dma_wait3A_1548 = arith.constant 2048 : i32
      %dma_wait3A_1549 = tpu.memref_slice %arg7[%dma_wait3A_1544, %dma_wait3A_1548] : memref<4x4096xf32, #tpu.memory_space<vmem>> -> memref<1x1024xf32, #tpu.memory_space<vmem>>
      %dma_wait3A_1550 = tpu.memref_squeeze %dma_wait3A_1549 : memref<1x1024xf32, #tpu.memory_space<vmem>> -> memref<1024xf32, #tpu.memory_space<vmem>>
      %dma_wait3A_1551 = arith.constant 0 : i32
      %dma_wait3A_1552 = tpu.memref_slice %arg4[%dma_wait3A_1545, %dma_wait3A_1546, %dma_wait3A_1547, %dma_wait3A_1551] : memref<200x4x128x1024xf32, #tpu.memory_space<hbm>> -> memref<1x1x1x1024xf32, #tpu.memory_space<hbm>>
      %dma_wait3A_1553 = tpu.memref_squeeze %dma_wait3A_1552 : memref<1x1x1x1024xf32, #tpu.memory_space<hbm>> -> memref<1024xf32, #tpu.memory_space<hbm>>
      %dma_wait3A_1554 = arith.constant 0 : i32
      %dma_wait3A_1555 = tpu.memref_slice %arg4[%dma_wait3A_1545, %dma_wait3A_1546, %dma_wait3A_1547, %dma_wait3A_1554] : memref<200x4x128x1024xf32, #tpu.memory_space<hbm>> -> memref<1x1x1x1024xf32, #tpu.memory_space<hbm>>
      %dma_wait3A_1556 = tpu.memref_squeeze %dma_wait3A_1555 : memref<1x1x1x1024xf32, #tpu.memory_space<hbm>> -> memref<1024xf32, #tpu.memory_space<hbm>>
      %dma_wait3A_1557 = arith.constant 2048 : i32
      %dma_wait3A_1558 = tpu.memref_slice %arg7[%dma_wait3A_1544, %dma_wait3A_1557] : memref<4x4096xf32, #tpu.memory_space<vmem>> -> memref<1x1024xf32, #tpu.memory_space<vmem>>
      %dma_wait3A_1559 = tpu.memref_squeeze %dma_wait3A_1558 : memref<1x1024xf32, #tpu.memory_space<vmem>> -> memref<1024xf32, #tpu.memory_space<vmem>>
      tpu.wait_dma2 semaphore(%arg19 : memref<!tpu.dma_semaphore, #tpu.memory_space<semaphore_mem>>) src(%dma_wait3A_1559 : memref<1024xf32, #tpu.memory_space<vmem>>) dst(%dma_wait3A_1556 : memref<1024xf32, #tpu.memory_space<hbm>>)
      %dma_wait3A_1560 = arith.constant 3 : i32
      %dma_wait3A_1561 = arith.constant 0 : i32
      %dma_wait3A_1562 = arith.constant 3 : i32
      %dma_wait3A_1563 = arith.constant 0 : i32
      %dma_wait3A_1564 = arith.constant 3072 : i32
      %dma_wait3A_1565 = tpu.memref_slice %arg7[%dma_wait3A_1560, %dma_wait3A_1564] : memref<4x4096xf32, #tpu.memory_space<vmem>> -> memref<1x1024xf32, #tpu.memory_space<vmem>>
      %dma_wait3A_1566 = tpu.memref_squeeze %dma_wait3A_1565 : memref<1x1024xf32, #tpu.memory_space<vmem>> -> memref<1024xf32, #tpu.memory_space<vmem>>
      %dma_wait3A_1567 = arith.constant 0 : i32
      %dma_wait3A_1568 = tpu.memref_slice %arg4[%dma_wait3A_1561, %dma_wait3A_1562, %dma_wait3A_1563, %dma_wait3A_1567] : memref<200x4x128x1024xf32, #tpu.memory_space<hbm>> -> memref<1x1x1x1024xf32, #tpu.memory_space<hbm>>
      %dma_wait3A_1569 = tpu.memref_squeeze %dma_wait3A_1568 : memref<1x1x1x1024xf32, #tpu.memory_space<hbm>> -> memref<1024xf32, #tpu.memory_space<hbm>>
      %dma_wait3A_1570 = arith.constant 0 : i32
      %dma_wait3A_1571 = tpu.memref_slice %arg4[%dma_wait3A_1561, %dma_wait3A_1562, %dma_wait3A_1563, %dma_wait3A_1570] : memref<200x4x128x1024xf32, #tpu.memory_space<hbm>> -> memref<1x1x1x1024xf32, #tpu.memory_space<hbm>>
      %dma_wait3A_1572 = tpu.memref_squeeze %dma_wait3A_1571 : memref<1x1x1x1024xf32, #tpu.memory_space<hbm>> -> memref<1024xf32, #tpu.memory_space<hbm>>
      %dma_wait3A_1573 = arith.constant 3072 : i32
      %dma_wait3A_1574 = tpu.memref_slice %arg7[%dma_wait3A_1560, %dma_wait3A_1573] : memref<4x4096xf32, #tpu.memory_space<vmem>> -> memref<1x1024xf32, #tpu.memory_space<vmem>>
      %dma_wait3A_1575 = tpu.memref_squeeze %dma_wait3A_1574 : memref<1x1024xf32, #tpu.memory_space<vmem>> -> memref<1024xf32, #tpu.memory_space<vmem>>
      tpu.wait_dma2 semaphore(%arg19 : memref<!tpu.dma_semaphore, #tpu.memory_space<semaphore_mem>>) src(%dma_wait3A_1575 : memref<1024xf32, #tpu.memory_space<vmem>>) dst(%dma_wait3A_1572 : memref<1024xf32, #tpu.memory_space<hbm>>)
      %dma_wait3A_1576 = arith.constant 0 : i32
      %dma_wait3A_1577 = arith.constant 0 : i32
      %dma_wait3A_1578 = arith.constant 0 : i32
      %dma_wait3A_1579 = arith.constant 3 : i32
      %dma_wait3A_1580 = arith.constant 0 : i32
      %dma_wait3A_1581 = tpu.memref_slice %arg5[%dma_wait3A_1579, %dma_wait3A_1580] : memref<4x128xi32, #tpu.memory_space<vmem>> -> memref<1x128xi32, #tpu.memory_space<vmem>>
      %dma_wait3A_1582 = tpu.memref_squeeze %dma_wait3A_1581 : memref<1x128xi32, #tpu.memory_space<vmem>> -> memref<128xi32, #tpu.memory_space<vmem>>
      %dma_wait3A_1583 = arith.constant 0 : i32
      %dma_wait3A_1584 = tpu.memref_slice %arg2[%dma_wait3A_1576, %dma_wait3A_1577, %dma_wait3A_1578, %dma_wait3A_1583] : memref<25x128x8x128xi32, #tpu.memory_space<hbm>> -> memref<1x1x1x128xi32, #tpu.memory_space<hbm>>
      %dma_wait3A_1585 = tpu.memref_squeeze %dma_wait3A_1584 : memref<1x1x1x128xi32, #tpu.memory_space<hbm>> -> memref<128xi32, #tpu.memory_space<hbm>>
      %dma_wait3A_1586 = arith.constant 0 : i32
      %dma_wait3A_1587 = tpu.memref_slice %arg5[%dma_wait3A_1579, %dma_wait3A_1586] : memref<4x128xi32, #tpu.memory_space<vmem>> -> memref<1x128xi32, #tpu.memory_space<vmem>>
      %dma_wait3A_1588 = tpu.memref_squeeze %dma_wait3A_1587 : memref<1x128xi32, #tpu.memory_space<vmem>> -> memref<128xi32, #tpu.memory_space<vmem>>
      %dma_wait3A_1589 = arith.constant 0 : i32
      %dma_wait3A_1590 = tpu.memref_slice %arg2[%dma_wait3A_1576, %dma_wait3A_1577, %dma_wait3A_1578, %dma_wait3A_1589] : memref<25x128x8x128xi32, #tpu.memory_space<hbm>> -> memref<1x1x1x128xi32, #tpu.memory_space<hbm>>
      %dma_wait3A_1591 = tpu.memref_squeeze %dma_wait3A_1590 : memref<1x1x1x128xi32, #tpu.memory_space<hbm>> -> memref<128xi32, #tpu.memory_space<hbm>>
      tpu.wait_dma2 semaphore(%arg11 : memref<!tpu.dma_semaphore, #tpu.memory_space<semaphore_mem>>) src(%dma_wait3A_1591 : memref<128xi32, #tpu.memory_space<hbm>>) dst(%dma_wait3A_1588 : memref<128xi32, #tpu.memory_space<vmem>>)
      %add3A_1592 = arith.constant 2 : i32
      %add3A_1593 = arith.addi %add3A_1419, %add3A_1592 : i32
      %dma_start3A_1594 = arith.constant 3 : i32
      %dma_start3A_1595 = arith.constant 3 : i32
      %dma_start3A_1596 = arith.constant 0 : i32
      %dma_start3A_1597 = arith.constant 0 : i32
      %dma_start3A_1598 = tpu.memref_slice %arg6[%dma_start3A_1595, %dma_start3A_1596, %dma_start3A_1597] : memref<4x128x32xf32, #tpu.memory_space<vmem>> -> memref<1x128x32xf32, #tpu.memory_space<vmem>>
      %dma_start3A_1599 = tpu.memref_squeeze %dma_start3A_1598 : memref<1x128x32xf32, #tpu.memory_space<vmem>> -> memref<128x32xf32, #tpu.memory_space<vmem>>
      %dma_start3A_1600 = arith.constant 0 : i32
      %dma_start3A_1601 = tpu.memref_slice %arg5[%dma_start3A_1594, %dma_start3A_1600] : memref<4x128xi32, #tpu.memory_space<vmem>> -> memref<1x128xi32, #tpu.memory_space<vmem>>
      %dma_start3A_1602 = tpu.memref_squeeze %dma_start3A_1601 : memref<1x128xi32, #tpu.memory_space<vmem>> -> memref<128xi32, #tpu.memory_space<vmem>>
      %dma_start3A_1603 = arith.constant 0 : i32
      %dma_start3A_1604 = arith.constant 0 : i32
      %dma_start3A_1605 = tpu.memref_slice %arg3[%dma_start3A_1603, %dma_start3A_1604] : memref<1000000x32xf32, #tpu.memory_space<hbm>> -> memref<1000000x32xf32, #tpu.memory_space<hbm>>
      tpu.enqueue_indirect_dma source(%dma_start3A_1605 : memref<1000000x32xf32, #tpu.memory_space<hbm>>) target(%dma_start3A_1599 : memref<128x32xf32, #tpu.memory_space<vmem>>) offsets(%dma_start3A_1602 : memref<128xi32, #tpu.memory_space<vmem>>) semaphore(%arg15 : memref<!tpu.dma_semaphore, #tpu.memory_space<semaphore_mem>>)
    }
    %scan3A_423 = arith.constant 199 : i32
    %dma_wait3A_424 = arith.constant 2 : i32
    %dma_wait3A_425 = arith.constant 0 : i32
    %dma_wait3A_426 = arith.constant 0 : i32
    %dma_wait3A_427 = tpu.memref_slice %arg6[%dma_wait3A_424, %dma_wait3A_425, %dma_wait3A_426] : memref<4x128x32xf32, #tpu.memory_space<vmem>> -> memref<1x128x32xf32, #tpu.memory_space<vmem>>
    %dma_wait3A_428 = tpu.memref_squeeze %dma_wait3A_427 : memref<1x128x32xf32, #tpu.memory_space<vmem>> -> memref<128x32xf32, #tpu.memory_space<vmem>>
    %dma_wait3A_429 = arith.constant 0 : i32
    %dma_wait3A_430 = arith.constant 0 : i32
    %dma_wait3A_431 = tpu.memref_slice %arg3[%dma_wait3A_429, %dma_wait3A_430] : memref<1000000x32xf32, #tpu.memory_space<hbm>> -> memref<128x32xf32, #tpu.memory_space<hbm>>
    %dma_wait3A_432 = arith.constant 0 : i32
    %dma_wait3A_433 = arith.constant 0 : i32
    %dma_wait3A_434 = tpu.memref_slice %arg6[%dma_wait3A_424, %dma_wait3A_432, %dma_wait3A_433] : memref<4x128x32xf32, #tpu.memory_space<vmem>> -> memref<1x128x32xf32, #tpu.memory_space<vmem>>
    %dma_wait3A_435 = tpu.memref_squeeze %dma_wait3A_434 : memref<1x128x32xf32, #tpu.memory_space<vmem>> -> memref<128x32xf32, #tpu.memory_space<vmem>>
    %dma_wait3A_436 = arith.constant 0 : i32
    %dma_wait3A_437 = arith.constant 0 : i32
    %dma_wait3A_438 = tpu.memref_slice %arg3[%dma_wait3A_436, %dma_wait3A_437] : memref<1000000x32xf32, #tpu.memory_space<hbm>> -> memref<128x32xf32, #tpu.memory_space<hbm>>
    tpu.wait_dma2 semaphore(%arg14 : memref<!tpu.dma_semaphore, #tpu.memory_space<semaphore_mem>>) src(%dma_wait3A_438 : memref<128x32xf32, #tpu.memory_space<hbm>>) dst(%dma_wait3A_435 : memref<128x32xf32, #tpu.memory_space<vmem>>)
    %iota3A_439 = tpu.iota {dimensions = array<i32: 0>} : vector<16xi32>
    %parallel_loop3A_440 = arith.constant 0 : i32
    %parallel_loop3A_441 = arith.constant 256 : i32
    %parallel_loop3A_442 = arith.constant 1 : i32
    %parallel_loop3A_443 = arith.constant 2 : i32
    scf.for %parallel_loop3A_852 = %parallel_loop3A_440 to %parallel_loop3A_441 step %parallel_loop3A_442  : i32 {
      %parallel_loop3A_853 = arith.constant 3 : i32
      %parallel_loop3A_854 = arith.shrui %parallel_loop3A_852, %parallel_loop3A_853 : i32
      %parallel_loop3A_855 = arith.constant 7 : i32
      %parallel_loop3A_856 = arith.andi %parallel_loop3A_852, %parallel_loop3A_855 : i32
      %parallel_loop3A_857 = arith.constant 16 : i32
      %parallel_loop3A_858 = arith.muli %parallel_loop3A_856, %parallel_loop3A_857 : i32
      %parallel_loop3A_859 = vector.broadcast %parallel_loop3A_854 : i32 to vector<16xi32>
      %parallel_loop3A_860 = arith.addi %parallel_loop3A_859, %iota3A_439 : vector<16xi32>
      %parallel_loop3A_861 = arith.constant 31 : i32
      %parallel_loop3A_862 = vector.broadcast %parallel_loop3A_861 : i32 to vector<16xi32>
      %parallel_loop3A_863 = arith.andi %parallel_loop3A_860, %parallel_loop3A_862 : vector<16xi32>
      %parallel_loop3A_864 = vector.broadcast %parallel_loop3A_858 : i32 to vector<16xi32>
      %parallel_loop3A_865 = arith.addi %iota3A_439, %parallel_loop3A_864 : vector<16xi32>
      %parallel_loop3A_866 = arith.constant 0 : i32
      %parallel_loop3A_867 = arith.constant 0 : i32
      %parallel_loop3A_868 = tpu.memref_slice %arg6[%parallel_loop3A_443, %parallel_loop3A_866, %parallel_loop3A_867] : memref<4x128x32xf32, #tpu.memory_space<vmem>> -> memref<1x128x32xf32, #tpu.memory_space<vmem>>
      %parallel_loop3A_869 = tpu.memref_squeeze %parallel_loop3A_868 : memref<1x128x32xf32, #tpu.memory_space<vmem>> -> memref<128x32xf32, #tpu.memory_space<vmem>>
      %parallel_loop3A_870 = tpu.vector_load_idx %parallel_loop3A_869[%parallel_loop3A_865, %parallel_loop3A_863] : memref<128x32xf32, #tpu.memory_space<vmem>>[vector<16xi32>, vector<16xi32>], vector<16xf32>,
      %parallel_loop3A_871 = arith.constant 128 : i32
      %parallel_loop3A_872 = vector.broadcast %parallel_loop3A_871 : i32 to vector<16xi32>
      %parallel_loop3A_873 = arith.muli %parallel_loop3A_863, %parallel_loop3A_872 : vector<16xi32>
      %parallel_loop3A_874 = vector.broadcast %parallel_loop3A_858 : i32 to vector<16xi32>
      %parallel_loop3A_875 = arith.addi %parallel_loop3A_873, %parallel_loop3A_874 : vector<16xi32>
      %parallel_loop3A_876 = arith.addi %parallel_loop3A_875, %iota3A_439 : vector<16xi32>
      %parallel_loop3A_877 = arith.constant 2 : i32
      %parallel_loop3A_878 = arith.constant 0 : i32
      %parallel_loop3A_879 = tpu.memref_slice %arg7[%parallel_loop3A_877, %parallel_loop3A_878] : memref<4x4096xf32, #tpu.memory_space<vmem>> -> memref<1x4096xf32, #tpu.memory_space<vmem>>
      %parallel_loop3A_880 = tpu.memref_squeeze %parallel_loop3A_879 : memref<1x4096xf32, #tpu.memory_space<vmem>> -> memref<4096xf32, #tpu.memory_space<vmem>>
      tpu.vector_store_idx %parallel_loop3A_880[%parallel_loop3A_876], %parallel_loop3A_870 : memref<4096xf32, #tpu.memory_space<vmem>>[vector<16xi32>], vector<16xf32>,
    } {sc.loop_unroll_factor = 16 : i64, sc.parallel_access}
    %add3A_444 = arith.constant 798 : i32
    %add3A_445 = arith.addi %mul3A_2, %add3A_444 : i32
    %shift_right_logical3A_446 = arith.constant 7 : i32
    %shift_right_logical3A_447 = arith.shrui %add3A_445, %shift_right_logical3A_446 : i32
    %and3A_448 = arith.constant 127 : i32
    %and3A_449 = arith.andi %add3A_445, %and3A_448 : i32
    %shift_right_logical3A_450 = arith.constant 3 : i32
    %shift_right_logical3A_451 = arith.shrui %shift_right_logical3A_447, %shift_right_logical3A_450 : i32
    %and3A_452 = arith.constant 7 : i32
    %and3A_453 = arith.andi %shift_right_logical3A_447, %and3A_452 : i32
    %dma_start3A_454 = arith.constant 2 : i32
    %dma_start3A_455 = arith.constant 0 : i32
    %dma_start3A_456 = arith.constant 0 : i32
    %dma_start3A_457 = tpu.memref_slice %arg7[%dma_start3A_454, %dma_start3A_456] : memref<4x4096xf32, #tpu.memory_space<vmem>> -> memref<1x1024xf32, #tpu.memory_space<vmem>>
    %dma_start3A_458 = tpu.memref_squeeze %dma_start3A_457 : memref<1x1024xf32, #tpu.memory_space<vmem>> -> memref<1024xf32, #tpu.memory_space<vmem>>
    %dma_start3A_459 = arith.constant 0 : i32
    %dma_start3A_460 = tpu.memref_slice %arg4[%shift_right_logical3A_447, %dma_start3A_455, %and3A_449, %dma_start3A_459] : memref<200x4x128x1024xf32, #tpu.memory_space<hbm>> -> memref<1x1x1x1024xf32, #tpu.memory_space<hbm>>
    %dma_start3A_461 = tpu.memref_squeeze %dma_start3A_460 : memref<1x1x1x1024xf32, #tpu.memory_space<hbm>> -> memref<1024xf32, #tpu.memory_space<hbm>>
    %dma_start3A_462 = arith.constant 0 : i32
    %dma_start3A_463 = tpu.memref_slice %arg4[%shift_right_logical3A_447, %dma_start3A_455, %and3A_449, %dma_start3A_462] : memref<200x4x128x1024xf32, #tpu.memory_space<hbm>> -> memref<1x1x1x1024xf32, #tpu.memory_space<hbm>>
    %dma_start3A_464 = tpu.memref_squeeze %dma_start3A_463 : memref<1x1x1x1024xf32, #tpu.memory_space<hbm>> -> memref<1024xf32, #tpu.memory_space<hbm>>
    %dma_start3A_465 = arith.constant 0 : i32
    %dma_start3A_466 = tpu.memref_slice %arg7[%dma_start3A_454, %dma_start3A_465] : memref<4x4096xf32, #tpu.memory_space<vmem>> -> memref<1x1024xf32, #tpu.memory_space<vmem>>
    %dma_start3A_467 = tpu.memref_squeeze %dma_start3A_466 : memref<1x1024xf32, #tpu.memory_space<vmem>> -> memref<1024xf32, #tpu.memory_space<vmem>>
    tpu.enqueue_dma source(%dma_start3A_467 : memref<1024xf32, #tpu.memory_space<vmem>>) target(%dma_start3A_464 : memref<1024xf32, #tpu.memory_space<hbm>>) target_semaphore(%arg18 : memref<!tpu.dma_semaphore, #tpu.memory_space<semaphore_mem>>)
    %dma_start3A_468 = arith.constant 2 : i32
    %dma_start3A_469 = arith.constant 1 : i32
    %dma_start3A_470 = arith.constant 1024 : i32
    %dma_start3A_471 = tpu.memref_slice %arg7[%dma_start3A_468, %dma_start3A_470] : memref<4x4096xf32, #tpu.memory_space<vmem>> -> memref<1x1024xf32, #tpu.memory_space<vmem>>
    %dma_start3A_472 = tpu.memref_squeeze %dma_start3A_471 : memref<1x1024xf32, #tpu.memory_space<vmem>> -> memref<1024xf32, #tpu.memory_space<vmem>>
    %dma_start3A_473 = arith.constant 0 : i32
    %dma_start3A_474 = tpu.memref_slice %arg4[%shift_right_logical3A_447, %dma_start3A_469, %and3A_449, %dma_start3A_473] : memref<200x4x128x1024xf32, #tpu.memory_space<hbm>> -> memref<1x1x1x1024xf32, #tpu.memory_space<hbm>>
    %dma_start3A_475 = tpu.memref_squeeze %dma_start3A_474 : memref<1x1x1x1024xf32, #tpu.memory_space<hbm>> -> memref<1024xf32, #tpu.memory_space<hbm>>
    %dma_start3A_476 = arith.constant 0 : i32
    %dma_start3A_477 = tpu.memref_slice %arg4[%shift_right_logical3A_447, %dma_start3A_469, %and3A_449, %dma_start3A_476] : memref<200x4x128x1024xf32, #tpu.memory_space<hbm>> -> memref<1x1x1x1024xf32, #tpu.memory_space<hbm>>
    %dma_start3A_478 = tpu.memref_squeeze %dma_start3A_477 : memref<1x1x1x1024xf32, #tpu.memory_space<hbm>> -> memref<1024xf32, #tpu.memory_space<hbm>>
    %dma_start3A_479 = arith.constant 1024 : i32
    %dma_start3A_480 = tpu.memref_slice %arg7[%dma_start3A_468, %dma_start3A_479] : memref<4x4096xf32, #tpu.memory_space<vmem>> -> memref<1x1024xf32, #tpu.memory_space<vmem>>
    %dma_start3A_481 = tpu.memref_squeeze %dma_start3A_480 : memref<1x1024xf32, #tpu.memory_space<vmem>> -> memref<1024xf32, #tpu.memory_space<vmem>>
    tpu.enqueue_dma source(%dma_start3A_481 : memref<1024xf32, #tpu.memory_space<vmem>>) target(%dma_start3A_478 : memref<1024xf32, #tpu.memory_space<hbm>>) target_semaphore(%arg18 : memref<!tpu.dma_semaphore, #tpu.memory_space<semaphore_mem>>)
    %dma_start3A_482 = arith.constant 2 : i32
    %dma_start3A_483 = arith.constant 2 : i32
    %dma_start3A_484 = arith.constant 2048 : i32
    %dma_start3A_485 = tpu.memref_slice %arg7[%dma_start3A_482, %dma_start3A_484] : memref<4x4096xf32, #tpu.memory_space<vmem>> -> memref<1x1024xf32, #tpu.memory_space<vmem>>
    %dma_start3A_486 = tpu.memref_squeeze %dma_start3A_485 : memref<1x1024xf32, #tpu.memory_space<vmem>> -> memref<1024xf32, #tpu.memory_space<vmem>>
    %dma_start3A_487 = arith.constant 0 : i32
    %dma_start3A_488 = tpu.memref_slice %arg4[%shift_right_logical3A_447, %dma_start3A_483, %and3A_449, %dma_start3A_487] : memref<200x4x128x1024xf32, #tpu.memory_space<hbm>> -> memref<1x1x1x1024xf32, #tpu.memory_space<hbm>>
    %dma_start3A_489 = tpu.memref_squeeze %dma_start3A_488 : memref<1x1x1x1024xf32, #tpu.memory_space<hbm>> -> memref<1024xf32, #tpu.memory_space<hbm>>
    %dma_start3A_490 = arith.constant 0 : i32
    %dma_start3A_491 = tpu.memref_slice %arg4[%shift_right_logical3A_447, %dma_start3A_483, %and3A_449, %dma_start3A_490] : memref<200x4x128x1024xf32, #tpu.memory_space<hbm>> -> memref<1x1x1x1024xf32, #tpu.memory_space<hbm>>
    %dma_start3A_492 = tpu.memref_squeeze %dma_start3A_491 : memref<1x1x1x1024xf32, #tpu.memory_space<hbm>> -> memref<1024xf32, #tpu.memory_space<hbm>>
    %dma_start3A_493 = arith.constant 2048 : i32
    %dma_start3A_494 = tpu.memref_slice %arg7[%dma_start3A_482, %dma_start3A_493] : memref<4x4096xf32, #tpu.memory_space<vmem>> -> memref<1x1024xf32, #tpu.memory_space<vmem>>
    %dma_start3A_495 = tpu.memref_squeeze %dma_start3A_494 : memref<1x1024xf32, #tpu.memory_space<vmem>> -> memref<1024xf32, #tpu.memory_space<vmem>>
    tpu.enqueue_dma source(%dma_start3A_495 : memref<1024xf32, #tpu.memory_space<vmem>>) target(%dma_start3A_492 : memref<1024xf32, #tpu.memory_space<hbm>>) target_semaphore(%arg18 : memref<!tpu.dma_semaphore, #tpu.memory_space<semaphore_mem>>)
    %dma_start3A_496 = arith.constant 2 : i32
    %dma_start3A_497 = arith.constant 3 : i32
    %dma_start3A_498 = arith.constant 3072 : i32
    %dma_start3A_499 = tpu.memref_slice %arg7[%dma_start3A_496, %dma_start3A_498] : memref<4x4096xf32, #tpu.memory_space<vmem>> -> memref<1x1024xf32, #tpu.memory_space<vmem>>
    %dma_start3A_500 = tpu.memref_squeeze %dma_start3A_499 : memref<1x1024xf32, #tpu.memory_space<vmem>> -> memref<1024xf32, #tpu.memory_space<vmem>>
    %dma_start3A_501 = arith.constant 0 : i32
    %dma_start3A_502 = tpu.memref_slice %arg4[%shift_right_logical3A_447, %dma_start3A_497, %and3A_449, %dma_start3A_501] : memref<200x4x128x1024xf32, #tpu.memory_space<hbm>> -> memref<1x1x1x1024xf32, #tpu.memory_space<hbm>>
    %dma_start3A_503 = tpu.memref_squeeze %dma_start3A_502 : memref<1x1x1x1024xf32, #tpu.memory_space<hbm>> -> memref<1024xf32, #tpu.memory_space<hbm>>
    %dma_start3A_504 = arith.constant 0 : i32
    %dma_start3A_505 = tpu.memref_slice %arg4[%shift_right_logical3A_447, %dma_start3A_497, %and3A_449, %dma_start3A_504] : memref<200x4x128x1024xf32, #tpu.memory_space<hbm>> -> memref<1x1x1x1024xf32, #tpu.memory_space<hbm>>
    %dma_start3A_506 = tpu.memref_squeeze %dma_start3A_505 : memref<1x1x1x1024xf32, #tpu.memory_space<hbm>> -> memref<1024xf32, #tpu.memory_space<hbm>>
    %dma_start3A_507 = arith.constant 3072 : i32
    %dma_start3A_508 = tpu.memref_slice %arg7[%dma_start3A_496, %dma_start3A_507] : memref<4x4096xf32, #tpu.memory_space<vmem>> -> memref<1x1024xf32, #tpu.memory_space<vmem>>
    %dma_start3A_509 = tpu.memref_squeeze %dma_start3A_508 : memref<1x1024xf32, #tpu.memory_space<vmem>> -> memref<1024xf32, #tpu.memory_space<vmem>>
    tpu.enqueue_dma source(%dma_start3A_509 : memref<1024xf32, #tpu.memory_space<vmem>>) target(%dma_start3A_506 : memref<1024xf32, #tpu.memory_space<hbm>>) target_semaphore(%arg18 : memref<!tpu.dma_semaphore, #tpu.memory_space<semaphore_mem>>)
    %dma_wait3A_510 = arith.constant 3 : i32
    %dma_wait3A_511 = arith.constant 0 : i32
    %dma_wait3A_512 = arith.constant 0 : i32
    %dma_wait3A_513 = tpu.memref_slice %arg6[%dma_wait3A_510, %dma_wait3A_511, %dma_wait3A_512] : memref<4x128x32xf32, #tpu.memory_space<vmem>> -> memref<1x128x32xf32, #tpu.memory_space<vmem>>
    %dma_wait3A_514 = tpu.memref_squeeze %dma_wait3A_513 : memref<1x128x32xf32, #tpu.memory_space<vmem>> -> memref<128x32xf32, #tpu.memory_space<vmem>>
    %dma_wait3A_515 = arith.constant 0 : i32
    %dma_wait3A_516 = arith.constant 0 : i32
    %dma_wait3A_517 = tpu.memref_slice %arg3[%dma_wait3A_515, %dma_wait3A_516] : memref<1000000x32xf32, #tpu.memory_space<hbm>> -> memref<128x32xf32, #tpu.memory_space<hbm>>
    %dma_wait3A_518 = arith.constant 0 : i32
    %dma_wait3A_519 = arith.constant 0 : i32
    %dma_wait3A_520 = tpu.memref_slice %arg6[%dma_wait3A_510, %dma_wait3A_518, %dma_wait3A_519] : memref<4x128x32xf32, #tpu.memory_space<vmem>> -> memref<1x128x32xf32, #tpu.memory_space<vmem>>
    %dma_wait3A_521 = tpu.memref_squeeze %dma_wait3A_520 : memref<1x128x32xf32, #tpu.memory_space<vmem>> -> memref<128x32xf32, #tpu.memory_space<vmem>>
    %dma_wait3A_522 = arith.constant 0 : i32
    %dma_wait3A_523 = arith.constant 0 : i32
    %dma_wait3A_524 = tpu.memref_slice %arg3[%dma_wait3A_522, %dma_wait3A_523] : memref<1000000x32xf32, #tpu.memory_space<hbm>> -> memref<128x32xf32, #tpu.memory_space<hbm>>
    tpu.wait_dma2 semaphore(%arg15 : memref<!tpu.dma_semaphore, #tpu.memory_space<semaphore_mem>>) src(%dma_wait3A_524 : memref<128x32xf32, #tpu.memory_space<hbm>>) dst(%dma_wait3A_521 : memref<128x32xf32, #tpu.memory_space<vmem>>)
    %iota3A_525 = tpu.iota {dimensions = array<i32: 0>} : vector<16xi32>
    %parallel_loop3A_526 = arith.constant 0 : i32
    %parallel_loop3A_527 = arith.constant 256 : i32
    %parallel_loop3A_528 = arith.constant 1 : i32
    %parallel_loop3A_529 = arith.constant 3 : i32
    scf.for %parallel_loop3A_852 = %parallel_loop3A_526 to %parallel_loop3A_527 step %parallel_loop3A_528  : i32 {
      %parallel_loop3A_853 = arith.constant 3 : i32
      %parallel_loop3A_854 = arith.shrui %parallel_loop3A_852, %parallel_loop3A_853 : i32
      %parallel_loop3A_855 = arith.constant 7 : i32
      %parallel_loop3A_856 = arith.andi %parallel_loop3A_852, %parallel_loop3A_855 : i32
      %parallel_loop3A_857 = arith.constant 16 : i32
      %parallel_loop3A_858 = arith.muli %parallel_loop3A_856, %parallel_loop3A_857 : i32
      %parallel_loop3A_859 = vector.broadcast %parallel_loop3A_854 : i32 to vector<16xi32>
      %parallel_loop3A_860 = arith.addi %parallel_loop3A_859, %iota3A_525 : vector<16xi32>
      %parallel_loop3A_861 = arith.constant 31 : i32
      %parallel_loop3A_862 = vector.broadcast %parallel_loop3A_861 : i32 to vector<16xi32>
      %parallel_loop3A_863 = arith.andi %parallel_loop3A_860, %parallel_loop3A_862 : vector<16xi32>
      %parallel_loop3A_864 = vector.broadcast %parallel_loop3A_858 : i32 to vector<16xi32>
      %parallel_loop3A_865 = arith.addi %iota3A_525, %parallel_loop3A_864 : vector<16xi32>
      %parallel_loop3A_866 = arith.constant 0 : i32
      %parallel_loop3A_867 = arith.constant 0 : i32
      %parallel_loop3A_868 = tpu.memref_slice %arg6[%parallel_loop3A_529, %parallel_loop3A_866, %parallel_loop3A_867] : memref<4x128x32xf32, #tpu.memory_space<vmem>> -> memref<1x128x32xf32, #tpu.memory_space<vmem>>
      %parallel_loop3A_869 = tpu.memref_squeeze %parallel_loop3A_868 : memref<1x128x32xf32, #tpu.memory_space<vmem>> -> memref<128x32xf32, #tpu.memory_space<vmem>>
      %parallel_loop3A_870 = tpu.vector_load_idx %parallel_loop3A_869[%parallel_loop3A_865, %parallel_loop3A_863] : memref<128x32xf32, #tpu.memory_space<vmem>>[vector<16xi32>, vector<16xi32>], vector<16xf32>,
      %parallel_loop3A_871 = arith.constant 128 : i32
      %parallel_loop3A_872 = vector.broadcast %parallel_loop3A_871 : i32 to vector<16xi32>
      %parallel_loop3A_873 = arith.muli %parallel_loop3A_863, %parallel_loop3A_872 : vector<16xi32>
      %parallel_loop3A_874 = vector.broadcast %parallel_loop3A_858 : i32 to vector<16xi32>
      %parallel_loop3A_875 = arith.addi %parallel_loop3A_873, %parallel_loop3A_874 : vector<16xi32>
      %parallel_loop3A_876 = arith.addi %parallel_loop3A_875, %iota3A_525 : vector<16xi32>
      %parallel_loop3A_877 = arith.constant 3 : i32
      %parallel_loop3A_878 = arith.constant 0 : i32
      %parallel_loop3A_879 = tpu.memref_slice %arg7[%parallel_loop3A_877, %parallel_loop3A_878] : memref<4x4096xf32, #tpu.memory_space<vmem>> -> memref<1x4096xf32, #tpu.memory_space<vmem>>
      %parallel_loop3A_880 = tpu.memref_squeeze %parallel_loop3A_879 : memref<1x4096xf32, #tpu.memory_space<vmem>> -> memref<4096xf32, #tpu.memory_space<vmem>>
      tpu.vector_store_idx %parallel_loop3A_880[%parallel_loop3A_876], %parallel_loop3A_870 : memref<4096xf32, #tpu.memory_space<vmem>>[vector<16xi32>], vector<16xf32>,
    } {sc.loop_unroll_factor = 16 : i64, sc.parallel_access}
    %add3A_530 = arith.constant 799 : i32
    %add3A_531 = arith.addi %mul3A_2, %add3A_530 : i32
    %shift_right_logical3A_532 = arith.constant 7 : i32
    %shift_right_logical3A_533 = arith.shrui %add3A_531, %shift_right_logical3A_532 : i32
    %and3A_534 = arith.constant 127 : i32
    %and3A_535 = arith.andi %add3A_531, %and3A_534 : i32
    %shift_right_logical3A_536 = arith.constant 3 : i32
    %shift_right_logical3A_537 = arith.shrui %shift_right_logical3A_533, %shift_right_logical3A_536 : i32
    %and3A_538 = arith.constant 7 : i32
    %and3A_539 = arith.andi %shift_right_logical3A_533, %and3A_538 : i32
    %dma_start3A_540 = arith.constant 3 : i32
    %dma_start3A_541 = arith.constant 0 : i32
    %dma_start3A_542 = arith.constant 0 : i32
    %dma_start3A_543 = tpu.memref_slice %arg7[%dma_start3A_540, %dma_start3A_542] : memref<4x4096xf32, #tpu.memory_space<vmem>> -> memref<1x1024xf32, #tpu.memory_space<vmem>>
    %dma_start3A_544 = tpu.memref_squeeze %dma_start3A_543 : memref<1x1024xf32, #tpu.memory_space<vmem>> -> memref<1024xf32, #tpu.memory_space<vmem>>
    %dma_start3A_545 = arith.constant 0 : i32
    %dma_start3A_546 = tpu.memref_slice %arg4[%shift_right_logical3A_533, %dma_start3A_541, %and3A_535, %dma_start3A_545] : memref<200x4x128x1024xf32, #tpu.memory_space<hbm>> -> memref<1x1x1x1024xf32, #tpu.memory_space<hbm>>
    %dma_start3A_547 = tpu.memref_squeeze %dma_start3A_546 : memref<1x1x1x1024xf32, #tpu.memory_space<hbm>> -> memref<1024xf32, #tpu.memory_space<hbm>>
    %dma_start3A_548 = arith.constant 0 : i32
    %dma_start3A_549 = tpu.memref_slice %arg4[%shift_right_logical3A_533, %dma_start3A_541, %and3A_535, %dma_start3A_548] : memref<200x4x128x1024xf32, #tpu.memory_space<hbm>> -> memref<1x1x1x1024xf32, #tpu.memory_space<hbm>>
    %dma_start3A_550 = tpu.memref_squeeze %dma_start3A_549 : memref<1x1x1x1024xf32, #tpu.memory_space<hbm>> -> memref<1024xf32, #tpu.memory_space<hbm>>
    %dma_start3A_551 = arith.constant 0 : i32
    %dma_start3A_552 = tpu.memref_slice %arg7[%dma_start3A_540, %dma_start3A_551] : memref<4x4096xf32, #tpu.memory_space<vmem>> -> memref<1x1024xf32, #tpu.memory_space<vmem>>
    %dma_start3A_553 = tpu.memref_squeeze %dma_start3A_552 : memref<1x1024xf32, #tpu.memory_space<vmem>> -> memref<1024xf32, #tpu.memory_space<vmem>>
    tpu.enqueue_dma source(%dma_start3A_553 : memref<1024xf32, #tpu.memory_space<vmem>>) target(%dma_start3A_550 : memref<1024xf32, #tpu.memory_space<hbm>>) target_semaphore(%arg19 : memref<!tpu.dma_semaphore, #tpu.memory_space<semaphore_mem>>)
    %dma_start3A_554 = arith.constant 3 : i32
    %dma_start3A_555 = arith.constant 1 : i32
    %dma_start3A_556 = arith.constant 1024 : i32
    %dma_start3A_557 = tpu.memref_slice %arg7[%dma_start3A_554, %dma_start3A_556] : memref<4x4096xf32, #tpu.memory_space<vmem>> -> memref<1x1024xf32, #tpu.memory_space<vmem>>
    %dma_start3A_558 = tpu.memref_squeeze %dma_start3A_557 : memref<1x1024xf32, #tpu.memory_space<vmem>> -> memref<1024xf32, #tpu.memory_space<vmem>>
    %dma_start3A_559 = arith.constant 0 : i32
    %dma_start3A_560 = tpu.memref_slice %arg4[%shift_right_logical3A_533, %dma_start3A_555, %and3A_535, %dma_start3A_559] : memref<200x4x128x1024xf32, #tpu.memory_space<hbm>> -> memref<1x1x1x1024xf32, #tpu.memory_space<hbm>>
    %dma_start3A_561 = tpu.memref_squeeze %dma_start3A_560 : memref<1x1x1x1024xf32, #tpu.memory_space<hbm>> -> memref<1024xf32, #tpu.memory_space<hbm>>
    %dma_start3A_562 = arith.constant 0 : i32
    %dma_start3A_563 = tpu.memref_slice %arg4[%shift_right_logical3A_533, %dma_start3A_555, %and3A_535, %dma_start3A_562] : memref<200x4x128x1024xf32, #tpu.memory_space<hbm>> -> memref<1x1x1x1024xf32, #tpu.memory_space<hbm>>
    %dma_start3A_564 = tpu.memref_squeeze %dma_start3A_563 : memref<1x1x1x1024xf32, #tpu.memory_space<hbm>> -> memref<1024xf32, #tpu.memory_space<hbm>>
    %dma_start3A_565 = arith.constant 1024 : i32
    %dma_start3A_566 = tpu.memref_slice %arg7[%dma_start3A_554, %dma_start3A_565] : memref<4x4096xf32, #tpu.memory_space<vmem>> -> memref<1x1024xf32, #tpu.memory_space<vmem>>
    %dma_start3A_567 = tpu.memref_squeeze %dma_start3A_566 : memref<1x1024xf32, #tpu.memory_space<vmem>> -> memref<1024xf32, #tpu.memory_space<vmem>>
    tpu.enqueue_dma source(%dma_start3A_567 : memref<1024xf32, #tpu.memory_space<vmem>>) target(%dma_start3A_564 : memref<1024xf32, #tpu.memory_space<hbm>>) target_semaphore(%arg19 : memref<!tpu.dma_semaphore, #tpu.memory_space<semaphore_mem>>)
    %dma_start3A_568 = arith.constant 3 : i32
    %dma_start3A_569 = arith.constant 2 : i32
    %dma_start3A_570 = arith.constant 2048 : i32
    %dma_start3A_571 = tpu.memref_slice %arg7[%dma_start3A_568, %dma_start3A_570] : memref<4x4096xf32, #tpu.memory_space<vmem>> -> memref<1x1024xf32, #tpu.memory_space<vmem>>
    %dma_start3A_572 = tpu.memref_squeeze %dma_start3A_571 : memref<1x1024xf32, #tpu.memory_space<vmem>> -> memref<1024xf32, #tpu.memory_space<vmem>>
    %dma_start3A_573 = arith.constant 0 : i32
    %dma_start3A_574 = tpu.memref_slice %arg4[%shift_right_logical3A_533, %dma_start3A_569, %and3A_535, %dma_start3A_573] : memref<200x4x128x1024xf32, #tpu.memory_space<hbm>> -> memref<1x1x1x1024xf32, #tpu.memory_space<hbm>>
    %dma_start3A_575 = tpu.memref_squeeze %dma_start3A_574 : memref<1x1x1x1024xf32, #tpu.memory_space<hbm>> -> memref<1024xf32, #tpu.memory_space<hbm>>
    %dma_start3A_576 = arith.constant 0 : i32
    %dma_start3A_577 = tpu.memref_slice %arg4[%shift_right_logical3A_533, %dma_start3A_569, %and3A_535, %dma_start3A_576] : memref<200x4x128x1024xf32, #tpu.memory_space<hbm>> -> memref<1x1x1x1024xf32, #tpu.memory_space<hbm>>
    %dma_start3A_578 = tpu.memref_squeeze %dma_start3A_577 : memref<1x1x1x1024xf32, #tpu.memory_space<hbm>> -> memref<1024xf32, #tpu.memory_space<hbm>>
    %dma_start3A_579 = arith.constant 2048 : i32
    %dma_start3A_580 = tpu.memref_slice %arg7[%dma_start3A_568, %dma_start3A_579] : memref<4x4096xf32, #tpu.memory_space<vmem>> -> memref<1x1024xf32, #tpu.memory_space<vmem>>
    %dma_start3A_581 = tpu.memref_squeeze %dma_start3A_580 : memref<1x1024xf32, #tpu.memory_space<vmem>> -> memref<1024xf32, #tpu.memory_space<vmem>>
    tpu.enqueue_dma source(%dma_start3A_581 : memref<1024xf32, #tpu.memory_space<vmem>>) target(%dma_start3A_578 : memref<1024xf32, #tpu.memory_space<hbm>>) target_semaphore(%arg19 : memref<!tpu.dma_semaphore, #tpu.memory_space<semaphore_mem>>)
    %dma_start3A_582 = arith.constant 3 : i32
    %dma_start3A_583 = arith.constant 3 : i32
    %dma_start3A_584 = arith.constant 3072 : i32
    %dma_start3A_585 = tpu.memref_slice %arg7[%dma_start3A_582, %dma_start3A_584] : memref<4x4096xf32, #tpu.memory_space<vmem>> -> memref<1x1024xf32, #tpu.memory_space<vmem>>
    %dma_start3A_586 = tpu.memref_squeeze %dma_start3A_585 : memref<1x1024xf32, #tpu.memory_space<vmem>> -> memref<1024xf32, #tpu.memory_space<vmem>>
    %dma_start3A_587 = arith.constant 0 : i32
    %dma_start3A_588 = tpu.memref_slice %arg4[%shift_right_logical3A_533, %dma_start3A_583, %and3A_535, %dma_start3A_587] : memref<200x4x128x1024xf32, #tpu.memory_space<hbm>> -> memref<1x1x1x1024xf32, #tpu.memory_space<hbm>>
    %dma_start3A_589 = tpu.memref_squeeze %dma_start3A_588 : memref<1x1x1x1024xf32, #tpu.memory_space<hbm>> -> memref<1024xf32, #tpu.memory_space<hbm>>
    %dma_start3A_590 = arith.constant 0 : i32
    %dma_start3A_591 = tpu.memref_slice %arg4[%shift_right_logical3A_533, %dma_start3A_583, %and3A_535, %dma_start3A_590] : memref<200x4x128x1024xf32, #tpu.memory_space<hbm>> -> memref<1x1x1x1024xf32, #tpu.memory_space<hbm>>
    %dma_start3A_592 = tpu.memref_squeeze %dma_start3A_591 : memref<1x1x1x1024xf32, #tpu.memory_space<hbm>> -> memref<1024xf32, #tpu.memory_space<hbm>>
    %dma_start3A_593 = arith.constant 3072 : i32
    %dma_start3A_594 = tpu.memref_slice %arg7[%dma_start3A_582, %dma_start3A_593] : memref<4x4096xf32, #tpu.memory_space<vmem>> -> memref<1x1024xf32, #tpu.memory_space<vmem>>
    %dma_start3A_595 = tpu.memref_squeeze %dma_start3A_594 : memref<1x1024xf32, #tpu.memory_space<vmem>> -> memref<1024xf32, #tpu.memory_space<vmem>>
    tpu.enqueue_dma source(%dma_start3A_595 : memref<1024xf32, #tpu.memory_space<vmem>>) target(%dma_start3A_592 : memref<1024xf32, #tpu.memory_space<hbm>>) target_semaphore(%arg19 : memref<!tpu.dma_semaphore, #tpu.memory_space<semaphore_mem>>)
    %dma_wait3A_596 = arith.constant 0 : i32
    %dma_wait3A_597 = arith.constant 0 : i32
    %dma_wait3A_598 = arith.constant 0 : i32
    %dma_wait3A_599 = arith.constant 0 : i32
    %dma_wait3A_600 = arith.constant 0 : i32
    %dma_wait3A_601 = tpu.memref_slice %arg7[%dma_wait3A_596, %dma_wait3A_600] : memref<4x4096xf32, #tpu.memory_space<vmem>> -> memref<1x1024xf32, #tpu.memory_space<vmem>>
    %dma_wait3A_602 = tpu.memref_squeeze %dma_wait3A_601 : memref<1x1024xf32, #tpu.memory_space<vmem>> -> memref<1024xf32, #tpu.memory_space<vmem>>
    %dma_wait3A_603 = arith.constant 0 : i32
    %dma_wait3A_604 = tpu.memref_slice %arg4[%dma_wait3A_597, %dma_wait3A_598, %dma_wait3A_599, %dma_wait3A_603] : memref<200x4x128x1024xf32, #tpu.memory_space<hbm>> -> memref<1x1x1x1024xf32, #tpu.memory_space<hbm>>
    %dma_wait3A_605 = tpu.memref_squeeze %dma_wait3A_604 : memref<1x1x1x1024xf32, #tpu.memory_space<hbm>> -> memref<1024xf32, #tpu.memory_space<hbm>>
    %dma_wait3A_606 = arith.constant 0 : i32
    %dma_wait3A_607 = tpu.memref_slice %arg4[%dma_wait3A_597, %dma_wait3A_598, %dma_wait3A_599, %dma_wait3A_606] : memref<200x4x128x1024xf32, #tpu.memory_space<hbm>> -> memref<1x1x1x1024xf32, #tpu.memory_space<hbm>>
    %dma_wait3A_608 = tpu.memref_squeeze %dma_wait3A_607 : memref<1x1x1x1024xf32, #tpu.memory_space<hbm>> -> memref<1024xf32, #tpu.memory_space<hbm>>
    %dma_wait3A_609 = arith.constant 0 : i32
    %dma_wait3A_610 = tpu.memref_slice %arg7[%dma_wait3A_596, %dma_wait3A_609] : memref<4x4096xf32, #tpu.memory_space<vmem>> -> memref<1x1024xf32, #tpu.memory_space<vmem>>
    %dma_wait3A_611 = tpu.memref_squeeze %dma_wait3A_610 : memref<1x1024xf32, #tpu.memory_space<vmem>> -> memref<1024xf32, #tpu.memory_space<vmem>>
    tpu.wait_dma2 semaphore(%arg16 : memref<!tpu.dma_semaphore, #tpu.memory_space<semaphore_mem>>) src(%dma_wait3A_611 : memref<1024xf32, #tpu.memory_space<vmem>>) dst(%dma_wait3A_608 : memref<1024xf32, #tpu.memory_space<hbm>>)
    %dma_wait3A_612 = arith.constant 0 : i32
    %dma_wait3A_613 = arith.constant 0 : i32
    %dma_wait3A_614 = arith.constant 1 : i32
    %dma_wait3A_615 = arith.constant 0 : i32
    %dma_wait3A_616 = arith.constant 1024 : i32
    %dma_wait3A_617 = tpu.memref_slice %arg7[%dma_wait3A_612, %dma_wait3A_616] : memref<4x4096xf32, #tpu.memory_space<vmem>> -> memref<1x1024xf32, #tpu.memory_space<vmem>>
    %dma_wait3A_618 = tpu.memref_squeeze %dma_wait3A_617 : memref<1x1024xf32, #tpu.memory_space<vmem>> -> memref<1024xf32, #tpu.memory_space<vmem>>
    %dma_wait3A_619 = arith.constant 0 : i32
    %dma_wait3A_620 = tpu.memref_slice %arg4[%dma_wait3A_613, %dma_wait3A_614, %dma_wait3A_615, %dma_wait3A_619] : memref<200x4x128x1024xf32, #tpu.memory_space<hbm>> -> memref<1x1x1x1024xf32, #tpu.memory_space<hbm>>
    %dma_wait3A_621 = tpu.memref_squeeze %dma_wait3A_620 : memref<1x1x1x1024xf32, #tpu.memory_space<hbm>> -> memref<1024xf32, #tpu.memory_space<hbm>>
    %dma_wait3A_622 = arith.constant 0 : i32
    %dma_wait3A_623 = tpu.memref_slice %arg4[%dma_wait3A_613, %dma_wait3A_614, %dma_wait3A_615, %dma_wait3A_622] : memref<200x4x128x1024xf32, #tpu.memory_space<hbm>> -> memref<1x1x1x1024xf32, #tpu.memory_space<hbm>>
    %dma_wait3A_624 = tpu.memref_squeeze %dma_wait3A_623 : memref<1x1x1x1024xf32, #tpu.memory_space<hbm>> -> memref<1024xf32, #tpu.memory_space<hbm>>
    %dma_wait3A_625 = arith.constant 1024 : i32
    %dma_wait3A_626 = tpu.memref_slice %arg7[%dma_wait3A_612, %dma_wait3A_625] : memref<4x4096xf32, #tpu.memory_space<vmem>> -> memref<1x1024xf32, #tpu.memory_space<vmem>>
    %dma_wait3A_627 = tpu.memref_squeeze %dma_wait3A_626 : memref<1x1024xf32, #tpu.memory_space<vmem>> -> memref<1024xf32, #tpu.memory_space<vmem>>
    tpu.wait_dma2 semaphore(%arg16 : memref<!tpu.dma_semaphore, #tpu.memory_space<semaphore_mem>>) src(%dma_wait3A_627 : memref<1024xf32, #tpu.memory_space<vmem>>) dst(%dma_wait3A_624 : memref<1024xf32, #tpu.memory_space<hbm>>)
    %dma_wait3A_628 = arith.constant 0 : i32
    %dma_wait3A_629 = arith.constant 0 : i32
    %dma_wait3A_630 = arith.constant 2 : i32
    %dma_wait3A_631 = arith.constant 0 : i32
    %dma_wait3A_632 = arith.constant 2048 : i32
    %dma_wait3A_633 = tpu.memref_slice %arg7[%dma_wait3A_628, %dma_wait3A_632] : memref<4x4096xf32, #tpu.memory_space<vmem>> -> memref<1x1024xf32, #tpu.memory_space<vmem>>
    %dma_wait3A_634 = tpu.memref_squeeze %dma_wait3A_633 : memref<1x1024xf32, #tpu.memory_space<vmem>> -> memref<1024xf32, #tpu.memory_space<vmem>>
    %dma_wait3A_635 = arith.constant 0 : i32
    %dma_wait3A_636 = tpu.memref_slice %arg4[%dma_wait3A_629, %dma_wait3A_630, %dma_wait3A_631, %dma_wait3A_635] : memref<200x4x128x1024xf32, #tpu.memory_space<hbm>> -> memref<1x1x1x1024xf32, #tpu.memory_space<hbm>>
    %dma_wait3A_637 = tpu.memref_squeeze %dma_wait3A_636 : memref<1x1x1x1024xf32, #tpu.memory_space<hbm>> -> memref<1024xf32, #tpu.memory_space<hbm>>
    %dma_wait3A_638 = arith.constant 0 : i32
    %dma_wait3A_639 = tpu.memref_slice %arg4[%dma_wait3A_629, %dma_wait3A_630, %dma_wait3A_631, %dma_wait3A_638] : memref<200x4x128x1024xf32, #tpu.memory_space<hbm>> -> memref<1x1x1x1024xf32, #tpu.memory_space<hbm>>
    %dma_wait3A_640 = tpu.memref_squeeze %dma_wait3A_639 : memref<1x1x1x1024xf32, #tpu.memory_space<hbm>> -> memref<1024xf32, #tpu.memory_space<hbm>>
    %dma_wait3A_641 = arith.constant 2048 : i32
    %dma_wait3A_642 = tpu.memref_slice %arg7[%dma_wait3A_628, %dma_wait3A_641] : memref<4x4096xf32, #tpu.memory_space<vmem>> -> memref<1x1024xf32, #tpu.memory_space<vmem>>
    %dma_wait3A_643 = tpu.memref_squeeze %dma_wait3A_642 : memref<1x1024xf32, #tpu.memory_space<vmem>> -> memref<1024xf32, #tpu.memory_space<vmem>>
    tpu.wait_dma2 semaphore(%arg16 : memref<!tpu.dma_semaphore, #tpu.memory_space<semaphore_mem>>) src(%dma_wait3A_643 : memref<1024xf32, #tpu.memory_space<vmem>>) dst(%dma_wait3A_640 : memref<1024xf32, #tpu.memory_space<hbm>>)
    %dma_wait3A_644 = arith.constant 0 : i32
    %dma_wait3A_645 = arith.constant 0 : i32
    %dma_wait3A_646 = arith.constant 3 : i32
    %dma_wait3A_647 = arith.constant 0 : i32
    %dma_wait3A_648 = arith.constant 3072 : i32
    %dma_wait3A_649 = tpu.memref_slice %arg7[%dma_wait3A_644, %dma_wait3A_648] : memref<4x4096xf32, #tpu.memory_space<vmem>> -> memref<1x1024xf32, #tpu.memory_space<vmem>>
    %dma_wait3A_650 = tpu.memref_squeeze %dma_wait3A_649 : memref<1x1024xf32, #tpu.memory_space<vmem>> -> memref<1024xf32, #tpu.memory_space<vmem>>
    %dma_wait3A_651 = arith.constant 0 : i32
    %dma_wait3A_652 = tpu.memref_slice %arg4[%dma_wait3A_645, %dma_wait3A_646, %dma_wait3A_647, %dma_wait3A_651] : memref<200x4x128x1024xf32, #tpu.memory_space<hbm>> -> memref<1x1x1x1024xf32, #tpu.memory_space<hbm>>
    %dma_wait3A_653 = tpu.memref_squeeze %dma_wait3A_652 : memref<1x1x1x1024xf32, #tpu.memory_space<hbm>> -> memref<1024xf32, #tpu.memory_space<hbm>>
    %dma_wait3A_654 = arith.constant 0 : i32
    %dma_wait3A_655 = tpu.memref_slice %arg4[%dma_wait3A_645, %dma_wait3A_646, %dma_wait3A_647, %dma_wait3A_654] : memref<200x4x128x1024xf32, #tpu.memory_space<hbm>> -> memref<1x1x1x1024xf32, #tpu.memory_space<hbm>>
    %dma_wait3A_656 = tpu.memref_squeeze %dma_wait3A_655 : memref<1x1x1x1024xf32, #tpu.memory_space<hbm>> -> memref<1024xf32, #tpu.memory_space<hbm>>
    %dma_wait3A_657 = arith.constant 3072 : i32
    %dma_wait3A_658 = tpu.memref_slice %arg7[%dma_wait3A_644, %dma_wait3A_657] : memref<4x4096xf32, #tpu.memory_space<vmem>> -> memref<1x1024xf32, #tpu.memory_space<vmem>>
    %dma_wait3A_659 = tpu.memref_squeeze %dma_wait3A_658 : memref<1x1024xf32, #tpu.memory_space<vmem>> -> memref<1024xf32, #tpu.memory_space<vmem>>
    tpu.wait_dma2 semaphore(%arg16 : memref<!tpu.dma_semaphore, #tpu.memory_space<semaphore_mem>>) src(%dma_wait3A_659 : memref<1024xf32, #tpu.memory_space<vmem>>) dst(%dma_wait3A_656 : memref<1024xf32, #tpu.memory_space<hbm>>)
    %dma_wait3A_660 = arith.constant 1 : i32
    %dma_wait3A_661 = arith.constant 0 : i32
    %dma_wait3A_662 = arith.constant 0 : i32
    %dma_wait3A_663 = arith.constant 0 : i32
    %dma_wait3A_664 = arith.constant 0 : i32
    %dma_wait3A_665 = tpu.memref_slice %arg7[%dma_wait3A_660, %dma_wait3A_664] : memref<4x4096xf32, #tpu.memory_space<vmem>> -> memref<1x1024xf32, #tpu.memory_space<vmem>>
    %dma_wait3A_666 = tpu.memref_squeeze %dma_wait3A_665 : memref<1x1024xf32, #tpu.memory_space<vmem>> -> memref<1024xf32, #tpu.memory_space<vmem>>
    %dma_wait3A_667 = arith.constant 0 : i32
    %dma_wait3A_668 = tpu.memref_slice %arg4[%dma_wait3A_661, %dma_wait3A_662, %dma_wait3A_663, %dma_wait3A_667] : memref<200x4x128x1024xf32, #tpu.memory_space<hbm>> -> memref<1x1x1x1024xf32, #tpu.memory_space<hbm>>
    %dma_wait3A_669 = tpu.memref_squeeze %dma_wait3A_668 : memref<1x1x1x1024xf32, #tpu.memory_space<hbm>> -> memref<1024xf32, #tpu.memory_space<hbm>>
    %dma_wait3A_670 = arith.constant 0 : i32
    %dma_wait3A_671 = tpu.memref_slice %arg4[%dma_wait3A_661, %dma_wait3A_662, %dma_wait3A_663, %dma_wait3A_670] : memref<200x4x128x1024xf32, #tpu.memory_space<hbm>> -> memref<1x1x1x1024xf32, #tpu.memory_space<hbm>>
    %dma_wait3A_672 = tpu.memref_squeeze %dma_wait3A_671 : memref<1x1x1x1024xf32, #tpu.memory_space<hbm>> -> memref<1024xf32, #tpu.memory_space<hbm>>
    %dma_wait3A_673 = arith.constant 0 : i32
    %dma_wait3A_674 = tpu.memref_slice %arg7[%dma_wait3A_660, %dma_wait3A_673] : memref<4x4096xf32, #tpu.memory_space<vmem>> -> memref<1x1024xf32, #tpu.memory_space<vmem>>
    %dma_wait3A_675 = tpu.memref_squeeze %dma_wait3A_674 : memref<1x1024xf32, #tpu.memory_space<vmem>> -> memref<1024xf32, #tpu.memory_space<vmem>>
    tpu.wait_dma2 semaphore(%arg17 : memref<!tpu.dma_semaphore, #tpu.memory_space<semaphore_mem>>) src(%dma_wait3A_675 : memref<1024xf32, #tpu.memory_space<vmem>>) dst(%dma_wait3A_672 : memref<1024xf32, #tpu.memory_space<hbm>>)
    %dma_wait3A_676 = arith.constant 1 : i32
    %dma_wait3A_677 = arith.constant 0 : i32
    %dma_wait3A_678 = arith.constant 1 : i32
    %dma_wait3A_679 = arith.constant 0 : i32
    %dma_wait3A_680 = arith.constant 1024 : i32
    %dma_wait3A_681 = tpu.memref_slice %arg7[%dma_wait3A_676, %dma_wait3A_680] : memref<4x4096xf32, #tpu.memory_space<vmem>> -> memref<1x1024xf32, #tpu.memory_space<vmem>>
    %dma_wait3A_682 = tpu.memref_squeeze %dma_wait3A_681 : memref<1x1024xf32, #tpu.memory_space<vmem>> -> memref<1024xf32, #tpu.memory_space<vmem>>
    %dma_wait3A_683 = arith.constant 0 : i32
    %dma_wait3A_684 = tpu.memref_slice %arg4[%dma_wait3A_677, %dma_wait3A_678, %dma_wait3A_679, %dma_wait3A_683] : memref<200x4x128x1024xf32, #tpu.memory_space<hbm>> -> memref<1x1x1x1024xf32, #tpu.memory_space<hbm>>
    %dma_wait3A_685 = tpu.memref_squeeze %dma_wait3A_684 : memref<1x1x1x1024xf32, #tpu.memory_space<hbm>> -> memref<1024xf32, #tpu.memory_space<hbm>>
    %dma_wait3A_686 = arith.constant 0 : i32
    %dma_wait3A_687 = tpu.memref_slice %arg4[%dma_wait3A_677, %dma_wait3A_678, %dma_wait3A_679, %dma_wait3A_686] : memref<200x4x128x1024xf32, #tpu.memory_space<hbm>> -> memref<1x1x1x1024xf32, #tpu.memory_space<hbm>>
    %dma_wait3A_688 = tpu.memref_squeeze %dma_wait3A_687 : memref<1x1x1x1024xf32, #tpu.memory_space<hbm>> -> memref<1024xf32, #tpu.memory_space<hbm>>
    %dma_wait3A_689 = arith.constant 1024 : i32
    %dma_wait3A_690 = tpu.memref_slice %arg7[%dma_wait3A_676, %dma_wait3A_689] : memref<4x4096xf32, #tpu.memory_space<vmem>> -> memref<1x1024xf32, #tpu.memory_space<vmem>>
    %dma_wait3A_691 = tpu.memref_squeeze %dma_wait3A_690 : memref<1x1024xf32, #tpu.memory_space<vmem>> -> memref<1024xf32, #tpu.memory_space<vmem>>
    tpu.wait_dma2 semaphore(%arg17 : memref<!tpu.dma_semaphore, #tpu.memory_space<semaphore_mem>>) src(%dma_wait3A_691 : memref<1024xf32, #tpu.memory_space<vmem>>) dst(%dma_wait3A_688 : memref<1024xf32, #tpu.memory_space<hbm>>)
    %dma_wait3A_692 = arith.constant 1 : i32
    %dma_wait3A_693 = arith.constant 0 : i32
    %dma_wait3A_694 = arith.constant 2 : i32
    %dma_wait3A_695 = arith.constant 0 : i32
    %dma_wait3A_696 = arith.constant 2048 : i32
    %dma_wait3A_697 = tpu.memref_slice %arg7[%dma_wait3A_692, %dma_wait3A_696] : memref<4x4096xf32, #tpu.memory_space<vmem>> -> memref<1x1024xf32, #tpu.memory_space<vmem>>
    %dma_wait3A_698 = tpu.memref_squeeze %dma_wait3A_697 : memref<1x1024xf32, #tpu.memory_space<vmem>> -> memref<1024xf32, #tpu.memory_space<vmem>>
    %dma_wait3A_699 = arith.constant 0 : i32
    %dma_wait3A_700 = tpu.memref_slice %arg4[%dma_wait3A_693, %dma_wait3A_694, %dma_wait3A_695, %dma_wait3A_699] : memref<200x4x128x1024xf32, #tpu.memory_space<hbm>> -> memref<1x1x1x1024xf32, #tpu.memory_space<hbm>>
    %dma_wait3A_701 = tpu.memref_squeeze %dma_wait3A_700 : memref<1x1x1x1024xf32, #tpu.memory_space<hbm>> -> memref<1024xf32, #tpu.memory_space<hbm>>
    %dma_wait3A_702 = arith.constant 0 : i32
    %dma_wait3A_703 = tpu.memref_slice %arg4[%dma_wait3A_693, %dma_wait3A_694, %dma_wait3A_695, %dma_wait3A_702] : memref<200x4x128x1024xf32, #tpu.memory_space<hbm>> -> memref<1x1x1x1024xf32, #tpu.memory_space<hbm>>
    %dma_wait3A_704 = tpu.memref_squeeze %dma_wait3A_703 : memref<1x1x1x1024xf32, #tpu.memory_space<hbm>> -> memref<1024xf32, #tpu.memory_space<hbm>>
    %dma_wait3A_705 = arith.constant 2048 : i32
    %dma_wait3A_706 = tpu.memref_slice %arg7[%dma_wait3A_692, %dma_wait3A_705] : memref<4x4096xf32, #tpu.memory_space<vmem>> -> memref<1x1024xf32, #tpu.memory_space<vmem>>
    %dma_wait3A_707 = tpu.memref_squeeze %dma_wait3A_706 : memref<1x1024xf32, #tpu.memory_space<vmem>> -> memref<1024xf32, #tpu.memory_space<vmem>>
    tpu.wait_dma2 semaphore(%arg17 : memref<!tpu.dma_semaphore, #tpu.memory_space<semaphore_mem>>) src(%dma_wait3A_707 : memref<1024xf32, #tpu.memory_space<vmem>>) dst(%dma_wait3A_704 : memref<1024xf32, #tpu.memory_space<hbm>>)
    %dma_wait3A_708 = arith.constant 1 : i32
    %dma_wait3A_709 = arith.constant 0 : i32
    %dma_wait3A_710 = arith.constant 3 : i32
    %dma_wait3A_711 = arith.constant 0 : i32
    %dma_wait3A_712 = arith.constant 3072 : i32
    %dma_wait3A_713 = tpu.memref_slice %arg7[%dma_wait3A_708, %dma_wait3A_712] : memref<4x4096xf32, #tpu.memory_space<vmem>> -> memref<1x1024xf32, #tpu.memory_space<vmem>>
    %dma_wait3A_714 = tpu.memref_squeeze %dma_wait3A_713 : memref<1x1024xf32, #tpu.memory_space<vmem>> -> memref<1024xf32, #tpu.memory_space<vmem>>
    %dma_wait3A_715 = arith.constant 0 : i32
    %dma_wait3A_716 = tpu.memref_slice %arg4[%dma_wait3A_709, %dma_wait3A_710, %dma_wait3A_711, %dma_wait3A_715] : memref<200x4x128x1024xf32, #tpu.memory_space<hbm>> -> memref<1x1x1x1024xf32, #tpu.memory_space<hbm>>
    %dma_wait3A_717 = tpu.memref_squeeze %dma_wait3A_716 : memref<1x1x1x1024xf32, #tpu.memory_space<hbm>> -> memref<1024xf32, #tpu.memory_space<hbm>>
    %dma_wait3A_718 = arith.constant 0 : i32
    %dma_wait3A_719 = tpu.memref_slice %arg4[%dma_wait3A_709, %dma_wait3A_710, %dma_wait3A_711, %dma_wait3A_718] : memref<200x4x128x1024xf32, #tpu.memory_space<hbm>> -> memref<1x1x1x1024xf32, #tpu.memory_space<hbm>>
    %dma_wait3A_720 = tpu.memref_squeeze %dma_wait3A_719 : memref<1x1x1x1024xf32, #tpu.memory_space<hbm>> -> memref<1024xf32, #tpu.memory_space<hbm>>
    %dma_wait3A_721 = arith.constant 3072 : i32
    %dma_wait3A_722 = tpu.memref_slice %arg7[%dma_wait3A_708, %dma_wait3A_721] : memref<4x4096xf32, #tpu.memory_space<vmem>> -> memref<1x1024xf32, #tpu.memory_space<vmem>>
    %dma_wait3A_723 = tpu.memref_squeeze %dma_wait3A_722 : memref<1x1024xf32, #tpu.memory_space<vmem>> -> memref<1024xf32, #tpu.memory_space<vmem>>
    tpu.wait_dma2 semaphore(%arg17 : memref<!tpu.dma_semaphore, #tpu.memory_space<semaphore_mem>>) src(%dma_wait3A_723 : memref<1024xf32, #tpu.memory_space<vmem>>) dst(%dma_wait3A_720 : memref<1024xf32, #tpu.memory_space<hbm>>)
    %dma_wait3A_724 = arith.constant 2 : i32
    %dma_wait3A_725 = arith.constant 0 : i32
    %dma_wait3A_726 = arith.constant 0 : i32
    %dma_wait3A_727 = arith.constant 0 : i32
    %dma_wait3A_728 = arith.constant 0 : i32
    %dma_wait3A_729 = tpu.memref_slice %arg7[%dma_wait3A_724, %dma_wait3A_728] : memref<4x4096xf32, #tpu.memory_space<vmem>> -> memref<1x1024xf32, #tpu.memory_space<vmem>>
    %dma_wait3A_730 = tpu.memref_squeeze %dma_wait3A_729 : memref<1x1024xf32, #tpu.memory_space<vmem>> -> memref<1024xf32, #tpu.memory_space<vmem>>
    %dma_wait3A_731 = arith.constant 0 : i32
    %dma_wait3A_732 = tpu.memref_slice %arg4[%dma_wait3A_725, %dma_wait3A_726, %dma_wait3A_727, %dma_wait3A_731] : memref<200x4x128x1024xf32, #tpu.memory_space<hbm>> -> memref<1x1x1x1024xf32, #tpu.memory_space<hbm>>
    %dma_wait3A_733 = tpu.memref_squeeze %dma_wait3A_732 : memref<1x1x1x1024xf32, #tpu.memory_space<hbm>> -> memref<1024xf32, #tpu.memory_space<hbm>>
    %dma_wait3A_734 = arith.constant 0 : i32
    %dma_wait3A_735 = tpu.memref_slice %arg4[%dma_wait3A_725, %dma_wait3A_726, %dma_wait3A_727, %dma_wait3A_734] : memref<200x4x128x1024xf32, #tpu.memory_space<hbm>> -> memref<1x1x1x1024xf32, #tpu.memory_space<hbm>>
    %dma_wait3A_736 = tpu.memref_squeeze %dma_wait3A_735 : memref<1x1x1x1024xf32, #tpu.memory_space<hbm>> -> memref<1024xf32, #tpu.memory_space<hbm>>
    %dma_wait3A_737 = arith.constant 0 : i32
    %dma_wait3A_738 = tpu.memref_slice %arg7[%dma_wait3A_724, %dma_wait3A_737] : memref<4x4096xf32, #tpu.memory_space<vmem>> -> memref<1x1024xf32, #tpu.memory_space<vmem>>
    %dma_wait3A_739 = tpu.memref_squeeze %dma_wait3A_738 : memref<1x1024xf32, #tpu.memory_space<vmem>> -> memref<1024xf32, #tpu.memory_space<vmem>>
    tpu.wait_dma2 semaphore(%arg18 : memref<!tpu.dma_semaphore, #tpu.memory_space<semaphore_mem>>) src(%dma_wait3A_739 : memref<1024xf32, #tpu.memory_space<vmem>>) dst(%dma_wait3A_736 : memref<1024xf32, #tpu.memory_space<hbm>>)
    %dma_wait3A_740 = arith.constant 2 : i32
    %dma_wait3A_741 = arith.constant 0 : i32
    %dma_wait3A_742 = arith.constant 1 : i32
    %dma_wait3A_743 = arith.constant 0 : i32
    %dma_wait3A_744 = arith.constant 1024 : i32
    %dma_wait3A_745 = tpu.memref_slice %arg7[%dma_wait3A_740, %dma_wait3A_744] : memref<4x4096xf32, #tpu.memory_space<vmem>> -> memref<1x1024xf32, #tpu.memory_space<vmem>>
    %dma_wait3A_746 = tpu.memref_squeeze %dma_wait3A_745 : memref<1x1024xf32, #tpu.memory_space<vmem>> -> memref<1024xf32, #tpu.memory_space<vmem>>
    %dma_wait3A_747 = arith.constant 0 : i32
    %dma_wait3A_748 = tpu.memref_slice %arg4[%dma_wait3A_741, %dma_wait3A_742, %dma_wait3A_743, %dma_wait3A_747] : memref<200x4x128x1024xf32, #tpu.memory_space<hbm>> -> memref<1x1x1x1024xf32, #tpu.memory_space<hbm>>
    %dma_wait3A_749 = tpu.memref_squeeze %dma_wait3A_748 : memref<1x1x1x1024xf32, #tpu.memory_space<hbm>> -> memref<1024xf32, #tpu.memory_space<hbm>>
    %dma_wait3A_750 = arith.constant 0 : i32
    %dma_wait3A_751 = tpu.memref_slice %arg4[%dma_wait3A_741, %dma_wait3A_742, %dma_wait3A_743, %dma_wait3A_750] : memref<200x4x128x1024xf32, #tpu.memory_space<hbm>> -> memref<1x1x1x1024xf32, #tpu.memory_space<hbm>>
    %dma_wait3A_752 = tpu.memref_squeeze %dma_wait3A_751 : memref<1x1x1x1024xf32, #tpu.memory_space<hbm>> -> memref<1024xf32, #tpu.memory_space<hbm>>
    %dma_wait3A_753 = arith.constant 1024 : i32
    %dma_wait3A_754 = tpu.memref_slice %arg7[%dma_wait3A_740, %dma_wait3A_753] : memref<4x4096xf32, #tpu.memory_space<vmem>> -> memref<1x1024xf32, #tpu.memory_space<vmem>>
    %dma_wait3A_755 = tpu.memref_squeeze %dma_wait3A_754 : memref<1x1024xf32, #tpu.memory_space<vmem>> -> memref<1024xf32, #tpu.memory_space<vmem>>
    tpu.wait_dma2 semaphore(%arg18 : memref<!tpu.dma_semaphore, #tpu.memory_space<semaphore_mem>>) src(%dma_wait3A_755 : memref<1024xf32, #tpu.memory_space<vmem>>) dst(%dma_wait3A_752 : memref<1024xf32, #tpu.memory_space<hbm>>)
    %dma_wait3A_756 = arith.constant 2 : i32
    %dma_wait3A_757 = arith.constant 0 : i32
    %dma_wait3A_758 = arith.constant 2 : i32
    %dma_wait3A_759 = arith.constant 0 : i32
    %dma_wait3A_760 = arith.constant 2048 : i32
    %dma_wait3A_761 = tpu.memref_slice %arg7[%dma_wait3A_756, %dma_wait3A_760] : memref<4x4096xf32, #tpu.memory_space<vmem>> -> memref<1x1024xf32, #tpu.memory_space<vmem>>
    %dma_wait3A_762 = tpu.memref_squeeze %dma_wait3A_761 : memref<1x1024xf32, #tpu.memory_space<vmem>> -> memref<1024xf32, #tpu.memory_space<vmem>>
    %dma_wait3A_763 = arith.constant 0 : i32
    %dma_wait3A_764 = tpu.memref_slice %arg4[%dma_wait3A_757, %dma_wait3A_758, %dma_wait3A_759, %dma_wait3A_763] : memref<200x4x128x1024xf32, #tpu.memory_space<hbm>> -> memref<1x1x1x1024xf32, #tpu.memory_space<hbm>>
    %dma_wait3A_765 = tpu.memref_squeeze %dma_wait3A_764 : memref<1x1x1x1024xf32, #tpu.memory_space<hbm>> -> memref<1024xf32, #tpu.memory_space<hbm>>
    %dma_wait3A_766 = arith.constant 0 : i32
    %dma_wait3A_767 = tpu.memref_slice %arg4[%dma_wait3A_757, %dma_wait3A_758, %dma_wait3A_759, %dma_wait3A_766] : memref<200x4x128x1024xf32, #tpu.memory_space<hbm>> -> memref<1x1x1x1024xf32, #tpu.memory_space<hbm>>
    %dma_wait3A_768 = tpu.memref_squeeze %dma_wait3A_767 : memref<1x1x1x1024xf32, #tpu.memory_space<hbm>> -> memref<1024xf32, #tpu.memory_space<hbm>>
    %dma_wait3A_769 = arith.constant 2048 : i32
    %dma_wait3A_770 = tpu.memref_slice %arg7[%dma_wait3A_756, %dma_wait3A_769] : memref<4x4096xf32, #tpu.memory_space<vmem>> -> memref<1x1024xf32, #tpu.memory_space<vmem>>
    %dma_wait3A_771 = tpu.memref_squeeze %dma_wait3A_770 : memref<1x1024xf32, #tpu.memory_space<vmem>> -> memref<1024xf32, #tpu.memory_space<vmem>>
    tpu.wait_dma2 semaphore(%arg18 : memref<!tpu.dma_semaphore, #tpu.memory_space<semaphore_mem>>) src(%dma_wait3A_771 : memref<1024xf32, #tpu.memory_space<vmem>>) dst(%dma_wait3A_768 : memref<1024xf32, #tpu.memory_space<hbm>>)
    %dma_wait3A_772 = arith.constant 2 : i32
    %dma_wait3A_773 = arith.constant 0 : i32
    %dma_wait3A_774 = arith.constant 3 : i32
    %dma_wait3A_775 = arith.constant 0 : i32
    %dma_wait3A_776 = arith.constant 3072 : i32
    %dma_wait3A_777 = tpu.memref_slice %arg7[%dma_wait3A_772, %dma_wait3A_776] : memref<4x4096xf32, #tpu.memory_space<vmem>> -> memref<1x1024xf32, #tpu.memory_space<vmem>>
    %dma_wait3A_778 = tpu.memref_squeeze %dma_wait3A_777 : memref<1x1024xf32, #tpu.memory_space<vmem>> -> memref<1024xf32, #tpu.memory_space<vmem>>
    %dma_wait3A_779 = arith.constant 0 : i32
    %dma_wait3A_780 = tpu.memref_slice %arg4[%dma_wait3A_773, %dma_wait3A_774, %dma_wait3A_775, %dma_wait3A_779] : memref<200x4x128x1024xf32, #tpu.memory_space<hbm>> -> memref<1x1x1x1024xf32, #tpu.memory_space<hbm>>
    %dma_wait3A_781 = tpu.memref_squeeze %dma_wait3A_780 : memref<1x1x1x1024xf32, #tpu.memory_space<hbm>> -> memref<1024xf32, #tpu.memory_space<hbm>>
    %dma_wait3A_782 = arith.constant 0 : i32
    %dma_wait3A_783 = tpu.memref_slice %arg4[%dma_wait3A_773, %dma_wait3A_774, %dma_wait3A_775, %dma_wait3A_782] : memref<200x4x128x1024xf32, #tpu.memory_space<hbm>> -> memref<1x1x1x1024xf32, #tpu.memory_space<hbm>>
    %dma_wait3A_784 = tpu.memref_squeeze %dma_wait3A_783 : memref<1x1x1x1024xf32, #tpu.memory_space<hbm>> -> memref<1024xf32, #tpu.memory_space<hbm>>
    %dma_wait3A_785 = arith.constant 3072 : i32
    %dma_wait3A_786 = tpu.memref_slice %arg7[%dma_wait3A_772, %dma_wait3A_785] : memref<4x4096xf32, #tpu.memory_space<vmem>> -> memref<1x1024xf32, #tpu.memory_space<vmem>>
    %dma_wait3A_787 = tpu.memref_squeeze %dma_wait3A_786 : memref<1x1024xf32, #tpu.memory_space<vmem>> -> memref<1024xf32, #tpu.memory_space<vmem>>
    tpu.wait_dma2 semaphore(%arg18 : memref<!tpu.dma_semaphore, #tpu.memory_space<semaphore_mem>>) src(%dma_wait3A_787 : memref<1024xf32, #tpu.memory_space<vmem>>) dst(%dma_wait3A_784 : memref<1024xf32, #tpu.memory_space<hbm>>)
    %dma_wait3A_788 = arith.constant 3 : i32
    %dma_wait3A_789 = arith.constant 0 : i32
    %dma_wait3A_790 = arith.constant 0 : i32
    %dma_wait3A_791 = arith.constant 0 : i32
    %dma_wait3A_792 = arith.constant 0 : i32
    %dma_wait3A_793 = tpu.memref_slice %arg7[%dma_wait3A_788, %dma_wait3A_792] : memref<4x4096xf32, #tpu.memory_space<vmem>> -> memref<1x1024xf32, #tpu.memory_space<vmem>>
    %dma_wait3A_794 = tpu.memref_squeeze %dma_wait3A_793 : memref<1x1024xf32, #tpu.memory_space<vmem>> -> memref<1024xf32, #tpu.memory_space<vmem>>
    %dma_wait3A_795 = arith.constant 0 : i32
    %dma_wait3A_796 = tpu.memref_slice %arg4[%dma_wait3A_789, %dma_wait3A_790, %dma_wait3A_791, %dma_wait3A_795] : memref<200x4x128x1024xf32, #tpu.memory_space<hbm>> -> memref<1x1x1x1024xf32, #tpu.memory_space<hbm>>
    %dma_wait3A_797 = tpu.memref_squeeze %dma_wait3A_796 : memref<1x1x1x1024xf32, #tpu.memory_space<hbm>> -> memref<1024xf32, #tpu.memory_space<hbm>>
    %dma_wait3A_798 = arith.constant 0 : i32
    %dma_wait3A_799 = tpu.memref_slice %arg4[%dma_wait3A_789, %dma_wait3A_790, %dma_wait3A_791, %dma_wait3A_798] : memref<200x4x128x1024xf32, #tpu.memory_space<hbm>> -> memref<1x1x1x1024xf32, #tpu.memory_space<hbm>>
    %dma_wait3A_800 = tpu.memref_squeeze %dma_wait3A_799 : memref<1x1x1x1024xf32, #tpu.memory_space<hbm>> -> memref<1024xf32, #tpu.memory_space<hbm>>
    %dma_wait3A_801 = arith.constant 0 : i32
    %dma_wait3A_802 = tpu.memref_slice %arg7[%dma_wait3A_788, %dma_wait3A_801] : memref<4x4096xf32, #tpu.memory_space<vmem>> -> memref<1x1024xf32, #tpu.memory_space<vmem>>
    %dma_wait3A_803 = tpu.memref_squeeze %dma_wait3A_802 : memref<1x1024xf32, #tpu.memory_space<vmem>> -> memref<1024xf32, #tpu.memory_space<vmem>>
    tpu.wait_dma2 semaphore(%arg19 : memref<!tpu.dma_semaphore, #tpu.memory_space<semaphore_mem>>) src(%dma_wait3A_803 : memref<1024xf32, #tpu.memory_space<vmem>>) dst(%dma_wait3A_800 : memref<1024xf32, #tpu.memory_space<hbm>>)
    %dma_wait3A_804 = arith.constant 3 : i32
    %dma_wait3A_805 = arith.constant 0 : i32
    %dma_wait3A_806 = arith.constant 1 : i32
    %dma_wait3A_807 = arith.constant 0 : i32
    %dma_wait3A_808 = arith.constant 1024 : i32
    %dma_wait3A_809 = tpu.memref_slice %arg7[%dma_wait3A_804, %dma_wait3A_808] : memref<4x4096xf32, #tpu.memory_space<vmem>> -> memref<1x1024xf32, #tpu.memory_space<vmem>>
    %dma_wait3A_810 = tpu.memref_squeeze %dma_wait3A_809 : memref<1x1024xf32, #tpu.memory_space<vmem>> -> memref<1024xf32, #tpu.memory_space<vmem>>
    %dma_wait3A_811 = arith.constant 0 : i32
    %dma_wait3A_812 = tpu.memref_slice %arg4[%dma_wait3A_805, %dma_wait3A_806, %dma_wait3A_807, %dma_wait3A_811] : memref<200x4x128x1024xf32, #tpu.memory_space<hbm>> -> memref<1x1x1x1024xf32, #tpu.memory_space<hbm>>
    %dma_wait3A_813 = tpu.memref_squeeze %dma_wait3A_812 : memref<1x1x1x1024xf32, #tpu.memory_space<hbm>> -> memref<1024xf32, #tpu.memory_space<hbm>>
    %dma_wait3A_814 = arith.constant 0 : i32
    %dma_wait3A_815 = tpu.memref_slice %arg4[%dma_wait3A_805, %dma_wait3A_806, %dma_wait3A_807, %dma_wait3A_814] : memref<200x4x128x1024xf32, #tpu.memory_space<hbm>> -> memref<1x1x1x1024xf32, #tpu.memory_space<hbm>>
    %dma_wait3A_816 = tpu.memref_squeeze %dma_wait3A_815 : memref<1x1x1x1024xf32, #tpu.memory_space<hbm>> -> memref<1024xf32, #tpu.memory_space<hbm>>
    %dma_wait3A_817 = arith.constant 1024 : i32
    %dma_wait3A_818 = tpu.memref_slice %arg7[%dma_wait3A_804, %dma_wait3A_817] : memref<4x4096xf32, #tpu.memory_space<vmem>> -> memref<1x1024xf32, #tpu.memory_space<vmem>>
    %dma_wait3A_819 = tpu.memref_squeeze %dma_wait3A_818 : memref<1x1024xf32, #tpu.memory_space<vmem>> -> memref<1024xf32, #tpu.memory_space<vmem>>
    tpu.wait_dma2 semaphore(%arg19 : memref<!tpu.dma_semaphore, #tpu.memory_space<semaphore_mem>>) src(%dma_wait3A_819 : memref<1024xf32, #tpu.memory_space<vmem>>) dst(%dma_wait3A_816 : memref<1024xf32, #tpu.memory_space<hbm>>)
    %dma_wait3A_820 = arith.constant 3 : i32
    %dma_wait3A_821 = arith.constant 0 : i32
    %dma_wait3A_822 = arith.constant 2 : i32
    %dma_wait3A_823 = arith.constant 0 : i32
    %dma_wait3A_824 = arith.constant 2048 : i32
    %dma_wait3A_825 = tpu.memref_slice %arg7[%dma_wait3A_820, %dma_wait3A_824] : memref<4x4096xf32, #tpu.memory_space<vmem>> -> memref<1x1024xf32, #tpu.memory_space<vmem>>
    %dma_wait3A_826 = tpu.memref_squeeze %dma_wait3A_825 : memref<1x1024xf32, #tpu.memory_space<vmem>> -> memref<1024xf32, #tpu.memory_space<vmem>>
    %dma_wait3A_827 = arith.constant 0 : i32
    %dma_wait3A_828 = tpu.memref_slice %arg4[%dma_wait3A_821, %dma_wait3A_822, %dma_wait3A_823, %dma_wait3A_827] : memref<200x4x128x1024xf32, #tpu.memory_space<hbm>> -> memref<1x1x1x1024xf32, #tpu.memory_space<hbm>>
    %dma_wait3A_829 = tpu.memref_squeeze %dma_wait3A_828 : memref<1x1x1x1024xf32, #tpu.memory_space<hbm>> -> memref<1024xf32, #tpu.memory_space<hbm>>
    %dma_wait3A_830 = arith.constant 0 : i32
    %dma_wait3A_831 = tpu.memref_slice %arg4[%dma_wait3A_821, %dma_wait3A_822, %dma_wait3A_823, %dma_wait3A_830] : memref<200x4x128x1024xf32, #tpu.memory_space<hbm>> -> memref<1x1x1x1024xf32, #tpu.memory_space<hbm>>
    %dma_wait3A_832 = tpu.memref_squeeze %dma_wait3A_831 : memref<1x1x1x1024xf32, #tpu.memory_space<hbm>> -> memref<1024xf32, #tpu.memory_space<hbm>>
    %dma_wait3A_833 = arith.constant 2048 : i32
    %dma_wait3A_834 = tpu.memref_slice %arg7[%dma_wait3A_820, %dma_wait3A_833] : memref<4x4096xf32, #tpu.memory_space<vmem>> -> memref<1x1024xf32, #tpu.memory_space<vmem>>
    %dma_wait3A_835 = tpu.memref_squeeze %dma_wait3A_834 : memref<1x1024xf32, #tpu.memory_space<vmem>> -> memref<1024xf32, #tpu.memory_space<vmem>>
    tpu.wait_dma2 semaphore(%arg19 : memref<!tpu.dma_semaphore, #tpu.memory_space<semaphore_mem>>) src(%dma_wait3A_835 : memref<1024xf32, #tpu.memory_space<vmem>>) dst(%dma_wait3A_832 : memref<1024xf32, #tpu.memory_space<hbm>>)
    %dma_wait3A_836 = arith.constant 3 : i32
    %dma_wait3A_837 = arith.constant 0 : i32
    %dma_wait3A_838 = arith.constant 3 : i32
    %dma_wait3A_839 = arith.constant 0 : i32
    %dma_wait3A_840 = arith.constant 3072 : i32
    %dma_wait3A_841 = tpu.memref_slice %arg7[%dma_wait3A_836, %dma_wait3A_840] : memref<4x4096xf32, #tpu.memory_space<vmem>> -> memref<1x1024xf32, #tpu.memory_space<vmem>>
    %dma_wait3A_842 = tpu.memref_squeeze %dma_wait3A_841 : memref<1x1024xf32, #tpu.memory_space<vmem>> -> memref<1024xf32, #tpu.memory_space<vmem>>
    %dma_wait3A_843 = arith.constant 0 : i32
    %dma_wait3A_844 = tpu.memref_slice %arg4[%dma_wait3A_837, %dma_wait3A_838, %dma_wait3A_839, %dma_wait3A_843] : memref<200x4x128x1024xf32, #tpu.memory_space<hbm>> -> memref<1x1x1x1024xf32, #tpu.memory_space<hbm>>
    %dma_wait3A_845 = tpu.memref_squeeze %dma_wait3A_844 : memref<1x1x1x1024xf32, #tpu.memory_space<hbm>> -> memref<1024xf32, #tpu.memory_space<hbm>>
    %dma_wait3A_846 = arith.constant 0 : i32
    %dma_wait3A_847 = tpu.memref_slice %arg4[%dma_wait3A_837, %dma_wait3A_838, %dma_wait3A_839, %dma_wait3A_846] : memref<200x4x128x1024xf32, #tpu.memory_space<hbm>> -> memref<1x1x1x1024xf32, #tpu.memory_space<hbm>>
    %dma_wait3A_848 = tpu.memref_squeeze %dma_wait3A_847 : memref<1x1x1x1024xf32, #tpu.memory_space<hbm>> -> memref<1024xf32, #tpu.memory_space<hbm>>
    %dma_wait3A_849 = arith.constant 3072 : i32
    %dma_wait3A_850 = tpu.memref_slice %arg7[%dma_wait3A_836, %dma_wait3A_849] : memref<4x4096xf32, #tpu.memory_space<vmem>> -> memref<1x1024xf32, #tpu.memory_space<vmem>>
    %dma_wait3A_851 = tpu.memref_squeeze %dma_wait3A_850 : memref<1x1024xf32, #tpu.memory_space<vmem>> -> memref<1024xf32, #tpu.memory_space<vmem>>
    tpu.wait_dma2 semaphore(%arg19 : memref<!tpu.dma_semaphore, #tpu.memory_space<semaphore_mem>>) src(%dma_wait3A_851 : memref<1024xf32, #tpu.memory_space<vmem>>) dst(%dma_wait3A_848 : memref<1024xf32, #tpu.memory_space<hbm>>)
    return
  }
}

</mosaic_0001>

<sc_bundles>
// kernel: kernel.3.cloned.1.call-start
scs
__scs_entry_jumppad:
0x0: {  	(pc) =	sbr.rel $0x88, $3  }
0x1: {  	(tag) =	ssettag $0x0;
	lr =	simm.s32 $0x1  }
0x2: {  	[smem:$0x3F9F] =	sst lr;
	_ =	strace $0xD0000000  }
0x3: {  	_ = 	snop  }
0x4: {  	_ = 	snop  }
0x5: {  	_ = 	snop  }
0x6: {  	_ = 	snop  }
0x7: {  	_ = 	snop  }
__scs_overlays_trampoline_lowered:
0x8: {  	[smem:$0x3FAE] =	sst s0  }
0x9: {  	[smem:$0x3FAF] =	sst s1  }
0xa: {  	[smem:$0x3FB0] =	sst s2  }
0xb: {  	[smem:$0x3FB1] =	sst s3  }
0xc: {  	[smem:$0x3FB2] =	sst s4  }
0xd: {  	[smem:$0x3FB3] =	sst s5  }
0xe: {  	[smem:$0x3FB4] =	sst s6  }
0xf: {  	[smem:$0x3FB5] =	sst s7  }
0x10: {  	[smem:$0x3FB6] =	sst s8  }
0x11: {  	[smem:$0x3FB7] =	sst s9;
	s0 =	simm.s32 @!p0 $0x0  }
0x12: {  	s1 =	sld [smem:$0x3F9D];
	s0 =	simm.s32 @p0 $0x1  }
0x13: {  	[smem:$0x3FB8] =	sst s0;
	s0 =	simm.s32 @!p1 $0x0  }
0x14: {  	s2 =	sld [smem:$0x3F9C];
	s0 =	simm.s32 @p1 $0x1  }
0x15: {  	[smem:$0x3FB9] =	sst s0;
	s0 =	simm.s32 @!p2 $0x0  }
0x16: {  	s3 =	sld [smem:$0x3FDB];
	s0 =	simm.s32 @p2 $0x1  }
0x17: {  	s4 =	simm.s32 $0x1BF5;
	[smem:$0x3FBB] =	sst s0  }
0x18: {  	s0 =	sld [smem:$0x3F9E];
	_ =	swait.ge [sflag:s4], $0x0  }
0x19: {  	s7 =	sld [smem:$0x3F9F]  }
0x1a: {  	s8 =	sadd.s32 $0xFFFFE003, lr  }
0x1b: {  	s9 =	sadd.s32 $0xFFFFFEF7, lr;
	s5 =	simm.s32 $0xFFFFFFFF;
	p2 =	slt.u32 s8, $0xFFFFF086  }
0x1c: {  	p1 =	slt.u32 s9, $0xF7A;
	s5 =	simm.s32 @!p2 $0x0  }
0x1d: {  	s5 =	simm.s32 @p1 $0x1;
	p0 =	seq.s32 s7, s2  }
0x1e: {  	s7 =	smul.u32 @!p0 $0xF7A, s2;
	p2 =	seq.s32 @!p0 s5, $0x0  }
0x1f: {  	s9 =	smul.u32 $0xF7A, s1;
	s8 =	simm.s32 @!p0 $0x1BF5;
	p2 =	por !p2, p0  }
0x20: {  	[sflag:s8] =	ssyncset.s32 @!p0 $0xFFFFF086;
	s6 =	sadd.s32 @!p0 s3, s7;
	s7 =	simm.s32 @!p0 $0x108  }
0x21: {  	s3 =	sadd.s32 s3, s9;
	s6 =	sadd.s32 @!p0 $0x88, s6;
	s7 =	simm.s32 @p2 $0x1082  }
0x22: {  	[simem:s7], [sflag:s8] =	dma.local @!p0 [hbm:s6], $0xF7A  }
0x23: {  	s9 =	sor.u32 $0xD0000000, s2;
	s6 =	simm.s32 $0x108;
	_ =	swait.ge @!p0 [sflag:s8], $0x0  }
0x24: {  	s3 =	sadd.s32 $0x88, s3;
	s6 =	simm.s32 @!p1 $0x1082;
	[sflag:s4] =	ssyncset.s32 $0xFFFFF086  }
0x25: {  	[simem:s6], [sflag:s4] =	dma.local [hbm:s3], $0xF7A  }
0x26: {  	[smem:$0x3F9F] =	sst s1;
	(tag) =	ssettag s2;
	_ =	strace s9  }
0x27: {  	s1 =	sld [smem:$0x3FAF]  }
0x28: {  	s2 =	sld [smem:$0x3FB0]  }
0x29: {  	s4 =	sld [smem:$0x3FB2]  }
0x2a: {  	p0 =	seq.s32 s5, $0x0;
	s5 =	sld [smem:$0x3FB3]  }
0x2b: {  	s6 =	sld [smem:$0x3FB4]  }
0x2c: {  	s7 =	sld [smem:$0x3FB5]  }
0x2d: {  	s3 =	simm.s32 $0x108;
	s8 =	sld [smem:$0x3FB6]  }
0x2e: {  	s3 =	simm.s32 @!p0 $0x1082;
	s9 =	sld [smem:$0x3FB7]  }
0x2f: {  	lr =	sadd.s32 s0, s3;
	s0 =	sld [smem:$0x3FAE]  }
0x30: {  	s3 =	sld [smem:$0x3FB1]  }
0x31: {  	[smem:$0x3FBA] =	sst s10  }
0x32: {  	s10 =	sld [smem:$0x3FB8];
	_ =	sdelay $0x3  }
0x33: {  	p0 =	seq.s32 s10, $0x1;
	s10 =	sld [smem:$0x3FBA];
	_ =	sdelay $0x3  }
0x34: {  	[smem:$0x3FBA] =	sst s10  }
0x35: {  	s10 =	sld [smem:$0x3FB9];
	_ =	sdelay $0x3  }
0x36: {  	p1 =	seq.s32 s10, $0x1;
	s10 =	sld [smem:$0x3FBA];
	_ =	sdelay $0x3  }
0x37: {  	[smem:$0x3FBA] =	sst s10  }
0x38: {  	s10 =	sld [smem:$0x3FBB]  }
0x39: {  	_ = 	snop;
	(pc) =	sbr.ind lr, $3  }
0x3a: {  	_ = 	snop  }
0x3b: {  	_ = 	snop  }
0x3c: {  	p2 =	seq.s32 s10, $0x1;
	s10 =	sld [smem:$0x3FBA]  }
0x3d: {  	_ =	shalt  }
0x3e: {  	_ =	shalt  }
0x3f: {  	_ =	shalt  }
0x40: {  	_ =	shalt  }
0x41: {  	_ =	shalt  }
0x42: {  	_ =	shalt  }
0x43: {  	_ =	shalt  }
0x44: {  	_ =	shalt  }
0x45: {  	_ =	shalt  }
0x46: {  	_ =	shalt  }
0x47: {  	_ =	shalt  }
0x48: {  	_ =	shalt  }
0x49: {  	_ =	shalt  }
0x4a: {  	_ =	shalt  }
0x4b: {  	_ =	shalt  }
0x4c: {  	_ =	shalt  }
0x4d: {  	_ =	shalt  }
0x4e: {  	_ =	shalt  }
0x4f: {  	_ =	shalt  }
0x50: {  	_ =	shalt  }
0x51: {  	_ =	shalt  }
0x52: {  	_ =	shalt  }
0x53: {  	_ =	shalt  }
0x54: {  	_ =	shalt  }
0x55: {  	_ =	shalt  }
0x56: {  	_ =	shalt  }
0x57: {  	_ =	shalt  }
0x58: {  	_ =	shalt  }
0x59: {  	_ =	shalt  }
0x5a: {  	_ =	shalt  }
0x5b: {  	_ =	shalt  }
0x5c: {  	_ =	shalt  }
0x5d: {  	_ =	shalt  }
0x5e: {  	_ =	shalt  }
0x5f: {  	_ =	shalt  }
0x60: {  	_ =	shalt  }
0x61: {  	_ =	shalt  }
0x62: {  	_ =	shalt  }
0x63: {  	_ =	shalt  }
0x64: {  	_ =	shalt  }
0x65: {  	_ =	shalt  }
0x66: {  	_ =	shalt  }
0x67: {  	_ =	shalt  }
0x68: {  	_ =	shalt  }
0x69: {  	_ =	shalt  }
0x6a: {  	_ =	shalt  }
0x6b: {  	_ =	shalt  }
0x6c: {  	_ =	shalt  }
0x6d: {  	_ =	shalt  }
0x6e: {  	_ =	shalt  }
0x6f: {  	_ =	shalt  }
0x70: {  	_ =	shalt  }
0x71: {  	_ =	shalt  }
0x72: {  	_ =	shalt  }
0x73: {  	_ =	shalt  }
0x74: {  	_ =	shalt  }
0x75: {  	_ =	shalt  }
0x76: {  	_ =	shalt  }
0x77: {  	_ =	shalt  }
0x78: {  	_ =	shalt  }
0x79: {  	_ =	shalt  }
0x7a: {  	_ =	shalt  }
0x7b: {  	_ =	shalt  }
0x7c: {  	_ =	shalt  }
0x7d: {  	_ =	shalt  }
0x7e: {  	_ =	shalt  }
0x7f: {  	_ =	shalt  }
0x80: {  	_ =	shalt  }
0x81: {  	_ =	shalt  }
0x82: {  	_ =	shalt  }
0x83: {  	_ =	shalt  }
0x84: {  	_ =	shalt  }
0x85: {  	_ =	shalt  }
0x86: {  	_ =	shalt  }
0x87: {  	_ =	shalt  }
.Lfunc_end0:
.L_simem_size_0:
called_computation_lowered:
.L_overlay_start_0:
0x88: {  	s2 =	sld [smem:$0x3FD9]  }
0x89: {  	s3 =	sld [smem:$0x3FFE];
	_ =	sdelay $0x1  }
0x8a: {  	s1 =	srdreg.scid  }
0x8b: {  	s0 =	sand.u32 $0x1, s1  }
0x8c: {  	s17 =	sshll.u32 s0, $0xA;
	s2 =	sadd.s32 s3, s2  }
0x8d: {  	s2 =	sadd.s32 s2, s17  }
0x8e: {  	[smem:$0x3FC6] =	sst s2  }
0x8f: {  	_ = 	snop  }
0x90: {  	s2 =	sld [smem:$0x3FC9]  }
0x91: {  	s18 =	sld [smem:$0x3FD0];
	(tm) =	ssettm $0x1  }
0x92: {  	s4 =	sld [smem:$0x3FFB];
	_ =	sdelay $0x3  }
0x93: {  	_ =	strace s4  }
0x94: {  	s4 =	sld [smem:$0x3FFC];
	_ =	sdelay $0x3  }
0x95: {  	_ =	strace s4  }
0x96: {  	s4 =	sld [smem:$0x3FFD];
	_ =	sdelay $0x3  }
0x97: {  	_ =	strace s4  }
0x98: {  	_ =	strace $0x8FFFFFFF  }
0x99: {  	s19 =	sld [smem:$0x3FDB];
	_ =	sdelay $0x1  }
0x9a: {  	s5 =	simm.s32 $_scs_section_size  }
0x9b: {  	s6 =	simm.s32 $_size__tile_overlayer_lowered;
	s7 =	simm.s32 $_tile_overlayer_lowered  }
0x9c: {  	s22 =	simm.s32 $0x1BFF;
	s21 =	sshll.u32 s7, $0x1;
	s4 =	sadd.s32 s5, s19  }
0x9d: {  	s8 =	simm.s32 $0x0;
	s20 =	sshll.u32 s6, $0x1;
	s6 =	sadd.s32 s21, s4  }
0x9e: {  	[timem:s8], [sflag:s22] =	dma.local [hbm:s6], s20  }
0x9f: {  	_ =	swait.ge [sflag:s22], s20  }
0xa0: {  	s5 =	ssub.s32 $0x0, s20;
	[sflag:s22] =	ssyncset.done $0x0  }
0xa1: {  	[sflag:s22] =	ssyncadd.s32 s5;
	_ =	sdelay $0x1  }
0xa2: {  	s23 =	simm.s32 $0x1B8B  }
0xa3: {  	_ =	swait.ge [sflag:s23], $0x1  }
0xa4: {  	[sflag:s23] =	ssyncset.done $0x0  }
0xa5: {  	s25 =	simm.s32 $0x1B8E;
	s24 =	sld [smem:$0x3FFE];
	[sflag:s23] =	ssyncadd.s32 $0xFFFFFFFF  }
0xa6: {  	s26 =	simm.s32 $execute0_lowered;
	[smem:$0x3FD2] =	sst s25  }
0xa7: {  	s6 =	sshll.u32 s26, $0x1;
	_ =	strace $0x80000046;
	[dreg:$0x1] =	wrdreg $0xFFFFFFFF  }
0xa8: {  	s28 =	simm.s32 $_size_execute0_lowered;
	s4 =	sadd.s32 s4, s6;
	[dreg:$0x0] =	wrdreg $0x0  }
0xa9: {  	s6 =	sshll.u32 s28, $0x1;
	[dreg:$0x2] =	wrdreg s4  }
0xaa: {  	[dreg:$0x3] =	wrdreg s6  }
0xab: {  	[dreg:$0x4] =	wrdreg $0xC0  }
0xac: {  	_ =	task [dreg:s8], $0x5FFFF  }
0xad: {  	[dreg:$0x1] =	wrdreg $0xFFFFFFFF  }
0xae: {  	[dreg:$0x0] =	wrdreg $0x60  }
0xaf: {  	[dreg:$0x2] =	wrdreg s2  }
0xb0: {  	[dreg:$0x3] =	wrdreg s24  }
0xb1: {  	[dreg:$0x4] =	wrdreg s18  }
0xb2: {  	[dreg:$0x5] =	wrdreg $0x9  }
0xb3: {  	_ =	task.clear_ibuf [dreg:s8], $0x6FFFF;
	_ =	strace $0x90000046  }
0xb4: {  	s29 =	simm.s32 $0x9;
	_ =	strace $0x80000048  }
0xb5: {  	_ =	swait.ge [sflag:s29], $0x1  }
0xb6: {  	[sflag:s29] =	ssyncadd.s32 $0xFFFFFFFF  }
0xb7: {  	_ =	strace $0x90000048  }
0xb8: {  	_ =	sfence  }
0xb9: {  	s30 =	sld [smem:$0x0];
	_ =	sdelay $0x2  }
0xba: {  	s31 =	sshll.u32 s1, $0xD;
	s1 =	sshrl.u32 s1, $0x2  }
0xbb: {  	s3 =	sand.u32 $0x4000, s31;
	s1 =	sadd.s32 s1, s30  }
0xbc: {  	s0 =	sor.u32 s3, s0;
	s1 =	sshll.u32 s1, $0x11  }
0xbd: {  	s0 =	sor.u32 s1, s0  }
0xbe: {  	s0 =	sadd.s32 $0x8F2B, s0  }
0xbf: {  	[sflag:s0] =	ssyncadd.remote.s32 $0x1  }
0xc0: {  	_ =	sfence.sel $0xFFFF  }
0xc1: {  	[dreg:$0x0] =	wrdreg $0xFFFFFFFF;
	(pc) =	sbr.abs _section_cstart, $3  }
0xc2: {  	[dreg:$0x1] =	wrdreg $0xFFFFFFFF  }
0xc3: {  	_ =	task.clear_ibuf [dreg:s8], $0x2FFFF;
	_ =	strace $0x9FFFFFFF  }
0xc4: {  	(tm) =	ssettm $0x7FFFFFFF  }
0xc5: {  	_ =	shalt  }
tec
execute0_lowered:
.L_overlay_start_1:
0x0: {  	(tag) =	ssettag $0x1  }
0x1: {  	s1 =	rddreg [dreg:$0x0];
	s0 =	srdreg.scid  }
0x2: {  	s3 =	stileid.u32;
	s2 =	rddreg [dreg:$0x1];
	s0 =	sand.u32 $0x1, s0  }
0x3: {  	s4 =	sshll.u32 s3, $0x1;
	s3 =	rddreg [dreg:$0x2];
	s6 =	sadd.s32 $0xF42800, s2  }
0x4: {  	s5 =	sor.u32 s0, s4;
	s4 =	simm.s32 $0x0;
	s0 =	ssub.s32 $0x2, s0  }
0x5: {  	s9 =	sadd.s32 $0x4000, s3;
	s12 =	sadd.s32 $0x8000, s3;
	s11 =	smul.u32 $0x320, s5  }
0x6: {  	[smem:$0x7FF] =	sst s4;
	s7 =	smul.u32 $0x19000, s5;
	s23 =	sshrl.u32 s0, $0x1  }
0x7: {  	s8 =	sshll.u32 s5, $0xF;
	s5 =	smul.u32 $0x320000, s5;
	_ =	strace $0x80000047  }
0x8: {  	s8 =	sand.u32 $0x18000, s8;
	s0 =	ssub.s32 s0, s23;
	s7 =	sor.u32 s11, s7  }
0x9: {  	s10 =	sor.u32 $0x400, s8;
	s5 =	sand.u32 $0x7F80000, s5;
	s0 =	smax.u32 s0, $0x1  }
0xa: {  	[dreg:$0x4] =	wrdreg s11;
	s7 =	sand.u32 $0x3E0380, s7;
	s26 =	sor.u32 s8, s5  }
0xb: {  	s24 =	sor.u32 s8, s7;
	s7 =	sor.u32 s10, s7;
	s8 =	sshrl.u32 s26, $0x3  }
0xc: {  	[dreg:$0x17] =	wrdreg s0;
	s25 =	sshrl.u32 s7, $0x3;
	s7 =	sadd.s32 s3, s8  }
0xd: {  	s5 =	sor.u32 s5, s10;
	s15 =	sadd.s32 s8, s9;
	[dreg:$0x7] =	wrdreg s7  }
0xe: {  	s5 =	sshrl.u32 s5, $0x3;
	s16 =	sadd.s32 s8, s12;
	[dreg:$0x8] =	wrdreg s15  }
0xf: {  	s13 =	sadd.s32 $0xC000, s3;
	s17 =	sadd.s32 s3, s5;
	[dreg:$0x9] =	wrdreg s16  }
0x10: {  	s20 =	sadd.s32 $0x31E, s11;
	s18 =	sadd.s32 s5, s9;
	[dreg:$0xb] =	wrdreg s17  }
0x11: {  	s22 =	sadd.s32 $0x31F, s11;
	s19 =	sadd.s32 s5, s12;
	[dreg:$0xc] =	wrdreg s18  }
0x12: {  	s2 =	sshrl.u32 s24, $0x3;
	s5 =	sadd.s32 s5, s13;
	[dreg:$0xd] =	wrdreg s19  }
0x13: {  	s14 =	sadd.s32 s1, s2;
	s2 =	sadd.s32 s1, s25;
	[dreg:$0xe] =	wrdreg s5  }
0x14: {  	s21 =	sshll.u32 s20, $0x9;
	s23 =	sshll.u32 s22, $0x9;
	[dreg:$0x6] =	wrdreg s2  }
0x15: {  	s5 =	sand.u32 $0x1FF0000, s21;
	s21 =	sor.u32 $0x6, s11;
	[dreg:$0x5] =	wrdreg s14  }
0x16: {  	s7 =	sshll.u32 s22, $0x7;
	s22 =	sor.u32 $0x7, s11;
	[dreg:$0x1c] =	wrdreg s21  }
0x17: {  	s2 =	sadd.s32 s8, s13;
	[dreg:$0x1d] =	wrdreg s22  }
0x18: {  	s17 =	sadd.s32 $0x100, s14;
	[dreg:$0xa] =	wrdreg s2  }
0x19: {  	s29 =	simm.s32 $0x3;
	s18 =	sadd.s32 $0x180, s14;
	[dreg:$0x18] =	wrdreg s17  }
0x1a: {  	s30 =	simm.s32 $0x2200;
	s19 =	sadd.s32 $0x200, s14;
	[dreg:$0x19] =	wrdreg s18  }
0x1b: {  	s2 =	sshll.u32 s20, $0x7;
	[dreg:$0x1a] =	wrdreg s19;
	s20 =	sadd.s32 $0x280, s14  }
0x1c: {  	s31 =	simm.s32 $0x6;
	s2 =	sand.u32 $0x3F00, s2;
	[dreg:$0x1b] =	wrdreg s20  }
0x1d: {  	s2 =	sor.u32 s2, s5;
	s5 =	sand.u32 $0x1FF0000, s23;
	s23 =	sor.u32 $0x4, s11  }
0x1e: {  	s28 =	simm.s32 $0x3200;
	s24 =	sadd.s32 s3, s2;
	[dreg:$0x1e] =	wrdreg s23  }
0x1f: {  	s0 =	simm.s32 $0x7;
	s25 =	sadd.s32 s2, s9;
	[dreg:$0xf] =	wrdreg s24  }
0x20: {  	s7 =	sand.u32 $0x3F80, s7;
	s26 =	sadd.s32 s2, s12;
	[dreg:$0x10] =	wrdreg s25  }
0x21: {  	s5 =	sor.u32 s7, s5;
	s2 =	sadd.s32 s2, s13;
	[dreg:$0x11] =	wrdreg s26  }
0x22: {  	s22 =	simm.s32 $0x1200;
	[dreg:$0x12] =	wrdreg s2;
	s8 =	sadd.s32 s3, s5  }
0x23: {  	v0 =	vlaneseq.u32;
	s17 =	simm.s32 $0x80;
	s10 =	sadd.s32 s5, s9;
	[dreg:$0x13] =	wrdreg s8  }
0x24: {  	v1 =	vmul.u32 $0x20, v0;
	v2 =	vor.u32 $0xF88, v0;
	s14 =	simm.s32 $0xC;
	s15 =	sadd.s32 s5, s12;
	[dreg:$0x14] =	wrdreg s10  }
0x25: {  	v4 =	vor.u32 $0x10, v0;
	v5 =	vor.u32 $0xF98, v0;
	v7 =	vor.u32 $0x20, v0;
	s20 =	simm.s32 $0x200;
	s16 =	sadd.s32 s5, s13;
	[dreg:$0x15] =	wrdreg s15  }
0x26: {  	v8 =	vor.u32 $0xFA8, v0;
	v10 =	vor.u32 $0x30, v0;
	v11 =	vor.u32 $0xFB8, v0;
	s23 =	simm.s32 $0x180;
	s24 =	sor.u32 $0x8, s11;
	[dreg:$0x16] =	wrdreg s16  }
0x27: {  	v13 =	vor.u32 $0x40, v0;
	v14 =	vor.u32 $0xFC8, v0;
	v16 =	vor.u32 $0x50, v0;
	s7 =	simm.s32 $0x6200;
	s25 =	sor.u32 $0x5, s11;
	[dreg:$0x1f] =	wrdreg s24  }
0x28: {  	v17 =	vor.u32 $0xFD8, v0;
	v19 =	vor.u32 $0x60, v0;
	v20 =	vor.u32 $0xFE8, v0;
	s26 =	sor.u32 $0x9, s11;
	s2 =	simm.s32 $0x5200;
	[smem:$0x7FC] =	sst s25  }
0x29: {  	v22 =	vor.u32 $0x70, v0;
	v23 =	vor.u32 $0xFF8, v0;
	v3 =	vor.u32 $0x200, v1;
	s5 =	simm.s32 $0x8;
	s11 =	simm.s32 $0xB;
	[smem:$0x7FD] =	sst s26  }
0x2a: {  	v6 =	vor.u32 $0x400, v1;
	v9 =	vor.u32 $0x600, v1;
	v12 =	vor.u32 $0x800, v1;
	s24 =	simm.s32 $0x4200;
	s26 =	simm.s32 $0x4;
	s25 =	simm.s32 $0x9  }
0x2b: {  	v15 =	vor.u32 $0xA00, v1;
	v18 =	vor.u32 $0xC00, v1;
	v21 =	vor.u32 $0xE00, v1;
	s8 =	simm.s32 $0x7200;
	s10 =	simm.s32 $0xA;
	s16 =	simm.s32 $0x0  }
.LBB2_1:
0x2c: {  	[smem:$0x7FB] =	sst s16  }
0x2d: {  	s15 =	rddreg [dreg:$0x5]  }
0x2e: {  	[tilespmem:s4], [sflag:$0x1] =	stream.linear.gather [hbm4b:s15+s4], $0x80, $0x38;
	[tilespmem:$0x8200] =	vst v63  }
0x2f: {  	s18 =	rddreg [dreg:$0x6]  }
0x30: {  	[tilespmem:s17], [sflag:$0x2] =	stream.linear.gather [hbm4b:s18+s4], $0x80, $0x38;
	[tilespmem:$0x8200] =	vst v63  }
0x31: {  	s19 =	rddreg [dreg:$0x18];
	s21 =	simm.s32 $0x100  }
0x32: {  	[tilespmem:s21], [sflag:$0x3] =	stream.linear.gather [hbm4b:s19+s4], $0x80, $0x38;
	[tilespmem:$0x8200] =	vst v63  }
0x33: {  	s18 =	rddreg [dreg:$0x19];
	s19 =	simm.s32 $0x1  }
0x34: {  	[tilespmem:s23], [sflag:$0x4] =	stream.linear.gather [hbm4b:s18+s4], $0x80, $0x38;
	[tilespmem:$0x8200] =	vst v63  }
0x35: {  	_ =	swait.ge [sflag:s19], $0x80  }
0x36: {  	s21 =	simm.s32 $0x0;
	[sflag:s19] =	ssyncset.done $0x0  }
0x37: {  	v24 =	vadd.s32 s21, v0;
	s18 =	simm.s32 $0x2;
	[sflag:s19] =	ssyncadd.s32 $0xFFFFFF80  }
0x38: {  	v25 =	vadd.s32 s19, v0;
	v26 =	vand.u32 $0x1F, v24;
	[tilespmem:s20], [sflag:$0x5] =	stream.indirect.gather [hbm4b:s6+s17], $0x20, s4, s17, $0xb8;
	[tilespmem:$0x8200] =	vst v63  }
0x39: {  	v27 =	vshll.u32 v24, $0x7;
	v28 =	vand.u32 $0x1F, v25;
	v25 =	vshll.u32 v25, $0x7;
	_ =	swait.ge [sflag:s18], $0x80  }
0x3a: {  	v24 =	vor.u32 v1, v26;
	v29 =	vor.u32 v3, v26;
	v30 =	vor.u32 v10, v27;
	[sflag:s18] =	ssyncset.done $0x0  }
0x3b: {  	v31 =	vor.u32 v6, v26;
	v32 =	vor.u32 v9, v26;
	v33 =	vor.u32 v7, v27;
	s19 =	simm.s32 $0x5;
	[sflag:s18] =	ssyncadd.s32 $0xFFFFFF80  }
0x3c: {  	v34 =	vor.u32 v12, v26;
	v35 =	vor.u32 v15, v26;
	v36 =	vor.u32 v16, v27;
	[tilespmem:s22], [sflag:$0x6] =	stream.indirect.gather [hbm4b:s6+s17], $0x20, s17, s17, $0xb8;
	[tilespmem:$0x8200] =	vst v63  }
0x3d: {  	v37 =	vor.u32 v22, v27;
	v38 =	vor.u32 v13, v27;
	v39 =	vor.u32 v3, v28;
	_ =	swait.ge [sflag:s19], $0x1000  }
0x3e: {  	v40 =	vor.u32 v15, v28;
	v41 =	vor.u32 v0, v27;
	v42 =	vor.u32 v18, v26;
	[sflag:s19] =	ssyncset.done $0x0  }
0x3f: {  	v43 =	vor.u32 v6, v28;
	v45 =	vor.u32 v1, v28;
	v46 =	vor.u32 v21, v28;
	[sflag:s19] =	ssyncadd.s32 $0xFFFFF000  }
0x40: {  	v47 =	vor.u32 v4, v27;
	v62 =	vor.u32 v12, v28;
	v41 =	vand.u32 v2, v41;
	v44 =	vld.idx.msk [tilespmem:v24+s20+$0x0], $0xffff  }
0x41: {  	v48 =	vor.u32 v18, v28;
	v49 =	vor.u32 v0, v25;
	v33 =	vand.u32 v8, v33;
	v31 =	vld.idx.msk [tilespmem:v31+s20+$0x0], $0xffff  }
0x42: {  	v50 =	vor.u32 v13, v25;
	v51 =	vor.u32 v4, v25;
	v36 =	vand.u32 v17, v36;
	v35 =	vld.idx.msk [tilespmem:v35+s20+$0x0], $0xffff  }
0x43: {  	v27 =	vor.u32 v19, v27;
	v53 =	vor.u32 v19, v25;
	v30 =	vand.u32 v11, v30;
	v32 =	vld.idx.msk [tilespmem:v32+s20+$0x0], $0xffff  }
0x44: {  	v54 =	vor.u32 v7, v25;
	v28 =	vor.u32 v9, v28;
	v61 =	vand.u32 v5, v47;
	v29 =	vld.idx.msk [tilespmem:v29+s20+$0x0], $0xffff  }
0x45: {  	v57 =	vor.u32 v21, v26;
	v49 =	vand.u32 v2, v49;
	v63 =	vld.idx.msk [tilespmem:v45+s20+$0x0], $0xffff;
	[tilespmem:v41+s24+$0x0] =	vst.idx.msk $0xffff, v44  }
0x46: {  	v26 =	vor.u32 v10, v25;
	v38 =	vand.u32 v14, v38;
	v34 =	vld.idx.msk [tilespmem:v34+s20+$0x0], $0xffff;
	[tilespmem:v33+s24+$0x0] =	vst.idx.msk $0xffff, v31  }
0x47: {  	s21 =	simm.s32 $0x2;
	v52 =	vand.u32 v5, v51;
	v45 =	vand.u32 v20, v53;
	v48 =	vld.idx.msk [tilespmem:v48+s20+$0x0], $0xffff;
	[tilespmem:v36+s24+$0x0] =	vst.idx.msk $0xffff, v35  }
0x48: {  	v55 =	vand.u32 v8, v54;
	v51 =	vand.u32 v11, v26;
	v26 =	vadd.s32 s21, v0;
	[tilespmem:v30+s24+$0x0] =	vst.idx.msk $0xffff, v32  }
0x49: {  	v24 =	vand.u32 v23, v37;
	v56 =	vld.idx.msk [tilespmem:v62+s20+$0x0], $0xffff;
	[tilespmem:v61+s24+$0x0] =	vst.idx.msk $0xffff, v29;
	v36 =	vand.u32 v20, v27  }
0x4a: {  	v58 =	vld.idx.msk [tilespmem:v40+s20+$0x0], $0xffff;
	[tilespmem:v49+s24+$0x0] =	vst.idx.msk $0xffff, v63;
	v29 =	vor.u32 v16, v25;
	v25 =	vor.u32 v22, v25  }
0x4b: {  	v27 =	vand.u32 v14, v50;
	[tilespmem:v38+s24+$0x0] =	vst.idx.msk $0xffff, v34;
	v41 =	vand.u32 v23, v25;
	v25 =	vand.u32 $0x1F, v26  }
0x4c: {  	v31 =	vld.idx.msk [tilespmem:v39+s20+$0x0], $0xffff;
	[tilespmem:v45+s24+$0x0] =	vst.idx.msk $0xffff, v48;
	v26 =	vshll.u32 v26, $0x7;
	v59 =	vor.u32 v6, v25  }
0x4d: {  	v30 =	vld.idx.msk [tilespmem:v43+s20+$0x0], $0xffff;
	v60 =	vor.u32 v9, v25;
	v61 =	vor.u32 v7, v26;
	v37 =	vor.u32 v12, v25  }
0x4e: {  	v40 =	vld.idx.msk [tilespmem:v42+s20+$0x0], $0xffff;
	v53 =	vor.u32 v15, v25;
	v54 =	vor.u32 v16, v26;
	v63 =	vor.u32 v0, v26  }
0x4f: {  	s15 =	simm.s32 $0x3;
	v46 =	vld.idx.msk [tilespmem:v46+s20+$0x0], $0xffff;
	v62 =	vor.u32 v22, v26;
	v47 =	vand.u32 v2, v63;
	v42 =	vand.u32 v8, v61  }
0x50: {  	v34 =	vadd.s32 s15, v0;
	v32 =	vand.u32 v23, v62;
	[tilespmem:v27+s24+$0x0] =	vst.idx.msk $0xffff, v56;
	v27 =	vor.u32 v1, v25  }
0x51: {  	v38 =	vld.idx.msk [tilespmem:v57+s20+$0x0], $0xffff;
	v48 =	vand.u32 v17, v54;
	[tilespmem:v52+s24+$0x0] =	vst.idx.msk $0xffff, v31;
	v31 =	vand.u32 v17, v29  }
0x52: {  	[tilespmem:v55+s24+$0x0] =	vst.idx.msk $0xffff, v30;
	v30 =	vor.u32 v3, v25;
	v29 =	vor.u32 v10, v26;
	v52 =	vld.idx.msk [tilespmem:v28+s20+$0x0], $0xffff  }
0x53: {  	v28 =	vand.u32 $0x1F, v34;
	v55 =	vor.u32 v13, v26;
	v56 =	vor.u32 v4, v26;
	[tilespmem:v36+s24+$0x0] =	vst.idx.msk $0xffff, v40  }
0x54: {  	v34 =	vshll.u32 v34, $0x7;
	v29 =	vand.u32 v11, v29;
	v39 =	vor.u32 v3, v28;
	v43 =	vld.idx.msk [tilespmem:v59+s20+$0x0], $0xffff  }
0x55: {  	v35 =	vor.u32 v6, v28;
	v50 =	vor.u32 v1, v28;
	[tilespmem:v41+s24+$0x0] =	vst.idx.msk $0xffff, v46;
	v44 =	vld.idx.msk [tilespmem:v27+s20+$0x0], $0xffff  }
0x56: {  	v41 =	vand.u32 v5, v56;
	v49 =	vor.u32 v12, v28;
	v36 =	vand.u32 v14, v55;
	v45 =	vld.idx.msk [tilespmem:v53+s20+$0x0], $0xffff  }
0x57: {  	v40 =	vor.u32 v18, v28;
	v46 =	vld.idx.msk [tilespmem:v60+s20+$0x0], $0xffff;
	[tilespmem:v31+s24+$0x0] =	vst.idx.msk $0xffff, v58;
	v31 =	vor.u32 v15, v28  }
0x58: {  	s16 =	simm.s32 $0x10;
	v33 =	vld.idx.msk [tilespmem:v30+s20+$0x0], $0xffff;
	v30 =	vor.u32 v18, v25;
	v27 =	vor.u32 v21, v28;
	[tilespmem:v51+s24+$0x0] =	vst.idx.msk $0xffff, v52  }
.LBB2_2:
0x59: {  	s16 =	sadd.s32 $0x10, s16;
	v37 =	vld.idx.msk [tilespmem:v37+s20+$0x0], $0xffff;
	v51 =	vor.u32 v0, v34;
	v52 =	vor.u32 v13, v34;
	s15 =	sadd.s32 $0x2, s15;
	[tilespmem:v24+s24+$0x0] =	vst.idx.msk $0xffff, v38  }
0x5a: {  	v26 =	vor.u32 v19, v26;
	p0 =	slt.u32 s16, $0xF0;
	[tilespmem:v47+s24+$0x0] =	vst.idx.msk $0xffff, v44;
	v38 =	vld.idx.msk [tilespmem:v50+s20+$0x0], $0xffff;
	v44 =	vor.u32 v19, v34  }
0x5b: {  	v47 =	vor.u32 v4, v34;
	[tilespmem:v42+s24+$0x0] =	vst.idx.msk $0xffff, v43;
	v42 =	vand.u32 v2, v51;
	v39 =	vld.idx.msk [tilespmem:v39+s20+$0x0], $0xffff  }
0x5c: {  	v28 =	vor.u32 v9, v28;
	v43 =	vand.u32 v5, v47;
	[tilespmem:v48+s24+$0x0] =	vst.idx.msk $0xffff, v45;
	v45 =	vld.idx.msk [tilespmem:v49+s20+$0x0], $0xffff  }
0x5d: {  	v24 =	vmov v32;
	[tilespmem:v29+s24+$0x0] =	vst.idx.msk $0xffff, v46;
	v29 =	vld.idx.msk [tilespmem:v35+s20+$0x0], $0xffff;
	v35 =	vor.u32 v7, v34  }
0x5e: {  	[tilespmem:v41+s24+$0x0] =	vst.idx.msk $0xffff, v33;
	v51 =	vld.idx.msk [tilespmem:v30+s20+$0x0], $0xffff;
	v30 =	vand.u32 v8, v35  }
0x5f: {  	v53 =	vand.u32 v20, v26;
	v32 =	vand.u32 v14, v52;
	v41 =	vand.u32 v20, v44;
	v31 =	vld.idx.msk [tilespmem:v31+s20+$0x0], $0xffff  }
0x60: {  	v33 =	vor.u32 v21, v25;
	v25 =	vor.u32 v10, v34;
	[tilespmem:v42+s24+$0x0] =	vst.idx.msk $0xffff, v38;
	v40 =	vld.idx.msk [tilespmem:v40+s20+$0x0], $0xffff  }
0x61: {  	v54 =	vand.u32 v11, v25;
	v25 =	vor.u32 v16, v34;
	[tilespmem:v43+s24+$0x0] =	vst.idx.msk $0xffff, v39;
	v52 =	vld.idx.msk [tilespmem:v28+s20+$0x0], $0xffff  }
0x62: {  	s18 =	sadd.s32 $0xFFFFFFFF, s15;
	v35 =	vand.u32 v17, v25;
	v25 =	vor.u32 v22, v34;
	[tilespmem:v36+s24+$0x0] =	vst.idx.msk $0xffff, v37  }
0x63: {  	v26 =	vadd.s32 s18, v0;
	v34 =	vadd.s32 s15, v0;
	v46 =	vand.u32 v23, v25;
	[tilespmem:v30+s24+$0x0] =	vst.idx.msk $0xffff, v29;
	v36 =	vld.idx.msk [tilespmem:v27+s20+$0x0], $0xffff  }
0x64: {  	v25 =	vand.u32 $0x1F, v26;
	v26 =	vshll.u32 v26, $0x7;
	v28 =	vand.u32 $0x1F, v34;
	[tilespmem:v32+s24+$0x0] =	vst.idx.msk $0xffff, v45  }
0x65: {  	v27 =	vor.u32 v1, v25;
	v30 =	vor.u32 v3, v25;
	v29 =	vor.u32 v10, v26;
	v38 =	vld.idx.msk [tilespmem:v33+s20+$0x0], $0xffff  }
0x66: {  	v49 =	vor.u32 v9, v25;
	v32 =	vor.u32 v6, v25;
	v29 =	vand.u32 v11, v29  }
0x67: {  	v42 =	vor.u32 v7, v26;
	v37 =	vor.u32 v12, v25;
	v45 =	vor.u32 v15, v25  }
0x68: {  	v48 =	vor.u32 v16, v26;
	v50 =	vor.u32 v22, v26;
	[tilespmem:v35+s24+$0x0] =	vst.idx.msk $0xffff, v31  }
0x69: {  	v55 =	vor.u32 v13, v26;
	v39 =	vor.u32 v3, v28;
	v31 =	vor.u32 v15, v28  }
0x6a: {  	v43 =	vor.u32 v0, v26;
	v35 =	vor.u32 v6, v28;
	v33 =	vld.idx.msk [tilespmem:v30+s20+$0x0], $0xffff;
	v30 =	vor.u32 v18, v25  }
.Ltmp0:
0x6b: {  	v47 =	vand.u32 v2, v43;
	v42 =	vand.u32 v8, v42;
	v44 =	vld.idx.msk [tilespmem:v27+s20+$0x0], $0xffff;
	v27 =	vor.u32 v21, v28;
	(pc) =	sbr.rel @p0 .LBB2_2-.Ltmp0, $4  }
0x6c: {  	v43 =	vld.idx.msk [tilespmem:v32+s20+$0x0], $0xffff;
	v32 =	vand.u32 v23, v50;
	v50 =	vor.u32 v1, v28;
	[tilespmem:v41+s24+$0x0] =	vst.idx.msk $0xffff, v40  }
0x6d: {  	v48 =	vand.u32 v17, v48;
	v40 =	vor.u32 v4, v26;
	v45 =	vld.idx.msk [tilespmem:v45+s20+$0x0], $0xffff;
	[tilespmem:v46+s24+$0x0] =	vst.idx.msk $0xffff, v36  }
0x6e: {  	v41 =	vand.u32 v5, v40;
	v46 =	vld.idx.msk [tilespmem:v49+s20+$0x0], $0xffff;
	v49 =	vor.u32 v12, v28;
	[tilespmem:v53+s24+$0x0] =	vst.idx.msk $0xffff, v51  }
0x6f: {  	v34 =	vshll.u32 v34, $0x7;
	v36 =	vand.u32 v14, v55;
	v40 =	vor.u32 v18, v28;
	[tilespmem:v54+s24+$0x0] =	vst.idx.msk $0xffff, v52  }
0x70: {  	_ =	sdelay $0x3  }
0x71: {  	v51 =	vor.u32 v0, v34;
	[tilespmem:v24+s24+$0x0] =	vst.idx.msk $0xffff, v38;
	v24 =	vld.idx.msk [tilespmem:v50+s20+$0x0], $0xffff  }
0x72: {  	[tilespmem:v47+s24+$0x0] =	vst.idx.msk $0xffff, v44;
	v50 =	vor.u32 v4, v34;
	v37 =	vld.idx.msk [tilespmem:v37+s20+$0x0], $0xffff;
	v53 =	vor.u32 v19, v34  }
0x73: {  	v54 =	vor.u32 v7, v34;
	[tilespmem:v41+s24+$0x0] =	vst.idx.msk $0xffff, v33;
	v63 =	vand.u32 v2, v51  }
0x74: {  	v39 =	vld.idx.msk [tilespmem:v39+s20+$0x0], $0xffff;
	v25 =	vor.u32 v21, v25;
	[tilespmem:v42+s24+$0x0] =	vst.idx.msk $0xffff, v43;
	v52 =	vand.u32 v5, v50  }
0x75: {  	v40 =	vld.idx.msk [tilespmem:v40+s20+$0x0], $0xffff;
	v60 =	vor.u32 v22, v34;
	v59 =	vand.u32 v20, v53;
	[tilespmem:v48+s24+$0x0] =	vst.idx.msk $0xffff, v45  }
0x76: {  	v28 =	vor.u32 v9, v28;
	v27 =	vld.idx.msk [tilespmem:v27+s20+$0x0], $0xffff;
	v61 =	vand.u32 v23, v60;
	[tilespmem:v29+s24+$0x0] =	vst.idx.msk $0xffff, v46  }
0x77: {  	v26 =	vor.u32 v19, v26;
	v55 =	vand.u32 v8, v54;
	v29 =	vld.idx.msk [tilespmem:v35+s20+$0x0], $0xffff;
	[tilespmem:v36+s24+$0x0] =	vst.idx.msk $0xffff, v37  }
0x78: {  	v30 =	vld.idx.msk [tilespmem:v30+s20+$0x0], $0xffff;
	v51 =	vor.u32 v13, v34;
	v26 =	vand.u32 v20, v26;
	[tilespmem:v63+s24+$0x0] =	vst.idx.msk $0xffff, v24  }
0x79: {  	v56 =	vld.idx.msk [tilespmem:v49+s20+$0x0], $0xffff;
	v57 =	vand.u32 v14, v51;
	[tilespmem:v52+s24+$0x0] =	vst.idx.msk $0xffff, v39  }
0x7a: {  	v58 =	vor.u32 v16, v34;
	v25 =	vld.idx.msk [tilespmem:v25+s20+$0x0], $0xffff;
	[tilespmem:v59+s24+$0x0] =	vst.idx.msk $0xffff, v40  }
0x7b: {  	v31 =	vld.idx.msk [tilespmem:v31+s20+$0x0], $0xffff;
	v62 =	vor.u32 v10, v34;
	v24 =	vand.u32 v17, v58;
	[tilespmem:v61+s24+$0x0] =	vst.idx.msk $0xffff, v27  }
0x7c: {  	v28 =	vld.idx.msk [tilespmem:v28+s20+$0x0], $0xffff;
	[tilespmem:v55+s24+$0x0] =	vst.idx.msk $0xffff, v29;
	v29 =	vand.u32 v11, v62  }
0x7d: {  	[tilespmem:v26+s24+$0x0] =	vst.idx.msk $0xffff, v30  }
0x7e: {  	[tilespmem:v57+s24+$0x0] =	vst.idx.msk $0xffff, v56  }
0x7f: {  	[tilespmem:v32+s24+$0x0] =	vst.idx.msk $0xffff, v25  }
0x80: {  	[tilespmem:v24+s24+$0x0] =	vst.idx.msk $0xffff, v31  }
0x81: {  	[tilespmem:v29+s24+$0x0] =	vst.idx.msk $0xffff, v28  }
0x82: {  	s15 =	rddreg [dreg:$0x7]  }
0x83: {  	[hbm4b:s15+s4] =	stream.linear.scatter [tilespmem:s24], [sflag:$0x9], $0x400, $0x38;
	[tilespmem:$0x8200] =	vst v63  }
0x84: {  	s16 =	simm.s32 $0x4600;
	s18 =	rddreg [dreg:$0x8]  }
0x85: {  	[hbm4b:s18+s4] =	stream.linear.scatter [tilespmem:s16], [sflag:$0x9], $0x400, $0x38;
	[tilespmem:$0x8200] =	vst v63  }
0x86: {  	s21 =	simm.s32 $0x4A00;
	s19 =	rddreg [dreg:$0x9]  }
0x87: {  	[hbm4b:s19+s4] =	stream.linear.scatter [tilespmem:s21], [sflag:$0x9], $0x400, $0x38;
	[tilespmem:$0x8200] =	vst v63  }
0x88: {  	s18 =	rddreg [dreg:$0xa];
	s19 =	simm.s32 $0x4E00  }
0x89: {  	[hbm4b:s18+s4] =	stream.linear.scatter [tilespmem:s19], [sflag:$0x9], $0x400, $0x38;
	[tilespmem:$0x8200] =	vst v63  }
0x8a: {  	s16 =	simm.s32 $0x0;
	s21 =	rddreg [dreg:$0x1a]  }
0x8b: {  	v24 =	vadd.s32 s16, v0;
	[tilespmem:s4], [sflag:$0x1] =	stream.linear.gather [hbm4b:s21+s4], $0x80, $0x38;
	[tilespmem:$0x8200] =	vst v63  }
0x8c: {  	v26 =	vand.u32 $0x1F, v24;
	_ =	swait.ge [sflag:s29], $0x80  }
0x8d: {  	v27 =	vshll.u32 v24, $0x7;
	v24 =	vor.u32 v1, v26;
	v29 =	vor.u32 v3, v26;
	[sflag:s29] =	ssyncset.done $0x0  }
0x8e: {  	v30 =	vor.u32 v10, v27;
	v31 =	vor.u32 v6, v26;
	v63 =	vor.u32 v9, v26;
	s19 =	simm.s32 $0x100;
	[sflag:s29] =	ssyncadd.s32 $0xFFFFFF80  }
0x8f: {  	v48 =	vor.u32 v7, v27;
	v34 =	vor.u32 v12, v26;
	v49 =	vor.u32 v15, v26;
	[tilespmem:s30], [sflag:$0x7] =	stream.indirect.gather [hbm4b:s6+s17], $0x20, s19, s17, $0xb8;
	[tilespmem:$0x8200] =	vst v63  }
0x90: {  	v50 =	vor.u32 v16, v27;
	v51 =	vor.u32 v22, v27;
	v52 =	vor.u32 v13, v27;
	s18 =	simm.s32 $0x1;
	_ =	swait.ge [sflag:s31], $0x1000  }
0x91: {  	v54 =	vor.u32 v0, v27;
	v42 =	vor.u32 v18, v26;
	v25 =	vadd.s32 s18, v0;
	[sflag:s31] =	ssyncset.done $0x0  }
0x92: {  	v57 =	vor.u32 v4, v27;
	v27 =	vor.u32 v19, v27;
	v28 =	vand.u32 $0x1F, v25;
	[sflag:s31] =	ssyncadd.s32 $0xFFFFF000  }
0x93: {  	v30 =	vand.u32 v11, v30;
	v41 =	vand.u32 v2, v54;
	v56 =	vor.u32 v1, v28;
	v55 =	vld.idx.msk [tilespmem:v24+s22+$0x0], $0xffff  }
0x94: {  	v33 =	vand.u32 v8, v48;
	v36 =	vand.u32 v17, v50;
	v58 =	vand.u32 v5, v57;
	v31 =	vld.idx.msk [tilespmem:v31+s22+$0x0], $0xffff  }
0x95: {  	v38 =	vand.u32 v14, v52;
	v57 =	vor.u32 v21, v26;
	v59 =	vor.u32 v12, v28;
	v35 =	vld.idx.msk [tilespmem:v49+s22+$0x0], $0xffff  }
0x96: {  	v25 =	vshll.u32 v25, $0x7;
	v53 =	vor.u32 v3, v28;
	v60 =	vor.u32 v18, v28;
	v32 =	vld.idx.msk [tilespmem:v63+s22+$0x0], $0xffff  }
0x97: {  	v40 =	vor.u32 v15, v28;
	v43 =	vor.u32 v6, v28;
	v46 =	vor.u32 v21, v28;
	v29 =	vld.idx.msk [tilespmem:v29+s22+$0x0], $0xffff  }
0x98: {  	v61 =	vor.u32 v0, v25;
	v62 =	vor.u32 v13, v25;
	v54 =	vor.u32 v7, v25;
	v63 =	vld.idx.msk [tilespmem:v56+s22+$0x0], $0xffff  }
0x99: {  	v28 =	vor.u32 v9, v28;
	v24 =	vand.u32 v23, v51;
	v34 =	vld.idx.msk [tilespmem:v34+s22+$0x0], $0xffff;
	[tilespmem:v41+s2+$0x0] =	vst.idx.msk $0xffff, v55  }
0x9a: {  	v49 =	vand.u32 v2, v61;
	v51 =	vor.u32 v4, v25;
	v56 =	vld.idx.msk [tilespmem:v59+s22+$0x0], $0xffff;
	[tilespmem:v33+s2+$0x0] =	vst.idx.msk $0xffff, v31  }
0x9b: {  	v26 =	vor.u32 v10, v25;
	v48 =	vld.idx.msk [tilespmem:v60+s22+$0x0], $0xffff;
	v52 =	vand.u32 v5, v51;
	[tilespmem:v36+s2+$0x0] =	vst.idx.msk $0xffff, v35  }
0x9c: {  	s21 =	simm.s32 $0x2;
	v51 =	vand.u32 v11, v26;
	v31 =	vld.idx.msk [tilespmem:v53+s22+$0x0], $0xffff;
	v53 =	vor.u32 v19, v25;
	[tilespmem:v30+s2+$0x0] =	vst.idx.msk $0xffff, v32  }
0x9d: {  	v26 =	vadd.s32 s21, v0;
	v55 =	vand.u32 v8, v54;
	[tilespmem:v58+s2+$0x0] =	vst.idx.msk $0xffff, v29;
	v36 =	vand.u32 v20, v27  }
0x9e: {  	v30 =	vld.idx.msk [tilespmem:v43+s22+$0x0], $0xffff;
	v27 =	vand.u32 v14, v62;
	v29 =	vor.u32 v16, v25;
	v25 =	vor.u32 v22, v25  }
0x9f: {  	[tilespmem:v49+s2+$0x0] =	vst.idx.msk $0xffff, v63;
	v45 =	vand.u32 v20, v53;
	v41 =	vand.u32 v23, v25;
	v25 =	vand.u32 $0x1F, v26  }
0xa0: {  	[tilespmem:v38+s2+$0x0] =	vst.idx.msk $0xffff, v34;
	v26 =	vshll.u32 v26, $0x7;
	v59 =	vor.u32 v6, v25;
	v60 =	vor.u32 v9, v25  }
0xa1: {  	v58 =	vld.idx.msk [tilespmem:v40+s22+$0x0], $0xffff;
	v61 =	vor.u32 v7, v26;
	v37 =	vor.u32 v12, v25;
	v53 =	vor.u32 v15, v25  }
0xa2: {  	v40 =	vld.idx.msk [tilespmem:v42+s22+$0x0], $0xffff;
	v54 =	vor.u32 v16, v26;
	v62 =	vor.u32 v22, v26;
	v63 =	vor.u32 v0, v26  }
0xa3: {  	s15 =	simm.s32 $0x3;
	v46 =	vld.idx.msk [tilespmem:v46+s22+$0x0], $0xffff;
	v47 =	vand.u32 v2, v63;
	v42 =	vand.u32 v8, v61;
	[tilespmem:v52+s2+$0x0] =	vst.idx.msk $0xffff, v31  }
0xa4: {  	v34 =	vadd.s32 s15, v0;
	v32 =	vand.u32 v23, v62;
	[tilespmem:v27+s2+$0x0] =	vst.idx.msk $0xffff, v56;
	v27 =	vor.u32 v1, v25  }
0xa5: {  	v38 =	vld.idx.msk [tilespmem:v57+s22+$0x0], $0xffff;
	v31 =	vand.u32 v17, v29;
	[tilespmem:v55+s2+$0x0] =	vst.idx.msk $0xffff, v30;
	v30 =	vor.u32 v3, v25  }
0xa6: {  	v29 =	vor.u32 v10, v26;
	v52 =	vld.idx.msk [tilespmem:v28+s22+$0x0], $0xffff;
	v28 =	vand.u32 $0x1F, v34;
	v55 =	vor.u32 v13, v26  }
0xa7: {  	v56 =	vor.u32 v4, v26;
	[tilespmem:v36+s2+$0x0] =	vst.idx.msk $0xffff, v40;
	v34 =	vshll.u32 v34, $0x7;
	v29 =	vand.u32 v11, v29  }
0xa8: {  	v39 =	vor.u32 v3, v28;
	v35 =	vor.u32 v6, v28;
	[tilespmem:v45+s2+$0x0] =	vst.idx.msk $0xffff, v48;
	v43 =	vld.idx.msk [tilespmem:v59+s22+$0x0], $0xffff  }
0xa9: {  	v50 =	vor.u32 v1, v28;
	v48 =	vand.u32 v17, v54;
	[tilespmem:v41+s2+$0x0] =	vst.idx.msk $0xffff, v46;
	v44 =	vld.idx.msk [tilespmem:v27+s22+$0x0], $0xffff  }
0xaa: {  	v41 =	vand.u32 v5, v56;
	v49 =	vor.u32 v12, v28;
	v36 =	vand.u32 v14, v55;
	v45 =	vld.idx.msk [tilespmem:v53+s22+$0x0], $0xffff  }
0xab: {  	v40 =	vor.u32 v18, v28;
	v46 =	vld.idx.msk [tilespmem:v60+s22+$0x0], $0xffff;
	[tilespmem:v31+s2+$0x0] =	vst.idx.msk $0xffff, v58;
	v31 =	vor.u32 v15, v28  }
0xac: {  	s16 =	simm.s32 $0x10;
	v33 =	vld.idx.msk [tilespmem:v30+s22+$0x0], $0xffff;
	v30 =	vor.u32 v18, v25;
	v27 =	vor.u32 v21, v28;
	[tilespmem:v51+s2+$0x0] =	vst.idx.msk $0xffff, v52  }
.LBB2_4:
0xad: {  	s16 =	sadd.s32 $0x10, s16;
	v37 =	vld.idx.msk [tilespmem:v37+s22+$0x0], $0xffff;
	v51 =	vor.u32 v0, v34;
	v52 =	vor.u32 v13, v34;
	s15 =	sadd.s32 $0x2, s15;
	[tilespmem:v24+s2+$0x0] =	vst.idx.msk $0xffff, v38  }
0xae: {  	v26 =	vor.u32 v19, v26;
	p0 =	slt.u32 s16, $0xF0;
	[tilespmem:v47+s2+$0x0] =	vst.idx.msk $0xffff, v44;
	v38 =	vld.idx.msk [tilespmem:v50+s22+$0x0], $0xffff;
	v44 =	vor.u32 v19, v34  }
0xaf: {  	v47 =	vor.u32 v4, v34;
	[tilespmem:v42+s2+$0x0] =	vst.idx.msk $0xffff, v43;
	v42 =	vand.u32 v2, v51;
	v39 =	vld.idx.msk [tilespmem:v39+s22+$0x0], $0xffff  }
0xb0: {  	v28 =	vor.u32 v9, v28;
	v43 =	vand.u32 v5, v47;
	[tilespmem:v48+s2+$0x0] =	vst.idx.msk $0xffff, v45;
	v45 =	vld.idx.msk [tilespmem:v49+s22+$0x0], $0xffff  }
0xb1: {  	v24 =	vmov v32;
	[tilespmem:v29+s2+$0x0] =	vst.idx.msk $0xffff, v46;
	v29 =	vld.idx.msk [tilespmem:v35+s22+$0x0], $0xffff;
	v35 =	vor.u32 v7, v34  }
0xb2: {  	[tilespmem:v41+s2+$0x0] =	vst.idx.msk $0xffff, v33;
	v51 =	vld.idx.msk [tilespmem:v30+s22+$0x0], $0xffff;
	v30 =	vand.u32 v8, v35  }
0xb3: {  	v53 =	vand.u32 v20, v26;
	v32 =	vand.u32 v14, v52;
	v41 =	vand.u32 v20, v44;
	v31 =	vld.idx.msk [tilespmem:v31+s22+$0x0], $0xffff  }
0xb4: {  	v33 =	vor.u32 v21, v25;
	v25 =	vor.u32 v10, v34;
	[tilespmem:v42+s2+$0x0] =	vst.idx.msk $0xffff, v38;
	v40 =	vld.idx.msk [tilespmem:v40+s22+$0x0], $0xffff  }
0xb5: {  	v54 =	vand.u32 v11, v25;
	v25 =	vor.u32 v16, v34;
	[tilespmem:v43+s2+$0x0] =	vst.idx.msk $0xffff, v39;
	v52 =	vld.idx.msk [tilespmem:v28+s22+$0x0], $0xffff  }
0xb6: {  	s18 =	sadd.s32 $0xFFFFFFFF, s15;
	v35 =	vand.u32 v17, v25;
	v25 =	vor.u32 v22, v34;
	[tilespmem:v36+s2+$0x0] =	vst.idx.msk $0xffff, v37  }
0xb7: {  	v26 =	vadd.s32 s18, v0;
	v34 =	vadd.s32 s15, v0;
	v46 =	vand.u32 v23, v25;
	[tilespmem:v30+s2+$0x0] =	vst.idx.msk $0xffff, v29;
	v36 =	vld.idx.msk [tilespmem:v27+s22+$0x0], $0xffff  }
0xb8: {  	v25 =	vand.u32 $0x1F, v26;
	v26 =	vshll.u32 v26, $0x7;
	v28 =	vand.u32 $0x1F, v34;
	[tilespmem:v32+s2+$0x0] =	vst.idx.msk $0xffff, v45  }
0xb9: {  	v27 =	vor.u32 v1, v25;
	v30 =	vor.u32 v3, v25;
	v29 =	vor.u32 v10, v26;
	v38 =	vld.idx.msk [tilespmem:v33+s22+$0x0], $0xffff  }
0xba: {  	v49 =	vor.u32 v9, v25;
	v32 =	vor.u32 v6, v25;
	v29 =	vand.u32 v11, v29  }
0xbb: {  	v42 =	vor.u32 v7, v26;
	v37 =	vor.u32 v12, v25;
	v45 =	vor.u32 v15, v25  }
0xbc: {  	v48 =	vor.u32 v16, v26;
	v50 =	vor.u32 v22, v26;
	[tilespmem:v35+s2+$0x0] =	vst.idx.msk $0xffff, v31  }
0xbd: {  	v55 =	vor.u32 v13, v26;
	v39 =	vor.u32 v3, v28;
	v31 =	vor.u32 v15, v28  }
0xbe: {  	v43 =	vor.u32 v0, v26;
	v35 =	vor.u32 v6, v28;
	v33 =	vld.idx.msk [tilespmem:v30+s22+$0x0], $0xffff;
	v30 =	vor.u32 v18, v25  }
.Ltmp1:
0xbf: {  	v47 =	vand.u32 v2, v43;
	v42 =	vand.u32 v8, v42;
	v44 =	vld.idx.msk [tilespmem:v27+s22+$0x0], $0xffff;
	v27 =	vor.u32 v21, v28;
	(pc) =	sbr.rel @p0 .LBB2_4-.Ltmp1, $4  }
0xc0: {  	v43 =	vld.idx.msk [tilespmem:v32+s22+$0x0], $0xffff;
	v32 =	vand.u32 v23, v50;
	v50 =	vor.u32 v1, v28;
	[tilespmem:v41+s2+$0x0] =	vst.idx.msk $0xffff, v40  }
0xc1: {  	v48 =	vand.u32 v17, v48;
	v40 =	vor.u32 v4, v26;
	v45 =	vld.idx.msk [tilespmem:v45+s22+$0x0], $0xffff;
	[tilespmem:v46+s2+$0x0] =	vst.idx.msk $0xffff, v36  }
0xc2: {  	v41 =	vand.u32 v5, v40;
	v46 =	vld.idx.msk [tilespmem:v49+s22+$0x0], $0xffff;
	v49 =	vor.u32 v12, v28;
	[tilespmem:v53+s2+$0x0] =	vst.idx.msk $0xffff, v51  }
0xc3: {  	v34 =	vshll.u32 v34, $0x7;
	v36 =	vand.u32 v14, v55;
	v40 =	vor.u32 v18, v28;
	[tilespmem:v54+s2+$0x0] =	vst.idx.msk $0xffff, v52  }
0xc4: {  	_ =	sdelay $0x3  }
0xc5: {  	v51 =	vor.u32 v0, v34;
	[tilespmem:v24+s2+$0x0] =	vst.idx.msk $0xffff, v38  }
0xc6: {  	[tilespmem:v47+s2+$0x0] =	vst.idx.msk $0xffff, v44;
	v62 =	vor.u32 v4, v34;
	v63 =	vor.u32 v13, v34;
	v37 =	vld.idx.msk [tilespmem:v37+s22+$0x0], $0xffff  }
0xc7: {  	v60 =	vld.idx.msk [tilespmem:v50+s22+$0x0], $0xffff;
	v52 =	vor.u32 v7, v34;
	[tilespmem:v41+s2+$0x0] =	vst.idx.msk $0xffff, v33;
	v61 =	vand.u32 v2, v51  }
0xc8: {  	v39 =	vld.idx.msk [tilespmem:v39+s22+$0x0], $0xffff;
	v28 =	vor.u32 v9, v28;
	[tilespmem:v42+s2+$0x0] =	vst.idx.msk $0xffff, v43;
	v50 =	vand.u32 v5, v62  }
0xc9: {  	v53 =	vld.idx.msk [tilespmem:v35+s22+$0x0], $0xffff;
	v57 =	vor.u32 v16, v34;
	v54 =	vand.u32 v8, v52;
	[tilespmem:v48+s2+$0x0] =	vst.idx.msk $0xffff, v45  }
0xca: {  	v55 =	vld.idx.msk [tilespmem:v49+s22+$0x0], $0xffff;
	v25 =	vor.u32 v21, v25;
	v56 =	vand.u32 v14, v63;
	[tilespmem:v29+s2+$0x0] =	vst.idx.msk $0xffff, v46  }
0xcb: {  	v31 =	vld.idx.msk [tilespmem:v31+s22+$0x0], $0xffff;
	v26 =	vor.u32 v19, v26;
	v58 =	vand.u32 v17, v57;
	[tilespmem:v36+s2+$0x0] =	vst.idx.msk $0xffff, v37  }
0xcc: {  	v30 =	vld.idx.msk [tilespmem:v30+s22+$0x0], $0xffff;
	v51 =	vor.u32 v19, v34;
	v26 =	vand.u32 v20, v26;
	[tilespmem:v61+s2+$0x0] =	vst.idx.msk $0xffff, v60  }
0xcd: {  	v40 =	vld.idx.msk [tilespmem:v40+s22+$0x0], $0xffff;
	v62 =	vor.u32 v10, v34;
	v59 =	vand.u32 v20, v51;
	[tilespmem:v50+s2+$0x0] =	vst.idx.msk $0xffff, v39  }
0xce: {  	v63 =	vand.u32 v11, v62;
	v28 =	vld.idx.msk [tilespmem:v28+s22+$0x0], $0xffff;
	[tilespmem:v54+s2+$0x0] =	vst.idx.msk $0xffff, v53  }
0xcf: {  	v25 =	vld.idx.msk [tilespmem:v25+s22+$0x0], $0xffff;
	v60 =	vor.u32 v22, v34;
	[tilespmem:v56+s2+$0x0] =	vst.idx.msk $0xffff, v55  }
0xd0: {  	v27 =	vld.idx.msk [tilespmem:v27+s22+$0x0], $0xffff;
	[tilespmem:v58+s2+$0x0] =	vst.idx.msk $0xffff, v31;
	v61 =	vand.u32 v23, v60  }
0xd1: {  	[tilespmem:v26+s2+$0x0] =	vst.idx.msk $0xffff, v30  }
0xd2: {  	[tilespmem:v59+s2+$0x0] =	vst.idx.msk $0xffff, v40  }
0xd3: {  	[tilespmem:v63+s2+$0x0] =	vst.idx.msk $0xffff, v28  }
0xd4: {  	[tilespmem:v32+s2+$0x0] =	vst.idx.msk $0xffff, v25  }
0xd5: {  	[tilespmem:v61+s2+$0x0] =	vst.idx.msk $0xffff, v27  }
0xd6: {  	s15 =	simm.s32 $0x0;
	s16 =	rddreg [dreg:$0xb]  }
0xd7: {  	[hbm4b:s16+s15] =	stream.linear.scatter [tilespmem:s2], [sflag:$0xA], $0x400, $0x38;
	[tilespmem:$0x8200] =	vst v63  }
0xd8: {  	s18 =	simm.s32 $0x5600;
	s21 =	rddreg [dreg:$0xc]  }
0xd9: {  	[hbm4b:s21+s15] =	stream.linear.scatter [tilespmem:s18], [sflag:$0xA], $0x400, $0x38;
	[tilespmem:$0x8200] =	vst v63  }
0xda: {  	s19 =	rddreg [dreg:$0xd];
	s21 =	simm.s32 $0x5A00  }
0xdb: {  	[hbm4b:s19+s15] =	stream.linear.scatter [tilespmem:s21], [sflag:$0xA], $0x400, $0x38;
	[tilespmem:$0x8200] =	vst v63  }
0xdc: {  	s18 =	rddreg [dreg:$0xe];
	s19 =	simm.s32 $0x5E00  }
0xdd: {  	[hbm4b:s18+s15] =	stream.linear.scatter [tilespmem:s19], [sflag:$0xA], $0x400, $0x38;
	[tilespmem:$0x8200] =	vst v63  }
0xde: {  	s21 =	rddreg [dreg:$0x1b]  }
0xdf: {  	[tilespmem:s17], [sflag:$0x2] =	stream.linear.gather [hbm4b:s21+s15], $0x80, $0x38;
	[tilespmem:$0x8200] =	vst v63  }
0xe0: {  	_ =	swait.ge [sflag:s26], $0x80  }
0xe1: {  	[sflag:s26] =	ssyncset.done $0x0  }
0xe2: {  	[sflag:s26] =	ssyncadd.s32 $0xFFFFFF80  }
0xe3: {  	[tilespmem:s28], [sflag:$0x8] =	stream.indirect.gather [hbm4b:s6+s17], $0x20, s23, s17, $0xb8;
	[tilespmem:$0x8200] =	vst v63  }
.LBB2_6:
0xe4: {  	s16 =	simm.s32 $0x0  }
0xe5: {  	s18 =	simm.s32 $0x1;
	v24 =	vadd.s32 s16, v0  }
0xe6: {  	v25 =	vadd.s32 s18, v0;
	v26 =	vand.u32 $0x1F, v24  }
0xe7: {  	v27 =	vshll.u32 v24, $0x7;
	v28 =	vand.u32 $0x1F, v25;
	v25 =	vshll.u32 v25, $0x7  }
0xe8: {  	v24 =	vor.u32 v1, v26;
	v29 =	vor.u32 v3, v26;
	v30 =	vor.u32 v10, v27  }
0xe9: {  	v31 =	vor.u32 v6, v26;
	v32 =	vor.u32 v9, v26;
	v33 =	vor.u32 v7, v27  }
0xea: {  	v34 =	vor.u32 v12, v26;
	v35 =	vor.u32 v15, v26;
	v36 =	vor.u32 v16, v27  }
0xeb: {  	_ =	swait.ge [sflag:s0], $0x1000;
	v37 =	vor.u32 v22, v27;
	v38 =	vor.u32 v13, v27;
	v39 =	vor.u32 v3, v28  }
0xec: {  	[sflag:s0] =	ssyncset.done $0x0;
	v40 =	vor.u32 v15, v28;
	v41 =	vor.u32 v0, v27;
	v42 =	vor.u32 v18, v26  }
0xed: {  	[sflag:s0] =	ssyncadd.s32 $0xFFFFF000;
	v43 =	vor.u32 v6, v28;
	v45 =	vor.u32 v1, v28;
	v46 =	vor.u32 v21, v28  }
0xee: {  	v47 =	vor.u32 v4, v27;
	v62 =	vor.u32 v12, v28;
	v41 =	vand.u32 v2, v41;
	v44 =	vld.idx.msk [tilespmem:v24+s30+$0x0], $0xffff  }
0xef: {  	v48 =	vor.u32 v18, v28;
	v49 =	vor.u32 v0, v25;
	v33 =	vand.u32 v8, v33;
	v31 =	vld.idx.msk [tilespmem:v31+s30+$0x0], $0xffff  }
0xf0: {  	v50 =	vor.u32 v13, v25;
	v51 =	vor.u32 v4, v25;
	v36 =	vand.u32 v17, v36;
	v35 =	vld.idx.msk [tilespmem:v35+s30+$0x0], $0xffff  }
0xf1: {  	v27 =	vor.u32 v19, v27;
	v53 =	vor.u32 v19, v25;
	v30 =	vand.u32 v11, v30;
	v32 =	vld.idx.msk [tilespmem:v32+s30+$0x0], $0xffff  }
0xf2: {  	v54 =	vor.u32 v7, v25;
	v28 =	vor.u32 v9, v28;
	v61 =	vand.u32 v5, v47;
	v29 =	vld.idx.msk [tilespmem:v29+s30+$0x0], $0xffff  }
0xf3: {  	v57 =	vor.u32 v21, v26;
	v49 =	vand.u32 v2, v49;
	v63 =	vld.idx.msk [tilespmem:v45+s30+$0x0], $0xffff;
	[tilespmem:v41+s7+$0x0] =	vst.idx.msk $0xffff, v44  }
0xf4: {  	v26 =	vor.u32 v10, v25;
	v38 =	vand.u32 v14, v38;
	v34 =	vld.idx.msk [tilespmem:v34+s30+$0x0], $0xffff;
	[tilespmem:v33+s7+$0x0] =	vst.idx.msk $0xffff, v31  }
0xf5: {  	s23 =	simm.s32 $0x2;
	v52 =	vand.u32 v5, v51;
	v45 =	vand.u32 v20, v53;
	v48 =	vld.idx.msk [tilespmem:v48+s30+$0x0], $0xffff;
	[tilespmem:v36+s7+$0x0] =	vst.idx.msk $0xffff, v35  }
0xf6: {  	v55 =	vand.u32 v8, v54;
	v51 =	vand.u32 v11, v26;
	v26 =	vadd.s32 s23, v0;
	[tilespmem:v30+s7+$0x0] =	vst.idx.msk $0xffff, v32  }
0xf7: {  	v24 =	vand.u32 v23, v37;
	v56 =	vld.idx.msk [tilespmem:v62+s30+$0x0], $0xffff;
	[tilespmem:v61+s7+$0x0] =	vst.idx.msk $0xffff, v29;
	v36 =	vand.u32 v20, v27  }
0xf8: {  	v31 =	vld.idx.msk [tilespmem:v39+s30+$0x0], $0xffff;
	[tilespmem:v49+s7+$0x0] =	vst.idx.msk $0xffff, v63;
	v29 =	vor.u32 v16, v25;
	v25 =	vor.u32 v22, v25  }
0xf9: {  	v27 =	vand.u32 v14, v50;
	[tilespmem:v38+s7+$0x0] =	vst.idx.msk $0xffff, v34;
	v41 =	vand.u32 v23, v25;
	v25 =	vand.u32 $0x1F, v26  }
0xfa: {  	v30 =	vld.idx.msk [tilespmem:v43+s30+$0x0], $0xffff;
	[tilespmem:v45+s7+$0x0] =	vst.idx.msk $0xffff, v48;
	v26 =	vshll.u32 v26, $0x7;
	v59 =	vor.u32 v6, v25  }
0xfb: {  	v58 =	vld.idx.msk [tilespmem:v40+s30+$0x0], $0xffff;
	v60 =	vor.u32 v9, v25;
	v61 =	vor.u32 v7, v26;
	v37 =	vor.u32 v12, v25  }
0xfc: {  	v40 =	vld.idx.msk [tilespmem:v42+s30+$0x0], $0xffff;
	v53 =	vor.u32 v15, v25;
	v54 =	vor.u32 v16, v26;
	v63 =	vor.u32 v0, v26  }
0xfd: {  	s16 =	simm.s32 $0x3;
	v46 =	vld.idx.msk [tilespmem:v46+s30+$0x0], $0xffff;
	v62 =	vor.u32 v22, v26;
	v47 =	vand.u32 v2, v63;
	[tilespmem:v52+s7+$0x0] =	vst.idx.msk $0xffff, v31  }
0xfe: {  	v34 =	vadd.s32 s16, v0;
	v42 =	vand.u32 v8, v61;
	[tilespmem:v27+s7+$0x0] =	vst.idx.msk $0xffff, v56;
	v27 =	vor.u32 v1, v25  }
0xff: {  	v38 =	vld.idx.msk [tilespmem:v57+s30+$0x0], $0xffff;
	v48 =	vand.u32 v17, v54;
	v31 =	vand.u32 v17, v29;
	[tilespmem:v55+s7+$0x0] =	vst.idx.msk $0xffff, v30  }
0x100: {  	v30 =	vor.u32 v3, v25;
	v29 =	vor.u32 v10, v26;
	v52 =	vld.idx.msk [tilespmem:v28+s30+$0x0], $0xffff;
	v28 =	vand.u32 $0x1F, v34  }
0x101: {  	v55 =	vor.u32 v13, v26;
	v56 =	vor.u32 v4, v26;
	[tilespmem:v36+s7+$0x0] =	vst.idx.msk $0xffff, v40;
	v34 =	vshll.u32 v34, $0x7  }
0x102: {  	v29 =	vand.u32 v11, v29;
	v39 =	vor.u32 v3, v28;
	v32 =	vor.u32 v15, v28;
	v43 =	vld.idx.msk [tilespmem:v59+s30+$0x0], $0xffff  }
0x103: {  	v35 =	vor.u32 v6, v28;
	v50 =	vor.u32 v1, v28;
	[tilespmem:v41+s7+$0x0] =	vst.idx.msk $0xffff, v46;
	v44 =	vld.idx.msk [tilespmem:v27+s30+$0x0], $0xffff  }
0x104: {  	v41 =	vand.u32 v5, v56;
	v49 =	vor.u32 v12, v28;
	v36 =	vand.u32 v14, v55;
	v45 =	vld.idx.msk [tilespmem:v53+s30+$0x0], $0xffff  }
0x105: {  	v40 =	vor.u32 v18, v28;
	v46 =	vld.idx.msk [tilespmem:v60+s30+$0x0], $0xffff;
	[tilespmem:v31+s7+$0x0] =	vst.idx.msk $0xffff, v58;
	v31 =	vor.u32 v18, v25  }
0x106: {  	s18 =	simm.s32 $0x10;
	v33 =	vld.idx.msk [tilespmem:v30+s30+$0x0], $0xffff;
	v27 =	vor.u32 v21, v28;
	v30 =	vand.u32 v23, v62;
	[tilespmem:v51+s7+$0x0] =	vst.idx.msk $0xffff, v52  }
.LBB2_7:
0x107: {  	s18 =	sadd.s32 $0x10, s18;
	v37 =	vld.idx.msk [tilespmem:v37+s30+$0x0], $0xffff;
	v51 =	vor.u32 v0, v34;
	v52 =	vor.u32 v13, v34;
	s16 =	sadd.s32 $0x2, s16;
	[tilespmem:v24+s7+$0x0] =	vst.idx.msk $0xffff, v38  }
0x108: {  	v26 =	vor.u32 v19, v26;
	p0 =	slt.u32 s18, $0xF0;
	[tilespmem:v47+s7+$0x0] =	vst.idx.msk $0xffff, v44;
	v38 =	vld.idx.msk [tilespmem:v50+s30+$0x0], $0xffff;
	v44 =	vor.u32 v19, v34  }
0x109: {  	v47 =	vor.u32 v4, v34;
	[tilespmem:v42+s7+$0x0] =	vst.idx.msk $0xffff, v43;
	v42 =	vand.u32 v2, v51;
	v39 =	vld.idx.msk [tilespmem:v39+s30+$0x0], $0xffff  }
0x10a: {  	v28 =	vor.u32 v9, v28;
	v43 =	vand.u32 v5, v47;
	[tilespmem:v48+s7+$0x0] =	vst.idx.msk $0xffff, v45;
	v45 =	vld.idx.msk [tilespmem:v49+s30+$0x0], $0xffff  }
0x10b: {  	v24 =	vmov v30;
	[tilespmem:v29+s7+$0x0] =	vst.idx.msk $0xffff, v46;
	v29 =	vld.idx.msk [tilespmem:v35+s30+$0x0], $0xffff;
	v35 =	vor.u32 v7, v34  }
0x10c: {  	[tilespmem:v41+s7+$0x0] =	vst.idx.msk $0xffff, v33;
	v51 =	vld.idx.msk [tilespmem:v31+s30+$0x0], $0xffff;
	v30 =	vand.u32 v8, v35  }
0x10d: {  	v53 =	vand.u32 v20, v26;
	v31 =	vand.u32 v14, v52;
	v41 =	vand.u32 v20, v44;
	v32 =	vld.idx.msk [tilespmem:v32+s30+$0x0], $0xffff  }
0x10e: {  	v33 =	vor.u32 v21, v25;
	v25 =	vor.u32 v10, v34;
	[tilespmem:v42+s7+$0x0] =	vst.idx.msk $0xffff, v38;
	v40 =	vld.idx.msk [tilespmem:v40+s30+$0x0], $0xffff  }
0x10f: {  	v54 =	vand.u32 v11, v25;
	v25 =	vor.u32 v16, v34;
	[tilespmem:v43+s7+$0x0] =	vst.idx.msk $0xffff, v39;
	v52 =	vld.idx.msk [tilespmem:v28+s30+$0x0], $0xffff  }
0x110: {  	s19 =	sadd.s32 $0xFFFFFFFF, s16;
	v35 =	vand.u32 v17, v25;
	v25 =	vor.u32 v22, v34;
	[tilespmem:v36+s7+$0x0] =	vst.idx.msk $0xffff, v37  }
0x111: {  	v26 =	vadd.s32 s19, v0;
	v34 =	vadd.s32 s16, v0;
	v46 =	vand.u32 v23, v25;
	[tilespmem:v30+s7+$0x0] =	vst.idx.msk $0xffff, v29;
	v36 =	vld.idx.msk [tilespmem:v27+s30+$0x0], $0xffff  }
0x112: {  	v25 =	vand.u32 $0x1F, v26;
	v26 =	vshll.u32 v26, $0x7;
	v28 =	vand.u32 $0x1F, v34;
	[tilespmem:v31+s7+$0x0] =	vst.idx.msk $0xffff, v45  }
0x113: {  	v27 =	vor.u32 v1, v25;
	v30 =	vor.u32 v3, v25;
	v29 =	vor.u32 v10, v26;
	v38 =	vld.idx.msk [tilespmem:v33+s30+$0x0], $0xffff  }
0x114: {  	v43 =	vor.u32 v6, v25;
	v49 =	vor.u32 v9, v25;
	v29 =	vand.u32 v11, v29  }
0x115: {  	v42 =	vor.u32 v7, v26;
	v37 =	vor.u32 v12, v25;
	v45 =	vor.u32 v15, v25  }
0x116: {  	v48 =	vor.u32 v16, v26;
	v50 =	vor.u32 v22, v26;
	[tilespmem:v35+s7+$0x0] =	vst.idx.msk $0xffff, v32  }
0x117: {  	v55 =	vor.u32 v13, v26;
	v39 =	vor.u32 v3, v28;
	v32 =	vor.u32 v15, v28  }
0x118: {  	v47 =	vor.u32 v0, v26;
	v31 =	vor.u32 v18, v25;
	v35 =	vor.u32 v6, v28;
	v33 =	vld.idx.msk [tilespmem:v30+s30+$0x0], $0xffff  }
.Ltmp2:
0x119: {  	v47 =	vand.u32 v2, v47;
	v42 =	vand.u32 v8, v42;
	v44 =	vld.idx.msk [tilespmem:v27+s30+$0x0], $0xffff;
	v27 =	vor.u32 v21, v28;
	(pc) =	sbr.rel @p0 .LBB2_7-.Ltmp2, $4  }
0x11a: {  	v30 =	vand.u32 v23, v50;
	v50 =	vor.u32 v1, v28;
	v43 =	vld.idx.msk [tilespmem:v43+s30+$0x0], $0xffff;
	[tilespmem:v41+s7+$0x0] =	vst.idx.msk $0xffff, v40  }
0x11b: {  	v48 =	vand.u32 v17, v48;
	v40 =	vor.u32 v4, v26;
	v45 =	vld.idx.msk [tilespmem:v45+s30+$0x0], $0xffff;
	[tilespmem:v46+s7+$0x0] =	vst.idx.msk $0xffff, v36  }
0x11c: {  	v41 =	vand.u32 v5, v40;
	v46 =	vld.idx.msk [tilespmem:v49+s30+$0x0], $0xffff;
	v49 =	vor.u32 v12, v28;
	[tilespmem:v53+s7+$0x0] =	vst.idx.msk $0xffff, v51  }
0x11d: {  	v34 =	vshll.u32 v34, $0x7;
	v36 =	vand.u32 v14, v55;
	v40 =	vor.u32 v18, v28;
	[tilespmem:v54+s7+$0x0] =	vst.idx.msk $0xffff, v52  }
0x11e: {  	_ =	sdelay $0x3  }
0x11f: {  	v51 =	vor.u32 v0, v34;
	[tilespmem:v24+s7+$0x0] =	vst.idx.msk $0xffff, v38  }
0x120: {  	[tilespmem:v47+s7+$0x0] =	vst.idx.msk $0xffff, v44;
	v24 =	vld.idx.msk [tilespmem:v50+s30+$0x0], $0xffff;
	v63 =	vand.u32 v2, v51  }
0x121: {  	v50 =	vor.u32 v4, v34;
	v37 =	vld.idx.msk [tilespmem:v37+s30+$0x0], $0xffff;
	[tilespmem:v41+s7+$0x0] =	vst.idx.msk $0xffff, v33  }
0x122: {  	v39 =	vld.idx.msk [tilespmem:v39+s30+$0x0], $0xffff;
	v51 =	vor.u32 v13, v34;
	[tilespmem:v42+s7+$0x0] =	vst.idx.msk $0xffff, v43;
	v52 =	vand.u32 v5, v50  }
0x123: {  	v54 =	vor.u32 v7, v34;
	v56 =	vld.idx.msk [tilespmem:v49+s30+$0x0], $0xffff;
	[tilespmem:v48+s7+$0x0] =	vst.idx.msk $0xffff, v45;
	v57 =	vand.u32 v14, v51  }
0x124: {  	v58 =	vor.u32 v16, v34;
	v55 =	vand.u32 v8, v54;
	[tilespmem:v29+s7+$0x0] =	vst.idx.msk $0xffff, v46;
	v29 =	vld.idx.msk [tilespmem:v35+s30+$0x0], $0xffff  }
0x125: {  	v32 =	vld.idx.msk [tilespmem:v32+s30+$0x0], $0xffff;
	[tilespmem:v63+s7+$0x0] =	vst.idx.msk $0xffff, v24;
	v24 =	vand.u32 v17, v58  }
0x126: {  	v25 =	vor.u32 v21, v25;
	[tilespmem:v36+s7+$0x0] =	vst.idx.msk $0xffff, v37  }
0x127: {  	v53 =	vor.u32 v19, v34;
	v28 =	vor.u32 v9, v28;
	[tilespmem:v52+s7+$0x0] =	vst.idx.msk $0xffff, v39  }
0x128: {  	v40 =	vld.idx.msk [tilespmem:v40+s30+$0x0], $0xffff;
	v60 =	vor.u32 v22, v34;
	v59 =	vand.u32 v20, v53;
	[tilespmem:v57+s7+$0x0] =	vst.idx.msk $0xffff, v56  }
0x129: {  	v26 =	vor.u32 v19, v26;
	v27 =	vld.idx.msk [tilespmem:v27+s30+$0x0], $0xffff;
	v61 =	vand.u32 v23, v60;
	[tilespmem:v55+s7+$0x0] =	vst.idx.msk $0xffff, v29  }
0x12a: {  	v31 =	vld.idx.msk [tilespmem:v31+s30+$0x0], $0xffff;
	v26 =	vand.u32 v20, v26;
	[tilespmem:v24+s7+$0x0] =	vst.idx.msk $0xffff, v32  }
0x12b: {  	v62 =	vor.u32 v10, v34;
	s16 =	sshll.u32 s15, $0x2;
	v25 =	vld.idx.msk [tilespmem:v25+s30+$0x0], $0xffff;
	s18 =	rddreg [dreg:$0x4]  }
0x12c: {  	v28 =	vld.idx.msk [tilespmem:v28+s30+$0x0], $0xffff;
	v29 =	vand.u32 v11, v62;
	s18 =	sadd.s32 s16, s18  }
0x12d: {  	[tilespmem:v59+s7+$0x0] =	vst.idx.msk $0xffff, v40;
	s19 =	sadd.s32 $0x2, s18  }
0x12e: {  	[tilespmem:v61+s7+$0x0] =	vst.idx.msk $0xffff, v27;
	s21 =	sshll.u32 s19, $0x9;
	s19 =	sshll.u32 s19, $0x7  }
0x12f: {  	[tilespmem:v26+s7+$0x0] =	vst.idx.msk $0xffff, v31;
	s21 =	sand.u32 $0xFFF0000, s21;
	s19 =	sand.u32 $0x3F00, s19  }
0x130: {  	[tilespmem:v30+s7+$0x0] =	vst.idx.msk $0xffff, v25;
	s19 =	sor.u32 s19, s21  }
0x131: {  	[tilespmem:v29+s7+$0x0] =	vst.idx.msk $0xffff, v28;
	s21 =	sadd.s32 s3, s19  }
0x132: {  	[hbm4b:s21+s4] =	stream.linear.scatter [tilespmem:s7], [sflag:$0xB], $0x400, $0x38;
	[tilespmem:$0x8200] =	vst v63  }
0x133: {  	s23 =	simm.s32 $0x6600;
	s21 =	sadd.s32 s19, s9  }
0x134: {  	[hbm4b:s21+s4] =	stream.linear.scatter [tilespmem:s23], [sflag:$0xB], $0x400, $0x38;
	[tilespmem:$0x8200] =	vst v63  }
0x135: {  	s21 =	sadd.s32 s19, s12;
	s23 =	simm.s32 $0x6A00  }
0x136: {  	[hbm4b:s21+s4] =	stream.linear.scatter [tilespmem:s23], [sflag:$0xB], $0x400, $0x38;
	[tilespmem:$0x8200] =	vst v63  }
0x137: {  	s19 =	sadd.s32 s19, s13;
	s23 =	simm.s32 $0x6E00;
	s21 =	rddreg [dreg:$0x1c]  }
0x138: {  	[hbm4b:s19+s4] =	stream.linear.scatter [tilespmem:s23], [sflag:$0xB], $0x400, $0x38;
	[tilespmem:$0x8200] =	vst v63  }
0x139: {  	s19 =	sadd.s32 s16, s21  }
0x13a: {  	s21 =	sshll.u32 s19, $0xA  }
0x13b: {  	s23 =	sshll.u32 s19, $0x7;
	s19 =	sand.u32 $0x380, s19;
	s21 =	sand.u32 $0x1F800, s21  }
0x13c: {  	s23 =	sand.u32 $0x7FFE0000, s23;
	s19 =	sor.u32 s19, s21  }
0x13d: {  	s19 =	sor.u32 s23, s19  }
0x13e: {  	s19 =	sshrl.u32 s19, $0x3  }
0x13f: {  	s23 =	simm.s32 $0x100;
	s19 =	sadd.s32 s1, s19  }
0x140: {  	[tilespmem:s23], [sflag:$0x3] =	stream.linear.gather [hbm4b:s19+s4], $0x80, $0x38;
	[tilespmem:$0x8200] =	vst v63  }
0x141: {  	_ =	swait.ge [sflag:s25], $0x400  }
0x142: {  	[sflag:s25] =	ssyncset.done $0x0  }
0x143: {  	[sflag:s25] =	ssyncadd.s32 $0xFFFFFC00  }
0x144: {  	_ =	swait.ge [sflag:s25], $0x400  }
0x145: {  	[sflag:s25] =	ssyncset.done $0x0  }
0x146: {  	[sflag:s25] =	ssyncadd.s32 $0xFFFFFC00  }
0x147: {  	_ =	swait.ge [sflag:s25], $0x400  }
0x148: {  	[sflag:s25] =	ssyncset.done $0x0  }
0x149: {  	[sflag:s25] =	ssyncadd.s32 $0xFFFFFC00  }
0x14a: {  	_ =	swait.ge [sflag:s25], $0x400  }
0x14b: {  	s21 =	simm.s32 $0x0;
	[sflag:s25] =	ssyncset.done $0x0  }
0x14c: {  	v24 =	vadd.s32 s21, v0;
	s23 =	simm.s32 $0x1;
	[sflag:s25] =	ssyncadd.s32 $0xFFFFFC00  }
0x14d: {  	v26 =	vand.u32 $0x1F, v24;
	_ =	swait.ge [sflag:s23], $0x80  }
0x14e: {  	v27 =	vshll.u32 v24, $0x7;
	v24 =	vor.u32 v1, v26;
	v29 =	vor.u32 v3, v26;
	[sflag:s23] =	ssyncset.done $0x0  }
0x14f: {  	v30 =	vor.u32 v10, v27;
	v31 =	vor.u32 v6, v26;
	v63 =	vor.u32 v9, v26;
	[sflag:s23] =	ssyncadd.s32 $0xFFFFFF80  }
0x150: {  	v48 =	vor.u32 v7, v27;
	v34 =	vor.u32 v12, v26;
	v49 =	vor.u32 v15, v26;
	[tilespmem:s20], [sflag:$0x5] =	stream.indirect.gather [hbm4b:s6+s17], $0x20, s4, s17, $0xb8;
	[tilespmem:$0x8200] =	vst v63  }
0x151: {  	v50 =	vor.u32 v16, v27;
	v51 =	vor.u32 v22, v27;
	v52 =	vor.u32 v13, v27;
	_ =	swait.ge [sflag:s5], $0x1000  }
0x152: {  	v54 =	vor.u32 v0, v27;
	v42 =	vor.u32 v18, v26;
	v25 =	vadd.s32 s23, v0;
	[sflag:s5] =	ssyncset.done $0x0  }
0x153: {  	v57 =	vor.u32 v4, v27;
	v27 =	vor.u32 v19, v27;
	v28 =	vand.u32 $0x1F, v25;
	[sflag:s5] =	ssyncadd.s32 $0xFFFFF000  }
0x154: {  	v30 =	vand.u32 v11, v30;
	v41 =	vand.u32 v2, v54;
	v56 =	vor.u32 v1, v28;
	v55 =	vld.idx.msk [tilespmem:v24+s28+$0x0], $0xffff  }
0x155: {  	v33 =	vand.u32 v8, v48;
	v36 =	vand.u32 v17, v50;
	v58 =	vand.u32 v5, v57;
	v31 =	vld.idx.msk [tilespmem:v31+s28+$0x0], $0xffff  }
0x156: {  	v38 =	vand.u32 v14, v52;
	v57 =	vor.u32 v21, v26;
	v59 =	vor.u32 v12, v28;
	v35 =	vld.idx.msk [tilespmem:v49+s28+$0x0], $0xffff  }
0x157: {  	v25 =	vshll.u32 v25, $0x7;
	v53 =	vor.u32 v3, v28;
	v60 =	vor.u32 v18, v28;
	v32 =	vld.idx.msk [tilespmem:v63+s28+$0x0], $0xffff  }
0x158: {  	v40 =	vor.u32 v15, v28;
	v43 =	vor.u32 v6, v28;
	v46 =	vor.u32 v21, v28;
	v29 =	vld.idx.msk [tilespmem:v29+s28+$0x0], $0xffff  }
0x159: {  	v61 =	vor.u32 v0, v25;
	v62 =	vor.u32 v13, v25;
	v54 =	vor.u32 v7, v25;
	v63 =	vld.idx.msk [tilespmem:v56+s28+$0x0], $0xffff  }
0x15a: {  	v28 =	vor.u32 v9, v28;
	v24 =	vand.u32 v23, v51;
	v34 =	vld.idx.msk [tilespmem:v34+s28+$0x0], $0xffff;
	[tilespmem:v41+s8+$0x0] =	vst.idx.msk $0xffff, v55  }
0x15b: {  	v49 =	vand.u32 v2, v61;
	v51 =	vor.u32 v4, v25;
	v56 =	vld.idx.msk [tilespmem:v59+s28+$0x0], $0xffff;
	[tilespmem:v33+s8+$0x0] =	vst.idx.msk $0xffff, v31  }
0x15c: {  	v26 =	vor.u32 v10, v25;
	v48 =	vld.idx.msk [tilespmem:v60+s28+$0x0], $0xffff;
	v52 =	vand.u32 v5, v51;
	[tilespmem:v36+s8+$0x0] =	vst.idx.msk $0xffff, v35  }
0x15d: {  	s23 =	simm.s32 $0x2;
	v51 =	vand.u32 v11, v26;
	v31 =	vld.idx.msk [tilespmem:v53+s28+$0x0], $0xffff;
	v53 =	vor.u32 v19, v25;
	[tilespmem:v30+s8+$0x0] =	vst.idx.msk $0xffff, v32  }
0x15e: {  	v26 =	vadd.s32 s23, v0;
	v55 =	vand.u32 v8, v54;
	[tilespmem:v58+s8+$0x0] =	vst.idx.msk $0xffff, v29;
	v36 =	vand.u32 v20, v27  }
0x15f: {  	v30 =	vld.idx.msk [tilespmem:v43+s28+$0x0], $0xffff;
	v27 =	vand.u32 v14, v62;
	v29 =	vor.u32 v16, v25;
	v25 =	vor.u32 v22, v25  }
0x160: {  	[tilespmem:v49+s8+$0x0] =	vst.idx.msk $0xffff, v63;
	v45 =	vand.u32 v20, v53;
	v41 =	vand.u32 v23, v25;
	v25 =	vand.u32 $0x1F, v26  }
0x161: {  	[tilespmem:v38+s8+$0x0] =	vst.idx.msk $0xffff, v34;
	v26 =	vshll.u32 v26, $0x7;
	v59 =	vor.u32 v6, v25;
	v60 =	vor.u32 v9, v25  }
0x162: {  	v58 =	vld.idx.msk [tilespmem:v40+s28+$0x0], $0xffff;
	v61 =	vor.u32 v7, v26;
	v37 =	vor.u32 v12, v25;
	v53 =	vor.u32 v15, v25  }
0x163: {  	v40 =	vld.idx.msk [tilespmem:v42+s28+$0x0], $0xffff;
	v54 =	vor.u32 v16, v26;
	v62 =	vor.u32 v22, v26;
	v63 =	vor.u32 v0, v26  }
0x164: {  	s19 =	simm.s32 $0x3;
	v46 =	vld.idx.msk [tilespmem:v46+s28+$0x0], $0xffff;
	v47 =	vand.u32 v2, v63;
	v42 =	vand.u32 v8, v61;
	[tilespmem:v52+s8+$0x0] =	vst.idx.msk $0xffff, v31  }
0x165: {  	v34 =	vadd.s32 s19, v0;
	v31 =	vand.u32 v17, v29;
	[tilespmem:v27+s8+$0x0] =	vst.idx.msk $0xffff, v56;
	v27 =	vor.u32 v1, v25  }
0x166: {  	v38 =	vld.idx.msk [tilespmem:v57+s28+$0x0], $0xffff;
	[tilespmem:v55+s8+$0x0] =	vst.idx.msk $0xffff, v30;
	v30 =	vor.u32 v3, v25;
	v29 =	vor.u32 v10, v26  }
0x167: {  	v52 =	vld.idx.msk [tilespmem:v28+s28+$0x0], $0xffff;
	v28 =	vand.u32 $0x1F, v34;
	v55 =	vor.u32 v13, v26;
	v56 =	vor.u32 v4, v26  }
0x168: {  	[tilespmem:v36+s8+$0x0] =	vst.idx.msk $0xffff, v40;
	v34 =	vshll.u32 v34, $0x7;
	v29 =	vand.u32 v11, v29;
	v39 =	vor.u32 v3, v28  }
0x169: {  	v32 =	vor.u32 v15, v28;
	v35 =	vor.u32 v6, v28;
	[tilespmem:v45+s8+$0x0] =	vst.idx.msk $0xffff, v48;
	v43 =	vld.idx.msk [tilespmem:v59+s28+$0x0], $0xffff  }
0x16a: {  	v50 =	vor.u32 v1, v28;
	v48 =	vand.u32 v17, v54;
	[tilespmem:v41+s8+$0x0] =	vst.idx.msk $0xffff, v46;
	v44 =	vld.idx.msk [tilespmem:v27+s28+$0x0], $0xffff  }
0x16b: {  	v41 =	vand.u32 v5, v56;
	v49 =	vor.u32 v12, v28;
	v36 =	vand.u32 v14, v55;
	v45 =	vld.idx.msk [tilespmem:v53+s28+$0x0], $0xffff  }
0x16c: {  	v40 =	vor.u32 v18, v28;
	v46 =	vld.idx.msk [tilespmem:v60+s28+$0x0], $0xffff;
	[tilespmem:v31+s8+$0x0] =	vst.idx.msk $0xffff, v58;
	v31 =	vor.u32 v18, v25  }
0x16d: {  	s21 =	simm.s32 $0x10;
	v33 =	vld.idx.msk [tilespmem:v30+s28+$0x0], $0xffff;
	v27 =	vor.u32 v21, v28;
	v30 =	vand.u32 v23, v62;
	[tilespmem:v51+s8+$0x0] =	vst.idx.msk $0xffff, v52  }
.LBB2_9:
0x16e: {  	s21 =	sadd.s32 $0x10, s21;
	v37 =	vld.idx.msk [tilespmem:v37+s28+$0x0], $0xffff;
	v51 =	vor.u32 v0, v34;
	v52 =	vor.u32 v13, v34;
	s19 =	sadd.s32 $0x2, s19;
	[tilespmem:v24+s8+$0x0] =	vst.idx.msk $0xffff, v38  }
0x16f: {  	v26 =	vor.u32 v19, v26;
	p0 =	slt.u32 s21, $0xF0;
	[tilespmem:v47+s8+$0x0] =	vst.idx.msk $0xffff, v44;
	v38 =	vld.idx.msk [tilespmem:v50+s28+$0x0], $0xffff;
	v44 =	vor.u32 v19, v34  }
0x170: {  	v47 =	vor.u32 v4, v34;
	[tilespmem:v42+s8+$0x0] =	vst.idx.msk $0xffff, v43;
	v42 =	vand.u32 v2, v51;
	v39 =	vld.idx.msk [tilespmem:v39+s28+$0x0], $0xffff  }
0x171: {  	v28 =	vor.u32 v9, v28;
	v43 =	vand.u32 v5, v47;
	[tilespmem:v48+s8+$0x0] =	vst.idx.msk $0xffff, v45;
	v45 =	vld.idx.msk [tilespmem:v49+s28+$0x0], $0xffff  }
0x172: {  	v24 =	vmov v30;
	[tilespmem:v29+s8+$0x0] =	vst.idx.msk $0xffff, v46;
	v29 =	vld.idx.msk [tilespmem:v35+s28+$0x0], $0xffff;
	v35 =	vor.u32 v7, v34  }
0x173: {  	[tilespmem:v41+s8+$0x0] =	vst.idx.msk $0xffff, v33;
	v51 =	vld.idx.msk [tilespmem:v31+s28+$0x0], $0xffff;
	v30 =	vand.u32 v8, v35  }
0x174: {  	v53 =	vand.u32 v20, v26;
	v31 =	vand.u32 v14, v52;
	v41 =	vand.u32 v20, v44;
	v32 =	vld.idx.msk [tilespmem:v32+s28+$0x0], $0xffff  }
0x175: {  	v33 =	vor.u32 v21, v25;
	v25 =	vor.u32 v10, v34;
	[tilespmem:v42+s8+$0x0] =	vst.idx.msk $0xffff, v38;
	v40 =	vld.idx.msk [tilespmem:v40+s28+$0x0], $0xffff  }
0x176: {  	v54 =	vand.u32 v11, v25;
	v25 =	vor.u32 v16, v34;
	[tilespmem:v43+s8+$0x0] =	vst.idx.msk $0xffff, v39;
	v52 =	vld.idx.msk [tilespmem:v28+s28+$0x0], $0xffff  }
0x177: {  	s23 =	sadd.s32 $0xFFFFFFFF, s19;
	v35 =	vand.u32 v17, v25;
	v25 =	vor.u32 v22, v34;
	[tilespmem:v36+s8+$0x0] =	vst.idx.msk $0xffff, v37  }
0x178: {  	v26 =	vadd.s32 s23, v0;
	v34 =	vadd.s32 s19, v0;
	v46 =	vand.u32 v23, v25;
	[tilespmem:v30+s8+$0x0] =	vst.idx.msk $0xffff, v29;
	v36 =	vld.idx.msk [tilespmem:v27+s28+$0x0], $0xffff  }
0x179: {  	v25 =	vand.u32 $0x1F, v26;
	v26 =	vshll.u32 v26, $0x7;
	v28 =	vand.u32 $0x1F, v34;
	[tilespmem:v31+s8+$0x0] =	vst.idx.msk $0xffff, v45  }
0x17a: {  	v27 =	vor.u32 v1, v25;
	v30 =	vor.u32 v3, v25;
	v29 =	vor.u32 v10, v26;
	v38 =	vld.idx.msk [tilespmem:v33+s28+$0x0], $0xffff  }
0x17b: {  	v43 =	vor.u32 v6, v25;
	v49 =	vor.u32 v9, v25;
	v29 =	vand.u32 v11, v29  }
0x17c: {  	v42 =	vor.u32 v7, v26;
	v37 =	vor.u32 v12, v25;
	v45 =	vor.u32 v15, v25  }
0x17d: {  	v48 =	vor.u32 v16, v26;
	v50 =	vor.u32 v22, v26;
	[tilespmem:v35+s8+$0x0] =	vst.idx.msk $0xffff, v32  }
0x17e: {  	v55 =	vor.u32 v13, v26;
	v39 =	vor.u32 v3, v28;
	v32 =	vor.u32 v15, v28  }
0x17f: {  	v47 =	vor.u32 v0, v26;
	v31 =	vor.u32 v18, v25;
	v35 =	vor.u32 v6, v28;
	v33 =	vld.idx.msk [tilespmem:v30+s28+$0x0], $0xffff  }
.Ltmp3:
0x180: {  	v47 =	vand.u32 v2, v47;
	v42 =	vand.u32 v8, v42;
	v44 =	vld.idx.msk [tilespmem:v27+s28+$0x0], $0xffff;
	v27 =	vor.u32 v21, v28;
	(pc) =	sbr.rel @p0 .LBB2_9-.Ltmp3, $4  }
0x181: {  	v30 =	vand.u32 v23, v50;
	v50 =	vor.u32 v1, v28;
	v43 =	vld.idx.msk [tilespmem:v43+s28+$0x0], $0xffff;
	[tilespmem:v41+s8+$0x0] =	vst.idx.msk $0xffff, v40  }
0x182: {  	v48 =	vand.u32 v17, v48;
	v40 =	vor.u32 v4, v26;
	v45 =	vld.idx.msk [tilespmem:v45+s28+$0x0], $0xffff;
	[tilespmem:v46+s8+$0x0] =	vst.idx.msk $0xffff, v36  }
0x183: {  	v41 =	vand.u32 v5, v40;
	v46 =	vld.idx.msk [tilespmem:v49+s28+$0x0], $0xffff;
	v49 =	vor.u32 v12, v28;
	[tilespmem:v53+s8+$0x0] =	vst.idx.msk $0xffff, v51  }
0x184: {  	v34 =	vshll.u32 v34, $0x7;
	v36 =	vand.u32 v14, v55;
	v40 =	vor.u32 v18, v28;
	[tilespmem:v54+s8+$0x0] =	vst.idx.msk $0xffff, v52  }
0x185: {  	_ =	sdelay $0x3  }
0x186: {  	v51 =	vor.u32 v0, v34;
	[tilespmem:v24+s8+$0x0] =	vst.idx.msk $0xffff, v38;
	v24 =	vld.idx.msk [tilespmem:v50+s28+$0x0], $0xffff  }
0x187: {  	[tilespmem:v47+s8+$0x0] =	vst.idx.msk $0xffff, v44;
	v50 =	vor.u32 v4, v34;
	v37 =	vld.idx.msk [tilespmem:v37+s28+$0x0], $0xffff;
	v53 =	vor.u32 v19, v34  }
0x188: {  	v54 =	vor.u32 v7, v34;
	[tilespmem:v41+s8+$0x0] =	vst.idx.msk $0xffff, v33;
	v63 =	vand.u32 v2, v51  }
0x189: {  	v39 =	vld.idx.msk [tilespmem:v39+s28+$0x0], $0xffff;
	v25 =	vor.u32 v21, v25;
	[tilespmem:v42+s8+$0x0] =	vst.idx.msk $0xffff, v43;
	v52 =	vand.u32 v5, v50  }
0x18a: {  	v40 =	vld.idx.msk [tilespmem:v40+s28+$0x0], $0xffff;
	v60 =	vor.u32 v22, v34;
	v59 =	vand.u32 v20, v53;
	[tilespmem:v48+s8+$0x0] =	vst.idx.msk $0xffff, v45  }
0x18b: {  	v28 =	vor.u32 v9, v28;
	v27 =	vld.idx.msk [tilespmem:v27+s28+$0x0], $0xffff;
	v61 =	vand.u32 v23, v60;
	[tilespmem:v29+s8+$0x0] =	vst.idx.msk $0xffff, v46  }
0x18c: {  	v26 =	vor.u32 v19, v26;
	v55 =	vand.u32 v8, v54;
	v29 =	vld.idx.msk [tilespmem:v35+s28+$0x0], $0xffff;
	[tilespmem:v36+s8+$0x0] =	vst.idx.msk $0xffff, v37  }
0x18d: {  	v31 =	vld.idx.msk [tilespmem:v31+s28+$0x0], $0xffff;
	v51 =	vor.u32 v13, v34;
	v26 =	vand.u32 v20, v26;
	[tilespmem:v63+s8+$0x0] =	vst.idx.msk $0xffff, v24  }
0x18e: {  	v56 =	vld.idx.msk [tilespmem:v49+s28+$0x0], $0xffff;
	v57 =	vand.u32 v14, v51;
	[tilespmem:v52+s8+$0x0] =	vst.idx.msk $0xffff, v39  }
0x18f: {  	v58 =	vor.u32 v16, v34;
	v25 =	vld.idx.msk [tilespmem:v25+s28+$0x0], $0xffff;
	[tilespmem:v59+s8+$0x0] =	vst.idx.msk $0xffff, v40  }
0x190: {  	v32 =	vld.idx.msk [tilespmem:v32+s28+$0x0], $0xffff;
	v62 =	vor.u32 v10, v34;
	v24 =	vand.u32 v17, v58;
	[tilespmem:v61+s8+$0x0] =	vst.idx.msk $0xffff, v27  }
0x191: {  	v28 =	vld.idx.msk [tilespmem:v28+s28+$0x0], $0xffff;
	[tilespmem:v55+s8+$0x0] =	vst.idx.msk $0xffff, v29;
	v29 =	vand.u32 v11, v62  }
0x192: {  	s18 =	sadd.s32 $0x3, s18;
	[tilespmem:v26+s8+$0x0] =	vst.idx.msk $0xffff, v31  }
0x193: {  	s19 =	sshll.u32 s18, $0x9;
	s18 =	sshll.u32 s18, $0x7;
	[tilespmem:v57+s8+$0x0] =	vst.idx.msk $0xffff, v56  }
0x194: {  	s19 =	sand.u32 $0xFFF0000, s19;
	s18 =	sand.u32 $0x3F80, s18;
	[tilespmem:v30+s8+$0x0] =	vst.idx.msk $0xffff, v25  }
0x195: {  	s18 =	sor.u32 s18, s19;
	[tilespmem:v24+s8+$0x0] =	vst.idx.msk $0xffff, v32  }
0x196: {  	s19 =	sadd.s32 s3, s18;
	[tilespmem:v29+s8+$0x0] =	vst.idx.msk $0xffff, v28  }
0x197: {  	[hbm4b:s19+s4] =	stream.linear.scatter [tilespmem:s8], [sflag:$0xC], $0x400, $0x38;
	[tilespmem:$0x8200] =	vst v63  }
0x198: {  	s21 =	simm.s32 $0x7600;
	s23 =	sadd.s32 s18, s9  }
0x199: {  	[hbm4b:s23+s4] =	stream.linear.scatter [tilespmem:s21], [sflag:$0xC], $0x400, $0x38;
	[tilespmem:$0x8200] =	vst v63  }
0x19a: {  	s21 =	sadd.s32 s18, s12;
	s23 =	simm.s32 $0x7A00  }
0x19b: {  	[hbm4b:s21+s4] =	stream.linear.scatter [tilespmem:s23], [sflag:$0xC], $0x400, $0x38;
	[tilespmem:$0x8200] =	vst v63  }
0x19c: {  	s19 =	rddreg [dreg:$0x1d];
	s18 =	sadd.s32 s18, s13;
	s23 =	simm.s32 $0x7E00  }
0x19d: {  	[hbm4b:s18+s4] =	stream.linear.scatter [tilespmem:s23], [sflag:$0xC], $0x400, $0x38;
	[tilespmem:$0x8200] =	vst v63  }
0x19e: {  	s18 =	sadd.s32 s16, s19  }
0x19f: {  	s21 =	sshll.u32 s18, $0xA  }
0x1a0: {  	s23 =	sshll.u32 s18, $0x7;
	s18 =	sand.u32 $0x380, s18;
	s19 =	sand.u32 $0x1FC00, s21  }
0x1a1: {  	s21 =	sand.u32 $0x7FFE0000, s23;
	s18 =	sor.u32 s18, s19  }
0x1a2: {  	s18 =	sor.u32 s21, s18  }
0x1a3: {  	s18 =	sshrl.u32 s18, $0x3  }
0x1a4: {  	s23 =	simm.s32 $0x180;
	s18 =	sadd.s32 s1, s18  }
0x1a5: {  	[tilespmem:s23], [sflag:$0x4] =	stream.linear.gather [hbm4b:s18+s4], $0x80, $0x38;
	[tilespmem:$0x8200] =	vst v63  }
0x1a6: {  	_ =	swait.ge [sflag:s10], $0x400  }
0x1a7: {  	[sflag:s10] =	ssyncset.done $0x0  }
0x1a8: {  	[sflag:s10] =	ssyncadd.s32 $0xFFFFFC00  }
0x1a9: {  	_ =	swait.ge [sflag:s10], $0x400  }
0x1aa: {  	[sflag:s10] =	ssyncset.done $0x0  }
0x1ab: {  	[sflag:s10] =	ssyncadd.s32 $0xFFFFFC00  }
0x1ac: {  	_ =	swait.ge [sflag:s10], $0x400  }
0x1ad: {  	[sflag:s10] =	ssyncset.done $0x0  }
0x1ae: {  	[sflag:s10] =	ssyncadd.s32 $0xFFFFFC00  }
0x1af: {  	_ =	swait.ge [sflag:s10], $0x400  }
0x1b0: {  	s21 =	simm.s32 $0x0;
	[sflag:s10] =	ssyncset.done $0x0  }
0x1b1: {  	s19 =	simm.s32 $0x1;
	v24 =	vadd.s32 s21, v0;
	s21 =	simm.s32 $0x2;
	[sflag:s10] =	ssyncadd.s32 $0xFFFFFC00  }
0x1b2: {  	v25 =	vadd.s32 s19, v0;
	_ =	swait.ge [sflag:s21], $0x80  }
0x1b3: {  	v28 =	vand.u32 $0x1F, v25;
	v25 =	vshll.u32 v25, $0x7;
	v26 =	vand.u32 $0x1F, v24;
	[sflag:s21] =	ssyncset.done $0x0  }
0x1b4: {  	s19 =	simm.s32 $0x5;
	v27 =	vshll.u32 v24, $0x7;
	v53 =	vor.u32 v3, v28;
	v24 =	vor.u32 v1, v26;
	[sflag:s21] =	ssyncadd.s32 $0xFFFFFF80  }
0x1b5: {  	v40 =	vor.u32 v15, v28;
	v43 =	vor.u32 v6, v28;
	v31 =	vor.u32 v6, v26;
	[tilespmem:s22], [sflag:$0x6] =	stream.indirect.gather [hbm4b:s6+s17], $0x20, s17, s17, $0xb8;
	[tilespmem:$0x8200] =	vst v63  }
0x1b6: {  	v56 =	vor.u32 v1, v28;
	v46 =	vor.u32 v21, v28;
	v49 =	vor.u32 v15, v26;
	_ =	swait.ge [sflag:s19], $0x1000  }
0x1b7: {  	v59 =	vor.u32 v12, v28;
	v60 =	vor.u32 v18, v28;
	v63 =	vor.u32 v9, v26;
	[sflag:s19] =	ssyncset.done $0x0  }
0x1b8: {  	v61 =	vor.u32 v0, v25;
	v62 =	vor.u32 v13, v25;
	v29 =	vor.u32 v3, v26;
	[sflag:s19] =	ssyncadd.s32 $0xFFFFF000  }
0x1b9: {  	v28 =	vor.u32 v9, v28;
	v30 =	vor.u32 v10, v27;
	v54 =	vor.u32 v0, v27;
	v55 =	vld.idx.msk [tilespmem:v24+s20+$0x0], $0xffff  }
0x1ba: {  	v48 =	vor.u32 v7, v27;
	v34 =	vor.u32 v12, v26;
	v41 =	vand.u32 v2, v54;
	v31 =	vld.idx.msk [tilespmem:v31+s20+$0x0], $0xffff  }
0x1bb: {  	v50 =	vor.u32 v16, v27;
	v51 =	vor.u32 v22, v27;
	v33 =	vand.u32 v8, v48;
	v35 =	vld.idx.msk [tilespmem:v49+s20+$0x0], $0xffff  }
0x1bc: {  	v52 =	vor.u32 v13, v27;
	v42 =	vor.u32 v18, v26;
	v36 =	vand.u32 v17, v50;
	v32 =	vld.idx.msk [tilespmem:v63+s20+$0x0], $0xffff  }
0x1bd: {  	v57 =	vor.u32 v4, v27;
	v27 =	vor.u32 v19, v27;
	v30 =	vand.u32 v11, v30;
	v29 =	vld.idx.msk [tilespmem:v29+s20+$0x0], $0xffff  }
0x1be: {  	v58 =	vand.u32 v5, v57;
	v38 =	vand.u32 v14, v52;
	v54 =	vor.u32 v7, v25;
	v63 =	vld.idx.msk [tilespmem:v56+s20+$0x0], $0xffff  }
0x1bf: {  	v57 =	vor.u32 v21, v26;
	v24 =	vand.u32 v23, v51;
	v34 =	vld.idx.msk [tilespmem:v34+s20+$0x0], $0xffff;
	[tilespmem:v41+s24+$0x0] =	vst.idx.msk $0xffff, v55  }
0x1c0: {  	v49 =	vand.u32 v2, v61;
	v51 =	vor.u32 v4, v25;
	v56 =	vld.idx.msk [tilespmem:v59+s20+$0x0], $0xffff;
	[tilespmem:v33+s24+$0x0] =	vst.idx.msk $0xffff, v31  }
0x1c1: {  	v26 =	vor.u32 v10, v25;
	v48 =	vld.idx.msk [tilespmem:v60+s20+$0x0], $0xffff;
	v52 =	vand.u32 v5, v51;
	[tilespmem:v36+s24+$0x0] =	vst.idx.msk $0xffff, v35  }
0x1c2: {  	s21 =	simm.s32 $0x2;
	v51 =	vand.u32 v11, v26;
	v31 =	vld.idx.msk [tilespmem:v53+s20+$0x0], $0xffff;
	v53 =	vor.u32 v19, v25;
	[tilespmem:v30+s24+$0x0] =	vst.idx.msk $0xffff, v32  }
0x1c3: {  	v26 =	vadd.s32 s21, v0;
	v55 =	vand.u32 v8, v54;
	[tilespmem:v58+s24+$0x0] =	vst.idx.msk $0xffff, v29;
	v36 =	vand.u32 v20, v27  }
0x1c4: {  	v30 =	vld.idx.msk [tilespmem:v43+s20+$0x0], $0xffff;
	v27 =	vand.u32 v14, v62;
	v29 =	vor.u32 v16, v25;
	v25 =	vor.u32 v22, v25  }
0x1c5: {  	[tilespmem:v49+s24+$0x0] =	vst.idx.msk $0xffff, v63;
	v45 =	vand.u32 v20, v53;
	v41 =	vand.u32 v23, v25;
	v25 =	vand.u32 $0x1F, v26  }
0x1c6: {  	[tilespmem:v38+s24+$0x0] =	vst.idx.msk $0xffff, v34;
	v26 =	vshll.u32 v26, $0x7;
	v59 =	vor.u32 v6, v25;
	v60 =	vor.u32 v9, v25  }
0x1c7: {  	v58 =	vld.idx.msk [tilespmem:v40+s20+$0x0], $0xffff;
	v61 =	vor.u32 v7, v26;
	v37 =	vor.u32 v12, v25;
	v53 =	vor.u32 v15, v25  }
0x1c8: {  	v40 =	vld.idx.msk [tilespmem:v42+s20+$0x0], $0xffff;
	v54 =	vor.u32 v16, v26;
	v62 =	vor.u32 v22, v26;
	v63 =	vor.u32 v0, v26  }
0x1c9: {  	s18 =	simm.s32 $0x3;
	v46 =	vld.idx.msk [tilespmem:v46+s20+$0x0], $0xffff;
	v47 =	vand.u32 v2, v63;
	v42 =	vand.u32 v8, v61;
	[tilespmem:v52+s24+$0x0] =	vst.idx.msk $0xffff, v31  }
0x1ca: {  	v34 =	vadd.s32 s18, v0;
	v31 =	vand.u32 v17, v29;
	[tilespmem:v27+s24+$0x0] =	vst.idx.msk $0xffff, v56;
	v27 =	vor.u32 v1, v25  }
0x1cb: {  	v38 =	vld.idx.msk [tilespmem:v57+s20+$0x0], $0xffff;
	[tilespmem:v55+s24+$0x0] =	vst.idx.msk $0xffff, v30;
	v30 =	vor.u32 v3, v25;
	v29 =	vor.u32 v10, v26  }
0x1cc: {  	v52 =	vld.idx.msk [tilespmem:v28+s20+$0x0], $0xffff;
	v28 =	vand.u32 $0x1F, v34;
	v55 =	vor.u32 v13, v26;
	v56 =	vor.u32 v4, v26  }
0x1cd: {  	[tilespmem:v36+s24+$0x0] =	vst.idx.msk $0xffff, v40;
	v34 =	vshll.u32 v34, $0x7;
	v29 =	vand.u32 v11, v29;
	v39 =	vor.u32 v3, v28  }
0x1ce: {  	v32 =	vor.u32 v15, v28;
	v35 =	vor.u32 v6, v28;
	[tilespmem:v45+s24+$0x0] =	vst.idx.msk $0xffff, v48;
	v43 =	vld.idx.msk [tilespmem:v59+s20+$0x0], $0xffff  }
0x1cf: {  	v50 =	vor.u32 v1, v28;
	v48 =	vand.u32 v17, v54;
	[tilespmem:v41+s24+$0x0] =	vst.idx.msk $0xffff, v46;
	v44 =	vld.idx.msk [tilespmem:v27+s20+$0x0], $0xffff  }
0x1d0: {  	v41 =	vand.u32 v5, v56;
	v49 =	vor.u32 v12, v28;
	v36 =	vand.u32 v14, v55;
	v45 =	vld.idx.msk [tilespmem:v53+s20+$0x0], $0xffff  }
0x1d1: {  	v40 =	vor.u32 v18, v28;
	v46 =	vld.idx.msk [tilespmem:v60+s20+$0x0], $0xffff;
	[tilespmem:v31+s24+$0x0] =	vst.idx.msk $0xffff, v58;
	v31 =	vor.u32 v18, v25  }
0x1d2: {  	s19 =	simm.s32 $0x10;
	v33 =	vld.idx.msk [tilespmem:v30+s20+$0x0], $0xffff;
	v27 =	vor.u32 v21, v28;
	v30 =	vand.u32 v23, v62;
	[tilespmem:v51+s24+$0x0] =	vst.idx.msk $0xffff, v52  }
.LBB2_11:
0x1d3: {  	s19 =	sadd.s32 $0x10, s19;
	v37 =	vld.idx.msk [tilespmem:v37+s20+$0x0], $0xffff;
	v51 =	vor.u32 v0, v34;
	v52 =	vor.u32 v13, v34;
	s18 =	sadd.s32 $0x2, s18;
	[tilespmem:v24+s24+$0x0] =	vst.idx.msk $0xffff, v38  }
0x1d4: {  	v26 =	vor.u32 v19, v26;
	p0 =	slt.u32 s19, $0xF0;
	[tilespmem:v47+s24+$0x0] =	vst.idx.msk $0xffff, v44;
	v38 =	vld.idx.msk [tilespmem:v50+s20+$0x0], $0xffff;
	v44 =	vor.u32 v19, v34  }
0x1d5: {  	v47 =	vor.u32 v4, v34;
	[tilespmem:v42+s24+$0x0] =	vst.idx.msk $0xffff, v43;
	v42 =	vand.u32 v2, v51;
	v39 =	vld.idx.msk [tilespmem:v39+s20+$0x0], $0xffff  }
0x1d6: {  	v28 =	vor.u32 v9, v28;
	v43 =	vand.u32 v5, v47;
	[tilespmem:v48+s24+$0x0] =	vst.idx.msk $0xffff, v45;
	v45 =	vld.idx.msk [tilespmem:v49+s20+$0x0], $0xffff  }
0x1d7: {  	v24 =	vmov v30;
	[tilespmem:v29+s24+$0x0] =	vst.idx.msk $0xffff, v46;
	v29 =	vld.idx.msk [tilespmem:v35+s20+$0x0], $0xffff;
	v35 =	vor.u32 v7, v34  }
0x1d8: {  	[tilespmem:v41+s24+$0x0] =	vst.idx.msk $0xffff, v33;
	v51 =	vld.idx.msk [tilespmem:v31+s20+$0x0], $0xffff;
	v30 =	vand.u32 v8, v35  }
0x1d9: {  	v53 =	vand.u32 v20, v26;
	v31 =	vand.u32 v14, v52;
	v41 =	vand.u32 v20, v44;
	v32 =	vld.idx.msk [tilespmem:v32+s20+$0x0], $0xffff  }
0x1da: {  	v33 =	vor.u32 v21, v25;
	v25 =	vor.u32 v10, v34;
	[tilespmem:v42+s24+$0x0] =	vst.idx.msk $0xffff, v38;
	v40 =	vld.idx.msk [tilespmem:v40+s20+$0x0], $0xffff  }
0x1db: {  	v54 =	vand.u32 v11, v25;
	v25 =	vor.u32 v16, v34;
	[tilespmem:v43+s24+$0x0] =	vst.idx.msk $0xffff, v39;
	v52 =	vld.idx.msk [tilespmem:v28+s20+$0x0], $0xffff  }
0x1dc: {  	s21 =	sadd.s32 $0xFFFFFFFF, s18;
	v35 =	vand.u32 v17, v25;
	v25 =	vor.u32 v22, v34;
	[tilespmem:v36+s24+$0x0] =	vst.idx.msk $0xffff, v37  }
0x1dd: {  	v26 =	vadd.s32 s21, v0;
	v34 =	vadd.s32 s18, v0;
	v46 =	vand.u32 v23, v25;
	[tilespmem:v30+s24+$0x0] =	vst.idx.msk $0xffff, v29;
	v36 =	vld.idx.msk [tilespmem:v27+s20+$0x0], $0xffff  }
0x1de: {  	v25 =	vand.u32 $0x1F, v26;
	v26 =	vshll.u32 v26, $0x7;
	v28 =	vand.u32 $0x1F, v34;
	[tilespmem:v31+s24+$0x0] =	vst.idx.msk $0xffff, v45  }
0x1df: {  	v27 =	vor.u32 v1, v25;
	v30 =	vor.u32 v3, v25;
	v29 =	vor.u32 v10, v26;
	v38 =	vld.idx.msk [tilespmem:v33+s20+$0x0], $0xffff  }
0x1e0: {  	v43 =	vor.u32 v6, v25;
	v49 =	vor.u32 v9, v25;
	v29 =	vand.u32 v11, v29  }
0x1e1: {  	v42 =	vor.u32 v7, v26;
	v37 =	vor.u32 v12, v25;
	v45 =	vor.u32 v15, v25  }
0x1e2: {  	v48 =	vor.u32 v16, v26;
	v50 =	vor.u32 v22, v26;
	[tilespmem:v35+s24+$0x0] =	vst.idx.msk $0xffff, v32  }
0x1e3: {  	v55 =	vor.u32 v13, v26;
	v39 =	vor.u32 v3, v28;
	v32 =	vor.u32 v15, v28  }
0x1e4: {  	v47 =	vor.u32 v0, v26;
	v31 =	vor.u32 v18, v25;
	v35 =	vor.u32 v6, v28;
	v33 =	vld.idx.msk [tilespmem:v30+s20+$0x0], $0xffff  }
.Ltmp4:
0x1e5: {  	v47 =	vand.u32 v2, v47;
	v42 =	vand.u32 v8, v42;
	v44 =	vld.idx.msk [tilespmem:v27+s20+$0x0], $0xffff;
	v27 =	vor.u32 v21, v28;
	(pc) =	sbr.rel @p0 .LBB2_11-.Ltmp4, $4  }
0x1e6: {  	v30 =	vand.u32 v23, v50;
	v50 =	vor.u32 v1, v28;
	v43 =	vld.idx.msk [tilespmem:v43+s20+$0x0], $0xffff;
	[tilespmem:v41+s24+$0x0] =	vst.idx.msk $0xffff, v40  }
0x1e7: {  	v48 =	vand.u32 v17, v48;
	v40 =	vor.u32 v4, v26;
	v45 =	vld.idx.msk [tilespmem:v45+s20+$0x0], $0xffff;
	[tilespmem:v46+s24+$0x0] =	vst.idx.msk $0xffff, v36  }
0x1e8: {  	v41 =	vand.u32 v5, v40;
	v46 =	vld.idx.msk [tilespmem:v49+s20+$0x0], $0xffff;
	v49 =	vor.u32 v12, v28;
	[tilespmem:v53+s24+$0x0] =	vst.idx.msk $0xffff, v51  }
0x1e9: {  	v34 =	vshll.u32 v34, $0x7;
	v36 =	vand.u32 v14, v55;
	v40 =	vor.u32 v18, v28;
	[tilespmem:v54+s24+$0x0] =	vst.idx.msk $0xffff, v52  }
0x1ea: {  	_ =	sdelay $0x3  }
0x1eb: {  	[tilespmem:v24+s24+$0x0] =	vst.idx.msk $0xffff, v38  }
0x1ec: {  	v51 =	vor.u32 v0, v34;
	[tilespmem:v47+s24+$0x0] =	vst.idx.msk $0xffff, v44;
	v37 =	vld.idx.msk [tilespmem:v37+s20+$0x0], $0xffff  }
0x1ed: {  	v24 =	vld.idx.msk [tilespmem:v50+s20+$0x0], $0xffff;
	v50 =	vor.u32 v4, v34;
	[tilespmem:v41+s24+$0x0] =	vst.idx.msk $0xffff, v33;
	v63 =	vand.u32 v2, v51  }
0x1ee: {  	v39 =	vld.idx.msk [tilespmem:v39+s20+$0x0], $0xffff;
	v53 =	vor.u32 v19, v34;
	[tilespmem:v42+s24+$0x0] =	vst.idx.msk $0xffff, v43;
	v52 =	vand.u32 v5, v50  }
0x1ef: {  	v40 =	vld.idx.msk [tilespmem:v40+s20+$0x0], $0xffff;
	v51 =	vor.u32 v13, v34;
	v59 =	vand.u32 v20, v53;
	[tilespmem:v48+s24+$0x0] =	vst.idx.msk $0xffff, v45  }
0x1f0: {  	v54 =	vor.u32 v7, v34;
	v56 =	vld.idx.msk [tilespmem:v49+s20+$0x0], $0xffff;
	v57 =	vand.u32 v14, v51;
	[tilespmem:v29+s24+$0x0] =	vst.idx.msk $0xffff, v46  }
0x1f1: {  	v58 =	vor.u32 v16, v34;
	v55 =	vand.u32 v8, v54;
	v29 =	vld.idx.msk [tilespmem:v35+s20+$0x0], $0xffff;
	[tilespmem:v36+s24+$0x0] =	vst.idx.msk $0xffff, v37  }
0x1f2: {  	v32 =	vld.idx.msk [tilespmem:v32+s20+$0x0], $0xffff;
	v25 =	vor.u32 v21, v25;
	[tilespmem:v63+s24+$0x0] =	vst.idx.msk $0xffff, v24;
	v24 =	vand.u32 v17, v58  }
0x1f3: {  	v28 =	vor.u32 v9, v28;
	[tilespmem:v52+s24+$0x0] =	vst.idx.msk $0xffff, v39  }
0x1f4: {  	v60 =	vor.u32 v22, v34;
	[tilespmem:v59+s24+$0x0] =	vst.idx.msk $0xffff, v40  }
0x1f5: {  	v26 =	vor.u32 v19, v26;
	v27 =	vld.idx.msk [tilespmem:v27+s20+$0x0], $0xffff;
	v61 =	vand.u32 v23, v60;
	[tilespmem:v57+s24+$0x0] =	vst.idx.msk $0xffff, v56  }
0x1f6: {  	v31 =	vld.idx.msk [tilespmem:v31+s20+$0x0], $0xffff;
	v26 =	vand.u32 v20, v26;
	[tilespmem:v55+s24+$0x0] =	vst.idx.msk $0xffff, v29  }
0x1f7: {  	v62 =	vor.u32 v10, v34;
	v25 =	vld.idx.msk [tilespmem:v25+s20+$0x0], $0xffff;
	[tilespmem:v24+s24+$0x0] =	vst.idx.msk $0xffff, v32  }
0x1f8: {  	v28 =	vld.idx.msk [tilespmem:v28+s20+$0x0], $0xffff;
	v29 =	vand.u32 v11, v62;
	s18 =	rddreg [dreg:$0x1e]  }
0x1f9: {  	s18 =	sadd.s32 s16, s18  }
0x1fa: {  	[tilespmem:v61+s24+$0x0] =	vst.idx.msk $0xffff, v27;
	s19 =	sshll.u32 s18, $0x9;
	s18 =	sshll.u32 s18, $0x7  }
0x1fb: {  	[tilespmem:v26+s24+$0x0] =	vst.idx.msk $0xffff, v31;
	s19 =	sand.u32 $0xFFF0000, s19;
	s18 =	sand.u32 $0x3E00, s18  }
0x1fc: {  	[tilespmem:v30+s24+$0x0] =	vst.idx.msk $0xffff, v25;
	s18 =	sor.u32 s18, s19  }
0x1fd: {  	[tilespmem:v29+s24+$0x0] =	vst.idx.msk $0xffff, v28;
	s19 =	sadd.s32 s3, s18  }
0x1fe: {  	[hbm4b:s19+s4] =	stream.linear.scatter [tilespmem:s24], [sflag:$0x9], $0x400, $0x38;
	[tilespmem:$0x8200] =	vst v63  }
0x1ff: {  	s21 =	simm.s32 $0x4600;
	s19 =	sadd.s32 s18, s9  }
0x200: {  	[hbm4b:s19+s4] =	stream.linear.scatter [tilespmem:s21], [sflag:$0x9], $0x400, $0x38;
	[tilespmem:$0x8200] =	vst v63  }
0x201: {  	s19 =	sadd.s32 s18, s12;
	s21 =	simm.s32 $0x4A00  }
0x202: {  	[hbm4b:s19+s4] =	stream.linear.scatter [tilespmem:s21], [sflag:$0x9], $0x400, $0x38;
	[tilespmem:$0x8200] =	vst v63  }
0x203: {  	s18 =	sadd.s32 s18, s13;
	s21 =	simm.s32 $0x4E00  }
0x204: {  	[hbm4b:s18+s4] =	stream.linear.scatter [tilespmem:s21], [sflag:$0x9], $0x400, $0x38;
	[tilespmem:$0x8200] =	vst v63  }
0x205: {  	p0 =	seq.s32 s15, $0xC6;
	s18 =	rddreg [dreg:$0x1f]  }
0x206: {  	s18 =	sadd.s32 @!p0 s16, s18  }
0x207: {  	s19 =	sshll.u32 @!p0 s18, $0xA  }
0x208: {  	s21 =	sshll.u32 @!p0 s18, $0x7;
	s18 =	sand.u32 @!p0 $0x380, s18;
	s19 =	sand.u32 @!p0 $0x1F000, s19  }
0x209: {  	s18 =	sor.u32 @!p0 s18, s19;
	s19 =	sand.u32 @!p0 $0x7FFE0000, s21  }
0x20a: {  	s18 =	sor.u32 @!p0 s19, s18  }
0x20b: {  	s18 =	sshrl.u32 @!p0 s18, $0x3  }
0x20c: {  	s19 =	simm.s32 @!p0 $0x0;
	s18 =	sadd.s32 @!p0 s1, s18  }
0x20d: {  	[tilespmem:s19], [sflag:$0x1] =	stream.linear.gather @!p0 [hbm4b:s18+s19], $0x80, $0x38;
	[tilespmem:$0x8200] =	vst v63  }
0x20e: {  	_ =	swait.ge [sflag:s11], $0x400  }
0x20f: {  	[sflag:s11] =	ssyncset.done $0x0  }
0x210: {  	[sflag:s11] =	ssyncadd.s32 $0xFFFFFC00  }
0x211: {  	_ =	swait.ge [sflag:s11], $0x400  }
0x212: {  	[sflag:s11] =	ssyncset.done $0x0  }
0x213: {  	[sflag:s11] =	ssyncadd.s32 $0xFFFFFC00  }
0x214: {  	_ =	swait.ge [sflag:s11], $0x400  }
0x215: {  	[sflag:s11] =	ssyncset.done $0x0  }
0x216: {  	[sflag:s11] =	ssyncadd.s32 $0xFFFFFC00  }
0x217: {  	_ =	swait.ge [sflag:s11], $0x400  }
0x218: {  	[sflag:s11] =	ssyncset.done $0x0  }
0x219: {  	s21 =	simm.s32 $0x1;
	s19 =	simm.s32 $0x0;
	[sflag:s11] =	ssyncadd.s32 $0xFFFFFC00  }
0x21a: {  	v25 =	vadd.s32 s21, v0;
	v24 =	vadd.s32 s19, v0;
	_ =	swait.ge [sflag:s29], $0x80  }
0x21b: {  	v28 =	vand.u32 $0x1F, v25;
	v25 =	vshll.u32 v25, $0x7;
	v26 =	vand.u32 $0x1F, v24;
	[sflag:s29] =	ssyncset.done $0x0  }
0x21c: {  	v53 =	vor.u32 v3, v28;
	s19 =	simm.s32 $0x100;
	v27 =	vshll.u32 v24, $0x7;
	v24 =	vor.u32 v1, v26;
	[sflag:s29] =	ssyncadd.s32 $0xFFFFFF80  }
0x21d: {  	v40 =	vor.u32 v15, v28;
	v43 =	vor.u32 v6, v28;
	v31 =	vor.u32 v6, v26;
	[tilespmem:s30], [sflag:$0x7] =	stream.indirect.gather [hbm4b:s6+s17], $0x20, s19, s17, $0xb8;
	[tilespmem:$0x8200] =	vst v63  }
0x21e: {  	v56 =	vor.u32 v1, v28;
	v46 =	vor.u32 v21, v28;
	v49 =	vor.u32 v15, v26;
	_ =	swait.ge [sflag:s31], $0x1000  }
0x21f: {  	v59 =	vor.u32 v12, v28;
	v60 =	vor.u32 v18, v28;
	v63 =	vor.u32 v9, v26;
	[sflag:s31] =	ssyncset.done $0x0  }
0x220: {  	v61 =	vor.u32 v0, v25;
	v62 =	vor.u32 v13, v25;
	v29 =	vor.u32 v3, v26;
	[sflag:s31] =	ssyncadd.s32 $0xFFFFF000  }
0x221: {  	v28 =	vor.u32 v9, v28;
	v30 =	vor.u32 v10, v27;
	v54 =	vor.u32 v0, v27;
	v55 =	vld.idx.msk [tilespmem:v24+s22+$0x0], $0xffff  }
0x222: {  	v48 =	vor.u32 v7, v27;
	v34 =	vor.u32 v12, v26;
	v41 =	vand.u32 v2, v54;
	v31 =	vld.idx.msk [tilespmem:v31+s22+$0x0], $0xffff  }
0x223: {  	v50 =	vor.u32 v16, v27;
	v51 =	vor.u32 v22, v27;
	v33 =	vand.u32 v8, v48;
	v35 =	vld.idx.msk [tilespmem:v49+s22+$0x0], $0xffff  }
0x224: {  	v52 =	vor.u32 v13, v27;
	v42 =	vor.u32 v18, v26;
	v36 =	vand.u32 v17, v50;
	v32 =	vld.idx.msk [tilespmem:v63+s22+$0x0], $0xffff  }
0x225: {  	v57 =	vor.u32 v4, v27;
	v27 =	vor.u32 v19, v27;
	v30 =	vand.u32 v11, v30;
	v29 =	vld.idx.msk [tilespmem:v29+s22+$0x0], $0xffff  }
0x226: {  	v58 =	vand.u32 v5, v57;
	v38 =	vand.u32 v14, v52;
	v54 =	vor.u32 v7, v25;
	v63 =	vld.idx.msk [tilespmem:v56+s22+$0x0], $0xffff  }
0x227: {  	v57 =	vor.u32 v21, v26;
	v24 =	vand.u32 v23, v51;
	v34 =	vld.idx.msk [tilespmem:v34+s22+$0x0], $0xffff;
	[tilespmem:v41+s2+$0x0] =	vst.idx.msk $0xffff, v55  }
0x228: {  	v49 =	vand.u32 v2, v61;
	v51 =	vor.u32 v4, v25;
	v56 =	vld.idx.msk [tilespmem:v59+s22+$0x0], $0xffff;
	[tilespmem:v33+s2+$0x0] =	vst.idx.msk $0xffff, v31  }
0x229: {  	v26 =	vor.u32 v10, v25;
	v48 =	vld.idx.msk [tilespmem:v60+s22+$0x0], $0xffff;
	v52 =	vand.u32 v5, v51;
	[tilespmem:v36+s2+$0x0] =	vst.idx.msk $0xffff, v35  }
0x22a: {  	s21 =	simm.s32 $0x2;
	v51 =	vand.u32 v11, v26;
	v31 =	vld.idx.msk [tilespmem:v53+s22+$0x0], $0xffff;
	v53 =	vor.u32 v19, v25;
	[tilespmem:v30+s2+$0x0] =	vst.idx.msk $0xffff, v32  }
0x22b: {  	v26 =	vadd.s32 s21, v0;
	v55 =	vand.u32 v8, v54;
	[tilespmem:v58+s2+$0x0] =	vst.idx.msk $0xffff, v29;
	v36 =	vand.u32 v20, v27  }
0x22c: {  	v30 =	vld.idx.msk [tilespmem:v43+s22+$0x0], $0xffff;
	v27 =	vand.u32 v14, v62;
	v29 =	vor.u32 v16, v25;
	v25 =	vor.u32 v22, v25  }
0x22d: {  	[tilespmem:v49+s2+$0x0] =	vst.idx.msk $0xffff, v63;
	v45 =	vand.u32 v20, v53;
	v41 =	vand.u32 v23, v25;
	v25 =	vand.u32 $0x1F, v26  }
0x22e: {  	[tilespmem:v38+s2+$0x0] =	vst.idx.msk $0xffff, v34;
	v26 =	vshll.u32 v26, $0x7;
	v59 =	vor.u32 v6, v25;
	v60 =	vor.u32 v9, v25  }
0x22f: {  	v58 =	vld.idx.msk [tilespmem:v40+s22+$0x0], $0xffff;
	v61 =	vor.u32 v7, v26;
	v37 =	vor.u32 v12, v25;
	v53 =	vor.u32 v15, v25  }
0x230: {  	v40 =	vld.idx.msk [tilespmem:v42+s22+$0x0], $0xffff;
	v54 =	vor.u32 v16, v26;
	v62 =	vor.u32 v22, v26;
	v63 =	vor.u32 v0, v26  }
0x231: {  	s18 =	simm.s32 $0x3;
	v46 =	vld.idx.msk [tilespmem:v46+s22+$0x0], $0xffff;
	v47 =	vand.u32 v2, v63;
	v42 =	vand.u32 v8, v61;
	[tilespmem:v52+s2+$0x0] =	vst.idx.msk $0xffff, v31  }
0x232: {  	v34 =	vadd.s32 s18, v0;
	v31 =	vand.u32 v17, v29;
	[tilespmem:v27+s2+$0x0] =	vst.idx.msk $0xffff, v56;
	v27 =	vor.u32 v1, v25  }
0x233: {  	v38 =	vld.idx.msk [tilespmem:v57+s22+$0x0], $0xffff;
	[tilespmem:v55+s2+$0x0] =	vst.idx.msk $0xffff, v30;
	v30 =	vor.u32 v3, v25;
	v29 =	vor.u32 v10, v26  }
0x234: {  	v52 =	vld.idx.msk [tilespmem:v28+s22+$0x0], $0xffff;
	v28 =	vand.u32 $0x1F, v34;
	v55 =	vor.u32 v13, v26;
	v56 =	vor.u32 v4, v26  }
0x235: {  	[tilespmem:v36+s2+$0x0] =	vst.idx.msk $0xffff, v40;
	v34 =	vshll.u32 v34, $0x7;
	v29 =	vand.u32 v11, v29;
	v39 =	vor.u32 v3, v28  }
0x236: {  	v32 =	vor.u32 v15, v28;
	v35 =	vor.u32 v6, v28;
	[tilespmem:v45+s2+$0x0] =	vst.idx.msk $0xffff, v48;
	v43 =	vld.idx.msk [tilespmem:v59+s22+$0x0], $0xffff  }
0x237: {  	v50 =	vor.u32 v1, v28;
	v48 =	vand.u32 v17, v54;
	[tilespmem:v41+s2+$0x0] =	vst.idx.msk $0xffff, v46;
	v44 =	vld.idx.msk [tilespmem:v27+s22+$0x0], $0xffff  }
0x238: {  	v41 =	vand.u32 v5, v56;
	v49 =	vor.u32 v12, v28;
	v36 =	vand.u32 v14, v55;
	v45 =	vld.idx.msk [tilespmem:v53+s22+$0x0], $0xffff  }
0x239: {  	v40 =	vor.u32 v18, v28;
	v46 =	vld.idx.msk [tilespmem:v60+s22+$0x0], $0xffff;
	[tilespmem:v31+s2+$0x0] =	vst.idx.msk $0xffff, v58;
	v31 =	vor.u32 v18, v25  }
0x23a: {  	s19 =	simm.s32 $0x10;
	v33 =	vld.idx.msk [tilespmem:v30+s22+$0x0], $0xffff;
	v27 =	vor.u32 v21, v28;
	v30 =	vand.u32 v23, v62;
	[tilespmem:v51+s2+$0x0] =	vst.idx.msk $0xffff, v52  }
.LBB2_13:
0x23b: {  	s19 =	sadd.s32 $0x10, s19;
	v37 =	vld.idx.msk [tilespmem:v37+s22+$0x0], $0xffff;
	v51 =	vor.u32 v0, v34;
	v52 =	vor.u32 v13, v34;
	s18 =	sadd.s32 $0x2, s18;
	[tilespmem:v24+s2+$0x0] =	vst.idx.msk $0xffff, v38  }
0x23c: {  	v26 =	vor.u32 v19, v26;
	p1 =	slt.u32 s19, $0xF0;
	[tilespmem:v47+s2+$0x0] =	vst.idx.msk $0xffff, v44;
	v38 =	vld.idx.msk [tilespmem:v50+s22+$0x0], $0xffff;
	v44 =	vor.u32 v19, v34  }
0x23d: {  	v47 =	vor.u32 v4, v34;
	[tilespmem:v42+s2+$0x0] =	vst.idx.msk $0xffff, v43;
	v42 =	vand.u32 v2, v51;
	v39 =	vld.idx.msk [tilespmem:v39+s22+$0x0], $0xffff  }
0x23e: {  	v28 =	vor.u32 v9, v28;
	v43 =	vand.u32 v5, v47;
	[tilespmem:v48+s2+$0x0] =	vst.idx.msk $0xffff, v45;
	v45 =	vld.idx.msk [tilespmem:v49+s22+$0x0], $0xffff  }
0x23f: {  	v24 =	vmov v30;
	[tilespmem:v29+s2+$0x0] =	vst.idx.msk $0xffff, v46;
	v29 =	vld.idx.msk [tilespmem:v35+s22+$0x0], $0xffff;
	v35 =	vor.u32 v7, v34  }
0x240: {  	[tilespmem:v41+s2+$0x0] =	vst.idx.msk $0xffff, v33;
	v51 =	vld.idx.msk [tilespmem:v31+s22+$0x0], $0xffff;
	v30 =	vand.u32 v8, v35  }
0x241: {  	v53 =	vand.u32 v20, v26;
	v31 =	vand.u32 v14, v52;
	v41 =	vand.u32 v20, v44;
	v32 =	vld.idx.msk [tilespmem:v32+s22+$0x0], $0xffff  }
0x242: {  	v33 =	vor.u32 v21, v25;
	v25 =	vor.u32 v10, v34;
	[tilespmem:v42+s2+$0x0] =	vst.idx.msk $0xffff, v38;
	v40 =	vld.idx.msk [tilespmem:v40+s22+$0x0], $0xffff  }
0x243: {  	v54 =	vand.u32 v11, v25;
	v25 =	vor.u32 v16, v34;
	[tilespmem:v43+s2+$0x0] =	vst.idx.msk $0xffff, v39;
	v52 =	vld.idx.msk [tilespmem:v28+s22+$0x0], $0xffff  }
0x244: {  	s21 =	sadd.s32 $0xFFFFFFFF, s18;
	v35 =	vand.u32 v17, v25;
	v25 =	vor.u32 v22, v34;
	[tilespmem:v36+s2+$0x0] =	vst.idx.msk $0xffff, v37  }
0x245: {  	v26 =	vadd.s32 s21, v0;
	v34 =	vadd.s32 s18, v0;
	v46 =	vand.u32 v23, v25;
	[tilespmem:v30+s2+$0x0] =	vst.idx.msk $0xffff, v29;
	v36 =	vld.idx.msk [tilespmem:v27+s22+$0x0], $0xffff  }
0x246: {  	v25 =	vand.u32 $0x1F, v26;
	v26 =	vshll.u32 v26, $0x7;
	v28 =	vand.u32 $0x1F, v34;
	[tilespmem:v31+s2+$0x0] =	vst.idx.msk $0xffff, v45  }
0x247: {  	v27 =	vor.u32 v1, v25;
	v30 =	vor.u32 v3, v25;
	v29 =	vor.u32 v10, v26;
	v38 =	vld.idx.msk [tilespmem:v33+s22+$0x0], $0xffff  }
0x248: {  	v43 =	vor.u32 v6, v25;
	v49 =	vor.u32 v9, v25;
	v29 =	vand.u32 v11, v29  }
0x249: {  	v42 =	vor.u32 v7, v26;
	v37 =	vor.u32 v12, v25;
	v45 =	vor.u32 v15, v25  }
0x24a: {  	v48 =	vor.u32 v16, v26;
	v50 =	vor.u32 v22, v26;
	[tilespmem:v35+s2+$0x0] =	vst.idx.msk $0xffff, v32  }
0x24b: {  	v55 =	vor.u32 v13, v26;
	v39 =	vor.u32 v3, v28;
	v32 =	vor.u32 v15, v28  }
0x24c: {  	v47 =	vor.u32 v0, v26;
	v31 =	vor.u32 v18, v25;
	v35 =	vor.u32 v6, v28;
	v33 =	vld.idx.msk [tilespmem:v30+s22+$0x0], $0xffff  }
.Ltmp5:
0x24d: {  	v47 =	vand.u32 v2, v47;
	v42 =	vand.u32 v8, v42;
	v44 =	vld.idx.msk [tilespmem:v27+s22+$0x0], $0xffff;
	v27 =	vor.u32 v21, v28;
	(pc) =	sbr.rel @p1 .LBB2_13-.Ltmp5, $4  }
0x24e: {  	v30 =	vand.u32 v23, v50;
	v50 =	vor.u32 v1, v28;
	v43 =	vld.idx.msk [tilespmem:v43+s22+$0x0], $0xffff;
	[tilespmem:v41+s2+$0x0] =	vst.idx.msk $0xffff, v40  }
0x24f: {  	v48 =	vand.u32 v17, v48;
	v40 =	vor.u32 v4, v26;
	v45 =	vld.idx.msk [tilespmem:v45+s22+$0x0], $0xffff;
	[tilespmem:v46+s2+$0x0] =	vst.idx.msk $0xffff, v36  }
0x250: {  	v41 =	vand.u32 v5, v40;
	v46 =	vld.idx.msk [tilespmem:v49+s22+$0x0], $0xffff;
	v49 =	vor.u32 v12, v28;
	[tilespmem:v53+s2+$0x0] =	vst.idx.msk $0xffff, v51  }
0x251: {  	v34 =	vshll.u32 v34, $0x7;
	v36 =	vand.u32 v14, v55;
	v40 =	vor.u32 v18, v28;
	[tilespmem:v54+s2+$0x0] =	vst.idx.msk $0xffff, v52  }
0x252: {  	_ =	sdelay $0x3  }
0x253: {  	[tilespmem:v24+s2+$0x0] =	vst.idx.msk $0xffff, v38  }
0x254: {  	v51 =	vor.u32 v0, v34;
	[tilespmem:v47+s2+$0x0] =	vst.idx.msk $0xffff, v44;
	v37 =	vld.idx.msk [tilespmem:v37+s22+$0x0], $0xffff  }
0x255: {  	v60 =	vld.idx.msk [tilespmem:v50+s22+$0x0], $0xffff;
	v62 =	vor.u32 v4, v34;
	[tilespmem:v41+s2+$0x0] =	vst.idx.msk $0xffff, v33;
	v61 =	vand.u32 v2, v51  }
0x256: {  	v39 =	vld.idx.msk [tilespmem:v39+s22+$0x0], $0xffff;
	v52 =	vor.u32 v7, v34;
	[tilespmem:v42+s2+$0x0] =	vst.idx.msk $0xffff, v43;
	v50 =	vand.u32 v5, v62  }
0x257: {  	v63 =	vor.u32 v13, v34;
	v53 =	vld.idx.msk [tilespmem:v35+s22+$0x0], $0xffff;
	v54 =	vand.u32 v8, v52;
	[tilespmem:v48+s2+$0x0] =	vst.idx.msk $0xffff, v45  }
0x258: {  	v55 =	vld.idx.msk [tilespmem:v49+s22+$0x0], $0xffff;
	v57 =	vor.u32 v16, v34;
	v56 =	vand.u32 v14, v63;
	[tilespmem:v29+s2+$0x0] =	vst.idx.msk $0xffff, v46  }
0x259: {  	v32 =	vld.idx.msk [tilespmem:v32+s22+$0x0], $0xffff;
	v51 =	vor.u32 v19, v34;
	v58 =	vand.u32 v17, v57;
	[tilespmem:v36+s2+$0x0] =	vst.idx.msk $0xffff, v37  }
0x25a: {  	v40 =	vld.idx.msk [tilespmem:v40+s22+$0x0], $0xffff;
	v59 =	vand.u32 v20, v51;
	[tilespmem:v61+s2+$0x0] =	vst.idx.msk $0xffff, v60  }
0x25b: {  	v28 =	vor.u32 v9, v28;
	[tilespmem:v50+s2+$0x0] =	vst.idx.msk $0xffff, v39  }
0x25c: {  	v25 =	vor.u32 v21, v25;
	[tilespmem:v54+s2+$0x0] =	vst.idx.msk $0xffff, v53  }
0x25d: {  	[tilespmem:v56+s2+$0x0] =	vst.idx.msk $0xffff, v55  }
0x25e: {  	v26 =	vor.u32 v19, v26;
	[tilespmem:v58+s2+$0x0] =	vst.idx.msk $0xffff, v32  }
0x25f: {  	v31 =	vld.idx.msk [tilespmem:v31+s22+$0x0], $0xffff;
	v26 =	vand.u32 v20, v26;
	v62 =	vor.u32 v10, v34;
	[tilespmem:v59+s2+$0x0] =	vst.idx.msk $0xffff, v40  }
0x260: {  	v63 =	vand.u32 v11, v62;
	v28 =	vld.idx.msk [tilespmem:v28+s22+$0x0], $0xffff;
	s18 =	sld [smem:$0x7FC]  }
0x261: {  	v25 =	vld.idx.msk [tilespmem:v25+s22+$0x0], $0xffff;
	v60 =	vor.u32 v22, v34  }
0x262: {  	v27 =	vld.idx.msk [tilespmem:v27+s22+$0x0], $0xffff;
	v61 =	vand.u32 v23, v60  }
0x263: {  	s18 =	sadd.s32 s16, s18  }
0x264: {  	[tilespmem:v26+s2+$0x0] =	vst.idx.msk $0xffff, v31;
	s19 =	sshll.u32 s18, $0x9;
	s18 =	sshll.u32 s18, $0x7  }
0x265: {  	[tilespmem:v63+s2+$0x0] =	vst.idx.msk $0xffff, v28;
	s19 =	sand.u32 $0xFFF0000, s19;
	s18 =	sand.u32 $0x3E80, s18  }
0x266: {  	[tilespmem:v30+s2+$0x0] =	vst.idx.msk $0xffff, v25;
	s18 =	sor.u32 s18, s19  }
0x267: {  	[tilespmem:v61+s2+$0x0] =	vst.idx.msk $0xffff, v27;
	s19 =	sadd.s32 s3, s18  }
0x268: {  	[hbm4b:s19+s4] =	stream.linear.scatter [tilespmem:s2], [sflag:$0xA], $0x400, $0x38;
	[tilespmem:$0x8200] =	vst v63  }
0x269: {  	s21 =	simm.s32 $0x5600;
	s19 =	sadd.s32 s18, s9  }
0x26a: {  	[hbm4b:s19+s4] =	stream.linear.scatter [tilespmem:s21], [sflag:$0xA], $0x400, $0x38;
	[tilespmem:$0x8200] =	vst v63  }
0x26b: {  	s19 =	sadd.s32 s18, s12;
	s21 =	simm.s32 $0x5A00  }
0x26c: {  	[hbm4b:s19+s4] =	stream.linear.scatter [tilespmem:s21], [sflag:$0xA], $0x400, $0x38;
	[tilespmem:$0x8200] =	vst v63  }
0x26d: {  	s18 =	sadd.s32 s18, s13;
	s21 =	simm.s32 $0x5E00  }
0x26e: {  	[hbm4b:s18+s4] =	stream.linear.scatter [tilespmem:s21], [sflag:$0xA], $0x400, $0x38;
	[tilespmem:$0x8200] =	vst v63  }
0x26f: {  	s18 =	sld [smem:$0x7FD];
	_ =	sdelay $0x2  }
0x270: {  	s16 =	sadd.s32 @!p0 s16, s18  }
0x271: {  	s18 =	sshll.u32 @!p0 s16, $0xA  }
0x272: {  	s19 =	sshll.u32 @!p0 s16, $0x7;
	s16 =	sand.u32 @!p0 $0x380, s16;
	s18 =	sand.u32 @!p0 $0x1F400, s18  }
0x273: {  	s19 =	sand.u32 @!p0 $0x7FFE0000, s19;
	s16 =	sor.u32 @!p0 s16, s18  }
0x274: {  	s16 =	sor.u32 @!p0 s19, s16  }
0x275: {  	s16 =	sshrl.u32 @!p0 s16, $0x3  }
0x276: {  	s18 =	simm.s32 @!p0 $0x0;
	s19 =	simm.s32 @!p0 $0x80;
	s16 =	sadd.s32 @!p0 s1, s16  }
0x277: {  	[tilespmem:s19], [sflag:$0x2] =	stream.linear.gather @!p0 [hbm4b:s16+s18], $0x80, $0x38;
	[tilespmem:$0x8200] =	vst v63  }
0x278: {  	_ =	swait.ge [sflag:s14], $0x400  }
0x279: {  	[sflag:s14] =	ssyncset.done $0x0  }
0x27a: {  	[sflag:s14] =	ssyncadd.s32 $0xFFFFFC00  }
0x27b: {  	_ =	swait.ge [sflag:s14], $0x400  }
0x27c: {  	[sflag:s14] =	ssyncset.done $0x0  }
0x27d: {  	[sflag:s14] =	ssyncadd.s32 $0xFFFFFC00  }
0x27e: {  	_ =	swait.ge [sflag:s14], $0x400  }
0x27f: {  	[sflag:s14] =	ssyncset.done $0x0  }
0x280: {  	[sflag:s14] =	ssyncadd.s32 $0xFFFFFC00  }
0x281: {  	s15 =	sadd.s32 $0x1, s15;
	_ =	swait.ge [sflag:s14], $0x400  }
0x282: {  	p0 =	sne.s32 s15, $0xC7;
	[sflag:s14] =	ssyncset.done $0x0  }
.Ltmp6:
0x283: {  	[sflag:s14] =	ssyncadd.s32 $0xFFFFFC00;
	(pc) =	sbr.rel @p0 .LBB2_6-.Ltmp6, $4  }
0x284: {  	_ =	swait.ge [sflag:s26], $0x80  }
0x285: {  	[sflag:s26] =	ssyncset.done $0x0  }
0x286: {  	[sflag:s26] =	ssyncadd.s32 $0xFFFFFF80  }
0x287: {  	[tilespmem:s28], [sflag:$0x8] =	stream.indirect.gather [hbm4b:s6+s17], $0x20, s23, s17, $0xb8;
	[tilespmem:$0x8200] =	vst v63  }
0x288: {  	s15 =	simm.s32 $0x0  }
0x289: {  	s16 =	simm.s32 $0x1;
	v24 =	vadd.s32 s15, v0  }
0x28a: {  	v25 =	vadd.s32 s16, v0;
	v26 =	vand.u32 $0x1F, v24  }
0x28b: {  	v27 =	vshll.u32 v24, $0x7;
	v28 =	vand.u32 $0x1F, v25;
	v25 =	vshll.u32 v25, $0x7  }
0x28c: {  	v24 =	vor.u32 v1, v26;
	v29 =	vor.u32 v3, v26;
	v30 =	vor.u32 v10, v27  }
0x28d: {  	v31 =	vor.u32 v6, v26;
	v32 =	vor.u32 v9, v26;
	v33 =	vor.u32 v7, v27  }
0x28e: {  	v34 =	vor.u32 v12, v26;
	v35 =	vor.u32 v15, v26;
	v36 =	vor.u32 v16, v27  }
0x28f: {  	_ =	swait.ge [sflag:s0], $0x1000;
	v37 =	vor.u32 v22, v27;
	v38 =	vor.u32 v13, v27;
	v39 =	vor.u32 v3, v28  }
0x290: {  	[sflag:s0] =	ssyncset.done $0x0;
	v40 =	vor.u32 v15, v28;
	v41 =	vor.u32 v0, v27;
	v42 =	vor.u32 v18, v26  }
0x291: {  	[sflag:s0] =	ssyncadd.s32 $0xFFFFF000;
	v43 =	vor.u32 v6, v28;
	v45 =	vor.u32 v1, v28;
	v46 =	vor.u32 v21, v28  }
0x292: {  	v47 =	vor.u32 v4, v27;
	v62 =	vor.u32 v12, v28;
	v41 =	vand.u32 v2, v41;
	v44 =	vld.idx.msk [tilespmem:v24+s30+$0x0], $0xffff  }
0x293: {  	v48 =	vor.u32 v18, v28;
	v49 =	vor.u32 v0, v25;
	v33 =	vand.u32 v8, v33;
	v31 =	vld.idx.msk [tilespmem:v31+s30+$0x0], $0xffff  }
0x294: {  	v50 =	vor.u32 v13, v25;
	v51 =	vor.u32 v4, v25;
	v36 =	vand.u32 v17, v36;
	v35 =	vld.idx.msk [tilespmem:v35+s30+$0x0], $0xffff  }
0x295: {  	v27 =	vor.u32 v19, v27;
	v53 =	vor.u32 v19, v25;
	v30 =	vand.u32 v11, v30;
	v32 =	vld.idx.msk [tilespmem:v32+s30+$0x0], $0xffff  }
0x296: {  	v54 =	vor.u32 v7, v25;
	v28 =	vor.u32 v9, v28;
	v61 =	vand.u32 v5, v47;
	v29 =	vld.idx.msk [tilespmem:v29+s30+$0x0], $0xffff  }
0x297: {  	v57 =	vor.u32 v21, v26;
	v49 =	vand.u32 v2, v49;
	v63 =	vld.idx.msk [tilespmem:v45+s30+$0x0], $0xffff;
	[tilespmem:v41+s7+$0x0] =	vst.idx.msk $0xffff, v44  }
0x298: {  	v26 =	vor.u32 v10, v25;
	v38 =	vand.u32 v14, v38;
	v34 =	vld.idx.msk [tilespmem:v34+s30+$0x0], $0xffff;
	[tilespmem:v33+s7+$0x0] =	vst.idx.msk $0xffff, v31  }
0x299: {  	s21 =	simm.s32 $0x2;
	v52 =	vand.u32 v5, v51;
	v45 =	vand.u32 v20, v53;
	v48 =	vld.idx.msk [tilespmem:v48+s30+$0x0], $0xffff;
	[tilespmem:v36+s7+$0x0] =	vst.idx.msk $0xffff, v35  }
0x29a: {  	v55 =	vand.u32 v8, v54;
	v51 =	vand.u32 v11, v26;
	v26 =	vadd.s32 s21, v0;
	[tilespmem:v30+s7+$0x0] =	vst.idx.msk $0xffff, v32  }
0x29b: {  	v24 =	vand.u32 v23, v37;
	v56 =	vld.idx.msk [tilespmem:v62+s30+$0x0], $0xffff;
	[tilespmem:v61+s7+$0x0] =	vst.idx.msk $0xffff, v29;
	v36 =	vand.u32 v20, v27  }
0x29c: {  	v58 =	vld.idx.msk [tilespmem:v40+s30+$0x0], $0xffff;
	[tilespmem:v49+s7+$0x0] =	vst.idx.msk $0xffff, v63;
	v29 =	vor.u32 v16, v25;
	v25 =	vor.u32 v22, v25  }
0x29d: {  	v27 =	vand.u32 v14, v50;
	[tilespmem:v38+s7+$0x0] =	vst.idx.msk $0xffff, v34;
	v41 =	vand.u32 v23, v25;
	v25 =	vand.u32 $0x1F, v26  }
0x29e: {  	v31 =	vld.idx.msk [tilespmem:v39+s30+$0x0], $0xffff;
	[tilespmem:v45+s7+$0x0] =	vst.idx.msk $0xffff, v48;
	v26 =	vshll.u32 v26, $0x7;
	v59 =	vor.u32 v6, v25  }
0x29f: {  	v30 =	vld.idx.msk [tilespmem:v43+s30+$0x0], $0xffff;
	v60 =	vor.u32 v9, v25;
	v61 =	vor.u32 v7, v26;
	v37 =	vor.u32 v12, v25  }
0x2a0: {  	v40 =	vld.idx.msk [tilespmem:v42+s30+$0x0], $0xffff;
	v53 =	vor.u32 v15, v25;
	v54 =	vor.u32 v16, v26;
	v63 =	vor.u32 v0, v26  }
0x2a1: {  	s15 =	simm.s32 $0x3;
	v46 =	vld.idx.msk [tilespmem:v46+s30+$0x0], $0xffff;
	v62 =	vor.u32 v22, v26;
	v47 =	vand.u32 v2, v63;
	v42 =	vand.u32 v8, v61  }
0x2a2: {  	v34 =	vadd.s32 s15, v0;
	v32 =	vand.u32 v23, v62;
	[tilespmem:v27+s7+$0x0] =	vst.idx.msk $0xffff, v56;
	v27 =	vor.u32 v1, v25  }
0x2a3: {  	v38 =	vld.idx.msk [tilespmem:v57+s30+$0x0], $0xffff;
	v48 =	vand.u32 v17, v54;
	[tilespmem:v52+s7+$0x0] =	vst.idx.msk $0xffff, v31;
	v31 =	vand.u32 v17, v29  }
0x2a4: {  	[tilespmem:v55+s7+$0x0] =	vst.idx.msk $0xffff, v30;
	v30 =	vor.u32 v3, v25;
	v29 =	vor.u32 v10, v26;
	v52 =	vld.idx.msk [tilespmem:v28+s30+$0x0], $0xffff  }
0x2a5: {  	v28 =	vand.u32 $0x1F, v34;
	v55 =	vor.u32 v13, v26;
	v56 =	vor.u32 v4, v26;
	[tilespmem:v36+s7+$0x0] =	vst.idx.msk $0xffff, v40  }
0x2a6: {  	v34 =	vshll.u32 v34, $0x7;
	v29 =	vand.u32 v11, v29;
	v39 =	vor.u32 v3, v28;
	v43 =	vld.idx.msk [tilespmem:v59+s30+$0x0], $0xffff  }
0x2a7: {  	v35 =	vor.u32 v6, v28;
	v50 =	vor.u32 v1, v28;
	[tilespmem:v41+s7+$0x0] =	vst.idx.msk $0xffff, v46;
	v44 =	vld.idx.msk [tilespmem:v27+s30+$0x0], $0xffff  }
0x2a8: {  	v41 =	vand.u32 v5, v56;
	v49 =	vor.u32 v12, v28;
	v36 =	vand.u32 v14, v55;
	v45 =	vld.idx.msk [tilespmem:v53+s30+$0x0], $0xffff  }
0x2a9: {  	v40 =	vor.u32 v18, v28;
	v46 =	vld.idx.msk [tilespmem:v60+s30+$0x0], $0xffff;
	[tilespmem:v31+s7+$0x0] =	vst.idx.msk $0xffff, v58;
	v31 =	vor.u32 v15, v28  }
0x2aa: {  	s16 =	simm.s32 $0x10;
	v33 =	vld.idx.msk [tilespmem:v30+s30+$0x0], $0xffff;
	v30 =	vor.u32 v18, v25;
	v27 =	vor.u32 v21, v28;
	[tilespmem:v51+s7+$0x0] =	vst.idx.msk $0xffff, v52  }
.LBB2_16:
0x2ab: {  	s16 =	sadd.s32 $0x10, s16;
	v37 =	vld.idx.msk [tilespmem:v37+s30+$0x0], $0xffff;
	v51 =	vor.u32 v0, v34;
	v52 =	vor.u32 v13, v34;
	s15 =	sadd.s32 $0x2, s15;
	[tilespmem:v24+s7+$0x0] =	vst.idx.msk $0xffff, v38  }
0x2ac: {  	v26 =	vor.u32 v19, v26;
	p0 =	slt.u32 s16, $0xF0;
	[tilespmem:v47+s7+$0x0] =	vst.idx.msk $0xffff, v44;
	v38 =	vld.idx.msk [tilespmem:v50+s30+$0x0], $0xffff;
	v44 =	vor.u32 v19, v34  }
0x2ad: {  	v47 =	vor.u32 v4, v34;
	[tilespmem:v42+s7+$0x0] =	vst.idx.msk $0xffff, v43;
	v42 =	vand.u32 v2, v51;
	v39 =	vld.idx.msk [tilespmem:v39+s30+$0x0], $0xffff  }
0x2ae: {  	v28 =	vor.u32 v9, v28;
	v43 =	vand.u32 v5, v47;
	[tilespmem:v48+s7+$0x0] =	vst.idx.msk $0xffff, v45;
	v45 =	vld.idx.msk [tilespmem:v49+s30+$0x0], $0xffff  }
0x2af: {  	v24 =	vmov v32;
	[tilespmem:v29+s7+$0x0] =	vst.idx.msk $0xffff, v46;
	v29 =	vld.idx.msk [tilespmem:v35+s30+$0x0], $0xffff;
	v35 =	vor.u32 v7, v34  }
0x2b0: {  	[tilespmem:v41+s7+$0x0] =	vst.idx.msk $0xffff, v33;
	v51 =	vld.idx.msk [tilespmem:v30+s30+$0x0], $0xffff;
	v30 =	vand.u32 v8, v35  }
0x2b1: {  	v53 =	vand.u32 v20, v26;
	v32 =	vand.u32 v14, v52;
	v41 =	vand.u32 v20, v44;
	v31 =	vld.idx.msk [tilespmem:v31+s30+$0x0], $0xffff  }
0x2b2: {  	v33 =	vor.u32 v21, v25;
	v25 =	vor.u32 v10, v34;
	[tilespmem:v42+s7+$0x0] =	vst.idx.msk $0xffff, v38;
	v40 =	vld.idx.msk [tilespmem:v40+s30+$0x0], $0xffff  }
0x2b3: {  	v54 =	vand.u32 v11, v25;
	v25 =	vor.u32 v16, v34;
	[tilespmem:v43+s7+$0x0] =	vst.idx.msk $0xffff, v39;
	v52 =	vld.idx.msk [tilespmem:v28+s30+$0x0], $0xffff  }
0x2b4: {  	s18 =	sadd.s32 $0xFFFFFFFF, s15;
	v35 =	vand.u32 v17, v25;
	v25 =	vor.u32 v22, v34;
	[tilespmem:v36+s7+$0x0] =	vst.idx.msk $0xffff, v37  }
0x2b5: {  	v26 =	vadd.s32 s18, v0;
	v34 =	vadd.s32 s15, v0;
	v46 =	vand.u32 v23, v25;
	[tilespmem:v30+s7+$0x0] =	vst.idx.msk $0xffff, v29;
	v36 =	vld.idx.msk [tilespmem:v27+s30+$0x0], $0xffff  }
0x2b6: {  	v25 =	vand.u32 $0x1F, v26;
	v26 =	vshll.u32 v26, $0x7;
	v28 =	vand.u32 $0x1F, v34;
	[tilespmem:v32+s7+$0x0] =	vst.idx.msk $0xffff, v45  }
0x2b7: {  	v27 =	vor.u32 v1, v25;
	v30 =	vor.u32 v3, v25;
	v29 =	vor.u32 v10, v26;
	v38 =	vld.idx.msk [tilespmem:v33+s30+$0x0], $0xffff  }
0x2b8: {  	v49 =	vor.u32 v9, v25;
	v32 =	vor.u32 v6, v25;
	v29 =	vand.u32 v11, v29  }
0x2b9: {  	v42 =	vor.u32 v7, v26;
	v37 =	vor.u32 v12, v25;
	v45 =	vor.u32 v15, v25  }
0x2ba: {  	v48 =	vor.u32 v16, v26;
	v50 =	vor.u32 v22, v26;
	[tilespmem:v35+s7+$0x0] =	vst.idx.msk $0xffff, v31  }
0x2bb: {  	v55 =	vor.u32 v13, v26;
	v39 =	vor.u32 v3, v28;
	v31 =	vor.u32 v15, v28  }
0x2bc: {  	v43 =	vor.u32 v0, v26;
	v35 =	vor.u32 v6, v28;
	v33 =	vld.idx.msk [tilespmem:v30+s30+$0x0], $0xffff;
	v30 =	vor.u32 v18, v25  }
.Ltmp7:
0x2bd: {  	v47 =	vand.u32 v2, v43;
	v42 =	vand.u32 v8, v42;
	v44 =	vld.idx.msk [tilespmem:v27+s30+$0x0], $0xffff;
	v27 =	vor.u32 v21, v28;
	(pc) =	sbr.rel @p0 .LBB2_16-.Ltmp7, $4  }
0x2be: {  	v43 =	vld.idx.msk [tilespmem:v32+s30+$0x0], $0xffff;
	v32 =	vand.u32 v23, v50;
	v50 =	vor.u32 v1, v28;
	[tilespmem:v41+s7+$0x0] =	vst.idx.msk $0xffff, v40  }
0x2bf: {  	v48 =	vand.u32 v17, v48;
	v40 =	vor.u32 v4, v26;
	v45 =	vld.idx.msk [tilespmem:v45+s30+$0x0], $0xffff;
	[tilespmem:v46+s7+$0x0] =	vst.idx.msk $0xffff, v36  }
0x2c0: {  	v41 =	vand.u32 v5, v40;
	v46 =	vld.idx.msk [tilespmem:v49+s30+$0x0], $0xffff;
	v49 =	vor.u32 v12, v28;
	[tilespmem:v53+s7+$0x0] =	vst.idx.msk $0xffff, v51  }
0x2c1: {  	v34 =	vshll.u32 v34, $0x7;
	v36 =	vand.u32 v14, v55;
	v40 =	vor.u32 v18, v28;
	[tilespmem:v54+s7+$0x0] =	vst.idx.msk $0xffff, v52  }
0x2c2: {  	_ =	sdelay $0x3  }
0x2c3: {  	v51 =	vor.u32 v0, v34;
	[tilespmem:v24+s7+$0x0] =	vst.idx.msk $0xffff, v38;
	v24 =	vld.idx.msk [tilespmem:v50+s30+$0x0], $0xffff  }
0x2c4: {  	[tilespmem:v47+s7+$0x0] =	vst.idx.msk $0xffff, v44;
	v50 =	vor.u32 v4, v34;
	v37 =	vld.idx.msk [tilespmem:v37+s30+$0x0], $0xffff;
	v53 =	vor.u32 v19, v34  }
0x2c5: {  	v54 =	vor.u32 v7, v34;
	[tilespmem:v41+s7+$0x0] =	vst.idx.msk $0xffff, v33;
	v63 =	vand.u32 v2, v51  }
0x2c6: {  	v39 =	vld.idx.msk [tilespmem:v39+s30+$0x0], $0xffff;
	v25 =	vor.u32 v21, v25;
	[tilespmem:v42+s7+$0x0] =	vst.idx.msk $0xffff, v43;
	v52 =	vand.u32 v5, v50  }
0x2c7: {  	v40 =	vld.idx.msk [tilespmem:v40+s30+$0x0], $0xffff;
	v60 =	vor.u32 v22, v34;
	v59 =	vand.u32 v20, v53;
	[tilespmem:v48+s7+$0x0] =	vst.idx.msk $0xffff, v45  }
0x2c8: {  	v28 =	vor.u32 v9, v28;
	v27 =	vld.idx.msk [tilespmem:v27+s30+$0x0], $0xffff;
	v61 =	vand.u32 v23, v60;
	[tilespmem:v29+s7+$0x0] =	vst.idx.msk $0xffff, v46  }
0x2c9: {  	v26 =	vor.u32 v19, v26;
	v55 =	vand.u32 v8, v54;
	v29 =	vld.idx.msk [tilespmem:v35+s30+$0x0], $0xffff;
	[tilespmem:v36+s7+$0x0] =	vst.idx.msk $0xffff, v37  }
0x2ca: {  	v30 =	vld.idx.msk [tilespmem:v30+s30+$0x0], $0xffff;
	v51 =	vor.u32 v13, v34;
	v26 =	vand.u32 v20, v26;
	[tilespmem:v63+s7+$0x0] =	vst.idx.msk $0xffff, v24  }
0x2cb: {  	v56 =	vld.idx.msk [tilespmem:v49+s30+$0x0], $0xffff;
	v57 =	vand.u32 v14, v51;
	[tilespmem:v52+s7+$0x0] =	vst.idx.msk $0xffff, v39  }
0x2cc: {  	v58 =	vor.u32 v16, v34;
	v25 =	vld.idx.msk [tilespmem:v25+s30+$0x0], $0xffff;
	[tilespmem:v59+s7+$0x0] =	vst.idx.msk $0xffff, v40  }
0x2cd: {  	v31 =	vld.idx.msk [tilespmem:v31+s30+$0x0], $0xffff;
	v62 =	vor.u32 v10, v34;
	v24 =	vand.u32 v17, v58;
	[tilespmem:v61+s7+$0x0] =	vst.idx.msk $0xffff, v27  }
0x2ce: {  	v28 =	vld.idx.msk [tilespmem:v28+s30+$0x0], $0xffff;
	[tilespmem:v55+s7+$0x0] =	vst.idx.msk $0xffff, v29;
	v29 =	vand.u32 v11, v62  }
0x2cf: {  	[tilespmem:v26+s7+$0x0] =	vst.idx.msk $0xffff, v30  }
0x2d0: {  	[tilespmem:v57+s7+$0x0] =	vst.idx.msk $0xffff, v56  }
0x2d1: {  	[tilespmem:v32+s7+$0x0] =	vst.idx.msk $0xffff, v25  }
0x2d2: {  	[tilespmem:v24+s7+$0x0] =	vst.idx.msk $0xffff, v31  }
0x2d3: {  	[tilespmem:v29+s7+$0x0] =	vst.idx.msk $0xffff, v28  }
0x2d4: {  	s15 =	rddreg [dreg:$0xf]  }
0x2d5: {  	[hbm4b:s15+s4] =	stream.linear.scatter [tilespmem:s7], [sflag:$0xB], $0x400, $0x38;
	[tilespmem:$0x8200] =	vst v63  }
0x2d6: {  	s16 =	simm.s32 $0x6600;
	s21 =	rddreg [dreg:$0x10]  }
0x2d7: {  	[hbm4b:s21+s4] =	stream.linear.scatter [tilespmem:s16], [sflag:$0xB], $0x400, $0x38;
	[tilespmem:$0x8200] =	vst v63  }
0x2d8: {  	s18 =	simm.s32 $0x1;
	s16 =	simm.s32 $0x0  }
0x2d9: {  	v25 =	vadd.s32 s18, v0;
	s19 =	rddreg [dreg:$0x11];
	s21 =	simm.s32 $0x6A00;
	v24 =	vadd.s32 s16, v0  }
0x2da: {  	v28 =	vand.u32 $0x1F, v25;
	v25 =	vshll.u32 v25, $0x7;
	v26 =	vand.u32 $0x1F, v24;
	[hbm4b:s19+s4] =	stream.linear.scatter [tilespmem:s21], [sflag:$0xB], $0x400, $0x38;
	[tilespmem:$0x8200] =	vst v63  }
0x2db: {  	s18 =	rddreg [dreg:$0x12];
	v53 =	vor.u32 v3, v28;
	v27 =	vshll.u32 v24, $0x7;
	s19 =	simm.s32 $0x6E00;
	v24 =	vor.u32 v1, v26  }
0x2dc: {  	v40 =	vor.u32 v15, v28;
	v43 =	vor.u32 v6, v28;
	v31 =	vor.u32 v6, v26;
	[hbm4b:s18+s4] =	stream.linear.scatter [tilespmem:s19], [sflag:$0xB], $0x400, $0x38;
	[tilespmem:$0x8200] =	vst v63  }
0x2dd: {  	v56 =	vor.u32 v1, v28;
	v46 =	vor.u32 v21, v28;
	v49 =	vor.u32 v15, v26;
	_ =	swait.ge [sflag:s5], $0x1000  }
0x2de: {  	v59 =	vor.u32 v12, v28;
	v60 =	vor.u32 v18, v28;
	v63 =	vor.u32 v9, v26;
	[sflag:s5] =	ssyncset.done $0x0  }
0x2df: {  	v61 =	vor.u32 v0, v25;
	v62 =	vor.u32 v13, v25;
	v29 =	vor.u32 v3, v26;
	[sflag:s5] =	ssyncadd.s32 $0xFFFFF000  }
0x2e0: {  	v28 =	vor.u32 v9, v28;
	v30 =	vor.u32 v10, v27;
	v54 =	vor.u32 v0, v27;
	v55 =	vld.idx.msk [tilespmem:v24+s28+$0x0], $0xffff  }
0x2e1: {  	v48 =	vor.u32 v7, v27;
	v34 =	vor.u32 v12, v26;
	v41 =	vand.u32 v2, v54;
	v31 =	vld.idx.msk [tilespmem:v31+s28+$0x0], $0xffff  }
0x2e2: {  	v50 =	vor.u32 v16, v27;
	v51 =	vor.u32 v22, v27;
	v33 =	vand.u32 v8, v48;
	v35 =	vld.idx.msk [tilespmem:v49+s28+$0x0], $0xffff  }
0x2e3: {  	v52 =	vor.u32 v13, v27;
	v42 =	vor.u32 v18, v26;
	v36 =	vand.u32 v17, v50;
	v32 =	vld.idx.msk [tilespmem:v63+s28+$0x0], $0xffff  }
0x2e4: {  	v57 =	vor.u32 v4, v27;
	v27 =	vor.u32 v19, v27;
	v30 =	vand.u32 v11, v30;
	v29 =	vld.idx.msk [tilespmem:v29+s28+$0x0], $0xffff  }
0x2e5: {  	v58 =	vand.u32 v5, v57;
	v38 =	vand.u32 v14, v52;
	v54 =	vor.u32 v7, v25;
	v63 =	vld.idx.msk [tilespmem:v56+s28+$0x0], $0xffff  }
0x2e6: {  	v57 =	vor.u32 v21, v26;
	v24 =	vand.u32 v23, v51;
	v34 =	vld.idx.msk [tilespmem:v34+s28+$0x0], $0xffff;
	[tilespmem:v41+s8+$0x0] =	vst.idx.msk $0xffff, v55  }
0x2e7: {  	v49 =	vand.u32 v2, v61;
	v51 =	vor.u32 v4, v25;
	v56 =	vld.idx.msk [tilespmem:v59+s28+$0x0], $0xffff;
	[tilespmem:v33+s8+$0x0] =	vst.idx.msk $0xffff, v31  }
0x2e8: {  	v26 =	vor.u32 v10, v25;
	v48 =	vld.idx.msk [tilespmem:v60+s28+$0x0], $0xffff;
	v52 =	vand.u32 v5, v51;
	[tilespmem:v36+s8+$0x0] =	vst.idx.msk $0xffff, v35  }
0x2e9: {  	s21 =	simm.s32 $0x2;
	v51 =	vand.u32 v11, v26;
	v31 =	vld.idx.msk [tilespmem:v53+s28+$0x0], $0xffff;
	v53 =	vor.u32 v19, v25;
	[tilespmem:v30+s8+$0x0] =	vst.idx.msk $0xffff, v32  }
0x2ea: {  	v26 =	vadd.s32 s21, v0;
	v55 =	vand.u32 v8, v54;
	[tilespmem:v58+s8+$0x0] =	vst.idx.msk $0xffff, v29;
	v36 =	vand.u32 v20, v27  }
0x2eb: {  	v30 =	vld.idx.msk [tilespmem:v43+s28+$0x0], $0xffff;
	v27 =	vand.u32 v14, v62;
	v29 =	vor.u32 v16, v25;
	v25 =	vor.u32 v22, v25  }
0x2ec: {  	[tilespmem:v49+s8+$0x0] =	vst.idx.msk $0xffff, v63;
	v45 =	vand.u32 v20, v53;
	v41 =	vand.u32 v23, v25;
	v25 =	vand.u32 $0x1F, v26  }
0x2ed: {  	[tilespmem:v38+s8+$0x0] =	vst.idx.msk $0xffff, v34;
	v26 =	vshll.u32 v26, $0x7;
	v59 =	vor.u32 v6, v25;
	v60 =	vor.u32 v9, v25  }
0x2ee: {  	v58 =	vld.idx.msk [tilespmem:v40+s28+$0x0], $0xffff;
	v61 =	vor.u32 v7, v26;
	v37 =	vor.u32 v12, v25;
	v53 =	vor.u32 v15, v25  }
0x2ef: {  	v40 =	vld.idx.msk [tilespmem:v42+s28+$0x0], $0xffff;
	v54 =	vor.u32 v16, v26;
	v62 =	vor.u32 v22, v26;
	v63 =	vor.u32 v0, v26  }
0x2f0: {  	s15 =	simm.s32 $0x3;
	v46 =	vld.idx.msk [tilespmem:v46+s28+$0x0], $0xffff;
	v47 =	vand.u32 v2, v63;
	v42 =	vand.u32 v8, v61;
	[tilespmem:v52+s8+$0x0] =	vst.idx.msk $0xffff, v31  }
0x2f1: {  	v34 =	vadd.s32 s15, v0;
	v32 =	vand.u32 v23, v62;
	[tilespmem:v27+s8+$0x0] =	vst.idx.msk $0xffff, v56;
	v27 =	vor.u32 v1, v25  }
0x2f2: {  	v38 =	vld.idx.msk [tilespmem:v57+s28+$0x0], $0xffff;
	v31 =	vand.u32 v17, v29;
	[tilespmem:v55+s8+$0x0] =	vst.idx.msk $0xffff, v30;
	v30 =	vor.u32 v3, v25  }
0x2f3: {  	v29 =	vor.u32 v10, v26;
	v52 =	vld.idx.msk [tilespmem:v28+s28+$0x0], $0xffff;
	v28 =	vand.u32 $0x1F, v34;
	v55 =	vor.u32 v13, v26  }
0x2f4: {  	v56 =	vor.u32 v4, v26;
	[tilespmem:v36+s8+$0x0] =	vst.idx.msk $0xffff, v40;
	v34 =	vshll.u32 v34, $0x7;
	v29 =	vand.u32 v11, v29  }
0x2f5: {  	v39 =	vor.u32 v3, v28;
	v35 =	vor.u32 v6, v28;
	[tilespmem:v45+s8+$0x0] =	vst.idx.msk $0xffff, v48;
	v43 =	vld.idx.msk [tilespmem:v59+s28+$0x0], $0xffff  }
0x2f6: {  	v50 =	vor.u32 v1, v28;
	v48 =	vand.u32 v17, v54;
	[tilespmem:v41+s8+$0x0] =	vst.idx.msk $0xffff, v46;
	v44 =	vld.idx.msk [tilespmem:v27+s28+$0x0], $0xffff  }
0x2f7: {  	v41 =	vand.u32 v5, v56;
	v49 =	vor.u32 v12, v28;
	v36 =	vand.u32 v14, v55;
	v45 =	vld.idx.msk [tilespmem:v53+s28+$0x0], $0xffff  }
0x2f8: {  	v40 =	vor.u32 v18, v28;
	v46 =	vld.idx.msk [tilespmem:v60+s28+$0x0], $0xffff;
	[tilespmem:v31+s8+$0x0] =	vst.idx.msk $0xffff, v58;
	v31 =	vor.u32 v15, v28  }
0x2f9: {  	s16 =	simm.s32 $0x10;
	v33 =	vld.idx.msk [tilespmem:v30+s28+$0x0], $0xffff;
	v30 =	vor.u32 v18, v25;
	v27 =	vor.u32 v21, v28;
	[tilespmem:v51+s8+$0x0] =	vst.idx.msk $0xffff, v52  }
.LBB2_18:
0x2fa: {  	s16 =	sadd.s32 $0x10, s16;
	v37 =	vld.idx.msk [tilespmem:v37+s28+$0x0], $0xffff;
	v51 =	vor.u32 v0, v34;
	v52 =	vor.u32 v13, v34;
	s15 =	sadd.s32 $0x2, s15;
	[tilespmem:v24+s8+$0x0] =	vst.idx.msk $0xffff, v38  }
0x2fb: {  	v26 =	vor.u32 v19, v26;
	p0 =	slt.u32 s16, $0xF0;
	[tilespmem:v47+s8+$0x0] =	vst.idx.msk $0xffff, v44;
	v38 =	vld.idx.msk [tilespmem:v50+s28+$0x0], $0xffff;
	v44 =	vor.u32 v19, v34  }
0x2fc: {  	v47 =	vor.u32 v4, v34;
	[tilespmem:v42+s8+$0x0] =	vst.idx.msk $0xffff, v43;
	v42 =	vand.u32 v2, v51;
	v39 =	vld.idx.msk [tilespmem:v39+s28+$0x0], $0xffff  }
0x2fd: {  	v28 =	vor.u32 v9, v28;
	v43 =	vand.u32 v5, v47;
	[tilespmem:v48+s8+$0x0] =	vst.idx.msk $0xffff, v45;
	v45 =	vld.idx.msk [tilespmem:v49+s28+$0x0], $0xffff  }
0x2fe: {  	v24 =	vmov v32;
	[tilespmem:v29+s8+$0x0] =	vst.idx.msk $0xffff, v46;
	v29 =	vld.idx.msk [tilespmem:v35+s28+$0x0], $0xffff;
	v35 =	vor.u32 v7, v34  }
0x2ff: {  	[tilespmem:v41+s8+$0x0] =	vst.idx.msk $0xffff, v33;
	v51 =	vld.idx.msk [tilespmem:v30+s28+$0x0], $0xffff;
	v30 =	vand.u32 v8, v35  }
0x300: {  	v53 =	vand.u32 v20, v26;
	v32 =	vand.u32 v14, v52;
	v41 =	vand.u32 v20, v44;
	v31 =	vld.idx.msk [tilespmem:v31+s28+$0x0], $0xffff  }
0x301: {  	v33 =	vor.u32 v21, v25;
	v25 =	vor.u32 v10, v34;
	[tilespmem:v42+s8+$0x0] =	vst.idx.msk $0xffff, v38;
	v40 =	vld.idx.msk [tilespmem:v40+s28+$0x0], $0xffff  }
0x302: {  	v54 =	vand.u32 v11, v25;
	v25 =	vor.u32 v16, v34;
	[tilespmem:v43+s8+$0x0] =	vst.idx.msk $0xffff, v39;
	v52 =	vld.idx.msk [tilespmem:v28+s28+$0x0], $0xffff  }
0x303: {  	s18 =	sadd.s32 $0xFFFFFFFF, s15;
	v35 =	vand.u32 v17, v25;
	v25 =	vor.u32 v22, v34;
	[tilespmem:v36+s8+$0x0] =	vst.idx.msk $0xffff, v37  }
0x304: {  	v26 =	vadd.s32 s18, v0;
	v34 =	vadd.s32 s15, v0;
	v46 =	vand.u32 v23, v25;
	[tilespmem:v30+s8+$0x0] =	vst.idx.msk $0xffff, v29;
	v36 =	vld.idx.msk [tilespmem:v27+s28+$0x0], $0xffff  }
0x305: {  	v25 =	vand.u32 $0x1F, v26;
	v26 =	vshll.u32 v26, $0x7;
	v28 =	vand.u32 $0x1F, v34;
	[tilespmem:v32+s8+$0x0] =	vst.idx.msk $0xffff, v45  }
0x306: {  	v27 =	vor.u32 v1, v25;
	v30 =	vor.u32 v3, v25;
	v29 =	vor.u32 v10, v26;
	v38 =	vld.idx.msk [tilespmem:v33+s28+$0x0], $0xffff  }
0x307: {  	v49 =	vor.u32 v9, v25;
	v32 =	vor.u32 v6, v25;
	v29 =	vand.u32 v11, v29  }
0x308: {  	v42 =	vor.u32 v7, v26;
	v37 =	vor.u32 v12, v25;
	v45 =	vor.u32 v15, v25  }
0x309: {  	v48 =	vor.u32 v16, v26;
	v50 =	vor.u32 v22, v26;
	[tilespmem:v35+s8+$0x0] =	vst.idx.msk $0xffff, v31  }
0x30a: {  	v55 =	vor.u32 v13, v26;
	v39 =	vor.u32 v3, v28;
	v31 =	vor.u32 v15, v28  }
0x30b: {  	v43 =	vor.u32 v0, v26;
	v35 =	vor.u32 v6, v28;
	v33 =	vld.idx.msk [tilespmem:v30+s28+$0x0], $0xffff;
	v30 =	vor.u32 v18, v25  }
.Ltmp8:
0x30c: {  	v47 =	vand.u32 v2, v43;
	v42 =	vand.u32 v8, v42;
	v44 =	vld.idx.msk [tilespmem:v27+s28+$0x0], $0xffff;
	v27 =	vor.u32 v21, v28;
	(pc) =	sbr.rel @p0 .LBB2_18-.Ltmp8, $4  }
0x30d: {  	v43 =	vld.idx.msk [tilespmem:v32+s28+$0x0], $0xffff;
	v32 =	vand.u32 v23, v50;
	v50 =	vor.u32 v1, v28;
	[tilespmem:v41+s8+$0x0] =	vst.idx.msk $0xffff, v40  }
0x30e: {  	v48 =	vand.u32 v17, v48;
	v40 =	vor.u32 v4, v26;
	v45 =	vld.idx.msk [tilespmem:v45+s28+$0x0], $0xffff;
	[tilespmem:v46+s8+$0x0] =	vst.idx.msk $0xffff, v36  }
0x30f: {  	v41 =	vand.u32 v5, v40;
	v46 =	vld.idx.msk [tilespmem:v49+s28+$0x0], $0xffff;
	v49 =	vor.u32 v12, v28;
	[tilespmem:v53+s8+$0x0] =	vst.idx.msk $0xffff, v51  }
0x310: {  	v34 =	vshll.u32 v34, $0x7;
	v36 =	vand.u32 v14, v55;
	v40 =	vor.u32 v18, v28;
	[tilespmem:v54+s8+$0x0] =	vst.idx.msk $0xffff, v52  }
0x311: {  	_ =	sdelay $0x3  }
0x312: {  	v51 =	vor.u32 v0, v34;
	[tilespmem:v24+s8+$0x0] =	vst.idx.msk $0xffff, v38  }
0x313: {  	[tilespmem:v47+s8+$0x0] =	vst.idx.msk $0xffff, v44;
	v62 =	vor.u32 v4, v34;
	v63 =	vor.u32 v13, v34;
	v37 =	vld.idx.msk [tilespmem:v37+s28+$0x0], $0xffff  }
0x314: {  	v60 =	vld.idx.msk [tilespmem:v50+s28+$0x0], $0xffff;
	v52 =	vor.u32 v7, v34;
	[tilespmem:v41+s8+$0x0] =	vst.idx.msk $0xffff, v33;
	v61 =	vand.u32 v2, v51  }
0x315: {  	v39 =	vld.idx.msk [tilespmem:v39+s28+$0x0], $0xffff;
	v28 =	vor.u32 v9, v28;
	[tilespmem:v42+s8+$0x0] =	vst.idx.msk $0xffff, v43;
	v50 =	vand.u32 v5, v62  }
0x316: {  	v53 =	vld.idx.msk [tilespmem:v35+s28+$0x0], $0xffff;
	v57 =	vor.u32 v16, v34;
	v54 =	vand.u32 v8, v52;
	[tilespmem:v48+s8+$0x0] =	vst.idx.msk $0xffff, v45  }
0x317: {  	v55 =	vld.idx.msk [tilespmem:v49+s28+$0x0], $0xffff;
	v25 =	vor.u32 v21, v25;
	v56 =	vand.u32 v14, v63;
	[tilespmem:v29+s8+$0x0] =	vst.idx.msk $0xffff, v46  }
0x318: {  	v31 =	vld.idx.msk [tilespmem:v31+s28+$0x0], $0xffff;
	v26 =	vor.u32 v19, v26;
	v58 =	vand.u32 v17, v57;
	[tilespmem:v36+s8+$0x0] =	vst.idx.msk $0xffff, v37  }
0x319: {  	v30 =	vld.idx.msk [tilespmem:v30+s28+$0x0], $0xffff;
	v51 =	vor.u32 v19, v34;
	v26 =	vand.u32 v20, v26;
	[tilespmem:v61+s8+$0x0] =	vst.idx.msk $0xffff, v60  }
0x31a: {  	v40 =	vld.idx.msk [tilespmem:v40+s28+$0x0], $0xffff;
	v62 =	vor.u32 v10, v34;
	v59 =	vand.u32 v20, v51;
	[tilespmem:v50+s8+$0x0] =	vst.idx.msk $0xffff, v39  }
0x31b: {  	v63 =	vand.u32 v11, v62;
	v28 =	vld.idx.msk [tilespmem:v28+s28+$0x0], $0xffff;
	[tilespmem:v54+s8+$0x0] =	vst.idx.msk $0xffff, v53  }
0x31c: {  	v25 =	vld.idx.msk [tilespmem:v25+s28+$0x0], $0xffff;
	v60 =	vor.u32 v22, v34;
	[tilespmem:v56+s8+$0x0] =	vst.idx.msk $0xffff, v55  }
0x31d: {  	v27 =	vld.idx.msk [tilespmem:v27+s28+$0x0], $0xffff;
	[tilespmem:v58+s8+$0x0] =	vst.idx.msk $0xffff, v31;
	v61 =	vand.u32 v23, v60  }
0x31e: {  	[tilespmem:v26+s8+$0x0] =	vst.idx.msk $0xffff, v30  }
0x31f: {  	[tilespmem:v59+s8+$0x0] =	vst.idx.msk $0xffff, v40  }
0x320: {  	[tilespmem:v63+s8+$0x0] =	vst.idx.msk $0xffff, v28  }
0x321: {  	[tilespmem:v32+s8+$0x0] =	vst.idx.msk $0xffff, v25  }
0x322: {  	[tilespmem:v61+s8+$0x0] =	vst.idx.msk $0xffff, v27  }
0x323: {  	s15 =	rddreg [dreg:$0x13]  }
0x324: {  	[hbm4b:s15+s4] =	stream.linear.scatter [tilespmem:s8], [sflag:$0xC], $0x400, $0x38;
	[tilespmem:$0x8200] =	vst v63  }
0x325: {  	s16 =	simm.s32 $0x7600;
	s18 =	rddreg [dreg:$0x14]  }
0x326: {  	[hbm4b:s18+s4] =	stream.linear.scatter [tilespmem:s16], [sflag:$0xC], $0x400, $0x38;
	[tilespmem:$0x8200] =	vst v63  }
0x327: {  	s21 =	simm.s32 $0x7A00;
	s19 =	rddreg [dreg:$0x15]  }
0x328: {  	[hbm4b:s19+s4] =	stream.linear.scatter [tilespmem:s21], [sflag:$0xC], $0x400, $0x38;
	[tilespmem:$0x8200] =	vst v63  }
0x329: {  	s16 =	rddreg [dreg:$0x16];
	s18 =	simm.s32 $0x7E00  }
0x32a: {  	[hbm4b:s16+s4] =	stream.linear.scatter [tilespmem:s18], [sflag:$0xC], $0x400, $0x38;
	[tilespmem:$0x8200] =	vst v63  }
0x32b: {  	_ =	swait.ge [sflag:s25], $0x400  }
0x32c: {  	[sflag:s25] =	ssyncset.done $0x0  }
0x32d: {  	[sflag:s25] =	ssyncadd.s32 $0xFFFFFC00  }
0x32e: {  	_ =	swait.ge [sflag:s25], $0x400  }
0x32f: {  	[sflag:s25] =	ssyncset.done $0x0  }
0x330: {  	[sflag:s25] =	ssyncadd.s32 $0xFFFFFC00  }
0x331: {  	_ =	swait.ge [sflag:s25], $0x400  }
0x332: {  	[sflag:s25] =	ssyncset.done $0x0  }
0x333: {  	[sflag:s25] =	ssyncadd.s32 $0xFFFFFC00  }
0x334: {  	_ =	swait.ge [sflag:s25], $0x400  }
0x335: {  	[sflag:s25] =	ssyncset.done $0x0  }
0x336: {  	[sflag:s25] =	ssyncadd.s32 $0xFFFFFC00  }
0x337: {  	_ =	swait.ge [sflag:s10], $0x400  }
0x338: {  	[sflag:s10] =	ssyncset.done $0x0  }
0x339: {  	[sflag:s10] =	ssyncadd.s32 $0xFFFFFC00  }
0x33a: {  	_ =	swait.ge [sflag:s10], $0x400  }
0x33b: {  	[sflag:s10] =	ssyncset.done $0x0  }
0x33c: {  	[sflag:s10] =	ssyncadd.s32 $0xFFFFFC00  }
0x33d: {  	_ =	swait.ge [sflag:s10], $0x400  }
0x33e: {  	[sflag:s10] =	ssyncset.done $0x0  }
0x33f: {  	[sflag:s10] =	ssyncadd.s32 $0xFFFFFC00  }
0x340: {  	_ =	swait.ge [sflag:s10], $0x400  }
0x341: {  	[sflag:s10] =	ssyncset.done $0x0  }
0x342: {  	[sflag:s10] =	ssyncadd.s32 $0xFFFFFC00  }
0x343: {  	_ =	swait.ge [sflag:s11], $0x400  }
0x344: {  	[sflag:s11] =	ssyncset.done $0x0  }
0x345: {  	[sflag:s11] =	ssyncadd.s32 $0xFFFFFC00  }
0x346: {  	_ =	swait.ge [sflag:s11], $0x400  }
0x347: {  	[sflag:s11] =	ssyncset.done $0x0  }
0x348: {  	[sflag:s11] =	ssyncadd.s32 $0xFFFFFC00  }
0x349: {  	_ =	swait.ge [sflag:s11], $0x400  }
0x34a: {  	[sflag:s11] =	ssyncset.done $0x0  }
0x34b: {  	[sflag:s11] =	ssyncadd.s32 $0xFFFFFC00  }
0x34c: {  	_ =	swait.ge [sflag:s11], $0x400  }
0x34d: {  	[sflag:s11] =	ssyncset.done $0x0  }
0x34e: {  	[sflag:s11] =	ssyncadd.s32 $0xFFFFFC00  }
0x34f: {  	_ =	swait.ge [sflag:s14], $0x400  }
0x350: {  	[sflag:s14] =	ssyncset.done $0x0  }
0x351: {  	[sflag:s14] =	ssyncadd.s32 $0xFFFFFC00  }
0x352: {  	_ =	swait.ge [sflag:s14], $0x400  }
0x353: {  	[sflag:s14] =	ssyncset.done $0x0  }
0x354: {  	[sflag:s14] =	ssyncadd.s32 $0xFFFFFC00  }
0x355: {  	_ =	swait.ge [sflag:s14], $0x400  }
0x356: {  	[sflag:s14] =	ssyncset.done $0x0  }
0x357: {  	[sflag:s14] =	ssyncadd.s32 $0xFFFFFC00  }
0x358: {  	_ =	swait.ge [sflag:s14], $0x400  }
0x359: {  	s19 =	sld [smem:$0x7FB];
	_ =	sdelay $0x2  }
0x35a: {  	s21 =	rddreg [dreg:$0x17];
	s16 =	sadd.s32 $0x1, s19  }
0x35b: {  	p0 =	sne.s32 s16, s21  }
.Ltmp9:
0x35c: {  	_ = 	snop;
	(pc) =	sbr.rel @p0 .LBB2_1-.Ltmp9, $3  }
0x35d: {  	_ =	sdelay $0x1  }
0x35e: {  	[sflag:s14] =	ssyncset.done $0x0  }
0x35f: {  	[sflag:s14] =	ssyncadd.s32 $0xFFFFFC00  }
0x360: {  	_ =	sfence.sel $0x180000  }
0x361: {  	[bflag:$0x0] =	sbarrier.arrive $0xFFFF  }
0x362: {  	_ =	strace $0x90000047  }
0x363: {  	s0 =	stileid.u32;
	[bflag:$0x2] =	sbarrier.arrive $0xFFFF  }
0x364: {  	p0 =	sne.s32 s0, $0x0;
	s0 =	rddreg [dreg:$0x3]  }
0x365: {  	s0 =	sadd.s32 @!p0 $0x100000, s0  }
0x366: {  	[sflag:s0] =	ssyncadd.tile.s32 @!p0 $0x1;
	_ =	shalt  }
.Lfunc_end2:
_tile_overlayer_lowered:
.L_overlay_start_2:
0x367: {  	(tag) =	ssettag $0x2  }
0x368: {  	s0 =	rddreg [dreg:$0x0];
	s2 =	stileid.u32  }
0x369: {  	s1 =	rddreg [dreg:$0x1];
	p0 =	sne.s32 s2, $0x0  }
0x36a: {  	s3 =	rddreg [dreg:$0x2];
	[bflag:$0x3] =	sbarrier.arrive $0xFFFF;
	s2 =	simm.s32 @!p0 $0x1C0D  }
0x36b: {  	[timem:s3], [sflag:s2] =	dma.local @!p0 [hbm:s0], s1  }
0x36c: {  	s0 =	simm.s32 @!p0 $0xD  }
0x36d: {  	_ =	swait.ge @!p0 [sflag:s0], s1  }
0x36e: {  	s1 =	ssub.s32 @!p0 $0x0, s1;
	[sflag:s0] =	ssyncset.done @!p0 $0x0  }
0x36f: {  	[sflag:s0] =	ssyncadd.s32 @!p0 s1  }
0x370: {  	[bflag:$0x3] =	sbarrier.arrive $0xFFFF  }
0x371: {  	_ =	shalt  }

</sc_bundles>
